<compile_context>
chip_gen: v7x
topology: tpu7x:2x2x1
jax: 0.10.2.dev20260603
libtpu: 0.0.44.dev20260713+nightly
codegen_flags: <defaults>
</compile_context>

<pallas_src>
import functools

import jax
import jax.numpy as jnp
from jax import lax
from jax.experimental import pallas as pl
from jax.experimental.pallas import tpu as pltpu
from jax.experimental.pallas import tpu_sc as plsc

INPUT_DIM = 768
OUTPUT_DIM = 768
NUM_EXPERTS = 16
TOP_K = 2
BATCH = 64

L = 16
PK = BATCH * TOP_K
NW = 32
R_PER = OUTPUT_DIM // NW

BI = 16


def _iota():
    return lax.broadcasted_iota(jnp.int32, (L,), 0)


def _splat(x):
    return jnp.full((L,), x, jnp.int32)


def _sc_body(bp_hbm, bi_hbm, bb_hbm, outbT_hbm,
             bp_v, bi_v, bb_v, outb_v):
    cid = lax.axis_index("c")
    sid = lax.axis_index("s")
    wid = sid * 2 + cid
    iov = _iota()
    r0 = wid * R_PER

    pltpu.sync_copy(bp_hbm.at[pl.ds(r0 * PK, R_PER * PK)], bp_v)
    pltpu.sync_copy(bi_hbm.at[pl.ds(r0 * PK, R_PER * PK)], bi_v)
    pltpu.sync_copy(bb_hbm.at[pl.ds(r0 * NUM_EXPERTS, R_PER * NUM_EXPERTS)],
                    bb_v)

    for rl in range(R_PER):
        ebase = _splat(rl * NUM_EXPERTS)
        for g in range(BATCH // L):
            src = _splat(rl * PK + g * 2 * L) + iov * 2
            p0 = plsc.load_gather(bp_v, [src])
            e0 = plsc.load_gather(bi_v, [src])
            p1 = plsc.load_gather(bp_v, [src + 1])
            e1 = plsc.load_gather(bi_v, [src + 1])
            v0 = plsc.load_gather(bb_v, [ebase + e0])
            v1 = plsc.load_gather(bb_v, [ebase + e1])
            outb_v[rl, pl.ds(g * L, L)] = p0 * v0 + p1 * v1

    pltpu.sync_copy(outb_v, outbT_hbm.at[pl.ds(r0, R_PER)])


def _weight_body(wp0_ref, wp1_ref, wi0_ref, wi1_ref, bank_ref, out_ref):
    e_iota = lax.broadcasted_iota(jnp.int32, (BI, BATCH, NUM_EXPERTS), 2)
    s = jnp.where(wi0_ref[...][:, :, None] == e_iota,
                  wp0_ref[...][:, :, None], 0.0)
    s = s + jnp.where(wi1_ref[...][:, :, None] == e_iota,
                      wp1_ref[...][:, :, None], 0.0)
    res = lax.dot_general(
        s, bank_ref[...],
        dimension_numbers=(((2,), (1,)), ((0,), (0,))),
        preferred_element_type=jnp.float32)
    out_ref[...] = jnp.transpose(res, (1, 0, 2))


@jax.jit
def kernel(weight_probs, weight_indices, bias_probs, bias_indices,
           weight_bank, bias_bank):
    bp = bias_probs.reshape(-1)
    bi = bias_indices.reshape(-1)
    bb = bias_bank.reshape(-1)

    mesh = plsc.VectorSubcoreMesh(core_axis_name="c", subcore_axis_name="s")
    outbT = pl.kernel(
        _sc_body,
        out_type=jax.ShapeDtypeStruct((OUTPUT_DIM, BATCH), jnp.float32),
        mesh=mesh,
        compiler_params=pltpu.CompilerParams(needs_layout_passes=False),
        scratch_types=(
            pltpu.VMEM((R_PER * PK,), jnp.float32),
            pltpu.VMEM((R_PER * PK,), jnp.int32),
            pltpu.VMEM((R_PER * NUM_EXPERTS,), jnp.float32),
            pltpu.VMEM((R_PER, BATCH), jnp.float32),
        ),
    )(bp, bi, bb)

    wp0, wp1 = weight_probs[:, :, 0], weight_probs[:, :, 1]
    wi0, wi1 = weight_indices[:, :, 0], weight_indices[:, :, 1]
    nblk = INPUT_DIM // BI
    dxb = pl.BlockSpec((BI, BATCH), lambda i: (i, 0))
    weight_mixture = pl.pallas_call(
        _weight_body,
        grid=(nblk,),
        in_specs=[
            dxb, dxb, dxb, dxb,
            pl.BlockSpec((BI, NUM_EXPERTS, OUTPUT_DIM), lambda i: (i, 0, 0)),
        ],
        out_specs=pl.BlockSpec((BATCH, BI, OUTPUT_DIM), lambda i: (0, i, 0)),
        out_shape=jax.ShapeDtypeStruct((BATCH, INPUT_DIM, OUTPUT_DIM),
                                       jnp.float32),
    )(wp0, wp1, wi0, wi1, weight_bank)

    return weight_mixture, outbT.T

# --- scband reference (transcript-rebuilt; emitter-appended) ---
"""Pipeline reference for scband-vector-mixture-86835648790544 (READ-ONLY COPY).

The authoritative reference and input builder live on the scoring server;
editing this copy changes nothing except your own understanding.
"""

import jax, jax.numpy as jnp
import numpy as np

INPUT_DIM = 768
OUTPUT_DIM = 768
NUM_EXPERTS = 16
TOP_K = 2
BATCH = 64


def setup_inputs(seed: int = 0) -> dict:
    key = jax.random.key(seed)
    ks = jax.random.split(key, 6)
    weight_probs = jax.random.uniform(ks[0], (INPUT_DIM, BATCH, TOP_K), dtype=jnp.float32)
    weight_indices = jax.random.randint(ks[1], (INPUT_DIM, BATCH, TOP_K), 0, NUM_EXPERTS)
    bias_probs = jax.random.uniform(ks[2], (OUTPUT_DIM, BATCH, TOP_K), dtype=jnp.float32)
    bias_indices = jax.random.randint(ks[3], (OUTPUT_DIM, BATCH, TOP_K), 0, NUM_EXPERTS)
    weight_bank = jax.random.normal(ks[4], (INPUT_DIM, NUM_EXPERTS, OUTPUT_DIM), dtype=jnp.float32) * 0.02
    bias_bank = jax.random.normal(ks[5], (OUTPUT_DIM, NUM_EXPERTS), dtype=jnp.float32) * 0.02
    return {
        "weight_probs": weight_probs,
        "weight_indices": weight_indices,
        "bias_probs": bias_probs,
        "bias_indices": bias_indices,
        "weight_bank": weight_bank,
        "bias_bank": bias_bank,
    }


def reference(weight_probs, weight_indices, bias_probs, bias_indices, weight_bank, bias_bank):
    # top_k path (1 < top_k < depth_dim) of VectorMixture.compute_mixture
    # weight selection: weight_bank[range_weights, indices.transpose(1,0)]
    range_w = jnp.arange(INPUT_DIM).reshape(1, INPUT_DIM, 1)
    ti_w = jnp.transpose(weight_indices, (1, 0, 2))  # [B, input_dim, top_k]
    sel_w = weight_bank[range_w, ti_w]  # [B, input_dim, top_k, output_dim]
    # weighted parameters: probs.transpose(1,0).unsqueeze(-1)
    pw = jnp.transpose(weight_probs, (1, 0, 2))[..., None]  # [B, input_dim, top_k, 1]
    weight_mixture = (sel_w * pw).sum(axis=-2)  # [B, input_dim, output_dim]
    # bias selection: bias_bank[range_biases, bias_indices.transpose(1,0)]
    range_b = jnp.arange(OUTPUT_DIM).reshape(1, OUTPUT_DIM, 1)
    ti_b = jnp.transpose(bias_indices, (1, 0, 2))  # [B, output_dim, top_k]
    sel_b = bias_bank[range_b, ti_b]  # [B, output_dim, top_k]
    pb = jnp.transpose(bias_probs, (1, 0, 2))  # [B, output_dim, top_k]
    bias_mixture = (sel_b * pb).sum(axis=-1)  # [B, output_dim]
    return weight_mixture, bias_mixture

if __name__ == "__main__":
    import jax
    _d = setup_inputs()
    print(jax.jit(kernel)(*tuple(_d.values())))

</pallas_src>

<mosaic_0001>
#map = affine_map<(d0, d1) -> (0)>
#map1 = affine_map<(d0, d1) -> (0, 0)>
module attributes {stable_mosaic.version = 14 : i64} {
  func.func @_sc_body(%arg0: i32, %arg1: i32, %arg2: memref<98304xf32, #tpu.memory_space<hbm>>, %arg3: memref<98304xi32, #tpu.memory_space<hbm>>, %arg4: memref<12288xf32, #tpu.memory_space<hbm>>, %arg5: memref<768x64xf32, #tpu.memory_space<hbm>>, %arg6: memref<3072xf32, #tpu.memory_space<vmem>>, %arg7: memref<3072xi32, #tpu.memory_space<vmem>>, %arg8: memref<384xf32, #tpu.memory_space<vmem>>, %arg9: memref<24x64xf32, #tpu.memory_space<vmem>>) attributes {dimension_semantics = [#tpu.dimension_semantics<core_parallel>, #tpu.dimension_semantics<subcore_parallel>], iteration_bounds = array<i64: 2, 16>, scalar_prefetch = 0 : i64, scratch_operands = 4 : i64, tpu.core_type = #tpu.core_type<sc_vector_subcore>, window_params = [{transform_indices = #map}, {transform_indices = #map}, {transform_indices = #map}, {transform_indices = #map1}]} {
    %mul3A = arith.constant 2 : i32
    %mul3A_0 = arith.muli %arg1, %mul3A : i32
    %add3A = arith.addi %mul3A_0, %arg0 : i32
    %iota3A = tpu.iota {dimensions = array<i32: 0>} : vector<16xi32>
    %mul3A_1 = arith.constant 24 : i32
    %mul3A_2 = arith.muli %add3A, %mul3A_1 : i32
    %mul3A_3 = arith.constant 128 : i32
    %mul3A_4 = arith.muli %mul3A_2, %mul3A_3 : i32
    "tpu.region"() ({
      %run_scoped3A = tpu.sem_alloc : memref<!tpu.dma_semaphore, #tpu.memory_space<semaphore_mem>>
      %dma_start3A = tpu.memref_slice %arg2[%mul3A_4] : memref<98304xf32, #tpu.memory_space<hbm>> -> memref<3072xf32, #tpu.memory_space<hbm>>
      %dma_start3A_2646 = tpu.memref_slice %arg2[%mul3A_4] : memref<98304xf32, #tpu.memory_space<hbm>> -> memref<3072xf32, #tpu.memory_space<hbm>>
      tpu.enqueue_dma source(%dma_start3A_2646 : memref<3072xf32, #tpu.memory_space<hbm>>) target(%arg6 : memref<3072xf32, #tpu.memory_space<vmem>>) target_semaphore(%run_scoped3A : memref<!tpu.dma_semaphore, #tpu.memory_space<semaphore_mem>>)
      %dma_wait3A = tpu.memref_slice %arg2[%mul3A_4] : memref<98304xf32, #tpu.memory_space<hbm>> -> memref<3072xf32, #tpu.memory_space<hbm>>
      %dma_wait3A_2647 = tpu.memref_slice %arg2[%mul3A_4] : memref<98304xf32, #tpu.memory_space<hbm>> -> memref<3072xf32, #tpu.memory_space<hbm>>
      tpu.wait_dma2 semaphore(%run_scoped3A : memref<!tpu.dma_semaphore, #tpu.memory_space<semaphore_mem>>) src(%dma_wait3A_2647 : memref<3072xf32, #tpu.memory_space<hbm>>) dst(%arg6 : memref<3072xf32, #tpu.memory_space<vmem>>)
      tpu.yield
    }) : () -> ()
    %mul3A_5 = arith.constant 128 : i32
    %mul3A_6 = arith.muli %mul3A_2, %mul3A_5 : i32
    "tpu.region"() ({
      %run_scoped3A = tpu.sem_alloc : memref<!tpu.dma_semaphore, #tpu.memory_space<semaphore_mem>>
      %dma_start3A = tpu.memref_slice %arg3[%mul3A_6] : memref<98304xi32, #tpu.memory_space<hbm>> -> memref<3072xi32, #tpu.memory_space<hbm>>
      %dma_start3A_2646 = tpu.memref_slice %arg3[%mul3A_6] : memref<98304xi32, #tpu.memory_space<hbm>> -> memref<3072xi32, #tpu.memory_space<hbm>>
      tpu.enqueue_dma source(%dma_start3A_2646 : memref<3072xi32, #tpu.memory_space<hbm>>) target(%arg7 : memref<3072xi32, #tpu.memory_space<vmem>>) target_semaphore(%run_scoped3A : memref<!tpu.dma_semaphore, #tpu.memory_space<semaphore_mem>>)
      %dma_wait3A = tpu.memref_slice %arg3[%mul3A_6] : memref<98304xi32, #tpu.memory_space<hbm>> -> memref<3072xi32, #tpu.memory_space<hbm>>
      %dma_wait3A_2647 = tpu.memref_slice %arg3[%mul3A_6] : memref<98304xi32, #tpu.memory_space<hbm>> -> memref<3072xi32, #tpu.memory_space<hbm>>
      tpu.wait_dma2 semaphore(%run_scoped3A : memref<!tpu.dma_semaphore, #tpu.memory_space<semaphore_mem>>) src(%dma_wait3A_2647 : memref<3072xi32, #tpu.memory_space<hbm>>) dst(%arg7 : memref<3072xi32, #tpu.memory_space<vmem>>)
      tpu.yield
    }) : () -> ()
    %mul3A_7 = arith.constant 16 : i32
    %mul3A_8 = arith.muli %mul3A_2, %mul3A_7 : i32
    "tpu.region"() ({
      %run_scoped3A = tpu.sem_alloc : memref<!tpu.dma_semaphore, #tpu.memory_space<semaphore_mem>>
      %dma_start3A = tpu.memref_slice %arg4[%mul3A_8] : memref<12288xf32, #tpu.memory_space<hbm>> -> memref<384xf32, #tpu.memory_space<hbm>>
      %dma_start3A_2646 = tpu.memref_slice %arg4[%mul3A_8] : memref<12288xf32, #tpu.memory_space<hbm>> -> memref<384xf32, #tpu.memory_space<hbm>>
      tpu.enqueue_dma source(%dma_start3A_2646 : memref<384xf32, #tpu.memory_space<hbm>>) target(%arg8 : memref<384xf32, #tpu.memory_space<vmem>>) target_semaphore(%run_scoped3A : memref<!tpu.dma_semaphore, #tpu.memory_space<semaphore_mem>>)
      %dma_wait3A = tpu.memref_slice %arg4[%mul3A_8] : memref<12288xf32, #tpu.memory_space<hbm>> -> memref<384xf32, #tpu.memory_space<hbm>>
      %dma_wait3A_2647 = tpu.memref_slice %arg4[%mul3A_8] : memref<12288xf32, #tpu.memory_space<hbm>> -> memref<384xf32, #tpu.memory_space<hbm>>
      tpu.wait_dma2 semaphore(%run_scoped3A : memref<!tpu.dma_semaphore, #tpu.memory_space<semaphore_mem>>) src(%dma_wait3A_2647 : memref<384xf32, #tpu.memory_space<hbm>>) dst(%arg8 : memref<384xf32, #tpu.memory_space<vmem>>)
      tpu.yield
    }) : () -> ()
    %broadcast_in_dim3A = arith.constant 0 : i32
    %broadcast_in_dim3A_9 = vector.broadcast %broadcast_in_dim3A : i32 to vector<16xi32>
    %broadcast_in_dim3A_10 = arith.constant 0 : i32
    %broadcast_in_dim3A_11 = vector.broadcast %broadcast_in_dim3A_10 : i32 to vector<16xi32>
    %mul3A_12 = arith.constant 2 : i32
    %mul3A_13 = vector.broadcast %mul3A_12 : i32 to vector<16xi32>
    %mul3A_14 = arith.muli %iota3A, %mul3A_13 : vector<16xi32>
    %add3A_15 = arith.addi %broadcast_in_dim3A_11, %mul3A_14 : vector<16xi32>
    %gather3A = tpu.vector_load_idx %arg6[%add3A_15] : memref<3072xf32, #tpu.memory_space<vmem>>[vector<16xi32>], vector<16xf32>,
    %gather3A_16 = tpu.vector_load_idx %arg7[%add3A_15] : memref<3072xi32, #tpu.memory_space<vmem>>[vector<16xi32>], vector<16xi32>,
    %add3A_17 = arith.constant 1 : i32
    %add3A_18 = vector.broadcast %add3A_17 : i32 to vector<16xi32>
    %add3A_19 = arith.addi %add3A_15, %add3A_18 : vector<16xi32>
    %gather3A_20 = tpu.vector_load_idx %arg6[%add3A_19] : memref<3072xf32, #tpu.memory_space<vmem>>[vector<16xi32>], vector<16xf32>,
    %add3A_21 = arith.constant 1 : i32
    %add3A_22 = vector.broadcast %add3A_21 : i32 to vector<16xi32>
    %add3A_23 = arith.addi %add3A_15, %add3A_22 : vector<16xi32>
    %gather3A_24 = tpu.vector_load_idx %arg7[%add3A_23] : memref<3072xi32, #tpu.memory_space<vmem>>[vector<16xi32>], vector<16xi32>,
    %add3A_25 = arith.addi %broadcast_in_dim3A_9, %gather3A_16 : vector<16xi32>
    %gather3A_26 = tpu.vector_load_idx %arg8[%add3A_25] : memref<384xf32, #tpu.memory_space<vmem>>[vector<16xi32>], vector<16xf32>,
    %add3A_27 = arith.addi %broadcast_in_dim3A_9, %gather3A_24 : vector<16xi32>
    %gather3A_28 = tpu.vector_load_idx %arg8[%add3A_27] : memref<384xf32, #tpu.memory_space<vmem>>[vector<16xi32>], vector<16xf32>,
    %mul3A_29 = arith.mulf %gather3A, %gather3A_26 : vector<16xf32>
    %mul3A_30 = arith.mulf %gather3A_20, %gather3A_28 : vector<16xf32>
    %add3A_31 = arith.addf %mul3A_29, %mul3A_30 : vector<16xf32>
    %swap3A = arith.constant 0 : i32
    %swap3A_32 = arith.index_cast %swap3A : i32 to index
    %swap3A_33 = arith.constant 0 : index
    %swap3A_34 = tpu.vector_load %arg9[%swap3A_32, %swap3A_33] {strides = array<i32>} : memref<24x64xf32, #tpu.memory_space<vmem>>, vector<16xf32>,
    tpu.vector_store %arg9[%swap3A_32, %swap3A_33], %add3A_31 {strides = array<i32>} : memref<24x64xf32, #tpu.memory_space<vmem>>, vector<16xf32>,
    %broadcast_in_dim3A_35 = arith.constant 32 : i32
    %broadcast_in_dim3A_36 = vector.broadcast %broadcast_in_dim3A_35 : i32 to vector<16xi32>
    %mul3A_37 = arith.constant 2 : i32
    %mul3A_38 = vector.broadcast %mul3A_37 : i32 to vector<16xi32>
    %mul3A_39 = arith.muli %iota3A, %mul3A_38 : vector<16xi32>
    %add3A_40 = arith.addi %broadcast_in_dim3A_36, %mul3A_39 : vector<16xi32>
    %gather3A_41 = tpu.vector_load_idx %arg6[%add3A_40] : memref<3072xf32, #tpu.memory_space<vmem>>[vector<16xi32>], vector<16xf32>,
    %gather3A_42 = tpu.vector_load_idx %arg7[%add3A_40] : memref<3072xi32, #tpu.memory_space<vmem>>[vector<16xi32>], vector<16xi32>,
    %add3A_43 = arith.constant 1 : i32
    %add3A_44 = vector.broadcast %add3A_43 : i32 to vector<16xi32>
    %add3A_45 = arith.addi %add3A_40, %add3A_44 : vector<16xi32>
    %gather3A_46 = tpu.vector_load_idx %arg6[%add3A_45] : memref<3072xf32, #tpu.memory_space<vmem>>[vector<16xi32>], vector<16xf32>,
    %add3A_47 = arith.constant 1 : i32
    %add3A_48 = vector.broadcast %add3A_47 : i32 to vector<16xi32>
    %add3A_49 = arith.addi %add3A_40, %add3A_48 : vector<16xi32>
    %gather3A_50 = tpu.vector_load_idx %arg7[%add3A_49] : memref<3072xi32, #tpu.memory_space<vmem>>[vector<16xi32>], vector<16xi32>,
    %add3A_51 = arith.addi %broadcast_in_dim3A_9, %gather3A_42 : vector<16xi32>
    %gather3A_52 = tpu.vector_load_idx %arg8[%add3A_51] : memref<384xf32, #tpu.memory_space<vmem>>[vector<16xi32>], vector<16xf32>,
    %add3A_53 = arith.addi %broadcast_in_dim3A_9, %gather3A_50 : vector<16xi32>
    %gather3A_54 = tpu.vector_load_idx %arg8[%add3A_53] : memref<384xf32, #tpu.memory_space<vmem>>[vector<16xi32>], vector<16xf32>,
    %mul3A_55 = arith.mulf %gather3A_41, %gather3A_52 : vector<16xf32>
    %mul3A_56 = arith.mulf %gather3A_46, %gather3A_54 : vector<16xf32>
    %add3A_57 = arith.addf %mul3A_55, %mul3A_56 : vector<16xf32>
    %swap3A_58 = arith.constant 0 : i32
    %swap3A_59 = arith.index_cast %swap3A_58 : i32 to index
    %swap3A_60 = arith.constant 16 : index
    %swap3A_61 = tpu.vector_load %arg9[%swap3A_59, %swap3A_60] {strides = array<i32>} : memref<24x64xf32, #tpu.memory_space<vmem>>, vector<16xf32>,
    tpu.vector_store %arg9[%swap3A_59, %swap3A_60], %add3A_57 {strides = array<i32>} : memref<24x64xf32, #tpu.memory_space<vmem>>, vector<16xf32>,
    %broadcast_in_dim3A_62 = arith.constant 64 : i32
    %broadcast_in_dim3A_63 = vector.broadcast %broadcast_in_dim3A_62 : i32 to vector<16xi32>
    %mul3A_64 = arith.constant 2 : i32
    %mul3A_65 = vector.broadcast %mul3A_64 : i32 to vector<16xi32>
    %mul3A_66 = arith.muli %iota3A, %mul3A_65 : vector<16xi32>
    %add3A_67 = arith.addi %broadcast_in_dim3A_63, %mul3A_66 : vector<16xi32>
    %gather3A_68 = tpu.vector_load_idx %arg6[%add3A_67] : memref<3072xf32, #tpu.memory_space<vmem>>[vector<16xi32>], vector<16xf32>,
    %gather3A_69 = tpu.vector_load_idx %arg7[%add3A_67] : memref<3072xi32, #tpu.memory_space<vmem>>[vector<16xi32>], vector<16xi32>,
    %add3A_70 = arith.constant 1 : i32
    %add3A_71 = vector.broadcast %add3A_70 : i32 to vector<16xi32>
    %add3A_72 = arith.addi %add3A_67, %add3A_71 : vector<16xi32>
    %gather3A_73 = tpu.vector_load_idx %arg6[%add3A_72] : memref<3072xf32, #tpu.memory_space<vmem>>[vector<16xi32>], vector<16xf32>,
    %add3A_74 = arith.constant 1 : i32
    %add3A_75 = vector.broadcast %add3A_74 : i32 to vector<16xi32>
    %add3A_76 = arith.addi %add3A_67, %add3A_75 : vector<16xi32>
    %gather3A_77 = tpu.vector_load_idx %arg7[%add3A_76] : memref<3072xi32, #tpu.memory_space<vmem>>[vector<16xi32>], vector<16xi32>,
    %add3A_78 = arith.addi %broadcast_in_dim3A_9, %gather3A_69 : vector<16xi32>
    %gather3A_79 = tpu.vector_load_idx %arg8[%add3A_78] : memref<384xf32, #tpu.memory_space<vmem>>[vector<16xi32>], vector<16xf32>,
    %add3A_80 = arith.addi %broadcast_in_dim3A_9, %gather3A_77 : vector<16xi32>
    %gather3A_81 = tpu.vector_load_idx %arg8[%add3A_80] : memref<384xf32, #tpu.memory_space<vmem>>[vector<16xi32>], vector<16xf32>,
    %mul3A_82 = arith.mulf %gather3A_68, %gather3A_79 : vector<16xf32>
    %mul3A_83 = arith.mulf %gather3A_73, %gather3A_81 : vector<16xf32>
    %add3A_84 = arith.addf %mul3A_82, %mul3A_83 : vector<16xf32>
    %swap3A_85 = arith.constant 0 : i32
    %swap3A_86 = arith.index_cast %swap3A_85 : i32 to index
    %swap3A_87 = arith.constant 32 : index
    %swap3A_88 = tpu.vector_load %arg9[%swap3A_86, %swap3A_87] {strides = array<i32>} : memref<24x64xf32, #tpu.memory_space<vmem>>, vector<16xf32>,
    tpu.vector_store %arg9[%swap3A_86, %swap3A_87], %add3A_84 {strides = array<i32>} : memref<24x64xf32, #tpu.memory_space<vmem>>, vector<16xf32>,
    %broadcast_in_dim3A_89 = arith.constant 96 : i32
    %broadcast_in_dim3A_90 = vector.broadcast %broadcast_in_dim3A_89 : i32 to vector<16xi32>
    %mul3A_91 = arith.constant 2 : i32
    %mul3A_92 = vector.broadcast %mul3A_91 : i32 to vector<16xi32>
    %mul3A_93 = arith.muli %iota3A, %mul3A_92 : vector<16xi32>
    %add3A_94 = arith.addi %broadcast_in_dim3A_90, %mul3A_93 : vector<16xi32>
    %gather3A_95 = tpu.vector_load_idx %arg6[%add3A_94] : memref<3072xf32, #tpu.memory_space<vmem>>[vector<16xi32>], vector<16xf32>,
    %gather3A_96 = tpu.vector_load_idx %arg7[%add3A_94] : memref<3072xi32, #tpu.memory_space<vmem>>[vector<16xi32>], vector<16xi32>,
    %add3A_97 = arith.constant 1 : i32
    %add3A_98 = vector.broadcast %add3A_97 : i32 to vector<16xi32>
    %add3A_99 = arith.addi %add3A_94, %add3A_98 : vector<16xi32>
    %gather3A_100 = tpu.vector_load_idx %arg6[%add3A_99] : memref<3072xf32, #tpu.memory_space<vmem>>[vector<16xi32>], vector<16xf32>,
    %add3A_101 = arith.constant 1 : i32
    %add3A_102 = vector.broadcast %add3A_101 : i32 to vector<16xi32>
    %add3A_103 = arith.addi %add3A_94, %add3A_102 : vector<16xi32>
    %gather3A_104 = tpu.vector_load_idx %arg7[%add3A_103] : memref<3072xi32, #tpu.memory_space<vmem>>[vector<16xi32>], vector<16xi32>,
    %add3A_105 = arith.addi %broadcast_in_dim3A_9, %gather3A_96 : vector<16xi32>
    %gather3A_106 = tpu.vector_load_idx %arg8[%add3A_105] : memref<384xf32, #tpu.memory_space<vmem>>[vector<16xi32>], vector<16xf32>,
    %add3A_107 = arith.addi %broadcast_in_dim3A_9, %gather3A_104 : vector<16xi32>
    %gather3A_108 = tpu.vector_load_idx %arg8[%add3A_107] : memref<384xf32, #tpu.memory_space<vmem>>[vector<16xi32>], vector<16xf32>,
    %mul3A_109 = arith.mulf %gather3A_95, %gather3A_106 : vector<16xf32>
    %mul3A_110 = arith.mulf %gather3A_100, %gather3A_108 : vector<16xf32>
    %add3A_111 = arith.addf %mul3A_109, %mul3A_110 : vector<16xf32>
    %swap3A_112 = arith.constant 0 : i32
    %swap3A_113 = arith.index_cast %swap3A_112 : i32 to index
    %swap3A_114 = arith.constant 48 : index
    %swap3A_115 = tpu.vector_load %arg9[%swap3A_113, %swap3A_114] {strides = array<i32>} : memref<24x64xf32, #tpu.memory_space<vmem>>, vector<16xf32>,
    tpu.vector_store %arg9[%swap3A_113, %swap3A_114], %add3A_111 {strides = array<i32>} : memref<24x64xf32, #tpu.memory_space<vmem>>, vector<16xf32>,
    %broadcast_in_dim3A_116 = arith.constant 16 : i32
    %broadcast_in_dim3A_117 = vector.broadcast %broadcast_in_dim3A_116 : i32 to vector<16xi32>
    %broadcast_in_dim3A_118 = arith.constant 128 : i32
    %broadcast_in_dim3A_119 = vector.broadcast %broadcast_in_dim3A_118 : i32 to vector<16xi32>
    %mul3A_120 = arith.constant 2 : i32
    %mul3A_121 = vector.broadcast %mul3A_120 : i32 to vector<16xi32>
    %mul3A_122 = arith.muli %iota3A, %mul3A_121 : vector<16xi32>
    %add3A_123 = arith.addi %broadcast_in_dim3A_119, %mul3A_122 : vector<16xi32>
    %gather3A_124 = tpu.vector_load_idx %arg6[%add3A_123] : memref<3072xf32, #tpu.memory_space<vmem>>[vector<16xi32>], vector<16xf32>,
    %gather3A_125 = tpu.vector_load_idx %arg7[%add3A_123] : memref<3072xi32, #tpu.memory_space<vmem>>[vector<16xi32>], vector<16xi32>,
    %add3A_126 = arith.constant 1 : i32
    %add3A_127 = vector.broadcast %add3A_126 : i32 to vector<16xi32>
    %add3A_128 = arith.addi %add3A_123, %add3A_127 : vector<16xi32>
    %gather3A_129 = tpu.vector_load_idx %arg6[%add3A_128] : memref<3072xf32, #tpu.memory_space<vmem>>[vector<16xi32>], vector<16xf32>,
    %add3A_130 = arith.constant 1 : i32
    %add3A_131 = vector.broadcast %add3A_130 : i32 to vector<16xi32>
    %add3A_132 = arith.addi %add3A_123, %add3A_131 : vector<16xi32>
    %gather3A_133 = tpu.vector_load_idx %arg7[%add3A_132] : memref<3072xi32, #tpu.memory_space<vmem>>[vector<16xi32>], vector<16xi32>,
    %add3A_134 = arith.addi %broadcast_in_dim3A_117, %gather3A_125 : vector<16xi32>
    %gather3A_135 = tpu.vector_load_idx %arg8[%add3A_134] : memref<384xf32, #tpu.memory_space<vmem>>[vector<16xi32>], vector<16xf32>,
    %add3A_136 = arith.addi %broadcast_in_dim3A_117, %gather3A_133 : vector<16xi32>
    %gather3A_137 = tpu.vector_load_idx %arg8[%add3A_136] : memref<384xf32, #tpu.memory_space<vmem>>[vector<16xi32>], vector<16xf32>,
    %mul3A_138 = arith.mulf %gather3A_124, %gather3A_135 : vector<16xf32>
    %mul3A_139 = arith.mulf %gather3A_129, %gather3A_137 : vector<16xf32>
    %add3A_140 = arith.addf %mul3A_138, %mul3A_139 : vector<16xf32>
    %swap3A_141 = arith.constant 1 : i32
    %swap3A_142 = arith.index_cast %swap3A_141 : i32 to index
    %swap3A_143 = arith.constant 0 : index
    %swap3A_144 = tpu.vector_load %arg9[%swap3A_142, %swap3A_143] {strides = array<i32>} : memref<24x64xf32, #tpu.memory_space<vmem>>, vector<16xf32>,
    tpu.vector_store %arg9[%swap3A_142, %swap3A_143], %add3A_140 {strides = array<i32>} : memref<24x64xf32, #tpu.memory_space<vmem>>, vector<16xf32>,
    %broadcast_in_dim3A_145 = arith.constant 160 : i32
    %broadcast_in_dim3A_146 = vector.broadcast %broadcast_in_dim3A_145 : i32 to vector<16xi32>
    %mul3A_147 = arith.constant 2 : i32
    %mul3A_148 = vector.broadcast %mul3A_147 : i32 to vector<16xi32>
    %mul3A_149 = arith.muli %iota3A, %mul3A_148 : vector<16xi32>
    %add3A_150 = arith.addi %broadcast_in_dim3A_146, %mul3A_149 : vector<16xi32>
    %gather3A_151 = tpu.vector_load_idx %arg6[%add3A_150] : memref<3072xf32, #tpu.memory_space<vmem>>[vector<16xi32>], vector<16xf32>,
    %gather3A_152 = tpu.vector_load_idx %arg7[%add3A_150] : memref<3072xi32, #tpu.memory_space<vmem>>[vector<16xi32>], vector<16xi32>,
    %add3A_153 = arith.constant 1 : i32
    %add3A_154 = vector.broadcast %add3A_153 : i32 to vector<16xi32>
    %add3A_155 = arith.addi %add3A_150, %add3A_154 : vector<16xi32>
    %gather3A_156 = tpu.vector_load_idx %arg6[%add3A_155] : memref<3072xf32, #tpu.memory_space<vmem>>[vector<16xi32>], vector<16xf32>,
    %add3A_157 = arith.constant 1 : i32
    %add3A_158 = vector.broadcast %add3A_157 : i32 to vector<16xi32>
    %add3A_159 = arith.addi %add3A_150, %add3A_158 : vector<16xi32>
    %gather3A_160 = tpu.vector_load_idx %arg7[%add3A_159] : memref<3072xi32, #tpu.memory_space<vmem>>[vector<16xi32>], vector<16xi32>,
    %add3A_161 = arith.addi %broadcast_in_dim3A_117, %gather3A_152 : vector<16xi32>
    %gather3A_162 = tpu.vector_load_idx %arg8[%add3A_161] : memref<384xf32, #tpu.memory_space<vmem>>[vector<16xi32>], vector<16xf32>,
    %add3A_163 = arith.addi %broadcast_in_dim3A_117, %gather3A_160 : vector<16xi32>
    %gather3A_164 = tpu.vector_load_idx %arg8[%add3A_163] : memref<384xf32, #tpu.memory_space<vmem>>[vector<16xi32>], vector<16xf32>,
    %mul3A_165 = arith.mulf %gather3A_151, %gather3A_162 : vector<16xf32>
    %mul3A_166 = arith.mulf %gather3A_156, %gather3A_164 : vector<16xf32>
    %add3A_167 = arith.addf %mul3A_165, %mul3A_166 : vector<16xf32>
    %swap3A_168 = arith.constant 1 : i32
    %swap3A_169 = arith.index_cast %swap3A_168 : i32 to index
    %swap3A_170 = arith.constant 16 : index
    %swap3A_171 = tpu.vector_load %arg9[%swap3A_169, %swap3A_170] {strides = array<i32>} : memref<24x64xf32, #tpu.memory_space<vmem>>, vector<16xf32>,
    tpu.vector_store %arg9[%swap3A_169, %swap3A_170], %add3A_167 {strides = array<i32>} : memref<24x64xf32, #tpu.memory_space<vmem>>, vector<16xf32>,
    %broadcast_in_dim3A_172 = arith.constant 192 : i32
    %broadcast_in_dim3A_173 = vector.broadcast %broadcast_in_dim3A_172 : i32 to vector<16xi32>
    %mul3A_174 = arith.constant 2 : i32
    %mul3A_175 = vector.broadcast %mul3A_174 : i32 to vector<16xi32>
    %mul3A_176 = arith.muli %iota3A, %mul3A_175 : vector<16xi32>
    %add3A_177 = arith.addi %broadcast_in_dim3A_173, %mul3A_176 : vector<16xi32>
    %gather3A_178 = tpu.vector_load_idx %arg6[%add3A_177] : memref<3072xf32, #tpu.memory_space<vmem>>[vector<16xi32>], vector<16xf32>,
    %gather3A_179 = tpu.vector_load_idx %arg7[%add3A_177] : memref<3072xi32, #tpu.memory_space<vmem>>[vector<16xi32>], vector<16xi32>,
    %add3A_180 = arith.constant 1 : i32
    %add3A_181 = vector.broadcast %add3A_180 : i32 to vector<16xi32>
    %add3A_182 = arith.addi %add3A_177, %add3A_181 : vector<16xi32>
    %gather3A_183 = tpu.vector_load_idx %arg6[%add3A_182] : memref<3072xf32, #tpu.memory_space<vmem>>[vector<16xi32>], vector<16xf32>,
    %add3A_184 = arith.constant 1 : i32
    %add3A_185 = vector.broadcast %add3A_184 : i32 to vector<16xi32>
    %add3A_186 = arith.addi %add3A_177, %add3A_185 : vector<16xi32>
    %gather3A_187 = tpu.vector_load_idx %arg7[%add3A_186] : memref<3072xi32, #tpu.memory_space<vmem>>[vector<16xi32>], vector<16xi32>,
    %add3A_188 = arith.addi %broadcast_in_dim3A_117, %gather3A_179 : vector<16xi32>
    %gather3A_189 = tpu.vector_load_idx %arg8[%add3A_188] : memref<384xf32, #tpu.memory_space<vmem>>[vector<16xi32>], vector<16xf32>,
    %add3A_190 = arith.addi %broadcast_in_dim3A_117, %gather3A_187 : vector<16xi32>
    %gather3A_191 = tpu.vector_load_idx %arg8[%add3A_190] : memref<384xf32, #tpu.memory_space<vmem>>[vector<16xi32>], vector<16xf32>,
    %mul3A_192 = arith.mulf %gather3A_178, %gather3A_189 : vector<16xf32>
    %mul3A_193 = arith.mulf %gather3A_183, %gather3A_191 : vector<16xf32>
    %add3A_194 = arith.addf %mul3A_192, %mul3A_193 : vector<16xf32>
    %swap3A_195 = arith.constant 1 : i32
    %swap3A_196 = arith.index_cast %swap3A_195 : i32 to index
    %swap3A_197 = arith.constant 32 : index
    %swap3A_198 = tpu.vector_load %arg9[%swap3A_196, %swap3A_197] {strides = array<i32>} : memref<24x64xf32, #tpu.memory_space<vmem>>, vector<16xf32>,
    tpu.vector_store %arg9[%swap3A_196, %swap3A_197], %add3A_194 {strides = array<i32>} : memref<24x64xf32, #tpu.memory_space<vmem>>, vector<16xf32>,
    %broadcast_in_dim3A_199 = arith.constant 224 : i32
    %broadcast_in_dim3A_200 = vector.broadcast %broadcast_in_dim3A_199 : i32 to vector<16xi32>
    %mul3A_201 = arith.constant 2 : i32
    %mul3A_202 = vector.broadcast %mul3A_201 : i32 to vector<16xi32>
    %mul3A_203 = arith.muli %iota3A, %mul3A_202 : vector<16xi32>
    %add3A_204 = arith.addi %broadcast_in_dim3A_200, %mul3A_203 : vector<16xi32>
    %gather3A_205 = tpu.vector_load_idx %arg6[%add3A_204] : memref<3072xf32, #tpu.memory_space<vmem>>[vector<16xi32>], vector<16xf32>,
    %gather3A_206 = tpu.vector_load_idx %arg7[%add3A_204] : memref<3072xi32, #tpu.memory_space<vmem>>[vector<16xi32>], vector<16xi32>,
    %add3A_207 = arith.constant 1 : i32
    %add3A_208 = vector.broadcast %add3A_207 : i32 to vector<16xi32>
    %add3A_209 = arith.addi %add3A_204, %add3A_208 : vector<16xi32>
    %gather3A_210 = tpu.vector_load_idx %arg6[%add3A_209] : memref<3072xf32, #tpu.memory_space<vmem>>[vector<16xi32>], vector<16xf32>,
    %add3A_211 = arith.constant 1 : i32
    %add3A_212 = vector.broadcast %add3A_211 : i32 to vector<16xi32>
    %add3A_213 = arith.addi %add3A_204, %add3A_212 : vector<16xi32>
    %gather3A_214 = tpu.vector_load_idx %arg7[%add3A_213] : memref<3072xi32, #tpu.memory_space<vmem>>[vector<16xi32>], vector<16xi32>,
    %add3A_215 = arith.addi %broadcast_in_dim3A_117, %gather3A_206 : vector<16xi32>
    %gather3A_216 = tpu.vector_load_idx %arg8[%add3A_215] : memref<384xf32, #tpu.memory_space<vmem>>[vector<16xi32>], vector<16xf32>,
    %add3A_217 = arith.addi %broadcast_in_dim3A_117, %gather3A_214 : vector<16xi32>
    %gather3A_218 = tpu.vector_load_idx %arg8[%add3A_217] : memref<384xf32, #tpu.memory_space<vmem>>[vector<16xi32>], vector<16xf32>,
    %mul3A_219 = arith.mulf %gather3A_205, %gather3A_216 : vector<16xf32>
    %mul3A_220 = arith.mulf %gather3A_210, %gather3A_218 : vector<16xf32>
    %add3A_221 = arith.addf %mul3A_219, %mul3A_220 : vector<16xf32>
    %swap3A_222 = arith.constant 1 : i32
    %swap3A_223 = arith.index_cast %swap3A_222 : i32 to index
    %swap3A_224 = arith.constant 48 : index
    %swap3A_225 = tpu.vector_load %arg9[%swap3A_223, %swap3A_224] {strides = array<i32>} : memref<24x64xf32, #tpu.memory_space<vmem>>, vector<16xf32>,
    tpu.vector_store %arg9[%swap3A_223, %swap3A_224], %add3A_221 {strides = array<i32>} : memref<24x64xf32, #tpu.memory_space<vmem>>, vector<16xf32>,
    %broadcast_in_dim3A_226 = arith.constant 32 : i32
    %broadcast_in_dim3A_227 = vector.broadcast %broadcast_in_dim3A_226 : i32 to vector<16xi32>
    %broadcast_in_dim3A_228 = arith.constant 256 : i32
    %broadcast_in_dim3A_229 = vector.broadcast %broadcast_in_dim3A_228 : i32 to vector<16xi32>
    %mul3A_230 = arith.constant 2 : i32
    %mul3A_231 = vector.broadcast %mul3A_230 : i32 to vector<16xi32>
    %mul3A_232 = arith.muli %iota3A, %mul3A_231 : vector<16xi32>
    %add3A_233 = arith.addi %broadcast_in_dim3A_229, %mul3A_232 : vector<16xi32>
    %gather3A_234 = tpu.vector_load_idx %arg6[%add3A_233] : memref<3072xf32, #tpu.memory_space<vmem>>[vector<16xi32>], vector<16xf32>,
    %gather3A_235 = tpu.vector_load_idx %arg7[%add3A_233] : memref<3072xi32, #tpu.memory_space<vmem>>[vector<16xi32>], vector<16xi32>,
    %add3A_236 = arith.constant 1 : i32
    %add3A_237 = vector.broadcast %add3A_236 : i32 to vector<16xi32>
    %add3A_238 = arith.addi %add3A_233, %add3A_237 : vector<16xi32>
    %gather3A_239 = tpu.vector_load_idx %arg6[%add3A_238] : memref<3072xf32, #tpu.memory_space<vmem>>[vector<16xi32>], vector<16xf32>,
    %add3A_240 = arith.constant 1 : i32
    %add3A_241 = vector.broadcast %add3A_240 : i32 to vector<16xi32>
    %add3A_242 = arith.addi %add3A_233, %add3A_241 : vector<16xi32>
    %gather3A_243 = tpu.vector_load_idx %arg7[%add3A_242] : memref<3072xi32, #tpu.memory_space<vmem>>[vector<16xi32>], vector<16xi32>,
    %add3A_244 = arith.addi %broadcast_in_dim3A_227, %gather3A_235 : vector<16xi32>
    %gather3A_245 = tpu.vector_load_idx %arg8[%add3A_244] : memref<384xf32, #tpu.memory_space<vmem>>[vector<16xi32>], vector<16xf32>,
    %add3A_246 = arith.addi %broadcast_in_dim3A_227, %gather3A_243 : vector<16xi32>
    %gather3A_247 = tpu.vector_load_idx %arg8[%add3A_246] : memref<384xf32, #tpu.memory_space<vmem>>[vector<16xi32>], vector<16xf32>,
    %mul3A_248 = arith.mulf %gather3A_234, %gather3A_245 : vector<16xf32>
    %mul3A_249 = arith.mulf %gather3A_239, %gather3A_247 : vector<16xf32>
    %add3A_250 = arith.addf %mul3A_248, %mul3A_249 : vector<16xf32>
    %swap3A_251 = arith.constant 2 : i32
    %swap3A_252 = arith.index_cast %swap3A_251 : i32 to index
    %swap3A_253 = arith.constant 0 : index
    %swap3A_254 = tpu.vector_load %arg9[%swap3A_252, %swap3A_253] {strides = array<i32>} : memref<24x64xf32, #tpu.memory_space<vmem>>, vector<16xf32>,
    tpu.vector_store %arg9[%swap3A_252, %swap3A_253], %add3A_250 {strides = array<i32>} : memref<24x64xf32, #tpu.memory_space<vmem>>, vector<16xf32>,
    %broadcast_in_dim3A_255 = arith.constant 288 : i32
    %broadcast_in_dim3A_256 = vector.broadcast %broadcast_in_dim3A_255 : i32 to vector<16xi32>
    %mul3A_257 = arith.constant 2 : i32
    %mul3A_258 = vector.broadcast %mul3A_257 : i32 to vector<16xi32>
    %mul3A_259 = arith.muli %iota3A, %mul3A_258 : vector<16xi32>
    %add3A_260 = arith.addi %broadcast_in_dim3A_256, %mul3A_259 : vector<16xi32>
    %gather3A_261 = tpu.vector_load_idx %arg6[%add3A_260] : memref<3072xf32, #tpu.memory_space<vmem>>[vector<16xi32>], vector<16xf32>,
    %gather3A_262 = tpu.vector_load_idx %arg7[%add3A_260] : memref<3072xi32, #tpu.memory_space<vmem>>[vector<16xi32>], vector<16xi32>,
    %add3A_263 = arith.constant 1 : i32
    %add3A_264 = vector.broadcast %add3A_263 : i32 to vector<16xi32>
    %add3A_265 = arith.addi %add3A_260, %add3A_264 : vector<16xi32>
    %gather3A_266 = tpu.vector_load_idx %arg6[%add3A_265] : memref<3072xf32, #tpu.memory_space<vmem>>[vector<16xi32>], vector<16xf32>,
    %add3A_267 = arith.constant 1 : i32
    %add3A_268 = vector.broadcast %add3A_267 : i32 to vector<16xi32>
    %add3A_269 = arith.addi %add3A_260, %add3A_268 : vector<16xi32>
    %gather3A_270 = tpu.vector_load_idx %arg7[%add3A_269] : memref<3072xi32, #tpu.memory_space<vmem>>[vector<16xi32>], vector<16xi32>,
    %add3A_271 = arith.addi %broadcast_in_dim3A_227, %gather3A_262 : vector<16xi32>
    %gather3A_272 = tpu.vector_load_idx %arg8[%add3A_271] : memref<384xf32, #tpu.memory_space<vmem>>[vector<16xi32>], vector<16xf32>,
    %add3A_273 = arith.addi %broadcast_in_dim3A_227, %gather3A_270 : vector<16xi32>
    %gather3A_274 = tpu.vector_load_idx %arg8[%add3A_273] : memref<384xf32, #tpu.memory_space<vmem>>[vector<16xi32>], vector<16xf32>,
    %mul3A_275 = arith.mulf %gather3A_261, %gather3A_272 : vector<16xf32>
    %mul3A_276 = arith.mulf %gather3A_266, %gather3A_274 : vector<16xf32>
    %add3A_277 = arith.addf %mul3A_275, %mul3A_276 : vector<16xf32>
    %swap3A_278 = arith.constant 2 : i32
    %swap3A_279 = arith.index_cast %swap3A_278 : i32 to index
    %swap3A_280 = arith.constant 16 : index
    %swap3A_281 = tpu.vector_load %arg9[%swap3A_279, %swap3A_280] {strides = array<i32>} : memref<24x64xf32, #tpu.memory_space<vmem>>, vector<16xf32>,
    tpu.vector_store %arg9[%swap3A_279, %swap3A_280], %add3A_277 {strides = array<i32>} : memref<24x64xf32, #tpu.memory_space<vmem>>, vector<16xf32>,
    %broadcast_in_dim3A_282 = arith.constant 320 : i32
    %broadcast_in_dim3A_283 = vector.broadcast %broadcast_in_dim3A_282 : i32 to vector<16xi32>
    %mul3A_284 = arith.constant 2 : i32
    %mul3A_285 = vector.broadcast %mul3A_284 : i32 to vector<16xi32>
    %mul3A_286 = arith.muli %iota3A, %mul3A_285 : vector<16xi32>
    %add3A_287 = arith.addi %broadcast_in_dim3A_283, %mul3A_286 : vector<16xi32>
    %gather3A_288 = tpu.vector_load_idx %arg6[%add3A_287] : memref<3072xf32, #tpu.memory_space<vmem>>[vector<16xi32>], vector<16xf32>,
    %gather3A_289 = tpu.vector_load_idx %arg7[%add3A_287] : memref<3072xi32, #tpu.memory_space<vmem>>[vector<16xi32>], vector<16xi32>,
    %add3A_290 = arith.constant 1 : i32
    %add3A_291 = vector.broadcast %add3A_290 : i32 to vector<16xi32>
    %add3A_292 = arith.addi %add3A_287, %add3A_291 : vector<16xi32>
    %gather3A_293 = tpu.vector_load_idx %arg6[%add3A_292] : memref<3072xf32, #tpu.memory_space<vmem>>[vector<16xi32>], vector<16xf32>,
    %add3A_294 = arith.constant 1 : i32
    %add3A_295 = vector.broadcast %add3A_294 : i32 to vector<16xi32>
    %add3A_296 = arith.addi %add3A_287, %add3A_295 : vector<16xi32>
    %gather3A_297 = tpu.vector_load_idx %arg7[%add3A_296] : memref<3072xi32, #tpu.memory_space<vmem>>[vector<16xi32>], vector<16xi32>,
    %add3A_298 = arith.addi %broadcast_in_dim3A_227, %gather3A_289 : vector<16xi32>
    %gather3A_299 = tpu.vector_load_idx %arg8[%add3A_298] : memref<384xf32, #tpu.memory_space<vmem>>[vector<16xi32>], vector<16xf32>,
    %add3A_300 = arith.addi %broadcast_in_dim3A_227, %gather3A_297 : vector<16xi32>
    %gather3A_301 = tpu.vector_load_idx %arg8[%add3A_300] : memref<384xf32, #tpu.memory_space<vmem>>[vector<16xi32>], vector<16xf32>,
    %mul3A_302 = arith.mulf %gather3A_288, %gather3A_299 : vector<16xf32>
    %mul3A_303 = arith.mulf %gather3A_293, %gather3A_301 : vector<16xf32>
    %add3A_304 = arith.addf %mul3A_302, %mul3A_303 : vector<16xf32>
    %swap3A_305 = arith.constant 2 : i32
    %swap3A_306 = arith.index_cast %swap3A_305 : i32 to index
    %swap3A_307 = arith.constant 32 : index
    %swap3A_308 = tpu.vector_load %arg9[%swap3A_306, %swap3A_307] {strides = array<i32>} : memref<24x64xf32, #tpu.memory_space<vmem>>, vector<16xf32>,
    tpu.vector_store %arg9[%swap3A_306, %swap3A_307], %add3A_304 {strides = array<i32>} : memref<24x64xf32, #tpu.memory_space<vmem>>, vector<16xf32>,
    %broadcast_in_dim3A_309 = arith.constant 352 : i32
    %broadcast_in_dim3A_310 = vector.broadcast %broadcast_in_dim3A_309 : i32 to vector<16xi32>
    %mul3A_311 = arith.constant 2 : i32
    %mul3A_312 = vector.broadcast %mul3A_311 : i32 to vector<16xi32>
    %mul3A_313 = arith.muli %iota3A, %mul3A_312 : vector<16xi32>
    %add3A_314 = arith.addi %broadcast_in_dim3A_310, %mul3A_313 : vector<16xi32>
    %gather3A_315 = tpu.vector_load_idx %arg6[%add3A_314] : memref<3072xf32, #tpu.memory_space<vmem>>[vector<16xi32>], vector<16xf32>,
    %gather3A_316 = tpu.vector_load_idx %arg7[%add3A_314] : memref<3072xi32, #tpu.memory_space<vmem>>[vector<16xi32>], vector<16xi32>,
    %add3A_317 = arith.constant 1 : i32
    %add3A_318 = vector.broadcast %add3A_317 : i32 to vector<16xi32>
    %add3A_319 = arith.addi %add3A_314, %add3A_318 : vector<16xi32>
    %gather3A_320 = tpu.vector_load_idx %arg6[%add3A_319] : memref<3072xf32, #tpu.memory_space<vmem>>[vector<16xi32>], vector<16xf32>,
    %add3A_321 = arith.constant 1 : i32
    %add3A_322 = vector.broadcast %add3A_321 : i32 to vector<16xi32>
    %add3A_323 = arith.addi %add3A_314, %add3A_322 : vector<16xi32>
    %gather3A_324 = tpu.vector_load_idx %arg7[%add3A_323] : memref<3072xi32, #tpu.memory_space<vmem>>[vector<16xi32>], vector<16xi32>,
    %add3A_325 = arith.addi %broadcast_in_dim3A_227, %gather3A_316 : vector<16xi32>
    %gather3A_326 = tpu.vector_load_idx %arg8[%add3A_325] : memref<384xf32, #tpu.memory_space<vmem>>[vector<16xi32>], vector<16xf32>,
    %add3A_327 = arith.addi %broadcast_in_dim3A_227, %gather3A_324 : vector<16xi32>
    %gather3A_328 = tpu.vector_load_idx %arg8[%add3A_327] : memref<384xf32, #tpu.memory_space<vmem>>[vector<16xi32>], vector<16xf32>,
    %mul3A_329 = arith.mulf %gather3A_315, %gather3A_326 : vector<16xf32>
    %mul3A_330 = arith.mulf %gather3A_320, %gather3A_328 : vector<16xf32>
    %add3A_331 = arith.addf %mul3A_329, %mul3A_330 : vector<16xf32>
    %swap3A_332 = arith.constant 2 : i32
    %swap3A_333 = arith.index_cast %swap3A_332 : i32 to index
    %swap3A_334 = arith.constant 48 : index
    %swap3A_335 = tpu.vector_load %arg9[%swap3A_333, %swap3A_334] {strides = array<i32>} : memref<24x64xf32, #tpu.memory_space<vmem>>, vector<16xf32>,
    tpu.vector_store %arg9[%swap3A_333, %swap3A_334], %add3A_331 {strides = array<i32>} : memref<24x64xf32, #tpu.memory_space<vmem>>, vector<16xf32>,
    %broadcast_in_dim3A_336 = arith.constant 48 : i32
    %broadcast_in_dim3A_337 = vector.broadcast %broadcast_in_dim3A_336 : i32 to vector<16xi32>
    %broadcast_in_dim3A_338 = arith.constant 384 : i32
    %broadcast_in_dim3A_339 = vector.broadcast %broadcast_in_dim3A_338 : i32 to vector<16xi32>
    %mul3A_340 = arith.constant 2 : i32
    %mul3A_341 = vector.broadcast %mul3A_340 : i32 to vector<16xi32>
    %mul3A_342 = arith.muli %iota3A, %mul3A_341 : vector<16xi32>
    %add3A_343 = arith.addi %broadcast_in_dim3A_339, %mul3A_342 : vector<16xi32>
    %gather3A_344 = tpu.vector_load_idx %arg6[%add3A_343] : memref<3072xf32, #tpu.memory_space<vmem>>[vector<16xi32>], vector<16xf32>,
    %gather3A_345 = tpu.vector_load_idx %arg7[%add3A_343] : memref<3072xi32, #tpu.memory_space<vmem>>[vector<16xi32>], vector<16xi32>,
    %add3A_346 = arith.constant 1 : i32
    %add3A_347 = vector.broadcast %add3A_346 : i32 to vector<16xi32>
    %add3A_348 = arith.addi %add3A_343, %add3A_347 : vector<16xi32>
    %gather3A_349 = tpu.vector_load_idx %arg6[%add3A_348] : memref<3072xf32, #tpu.memory_space<vmem>>[vector<16xi32>], vector<16xf32>,
    %add3A_350 = arith.constant 1 : i32
    %add3A_351 = vector.broadcast %add3A_350 : i32 to vector<16xi32>
    %add3A_352 = arith.addi %add3A_343, %add3A_351 : vector<16xi32>
    %gather3A_353 = tpu.vector_load_idx %arg7[%add3A_352] : memref<3072xi32, #tpu.memory_space<vmem>>[vector<16xi32>], vector<16xi32>,
    %add3A_354 = arith.addi %broadcast_in_dim3A_337, %gather3A_345 : vector<16xi32>
    %gather3A_355 = tpu.vector_load_idx %arg8[%add3A_354] : memref<384xf32, #tpu.memory_space<vmem>>[vector<16xi32>], vector<16xf32>,
    %add3A_356 = arith.addi %broadcast_in_dim3A_337, %gather3A_353 : vector<16xi32>
    %gather3A_357 = tpu.vector_load_idx %arg8[%add3A_356] : memref<384xf32, #tpu.memory_space<vmem>>[vector<16xi32>], vector<16xf32>,
    %mul3A_358 = arith.mulf %gather3A_344, %gather3A_355 : vector<16xf32>
    %mul3A_359 = arith.mulf %gather3A_349, %gather3A_357 : vector<16xf32>
    %add3A_360 = arith.addf %mul3A_358, %mul3A_359 : vector<16xf32>
    %swap3A_361 = arith.constant 3 : i32
    %swap3A_362 = arith.index_cast %swap3A_361 : i32 to index
    %swap3A_363 = arith.constant 0 : index
    %swap3A_364 = tpu.vector_load %arg9[%swap3A_362, %swap3A_363] {strides = array<i32>} : memref<24x64xf32, #tpu.memory_space<vmem>>, vector<16xf32>,
    tpu.vector_store %arg9[%swap3A_362, %swap3A_363], %add3A_360 {strides = array<i32>} : memref<24x64xf32, #tpu.memory_space<vmem>>, vector<16xf32>,
    %broadcast_in_dim3A_365 = arith.constant 416 : i32
    %broadcast_in_dim3A_366 = vector.broadcast %broadcast_in_dim3A_365 : i32 to vector<16xi32>
    %mul3A_367 = arith.constant 2 : i32
    %mul3A_368 = vector.broadcast %mul3A_367 : i32 to vector<16xi32>
    %mul3A_369 = arith.muli %iota3A, %mul3A_368 : vector<16xi32>
    %add3A_370 = arith.addi %broadcast_in_dim3A_366, %mul3A_369 : vector<16xi32>
    %gather3A_371 = tpu.vector_load_idx %arg6[%add3A_370] : memref<3072xf32, #tpu.memory_space<vmem>>[vector<16xi32>], vector<16xf32>,
    %gather3A_372 = tpu.vector_load_idx %arg7[%add3A_370] : memref<3072xi32, #tpu.memory_space<vmem>>[vector<16xi32>], vector<16xi32>,
    %add3A_373 = arith.constant 1 : i32
    %add3A_374 = vector.broadcast %add3A_373 : i32 to vector<16xi32>
    %add3A_375 = arith.addi %add3A_370, %add3A_374 : vector<16xi32>
    %gather3A_376 = tpu.vector_load_idx %arg6[%add3A_375] : memref<3072xf32, #tpu.memory_space<vmem>>[vector<16xi32>], vector<16xf32>,
    %add3A_377 = arith.constant 1 : i32
    %add3A_378 = vector.broadcast %add3A_377 : i32 to vector<16xi32>
    %add3A_379 = arith.addi %add3A_370, %add3A_378 : vector<16xi32>
    %gather3A_380 = tpu.vector_load_idx %arg7[%add3A_379] : memref<3072xi32, #tpu.memory_space<vmem>>[vector<16xi32>], vector<16xi32>,
    %add3A_381 = arith.addi %broadcast_in_dim3A_337, %gather3A_372 : vector<16xi32>
    %gather3A_382 = tpu.vector_load_idx %arg8[%add3A_381] : memref<384xf32, #tpu.memory_space<vmem>>[vector<16xi32>], vector<16xf32>,
    %add3A_383 = arith.addi %broadcast_in_dim3A_337, %gather3A_380 : vector<16xi32>
    %gather3A_384 = tpu.vector_load_idx %arg8[%add3A_383] : memref<384xf32, #tpu.memory_space<vmem>>[vector<16xi32>], vector<16xf32>,
    %mul3A_385 = arith.mulf %gather3A_371, %gather3A_382 : vector<16xf32>
    %mul3A_386 = arith.mulf %gather3A_376, %gather3A_384 : vector<16xf32>
    %add3A_387 = arith.addf %mul3A_385, %mul3A_386 : vector<16xf32>
    %swap3A_388 = arith.constant 3 : i32
    %swap3A_389 = arith.index_cast %swap3A_388 : i32 to index
    %swap3A_390 = arith.constant 16 : index
    %swap3A_391 = tpu.vector_load %arg9[%swap3A_389, %swap3A_390] {strides = array<i32>} : memref<24x64xf32, #tpu.memory_space<vmem>>, vector<16xf32>,
    tpu.vector_store %arg9[%swap3A_389, %swap3A_390], %add3A_387 {strides = array<i32>} : memref<24x64xf32, #tpu.memory_space<vmem>>, vector<16xf32>,
    %broadcast_in_dim3A_392 = arith.constant 448 : i32
    %broadcast_in_dim3A_393 = vector.broadcast %broadcast_in_dim3A_392 : i32 to vector<16xi32>
    %mul3A_394 = arith.constant 2 : i32
    %mul3A_395 = vector.broadcast %mul3A_394 : i32 to vector<16xi32>
    %mul3A_396 = arith.muli %iota3A, %mul3A_395 : vector<16xi32>
    %add3A_397 = arith.addi %broadcast_in_dim3A_393, %mul3A_396 : vector<16xi32>
    %gather3A_398 = tpu.vector_load_idx %arg6[%add3A_397] : memref<3072xf32, #tpu.memory_space<vmem>>[vector<16xi32>], vector<16xf32>,
    %gather3A_399 = tpu.vector_load_idx %arg7[%add3A_397] : memref<3072xi32, #tpu.memory_space<vmem>>[vector<16xi32>], vector<16xi32>,
    %add3A_400 = arith.constant 1 : i32
    %add3A_401 = vector.broadcast %add3A_400 : i32 to vector<16xi32>
    %add3A_402 = arith.addi %add3A_397, %add3A_401 : vector<16xi32>
    %gather3A_403 = tpu.vector_load_idx %arg6[%add3A_402] : memref<3072xf32, #tpu.memory_space<vmem>>[vector<16xi32>], vector<16xf32>,
    %add3A_404 = arith.constant 1 : i32
    %add3A_405 = vector.broadcast %add3A_404 : i32 to vector<16xi32>
    %add3A_406 = arith.addi %add3A_397, %add3A_405 : vector<16xi32>
    %gather3A_407 = tpu.vector_load_idx %arg7[%add3A_406] : memref<3072xi32, #tpu.memory_space<vmem>>[vector<16xi32>], vector<16xi32>,
    %add3A_408 = arith.addi %broadcast_in_dim3A_337, %gather3A_399 : vector<16xi32>
    %gather3A_409 = tpu.vector_load_idx %arg8[%add3A_408] : memref<384xf32, #tpu.memory_space<vmem>>[vector<16xi32>], vector<16xf32>,
    %add3A_410 = arith.addi %broadcast_in_dim3A_337, %gather3A_407 : vector<16xi32>
    %gather3A_411 = tpu.vector_load_idx %arg8[%add3A_410] : memref<384xf32, #tpu.memory_space<vmem>>[vector<16xi32>], vector<16xf32>,
    %mul3A_412 = arith.mulf %gather3A_398, %gather3A_409 : vector<16xf32>
    %mul3A_413 = arith.mulf %gather3A_403, %gather3A_411 : vector<16xf32>
    %add3A_414 = arith.addf %mul3A_412, %mul3A_413 : vector<16xf32>
    %swap3A_415 = arith.constant 3 : i32
    %swap3A_416 = arith.index_cast %swap3A_415 : i32 to index
    %swap3A_417 = arith.constant 32 : index
    %swap3A_418 = tpu.vector_load %arg9[%swap3A_416, %swap3A_417] {strides = array<i32>} : memref<24x64xf32, #tpu.memory_space<vmem>>, vector<16xf32>,
    tpu.vector_store %arg9[%swap3A_416, %swap3A_417], %add3A_414 {strides = array<i32>} : memref<24x64xf32, #tpu.memory_space<vmem>>, vector<16xf32>,
    %broadcast_in_dim3A_419 = arith.constant 480 : i32
    %broadcast_in_dim3A_420 = vector.broadcast %broadcast_in_dim3A_419 : i32 to vector<16xi32>
    %mul3A_421 = arith.constant 2 : i32
    %mul3A_422 = vector.broadcast %mul3A_421 : i32 to vector<16xi32>
    %mul3A_423 = arith.muli %iota3A, %mul3A_422 : vector<16xi32>
    %add3A_424 = arith.addi %broadcast_in_dim3A_420, %mul3A_423 : vector<16xi32>
    %gather3A_425 = tpu.vector_load_idx %arg6[%add3A_424] : memref<3072xf32, #tpu.memory_space<vmem>>[vector<16xi32>], vector<16xf32>,
    %gather3A_426 = tpu.vector_load_idx %arg7[%add3A_424] : memref<3072xi32, #tpu.memory_space<vmem>>[vector<16xi32>], vector<16xi32>,
    %add3A_427 = arith.constant 1 : i32
    %add3A_428 = vector.broadcast %add3A_427 : i32 to vector<16xi32>
    %add3A_429 = arith.addi %add3A_424, %add3A_428 : vector<16xi32>
    %gather3A_430 = tpu.vector_load_idx %arg6[%add3A_429] : memref<3072xf32, #tpu.memory_space<vmem>>[vector<16xi32>], vector<16xf32>,
    %add3A_431 = arith.constant 1 : i32
    %add3A_432 = vector.broadcast %add3A_431 : i32 to vector<16xi32>
    %add3A_433 = arith.addi %add3A_424, %add3A_432 : vector<16xi32>
    %gather3A_434 = tpu.vector_load_idx %arg7[%add3A_433] : memref<3072xi32, #tpu.memory_space<vmem>>[vector<16xi32>], vector<16xi32>,
    %add3A_435 = arith.addi %broadcast_in_dim3A_337, %gather3A_426 : vector<16xi32>
    %gather3A_436 = tpu.vector_load_idx %arg8[%add3A_435] : memref<384xf32, #tpu.memory_space<vmem>>[vector<16xi32>], vector<16xf32>,
    %add3A_437 = arith.addi %broadcast_in_dim3A_337, %gather3A_434 : vector<16xi32>
    %gather3A_438 = tpu.vector_load_idx %arg8[%add3A_437] : memref<384xf32, #tpu.memory_space<vmem>>[vector<16xi32>], vector<16xf32>,
    %mul3A_439 = arith.mulf %gather3A_425, %gather3A_436 : vector<16xf32>
    %mul3A_440 = arith.mulf %gather3A_430, %gather3A_438 : vector<16xf32>
    %add3A_441 = arith.addf %mul3A_439, %mul3A_440 : vector<16xf32>
    %swap3A_442 = arith.constant 3 : i32
    %swap3A_443 = arith.index_cast %swap3A_442 : i32 to index
    %swap3A_444 = arith.constant 48 : index
    %swap3A_445 = tpu.vector_load %arg9[%swap3A_443, %swap3A_444] {strides = array<i32>} : memref<24x64xf32, #tpu.memory_space<vmem>>, vector<16xf32>,
    tpu.vector_store %arg9[%swap3A_443, %swap3A_444], %add3A_441 {strides = array<i32>} : memref<24x64xf32, #tpu.memory_space<vmem>>, vector<16xf32>,
    %broadcast_in_dim3A_446 = arith.constant 64 : i32
    %broadcast_in_dim3A_447 = vector.broadcast %broadcast_in_dim3A_446 : i32 to vector<16xi32>
    %broadcast_in_dim3A_448 = arith.constant 512 : i32
    %broadcast_in_dim3A_449 = vector.broadcast %broadcast_in_dim3A_448 : i32 to vector<16xi32>
    %mul3A_450 = arith.constant 2 : i32
    %mul3A_451 = vector.broadcast %mul3A_450 : i32 to vector<16xi32>
    %mul3A_452 = arith.muli %iota3A, %mul3A_451 : vector<16xi32>
    %add3A_453 = arith.addi %broadcast_in_dim3A_449, %mul3A_452 : vector<16xi32>
    %gather3A_454 = tpu.vector_load_idx %arg6[%add3A_453] : memref<3072xf32, #tpu.memory_space<vmem>>[vector<16xi32>], vector<16xf32>,
    %gather3A_455 = tpu.vector_load_idx %arg7[%add3A_453] : memref<3072xi32, #tpu.memory_space<vmem>>[vector<16xi32>], vector<16xi32>,
    %add3A_456 = arith.constant 1 : i32
    %add3A_457 = vector.broadcast %add3A_456 : i32 to vector<16xi32>
    %add3A_458 = arith.addi %add3A_453, %add3A_457 : vector<16xi32>
    %gather3A_459 = tpu.vector_load_idx %arg6[%add3A_458] : memref<3072xf32, #tpu.memory_space<vmem>>[vector<16xi32>], vector<16xf32>,
    %add3A_460 = arith.constant 1 : i32
    %add3A_461 = vector.broadcast %add3A_460 : i32 to vector<16xi32>
    %add3A_462 = arith.addi %add3A_453, %add3A_461 : vector<16xi32>
    %gather3A_463 = tpu.vector_load_idx %arg7[%add3A_462] : memref<3072xi32, #tpu.memory_space<vmem>>[vector<16xi32>], vector<16xi32>,
    %add3A_464 = arith.addi %broadcast_in_dim3A_447, %gather3A_455 : vector<16xi32>
    %gather3A_465 = tpu.vector_load_idx %arg8[%add3A_464] : memref<384xf32, #tpu.memory_space<vmem>>[vector<16xi32>], vector<16xf32>,
    %add3A_466 = arith.addi %broadcast_in_dim3A_447, %gather3A_463 : vector<16xi32>
    %gather3A_467 = tpu.vector_load_idx %arg8[%add3A_466] : memref<384xf32, #tpu.memory_space<vmem>>[vector<16xi32>], vector<16xf32>,
    %mul3A_468 = arith.mulf %gather3A_454, %gather3A_465 : vector<16xf32>
    %mul3A_469 = arith.mulf %gather3A_459, %gather3A_467 : vector<16xf32>
    %add3A_470 = arith.addf %mul3A_468, %mul3A_469 : vector<16xf32>
    %swap3A_471 = arith.constant 4 : i32
    %swap3A_472 = arith.index_cast %swap3A_471 : i32 to index
    %swap3A_473 = arith.constant 0 : index
    %swap3A_474 = tpu.vector_load %arg9[%swap3A_472, %swap3A_473] {strides = array<i32>} : memref<24x64xf32, #tpu.memory_space<vmem>>, vector<16xf32>,
    tpu.vector_store %arg9[%swap3A_472, %swap3A_473], %add3A_470 {strides = array<i32>} : memref<24x64xf32, #tpu.memory_space<vmem>>, vector<16xf32>,
    %broadcast_in_dim3A_475 = arith.constant 544 : i32
    %broadcast_in_dim3A_476 = vector.broadcast %broadcast_in_dim3A_475 : i32 to vector<16xi32>
    %mul3A_477 = arith.constant 2 : i32
    %mul3A_478 = vector.broadcast %mul3A_477 : i32 to vector<16xi32>
    %mul3A_479 = arith.muli %iota3A, %mul3A_478 : vector<16xi32>
    %add3A_480 = arith.addi %broadcast_in_dim3A_476, %mul3A_479 : vector<16xi32>
    %gather3A_481 = tpu.vector_load_idx %arg6[%add3A_480] : memref<3072xf32, #tpu.memory_space<vmem>>[vector<16xi32>], vector<16xf32>,
    %gather3A_482 = tpu.vector_load_idx %arg7[%add3A_480] : memref<3072xi32, #tpu.memory_space<vmem>>[vector<16xi32>], vector<16xi32>,
    %add3A_483 = arith.constant 1 : i32
    %add3A_484 = vector.broadcast %add3A_483 : i32 to vector<16xi32>
    %add3A_485 = arith.addi %add3A_480, %add3A_484 : vector<16xi32>
    %gather3A_486 = tpu.vector_load_idx %arg6[%add3A_485] : memref<3072xf32, #tpu.memory_space<vmem>>[vector<16xi32>], vector<16xf32>,
    %add3A_487 = arith.constant 1 : i32
    %add3A_488 = vector.broadcast %add3A_487 : i32 to vector<16xi32>
    %add3A_489 = arith.addi %add3A_480, %add3A_488 : vector<16xi32>
    %gather3A_490 = tpu.vector_load_idx %arg7[%add3A_489] : memref<3072xi32, #tpu.memory_space<vmem>>[vector<16xi32>], vector<16xi32>,
    %add3A_491 = arith.addi %broadcast_in_dim3A_447, %gather3A_482 : vector<16xi32>
    %gather3A_492 = tpu.vector_load_idx %arg8[%add3A_491] : memref<384xf32, #tpu.memory_space<vmem>>[vector<16xi32>], vector<16xf32>,
    %add3A_493 = arith.addi %broadcast_in_dim3A_447, %gather3A_490 : vector<16xi32>
    %gather3A_494 = tpu.vector_load_idx %arg8[%add3A_493] : memref<384xf32, #tpu.memory_space<vmem>>[vector<16xi32>], vector<16xf32>,
    %mul3A_495 = arith.mulf %gather3A_481, %gather3A_492 : vector<16xf32>
    %mul3A_496 = arith.mulf %gather3A_486, %gather3A_494 : vector<16xf32>
    %add3A_497 = arith.addf %mul3A_495, %mul3A_496 : vector<16xf32>
    %swap3A_498 = arith.constant 4 : i32
    %swap3A_499 = arith.index_cast %swap3A_498 : i32 to index
    %swap3A_500 = arith.constant 16 : index
    %swap3A_501 = tpu.vector_load %arg9[%swap3A_499, %swap3A_500] {strides = array<i32>} : memref<24x64xf32, #tpu.memory_space<vmem>>, vector<16xf32>,
    tpu.vector_store %arg9[%swap3A_499, %swap3A_500], %add3A_497 {strides = array<i32>} : memref<24x64xf32, #tpu.memory_space<vmem>>, vector<16xf32>,
    %broadcast_in_dim3A_502 = arith.constant 576 : i32
    %broadcast_in_dim3A_503 = vector.broadcast %broadcast_in_dim3A_502 : i32 to vector<16xi32>
    %mul3A_504 = arith.constant 2 : i32
    %mul3A_505 = vector.broadcast %mul3A_504 : i32 to vector<16xi32>
    %mul3A_506 = arith.muli %iota3A, %mul3A_505 : vector<16xi32>
    %add3A_507 = arith.addi %broadcast_in_dim3A_503, %mul3A_506 : vector<16xi32>
    %gather3A_508 = tpu.vector_load_idx %arg6[%add3A_507] : memref<3072xf32, #tpu.memory_space<vmem>>[vector<16xi32>], vector<16xf32>,
    %gather3A_509 = tpu.vector_load_idx %arg7[%add3A_507] : memref<3072xi32, #tpu.memory_space<vmem>>[vector<16xi32>], vector<16xi32>,
    %add3A_510 = arith.constant 1 : i32
    %add3A_511 = vector.broadcast %add3A_510 : i32 to vector<16xi32>
    %add3A_512 = arith.addi %add3A_507, %add3A_511 : vector<16xi32>
    %gather3A_513 = tpu.vector_load_idx %arg6[%add3A_512] : memref<3072xf32, #tpu.memory_space<vmem>>[vector<16xi32>], vector<16xf32>,
    %add3A_514 = arith.constant 1 : i32
    %add3A_515 = vector.broadcast %add3A_514 : i32 to vector<16xi32>
    %add3A_516 = arith.addi %add3A_507, %add3A_515 : vector<16xi32>
    %gather3A_517 = tpu.vector_load_idx %arg7[%add3A_516] : memref<3072xi32, #tpu.memory_space<vmem>>[vector<16xi32>], vector<16xi32>,
    %add3A_518 = arith.addi %broadcast_in_dim3A_447, %gather3A_509 : vector<16xi32>
    %gather3A_519 = tpu.vector_load_idx %arg8[%add3A_518] : memref<384xf32, #tpu.memory_space<vmem>>[vector<16xi32>], vector<16xf32>,
    %add3A_520 = arith.addi %broadcast_in_dim3A_447, %gather3A_517 : vector<16xi32>
    %gather3A_521 = tpu.vector_load_idx %arg8[%add3A_520] : memref<384xf32, #tpu.memory_space<vmem>>[vector<16xi32>], vector<16xf32>,
    %mul3A_522 = arith.mulf %gather3A_508, %gather3A_519 : vector<16xf32>
    %mul3A_523 = arith.mulf %gather3A_513, %gather3A_521 : vector<16xf32>
    %add3A_524 = arith.addf %mul3A_522, %mul3A_523 : vector<16xf32>
    %swap3A_525 = arith.constant 4 : i32
    %swap3A_526 = arith.index_cast %swap3A_525 : i32 to index
    %swap3A_527 = arith.constant 32 : index
    %swap3A_528 = tpu.vector_load %arg9[%swap3A_526, %swap3A_527] {strides = array<i32>} : memref<24x64xf32, #tpu.memory_space<vmem>>, vector<16xf32>,
    tpu.vector_store %arg9[%swap3A_526, %swap3A_527], %add3A_524 {strides = array<i32>} : memref<24x64xf32, #tpu.memory_space<vmem>>, vector<16xf32>,
    %broadcast_in_dim3A_529 = arith.constant 608 : i32
    %broadcast_in_dim3A_530 = vector.broadcast %broadcast_in_dim3A_529 : i32 to vector<16xi32>
    %mul3A_531 = arith.constant 2 : i32
    %mul3A_532 = vector.broadcast %mul3A_531 : i32 to vector<16xi32>
    %mul3A_533 = arith.muli %iota3A, %mul3A_532 : vector<16xi32>
    %add3A_534 = arith.addi %broadcast_in_dim3A_530, %mul3A_533 : vector<16xi32>
    %gather3A_535 = tpu.vector_load_idx %arg6[%add3A_534] : memref<3072xf32, #tpu.memory_space<vmem>>[vector<16xi32>], vector<16xf32>,
    %gather3A_536 = tpu.vector_load_idx %arg7[%add3A_534] : memref<3072xi32, #tpu.memory_space<vmem>>[vector<16xi32>], vector<16xi32>,
    %add3A_537 = arith.constant 1 : i32
    %add3A_538 = vector.broadcast %add3A_537 : i32 to vector<16xi32>
    %add3A_539 = arith.addi %add3A_534, %add3A_538 : vector<16xi32>
    %gather3A_540 = tpu.vector_load_idx %arg6[%add3A_539] : memref<3072xf32, #tpu.memory_space<vmem>>[vector<16xi32>], vector<16xf32>,
    %add3A_541 = arith.constant 1 : i32
    %add3A_542 = vector.broadcast %add3A_541 : i32 to vector<16xi32>
    %add3A_543 = arith.addi %add3A_534, %add3A_542 : vector<16xi32>
    %gather3A_544 = tpu.vector_load_idx %arg7[%add3A_543] : memref<3072xi32, #tpu.memory_space<vmem>>[vector<16xi32>], vector<16xi32>,
    %add3A_545 = arith.addi %broadcast_in_dim3A_447, %gather3A_536 : vector<16xi32>
    %gather3A_546 = tpu.vector_load_idx %arg8[%add3A_545] : memref<384xf32, #tpu.memory_space<vmem>>[vector<16xi32>], vector<16xf32>,
    %add3A_547 = arith.addi %broadcast_in_dim3A_447, %gather3A_544 : vector<16xi32>
    %gather3A_548 = tpu.vector_load_idx %arg8[%add3A_547] : memref<384xf32, #tpu.memory_space<vmem>>[vector<16xi32>], vector<16xf32>,
    %mul3A_549 = arith.mulf %gather3A_535, %gather3A_546 : vector<16xf32>
    %mul3A_550 = arith.mulf %gather3A_540, %gather3A_548 : vector<16xf32>
    %add3A_551 = arith.addf %mul3A_549, %mul3A_550 : vector<16xf32>
    %swap3A_552 = arith.constant 4 : i32
    %swap3A_553 = arith.index_cast %swap3A_552 : i32 to index
    %swap3A_554 = arith.constant 48 : index
    %swap3A_555 = tpu.vector_load %arg9[%swap3A_553, %swap3A_554] {strides = array<i32>} : memref<24x64xf32, #tpu.memory_space<vmem>>, vector<16xf32>,
    tpu.vector_store %arg9[%swap3A_553, %swap3A_554], %add3A_551 {strides = array<i32>} : memref<24x64xf32, #tpu.memory_space<vmem>>, vector<16xf32>,
    %broadcast_in_dim3A_556 = arith.constant 80 : i32
    %broadcast_in_dim3A_557 = vector.broadcast %broadcast_in_dim3A_556 : i32 to vector<16xi32>
    %broadcast_in_dim3A_558 = arith.constant 640 : i32
    %broadcast_in_dim3A_559 = vector.broadcast %broadcast_in_dim3A_558 : i32 to vector<16xi32>
    %mul3A_560 = arith.constant 2 : i32
    %mul3A_561 = vector.broadcast %mul3A_560 : i32 to vector<16xi32>
    %mul3A_562 = arith.muli %iota3A, %mul3A_561 : vector<16xi32>
    %add3A_563 = arith.addi %broadcast_in_dim3A_559, %mul3A_562 : vector<16xi32>
    %gather3A_564 = tpu.vector_load_idx %arg6[%add3A_563] : memref<3072xf32, #tpu.memory_space<vmem>>[vector<16xi32>], vector<16xf32>,
    %gather3A_565 = tpu.vector_load_idx %arg7[%add3A_563] : memref<3072xi32, #tpu.memory_space<vmem>>[vector<16xi32>], vector<16xi32>,
    %add3A_566 = arith.constant 1 : i32
    %add3A_567 = vector.broadcast %add3A_566 : i32 to vector<16xi32>
    %add3A_568 = arith.addi %add3A_563, %add3A_567 : vector<16xi32>
    %gather3A_569 = tpu.vector_load_idx %arg6[%add3A_568] : memref<3072xf32, #tpu.memory_space<vmem>>[vector<16xi32>], vector<16xf32>,
    %add3A_570 = arith.constant 1 : i32
    %add3A_571 = vector.broadcast %add3A_570 : i32 to vector<16xi32>
    %add3A_572 = arith.addi %add3A_563, %add3A_571 : vector<16xi32>
    %gather3A_573 = tpu.vector_load_idx %arg7[%add3A_572] : memref<3072xi32, #tpu.memory_space<vmem>>[vector<16xi32>], vector<16xi32>,
    %add3A_574 = arith.addi %broadcast_in_dim3A_557, %gather3A_565 : vector<16xi32>
    %gather3A_575 = tpu.vector_load_idx %arg8[%add3A_574] : memref<384xf32, #tpu.memory_space<vmem>>[vector<16xi32>], vector<16xf32>,
    %add3A_576 = arith.addi %broadcast_in_dim3A_557, %gather3A_573 : vector<16xi32>
    %gather3A_577 = tpu.vector_load_idx %arg8[%add3A_576] : memref<384xf32, #tpu.memory_space<vmem>>[vector<16xi32>], vector<16xf32>,
    %mul3A_578 = arith.mulf %gather3A_564, %gather3A_575 : vector<16xf32>
    %mul3A_579 = arith.mulf %gather3A_569, %gather3A_577 : vector<16xf32>
    %add3A_580 = arith.addf %mul3A_578, %mul3A_579 : vector<16xf32>
    %swap3A_581 = arith.constant 5 : i32
    %swap3A_582 = arith.index_cast %swap3A_581 : i32 to index
    %swap3A_583 = arith.constant 0 : index
    %swap3A_584 = tpu.vector_load %arg9[%swap3A_582, %swap3A_583] {strides = array<i32>} : memref<24x64xf32, #tpu.memory_space<vmem>>, vector<16xf32>,
    tpu.vector_store %arg9[%swap3A_582, %swap3A_583], %add3A_580 {strides = array<i32>} : memref<24x64xf32, #tpu.memory_space<vmem>>, vector<16xf32>,
    %broadcast_in_dim3A_585 = arith.constant 672 : i32
    %broadcast_in_dim3A_586 = vector.broadcast %broadcast_in_dim3A_585 : i32 to vector<16xi32>
    %mul3A_587 = arith.constant 2 : i32
    %mul3A_588 = vector.broadcast %mul3A_587 : i32 to vector<16xi32>
    %mul3A_589 = arith.muli %iota3A, %mul3A_588 : vector<16xi32>
    %add3A_590 = arith.addi %broadcast_in_dim3A_586, %mul3A_589 : vector<16xi32>
    %gather3A_591 = tpu.vector_load_idx %arg6[%add3A_590] : memref<3072xf32, #tpu.memory_space<vmem>>[vector<16xi32>], vector<16xf32>,
    %gather3A_592 = tpu.vector_load_idx %arg7[%add3A_590] : memref<3072xi32, #tpu.memory_space<vmem>>[vector<16xi32>], vector<16xi32>,
    %add3A_593 = arith.constant 1 : i32
    %add3A_594 = vector.broadcast %add3A_593 : i32 to vector<16xi32>
    %add3A_595 = arith.addi %add3A_590, %add3A_594 : vector<16xi32>
    %gather3A_596 = tpu.vector_load_idx %arg6[%add3A_595] : memref<3072xf32, #tpu.memory_space<vmem>>[vector<16xi32>], vector<16xf32>,
    %add3A_597 = arith.constant 1 : i32
    %add3A_598 = vector.broadcast %add3A_597 : i32 to vector<16xi32>
    %add3A_599 = arith.addi %add3A_590, %add3A_598 : vector<16xi32>
    %gather3A_600 = tpu.vector_load_idx %arg7[%add3A_599] : memref<3072xi32, #tpu.memory_space<vmem>>[vector<16xi32>], vector<16xi32>,
    %add3A_601 = arith.addi %broadcast_in_dim3A_557, %gather3A_592 : vector<16xi32>
    %gather3A_602 = tpu.vector_load_idx %arg8[%add3A_601] : memref<384xf32, #tpu.memory_space<vmem>>[vector<16xi32>], vector<16xf32>,
    %add3A_603 = arith.addi %broadcast_in_dim3A_557, %gather3A_600 : vector<16xi32>
    %gather3A_604 = tpu.vector_load_idx %arg8[%add3A_603] : memref<384xf32, #tpu.memory_space<vmem>>[vector<16xi32>], vector<16xf32>,
    %mul3A_605 = arith.mulf %gather3A_591, %gather3A_602 : vector<16xf32>
    %mul3A_606 = arith.mulf %gather3A_596, %gather3A_604 : vector<16xf32>
    %add3A_607 = arith.addf %mul3A_605, %mul3A_606 : vector<16xf32>
    %swap3A_608 = arith.constant 5 : i32
    %swap3A_609 = arith.index_cast %swap3A_608 : i32 to index
    %swap3A_610 = arith.constant 16 : index
    %swap3A_611 = tpu.vector_load %arg9[%swap3A_609, %swap3A_610] {strides = array<i32>} : memref<24x64xf32, #tpu.memory_space<vmem>>, vector<16xf32>,
    tpu.vector_store %arg9[%swap3A_609, %swap3A_610], %add3A_607 {strides = array<i32>} : memref<24x64xf32, #tpu.memory_space<vmem>>, vector<16xf32>,
    %broadcast_in_dim3A_612 = arith.constant 704 : i32
    %broadcast_in_dim3A_613 = vector.broadcast %broadcast_in_dim3A_612 : i32 to vector<16xi32>
    %mul3A_614 = arith.constant 2 : i32
    %mul3A_615 = vector.broadcast %mul3A_614 : i32 to vector<16xi32>
    %mul3A_616 = arith.muli %iota3A, %mul3A_615 : vector<16xi32>
    %add3A_617 = arith.addi %broadcast_in_dim3A_613, %mul3A_616 : vector<16xi32>
    %gather3A_618 = tpu.vector_load_idx %arg6[%add3A_617] : memref<3072xf32, #tpu.memory_space<vmem>>[vector<16xi32>], vector<16xf32>,
    %gather3A_619 = tpu.vector_load_idx %arg7[%add3A_617] : memref<3072xi32, #tpu.memory_space<vmem>>[vector<16xi32>], vector<16xi32>,
    %add3A_620 = arith.constant 1 : i32
    %add3A_621 = vector.broadcast %add3A_620 : i32 to vector<16xi32>
    %add3A_622 = arith.addi %add3A_617, %add3A_621 : vector<16xi32>
    %gather3A_623 = tpu.vector_load_idx %arg6[%add3A_622] : memref<3072xf32, #tpu.memory_space<vmem>>[vector<16xi32>], vector<16xf32>,
    %add3A_624 = arith.constant 1 : i32
    %add3A_625 = vector.broadcast %add3A_624 : i32 to vector<16xi32>
    %add3A_626 = arith.addi %add3A_617, %add3A_625 : vector<16xi32>
    %gather3A_627 = tpu.vector_load_idx %arg7[%add3A_626] : memref<3072xi32, #tpu.memory_space<vmem>>[vector<16xi32>], vector<16xi32>,
    %add3A_628 = arith.addi %broadcast_in_dim3A_557, %gather3A_619 : vector<16xi32>
    %gather3A_629 = tpu.vector_load_idx %arg8[%add3A_628] : memref<384xf32, #tpu.memory_space<vmem>>[vector<16xi32>], vector<16xf32>,
    %add3A_630 = arith.addi %broadcast_in_dim3A_557, %gather3A_627 : vector<16xi32>
    %gather3A_631 = tpu.vector_load_idx %arg8[%add3A_630] : memref<384xf32, #tpu.memory_space<vmem>>[vector<16xi32>], vector<16xf32>,
    %mul3A_632 = arith.mulf %gather3A_618, %gather3A_629 : vector<16xf32>
    %mul3A_633 = arith.mulf %gather3A_623, %gather3A_631 : vector<16xf32>
    %add3A_634 = arith.addf %mul3A_632, %mul3A_633 : vector<16xf32>
    %swap3A_635 = arith.constant 5 : i32
    %swap3A_636 = arith.index_cast %swap3A_635 : i32 to index
    %swap3A_637 = arith.constant 32 : index
    %swap3A_638 = tpu.vector_load %arg9[%swap3A_636, %swap3A_637] {strides = array<i32>} : memref<24x64xf32, #tpu.memory_space<vmem>>, vector<16xf32>,
    tpu.vector_store %arg9[%swap3A_636, %swap3A_637], %add3A_634 {strides = array<i32>} : memref<24x64xf32, #tpu.memory_space<vmem>>, vector<16xf32>,
    %broadcast_in_dim3A_639 = arith.constant 736 : i32
    %broadcast_in_dim3A_640 = vector.broadcast %broadcast_in_dim3A_639 : i32 to vector<16xi32>
    %mul3A_641 = arith.constant 2 : i32
    %mul3A_642 = vector.broadcast %mul3A_641 : i32 to vector<16xi32>
    %mul3A_643 = arith.muli %iota3A, %mul3A_642 : vector<16xi32>
    %add3A_644 = arith.addi %broadcast_in_dim3A_640, %mul3A_643 : vector<16xi32>
    %gather3A_645 = tpu.vector_load_idx %arg6[%add3A_644] : memref<3072xf32, #tpu.memory_space<vmem>>[vector<16xi32>], vector<16xf32>,
    %gather3A_646 = tpu.vector_load_idx %arg7[%add3A_644] : memref<3072xi32, #tpu.memory_space<vmem>>[vector<16xi32>], vector<16xi32>,
    %add3A_647 = arith.constant 1 : i32
    %add3A_648 = vector.broadcast %add3A_647 : i32 to vector<16xi32>
    %add3A_649 = arith.addi %add3A_644, %add3A_648 : vector<16xi32>
    %gather3A_650 = tpu.vector_load_idx %arg6[%add3A_649] : memref<3072xf32, #tpu.memory_space<vmem>>[vector<16xi32>], vector<16xf32>,
    %add3A_651 = arith.constant 1 : i32
    %add3A_652 = vector.broadcast %add3A_651 : i32 to vector<16xi32>
    %add3A_653 = arith.addi %add3A_644, %add3A_652 : vector<16xi32>
    %gather3A_654 = tpu.vector_load_idx %arg7[%add3A_653] : memref<3072xi32, #tpu.memory_space<vmem>>[vector<16xi32>], vector<16xi32>,
    %add3A_655 = arith.addi %broadcast_in_dim3A_557, %gather3A_646 : vector<16xi32>
    %gather3A_656 = tpu.vector_load_idx %arg8[%add3A_655] : memref<384xf32, #tpu.memory_space<vmem>>[vector<16xi32>], vector<16xf32>,
    %add3A_657 = arith.addi %broadcast_in_dim3A_557, %gather3A_654 : vector<16xi32>
    %gather3A_658 = tpu.vector_load_idx %arg8[%add3A_657] : memref<384xf32, #tpu.memory_space<vmem>>[vector<16xi32>], vector<16xf32>,
    %mul3A_659 = arith.mulf %gather3A_645, %gather3A_656 : vector<16xf32>
    %mul3A_660 = arith.mulf %gather3A_650, %gather3A_658 : vector<16xf32>
    %add3A_661 = arith.addf %mul3A_659, %mul3A_660 : vector<16xf32>
    %swap3A_662 = arith.constant 5 : i32
    %swap3A_663 = arith.index_cast %swap3A_662 : i32 to index
    %swap3A_664 = arith.constant 48 : index
    %swap3A_665 = tpu.vector_load %arg9[%swap3A_663, %swap3A_664] {strides = array<i32>} : memref<24x64xf32, #tpu.memory_space<vmem>>, vector<16xf32>,
    tpu.vector_store %arg9[%swap3A_663, %swap3A_664], %add3A_661 {strides = array<i32>} : memref<24x64xf32, #tpu.memory_space<vmem>>, vector<16xf32>,
    %broadcast_in_dim3A_666 = arith.constant 96 : i32
    %broadcast_in_dim3A_667 = vector.broadcast %broadcast_in_dim3A_666 : i32 to vector<16xi32>
    %broadcast_in_dim3A_668 = arith.constant 768 : i32
    %broadcast_in_dim3A_669 = vector.broadcast %broadcast_in_dim3A_668 : i32 to vector<16xi32>
    %mul3A_670 = arith.constant 2 : i32
    %mul3A_671 = vector.broadcast %mul3A_670 : i32 to vector<16xi32>
    %mul3A_672 = arith.muli %iota3A, %mul3A_671 : vector<16xi32>
    %add3A_673 = arith.addi %broadcast_in_dim3A_669, %mul3A_672 : vector<16xi32>
    %gather3A_674 = tpu.vector_load_idx %arg6[%add3A_673] : memref<3072xf32, #tpu.memory_space<vmem>>[vector<16xi32>], vector<16xf32>,
    %gather3A_675 = tpu.vector_load_idx %arg7[%add3A_673] : memref<3072xi32, #tpu.memory_space<vmem>>[vector<16xi32>], vector<16xi32>,
    %add3A_676 = arith.constant 1 : i32
    %add3A_677 = vector.broadcast %add3A_676 : i32 to vector<16xi32>
    %add3A_678 = arith.addi %add3A_673, %add3A_677 : vector<16xi32>
    %gather3A_679 = tpu.vector_load_idx %arg6[%add3A_678] : memref<3072xf32, #tpu.memory_space<vmem>>[vector<16xi32>], vector<16xf32>,
    %add3A_680 = arith.constant 1 : i32
    %add3A_681 = vector.broadcast %add3A_680 : i32 to vector<16xi32>
    %add3A_682 = arith.addi %add3A_673, %add3A_681 : vector<16xi32>
    %gather3A_683 = tpu.vector_load_idx %arg7[%add3A_682] : memref<3072xi32, #tpu.memory_space<vmem>>[vector<16xi32>], vector<16xi32>,
    %add3A_684 = arith.addi %broadcast_in_dim3A_667, %gather3A_675 : vector<16xi32>
    %gather3A_685 = tpu.vector_load_idx %arg8[%add3A_684] : memref<384xf32, #tpu.memory_space<vmem>>[vector<16xi32>], vector<16xf32>,
    %add3A_686 = arith.addi %broadcast_in_dim3A_667, %gather3A_683 : vector<16xi32>
    %gather3A_687 = tpu.vector_load_idx %arg8[%add3A_686] : memref<384xf32, #tpu.memory_space<vmem>>[vector<16xi32>], vector<16xf32>,
    %mul3A_688 = arith.mulf %gather3A_674, %gather3A_685 : vector<16xf32>
    %mul3A_689 = arith.mulf %gather3A_679, %gather3A_687 : vector<16xf32>
    %add3A_690 = arith.addf %mul3A_688, %mul3A_689 : vector<16xf32>
    %swap3A_691 = arith.constant 6 : i32
    %swap3A_692 = arith.index_cast %swap3A_691 : i32 to index
    %swap3A_693 = arith.constant 0 : index
    %swap3A_694 = tpu.vector_load %arg9[%swap3A_692, %swap3A_693] {strides = array<i32>} : memref<24x64xf32, #tpu.memory_space<vmem>>, vector<16xf32>,
    tpu.vector_store %arg9[%swap3A_692, %swap3A_693], %add3A_690 {strides = array<i32>} : memref<24x64xf32, #tpu.memory_space<vmem>>, vector<16xf32>,
    %broadcast_in_dim3A_695 = arith.constant 800 : i32
    %broadcast_in_dim3A_696 = vector.broadcast %broadcast_in_dim3A_695 : i32 to vector<16xi32>
    %mul3A_697 = arith.constant 2 : i32
    %mul3A_698 = vector.broadcast %mul3A_697 : i32 to vector<16xi32>
    %mul3A_699 = arith.muli %iota3A, %mul3A_698 : vector<16xi32>
    %add3A_700 = arith.addi %broadcast_in_dim3A_696, %mul3A_699 : vector<16xi32>
    %gather3A_701 = tpu.vector_load_idx %arg6[%add3A_700] : memref<3072xf32, #tpu.memory_space<vmem>>[vector<16xi32>], vector<16xf32>,
    %gather3A_702 = tpu.vector_load_idx %arg7[%add3A_700] : memref<3072xi32, #tpu.memory_space<vmem>>[vector<16xi32>], vector<16xi32>,
    %add3A_703 = arith.constant 1 : i32
    %add3A_704 = vector.broadcast %add3A_703 : i32 to vector<16xi32>
    %add3A_705 = arith.addi %add3A_700, %add3A_704 : vector<16xi32>
    %gather3A_706 = tpu.vector_load_idx %arg6[%add3A_705] : memref<3072xf32, #tpu.memory_space<vmem>>[vector<16xi32>], vector<16xf32>,
    %add3A_707 = arith.constant 1 : i32
    %add3A_708 = vector.broadcast %add3A_707 : i32 to vector<16xi32>
    %add3A_709 = arith.addi %add3A_700, %add3A_708 : vector<16xi32>
    %gather3A_710 = tpu.vector_load_idx %arg7[%add3A_709] : memref<3072xi32, #tpu.memory_space<vmem>>[vector<16xi32>], vector<16xi32>,
    %add3A_711 = arith.addi %broadcast_in_dim3A_667, %gather3A_702 : vector<16xi32>
    %gather3A_712 = tpu.vector_load_idx %arg8[%add3A_711] : memref<384xf32, #tpu.memory_space<vmem>>[vector<16xi32>], vector<16xf32>,
    %add3A_713 = arith.addi %broadcast_in_dim3A_667, %gather3A_710 : vector<16xi32>
    %gather3A_714 = tpu.vector_load_idx %arg8[%add3A_713] : memref<384xf32, #tpu.memory_space<vmem>>[vector<16xi32>], vector<16xf32>,
    %mul3A_715 = arith.mulf %gather3A_701, %gather3A_712 : vector<16xf32>
    %mul3A_716 = arith.mulf %gather3A_706, %gather3A_714 : vector<16xf32>
    %add3A_717 = arith.addf %mul3A_715, %mul3A_716 : vector<16xf32>
    %swap3A_718 = arith.constant 6 : i32
    %swap3A_719 = arith.index_cast %swap3A_718 : i32 to index
    %swap3A_720 = arith.constant 16 : index
    %swap3A_721 = tpu.vector_load %arg9[%swap3A_719, %swap3A_720] {strides = array<i32>} : memref<24x64xf32, #tpu.memory_space<vmem>>, vector<16xf32>,
    tpu.vector_store %arg9[%swap3A_719, %swap3A_720], %add3A_717 {strides = array<i32>} : memref<24x64xf32, #tpu.memory_space<vmem>>, vector<16xf32>,
    %broadcast_in_dim3A_722 = arith.constant 832 : i32
    %broadcast_in_dim3A_723 = vector.broadcast %broadcast_in_dim3A_722 : i32 to vector<16xi32>
    %mul3A_724 = arith.constant 2 : i32
    %mul3A_725 = vector.broadcast %mul3A_724 : i32 to vector<16xi32>
    %mul3A_726 = arith.muli %iota3A, %mul3A_725 : vector<16xi32>
    %add3A_727 = arith.addi %broadcast_in_dim3A_723, %mul3A_726 : vector<16xi32>
    %gather3A_728 = tpu.vector_load_idx %arg6[%add3A_727] : memref<3072xf32, #tpu.memory_space<vmem>>[vector<16xi32>], vector<16xf32>,
    %gather3A_729 = tpu.vector_load_idx %arg7[%add3A_727] : memref<3072xi32, #tpu.memory_space<vmem>>[vector<16xi32>], vector<16xi32>,
    %add3A_730 = arith.constant 1 : i32
    %add3A_731 = vector.broadcast %add3A_730 : i32 to vector<16xi32>
    %add3A_732 = arith.addi %add3A_727, %add3A_731 : vector<16xi32>
    %gather3A_733 = tpu.vector_load_idx %arg6[%add3A_732] : memref<3072xf32, #tpu.memory_space<vmem>>[vector<16xi32>], vector<16xf32>,
    %add3A_734 = arith.constant 1 : i32
    %add3A_735 = vector.broadcast %add3A_734 : i32 to vector<16xi32>
    %add3A_736 = arith.addi %add3A_727, %add3A_735 : vector<16xi32>
    %gather3A_737 = tpu.vector_load_idx %arg7[%add3A_736] : memref<3072xi32, #tpu.memory_space<vmem>>[vector<16xi32>], vector<16xi32>,
    %add3A_738 = arith.addi %broadcast_in_dim3A_667, %gather3A_729 : vector<16xi32>
    %gather3A_739 = tpu.vector_load_idx %arg8[%add3A_738] : memref<384xf32, #tpu.memory_space<vmem>>[vector<16xi32>], vector<16xf32>,
    %add3A_740 = arith.addi %broadcast_in_dim3A_667, %gather3A_737 : vector<16xi32>
    %gather3A_741 = tpu.vector_load_idx %arg8[%add3A_740] : memref<384xf32, #tpu.memory_space<vmem>>[vector<16xi32>], vector<16xf32>,
    %mul3A_742 = arith.mulf %gather3A_728, %gather3A_739 : vector<16xf32>
    %mul3A_743 = arith.mulf %gather3A_733, %gather3A_741 : vector<16xf32>
    %add3A_744 = arith.addf %mul3A_742, %mul3A_743 : vector<16xf32>
    %swap3A_745 = arith.constant 6 : i32
    %swap3A_746 = arith.index_cast %swap3A_745 : i32 to index
    %swap3A_747 = arith.constant 32 : index
    %swap3A_748 = tpu.vector_load %arg9[%swap3A_746, %swap3A_747] {strides = array<i32>} : memref<24x64xf32, #tpu.memory_space<vmem>>, vector<16xf32>,
    tpu.vector_store %arg9[%swap3A_746, %swap3A_747], %add3A_744 {strides = array<i32>} : memref<24x64xf32, #tpu.memory_space<vmem>>, vector<16xf32>,
    %broadcast_in_dim3A_749 = arith.constant 864 : i32
    %broadcast_in_dim3A_750 = vector.broadcast %broadcast_in_dim3A_749 : i32 to vector<16xi32>
    %mul3A_751 = arith.constant 2 : i32
    %mul3A_752 = vector.broadcast %mul3A_751 : i32 to vector<16xi32>
    %mul3A_753 = arith.muli %iota3A, %mul3A_752 : vector<16xi32>
    %add3A_754 = arith.addi %broadcast_in_dim3A_750, %mul3A_753 : vector<16xi32>
    %gather3A_755 = tpu.vector_load_idx %arg6[%add3A_754] : memref<3072xf32, #tpu.memory_space<vmem>>[vector<16xi32>], vector<16xf32>,
    %gather3A_756 = tpu.vector_load_idx %arg7[%add3A_754] : memref<3072xi32, #tpu.memory_space<vmem>>[vector<16xi32>], vector<16xi32>,
    %add3A_757 = arith.constant 1 : i32
    %add3A_758 = vector.broadcast %add3A_757 : i32 to vector<16xi32>
    %add3A_759 = arith.addi %add3A_754, %add3A_758 : vector<16xi32>
    %gather3A_760 = tpu.vector_load_idx %arg6[%add3A_759] : memref<3072xf32, #tpu.memory_space<vmem>>[vector<16xi32>], vector<16xf32>,
    %add3A_761 = arith.constant 1 : i32
    %add3A_762 = vector.broadcast %add3A_761 : i32 to vector<16xi32>
    %add3A_763 = arith.addi %add3A_754, %add3A_762 : vector<16xi32>
    %gather3A_764 = tpu.vector_load_idx %arg7[%add3A_763] : memref<3072xi32, #tpu.memory_space<vmem>>[vector<16xi32>], vector<16xi32>,
    %add3A_765 = arith.addi %broadcast_in_dim3A_667, %gather3A_756 : vector<16xi32>
    %gather3A_766 = tpu.vector_load_idx %arg8[%add3A_765] : memref<384xf32, #tpu.memory_space<vmem>>[vector<16xi32>], vector<16xf32>,
    %add3A_767 = arith.addi %broadcast_in_dim3A_667, %gather3A_764 : vector<16xi32>
    %gather3A_768 = tpu.vector_load_idx %arg8[%add3A_767] : memref<384xf32, #tpu.memory_space<vmem>>[vector<16xi32>], vector<16xf32>,
    %mul3A_769 = arith.mulf %gather3A_755, %gather3A_766 : vector<16xf32>
    %mul3A_770 = arith.mulf %gather3A_760, %gather3A_768 : vector<16xf32>
    %add3A_771 = arith.addf %mul3A_769, %mul3A_770 : vector<16xf32>
    %swap3A_772 = arith.constant 6 : i32
    %swap3A_773 = arith.index_cast %swap3A_772 : i32 to index
    %swap3A_774 = arith.constant 48 : index
    %swap3A_775 = tpu.vector_load %arg9[%swap3A_773, %swap3A_774] {strides = array<i32>} : memref<24x64xf32, #tpu.memory_space<vmem>>, vector<16xf32>,
    tpu.vector_store %arg9[%swap3A_773, %swap3A_774], %add3A_771 {strides = array<i32>} : memref<24x64xf32, #tpu.memory_space<vmem>>, vector<16xf32>,
    %broadcast_in_dim3A_776 = arith.constant 112 : i32
    %broadcast_in_dim3A_777 = vector.broadcast %broadcast_in_dim3A_776 : i32 to vector<16xi32>
    %broadcast_in_dim3A_778 = arith.constant 896 : i32
    %broadcast_in_dim3A_779 = vector.broadcast %broadcast_in_dim3A_778 : i32 to vector<16xi32>
    %mul3A_780 = arith.constant 2 : i32
    %mul3A_781 = vector.broadcast %mul3A_780 : i32 to vector<16xi32>
    %mul3A_782 = arith.muli %iota3A, %mul3A_781 : vector<16xi32>
    %add3A_783 = arith.addi %broadcast_in_dim3A_779, %mul3A_782 : vector<16xi32>
    %gather3A_784 = tpu.vector_load_idx %arg6[%add3A_783] : memref<3072xf32, #tpu.memory_space<vmem>>[vector<16xi32>], vector<16xf32>,
    %gather3A_785 = tpu.vector_load_idx %arg7[%add3A_783] : memref<3072xi32, #tpu.memory_space<vmem>>[vector<16xi32>], vector<16xi32>,
    %add3A_786 = arith.constant 1 : i32
    %add3A_787 = vector.broadcast %add3A_786 : i32 to vector<16xi32>
    %add3A_788 = arith.addi %add3A_783, %add3A_787 : vector<16xi32>
    %gather3A_789 = tpu.vector_load_idx %arg6[%add3A_788] : memref<3072xf32, #tpu.memory_space<vmem>>[vector<16xi32>], vector<16xf32>,
    %add3A_790 = arith.constant 1 : i32
    %add3A_791 = vector.broadcast %add3A_790 : i32 to vector<16xi32>
    %add3A_792 = arith.addi %add3A_783, %add3A_791 : vector<16xi32>
    %gather3A_793 = tpu.vector_load_idx %arg7[%add3A_792] : memref<3072xi32, #tpu.memory_space<vmem>>[vector<16xi32>], vector<16xi32>,
    %add3A_794 = arith.addi %broadcast_in_dim3A_777, %gather3A_785 : vector<16xi32>
    %gather3A_795 = tpu.vector_load_idx %arg8[%add3A_794] : memref<384xf32, #tpu.memory_space<vmem>>[vector<16xi32>], vector<16xf32>,
    %add3A_796 = arith.addi %broadcast_in_dim3A_777, %gather3A_793 : vector<16xi32>
    %gather3A_797 = tpu.vector_load_idx %arg8[%add3A_796] : memref<384xf32, #tpu.memory_space<vmem>>[vector<16xi32>], vector<16xf32>,
    %mul3A_798 = arith.mulf %gather3A_784, %gather3A_795 : vector<16xf32>
    %mul3A_799 = arith.mulf %gather3A_789, %gather3A_797 : vector<16xf32>
    %add3A_800 = arith.addf %mul3A_798, %mul3A_799 : vector<16xf32>
    %swap3A_801 = arith.constant 7 : i32
    %swap3A_802 = arith.index_cast %swap3A_801 : i32 to index
    %swap3A_803 = arith.constant 0 : index
    %swap3A_804 = tpu.vector_load %arg9[%swap3A_802, %swap3A_803] {strides = array<i32>} : memref<24x64xf32, #tpu.memory_space<vmem>>, vector<16xf32>,
    tpu.vector_store %arg9[%swap3A_802, %swap3A_803], %add3A_800 {strides = array<i32>} : memref<24x64xf32, #tpu.memory_space<vmem>>, vector<16xf32>,
    %broadcast_in_dim3A_805 = arith.constant 928 : i32
    %broadcast_in_dim3A_806 = vector.broadcast %broadcast_in_dim3A_805 : i32 to vector<16xi32>
    %mul3A_807 = arith.constant 2 : i32
    %mul3A_808 = vector.broadcast %mul3A_807 : i32 to vector<16xi32>
    %mul3A_809 = arith.muli %iota3A, %mul3A_808 : vector<16xi32>
    %add3A_810 = arith.addi %broadcast_in_dim3A_806, %mul3A_809 : vector<16xi32>
    %gather3A_811 = tpu.vector_load_idx %arg6[%add3A_810] : memref<3072xf32, #tpu.memory_space<vmem>>[vector<16xi32>], vector<16xf32>,
    %gather3A_812 = tpu.vector_load_idx %arg7[%add3A_810] : memref<3072xi32, #tpu.memory_space<vmem>>[vector<16xi32>], vector<16xi32>,
    %add3A_813 = arith.constant 1 : i32
    %add3A_814 = vector.broadcast %add3A_813 : i32 to vector<16xi32>
    %add3A_815 = arith.addi %add3A_810, %add3A_814 : vector<16xi32>
    %gather3A_816 = tpu.vector_load_idx %arg6[%add3A_815] : memref<3072xf32, #tpu.memory_space<vmem>>[vector<16xi32>], vector<16xf32>,
    %add3A_817 = arith.constant 1 : i32
    %add3A_818 = vector.broadcast %add3A_817 : i32 to vector<16xi32>
    %add3A_819 = arith.addi %add3A_810, %add3A_818 : vector<16xi32>
    %gather3A_820 = tpu.vector_load_idx %arg7[%add3A_819] : memref<3072xi32, #tpu.memory_space<vmem>>[vector<16xi32>], vector<16xi32>,
    %add3A_821 = arith.addi %broadcast_in_dim3A_777, %gather3A_812 : vector<16xi32>
    %gather3A_822 = tpu.vector_load_idx %arg8[%add3A_821] : memref<384xf32, #tpu.memory_space<vmem>>[vector<16xi32>], vector<16xf32>,
    %add3A_823 = arith.addi %broadcast_in_dim3A_777, %gather3A_820 : vector<16xi32>
    %gather3A_824 = tpu.vector_load_idx %arg8[%add3A_823] : memref<384xf32, #tpu.memory_space<vmem>>[vector<16xi32>], vector<16xf32>,
    %mul3A_825 = arith.mulf %gather3A_811, %gather3A_822 : vector<16xf32>
    %mul3A_826 = arith.mulf %gather3A_816, %gather3A_824 : vector<16xf32>
    %add3A_827 = arith.addf %mul3A_825, %mul3A_826 : vector<16xf32>
    %swap3A_828 = arith.constant 7 : i32
    %swap3A_829 = arith.index_cast %swap3A_828 : i32 to index
    %swap3A_830 = arith.constant 16 : index
    %swap3A_831 = tpu.vector_load %arg9[%swap3A_829, %swap3A_830] {strides = array<i32>} : memref<24x64xf32, #tpu.memory_space<vmem>>, vector<16xf32>,
    tpu.vector_store %arg9[%swap3A_829, %swap3A_830], %add3A_827 {strides = array<i32>} : memref<24x64xf32, #tpu.memory_space<vmem>>, vector<16xf32>,
    %broadcast_in_dim3A_832 = arith.constant 960 : i32
    %broadcast_in_dim3A_833 = vector.broadcast %broadcast_in_dim3A_832 : i32 to vector<16xi32>
    %mul3A_834 = arith.constant 2 : i32
    %mul3A_835 = vector.broadcast %mul3A_834 : i32 to vector<16xi32>
    %mul3A_836 = arith.muli %iota3A, %mul3A_835 : vector<16xi32>
    %add3A_837 = arith.addi %broadcast_in_dim3A_833, %mul3A_836 : vector<16xi32>
    %gather3A_838 = tpu.vector_load_idx %arg6[%add3A_837] : memref<3072xf32, #tpu.memory_space<vmem>>[vector<16xi32>], vector<16xf32>,
    %gather3A_839 = tpu.vector_load_idx %arg7[%add3A_837] : memref<3072xi32, #tpu.memory_space<vmem>>[vector<16xi32>], vector<16xi32>,
    %add3A_840 = arith.constant 1 : i32
    %add3A_841 = vector.broadcast %add3A_840 : i32 to vector<16xi32>
    %add3A_842 = arith.addi %add3A_837, %add3A_841 : vector<16xi32>
    %gather3A_843 = tpu.vector_load_idx %arg6[%add3A_842] : memref<3072xf32, #tpu.memory_space<vmem>>[vector<16xi32>], vector<16xf32>,
    %add3A_844 = arith.constant 1 : i32
    %add3A_845 = vector.broadcast %add3A_844 : i32 to vector<16xi32>
    %add3A_846 = arith.addi %add3A_837, %add3A_845 : vector<16xi32>
    %gather3A_847 = tpu.vector_load_idx %arg7[%add3A_846] : memref<3072xi32, #tpu.memory_space<vmem>>[vector<16xi32>], vector<16xi32>,
    %add3A_848 = arith.addi %broadcast_in_dim3A_777, %gather3A_839 : vector<16xi32>
    %gather3A_849 = tpu.vector_load_idx %arg8[%add3A_848] : memref<384xf32, #tpu.memory_space<vmem>>[vector<16xi32>], vector<16xf32>,
    %add3A_850 = arith.addi %broadcast_in_dim3A_777, %gather3A_847 : vector<16xi32>
    %gather3A_851 = tpu.vector_load_idx %arg8[%add3A_850] : memref<384xf32, #tpu.memory_space<vmem>>[vector<16xi32>], vector<16xf32>,
    %mul3A_852 = arith.mulf %gather3A_838, %gather3A_849 : vector<16xf32>
    %mul3A_853 = arith.mulf %gather3A_843, %gather3A_851 : vector<16xf32>
    %add3A_854 = arith.addf %mul3A_852, %mul3A_853 : vector<16xf32>
    %swap3A_855 = arith.constant 7 : i32
    %swap3A_856 = arith.index_cast %swap3A_855 : i32 to index
    %swap3A_857 = arith.constant 32 : index
    %swap3A_858 = tpu.vector_load %arg9[%swap3A_856, %swap3A_857] {strides = array<i32>} : memref<24x64xf32, #tpu.memory_space<vmem>>, vector<16xf32>,
    tpu.vector_store %arg9[%swap3A_856, %swap3A_857], %add3A_854 {strides = array<i32>} : memref<24x64xf32, #tpu.memory_space<vmem>>, vector<16xf32>,
    %broadcast_in_dim3A_859 = arith.constant 992 : i32
    %broadcast_in_dim3A_860 = vector.broadcast %broadcast_in_dim3A_859 : i32 to vector<16xi32>
    %mul3A_861 = arith.constant 2 : i32
    %mul3A_862 = vector.broadcast %mul3A_861 : i32 to vector<16xi32>
    %mul3A_863 = arith.muli %iota3A, %mul3A_862 : vector<16xi32>
    %add3A_864 = arith.addi %broadcast_in_dim3A_860, %mul3A_863 : vector<16xi32>
    %gather3A_865 = tpu.vector_load_idx %arg6[%add3A_864] : memref<3072xf32, #tpu.memory_space<vmem>>[vector<16xi32>], vector<16xf32>,
    %gather3A_866 = tpu.vector_load_idx %arg7[%add3A_864] : memref<3072xi32, #tpu.memory_space<vmem>>[vector<16xi32>], vector<16xi32>,
    %add3A_867 = arith.constant 1 : i32
    %add3A_868 = vector.broadcast %add3A_867 : i32 to vector<16xi32>
    %add3A_869 = arith.addi %add3A_864, %add3A_868 : vector<16xi32>
    %gather3A_870 = tpu.vector_load_idx %arg6[%add3A_869] : memref<3072xf32, #tpu.memory_space<vmem>>[vector<16xi32>], vector<16xf32>,
    %add3A_871 = arith.constant 1 : i32
    %add3A_872 = vector.broadcast %add3A_871 : i32 to vector<16xi32>
    %add3A_873 = arith.addi %add3A_864, %add3A_872 : vector<16xi32>
    %gather3A_874 = tpu.vector_load_idx %arg7[%add3A_873] : memref<3072xi32, #tpu.memory_space<vmem>>[vector<16xi32>], vector<16xi32>,
    %add3A_875 = arith.addi %broadcast_in_dim3A_777, %gather3A_866 : vector<16xi32>
    %gather3A_876 = tpu.vector_load_idx %arg8[%add3A_875] : memref<384xf32, #tpu.memory_space<vmem>>[vector<16xi32>], vector<16xf32>,
    %add3A_877 = arith.addi %broadcast_in_dim3A_777, %gather3A_874 : vector<16xi32>
    %gather3A_878 = tpu.vector_load_idx %arg8[%add3A_877] : memref<384xf32, #tpu.memory_space<vmem>>[vector<16xi32>], vector<16xf32>,
    %mul3A_879 = arith.mulf %gather3A_865, %gather3A_876 : vector<16xf32>
    %mul3A_880 = arith.mulf %gather3A_870, %gather3A_878 : vector<16xf32>
    %add3A_881 = arith.addf %mul3A_879, %mul3A_880 : vector<16xf32>
    %swap3A_882 = arith.constant 7 : i32
    %swap3A_883 = arith.index_cast %swap3A_882 : i32 to index
    %swap3A_884 = arith.constant 48 : index
    %swap3A_885 = tpu.vector_load %arg9[%swap3A_883, %swap3A_884] {strides = array<i32>} : memref<24x64xf32, #tpu.memory_space<vmem>>, vector<16xf32>,
    tpu.vector_store %arg9[%swap3A_883, %swap3A_884], %add3A_881 {strides = array<i32>} : memref<24x64xf32, #tpu.memory_space<vmem>>, vector<16xf32>,
    %broadcast_in_dim3A_886 = arith.constant 128 : i32
    %broadcast_in_dim3A_887 = vector.broadcast %broadcast_in_dim3A_886 : i32 to vector<16xi32>
    %broadcast_in_dim3A_888 = arith.constant 1024 : i32
    %broadcast_in_dim3A_889 = vector.broadcast %broadcast_in_dim3A_888 : i32 to vector<16xi32>
    %mul3A_890 = arith.constant 2 : i32
    %mul3A_891 = vector.broadcast %mul3A_890 : i32 to vector<16xi32>
    %mul3A_892 = arith.muli %iota3A, %mul3A_891 : vector<16xi32>
    %add3A_893 = arith.addi %broadcast_in_dim3A_889, %mul3A_892 : vector<16xi32>
    %gather3A_894 = tpu.vector_load_idx %arg6[%add3A_893] : memref<3072xf32, #tpu.memory_space<vmem>>[vector<16xi32>], vector<16xf32>,
    %gather3A_895 = tpu.vector_load_idx %arg7[%add3A_893] : memref<3072xi32, #tpu.memory_space<vmem>>[vector<16xi32>], vector<16xi32>,
    %add3A_896 = arith.constant 1 : i32
    %add3A_897 = vector.broadcast %add3A_896 : i32 to vector<16xi32>
    %add3A_898 = arith.addi %add3A_893, %add3A_897 : vector<16xi32>
    %gather3A_899 = tpu.vector_load_idx %arg6[%add3A_898] : memref<3072xf32, #tpu.memory_space<vmem>>[vector<16xi32>], vector<16xf32>,
    %add3A_900 = arith.constant 1 : i32
    %add3A_901 = vector.broadcast %add3A_900 : i32 to vector<16xi32>
    %add3A_902 = arith.addi %add3A_893, %add3A_901 : vector<16xi32>
    %gather3A_903 = tpu.vector_load_idx %arg7[%add3A_902] : memref<3072xi32, #tpu.memory_space<vmem>>[vector<16xi32>], vector<16xi32>,
    %add3A_904 = arith.addi %broadcast_in_dim3A_887, %gather3A_895 : vector<16xi32>
    %gather3A_905 = tpu.vector_load_idx %arg8[%add3A_904] : memref<384xf32, #tpu.memory_space<vmem>>[vector<16xi32>], vector<16xf32>,
    %add3A_906 = arith.addi %broadcast_in_dim3A_887, %gather3A_903 : vector<16xi32>
    %gather3A_907 = tpu.vector_load_idx %arg8[%add3A_906] : memref<384xf32, #tpu.memory_space<vmem>>[vector<16xi32>], vector<16xf32>,
    %mul3A_908 = arith.mulf %gather3A_894, %gather3A_905 : vector<16xf32>
    %mul3A_909 = arith.mulf %gather3A_899, %gather3A_907 : vector<16xf32>
    %add3A_910 = arith.addf %mul3A_908, %mul3A_909 : vector<16xf32>
    %swap3A_911 = arith.constant 8 : i32
    %swap3A_912 = arith.index_cast %swap3A_911 : i32 to index
    %swap3A_913 = arith.constant 0 : index
    %swap3A_914 = tpu.vector_load %arg9[%swap3A_912, %swap3A_913] {strides = array<i32>} : memref<24x64xf32, #tpu.memory_space<vmem>>, vector<16xf32>,
    tpu.vector_store %arg9[%swap3A_912, %swap3A_913], %add3A_910 {strides = array<i32>} : memref<24x64xf32, #tpu.memory_space<vmem>>, vector<16xf32>,
    %broadcast_in_dim3A_915 = arith.constant 1056 : i32
    %broadcast_in_dim3A_916 = vector.broadcast %broadcast_in_dim3A_915 : i32 to vector<16xi32>
    %mul3A_917 = arith.constant 2 : i32
    %mul3A_918 = vector.broadcast %mul3A_917 : i32 to vector<16xi32>
    %mul3A_919 = arith.muli %iota3A, %mul3A_918 : vector<16xi32>
    %add3A_920 = arith.addi %broadcast_in_dim3A_916, %mul3A_919 : vector<16xi32>
    %gather3A_921 = tpu.vector_load_idx %arg6[%add3A_920] : memref<3072xf32, #tpu.memory_space<vmem>>[vector<16xi32>], vector<16xf32>,
    %gather3A_922 = tpu.vector_load_idx %arg7[%add3A_920] : memref<3072xi32, #tpu.memory_space<vmem>>[vector<16xi32>], vector<16xi32>,
    %add3A_923 = arith.constant 1 : i32
    %add3A_924 = vector.broadcast %add3A_923 : i32 to vector<16xi32>
    %add3A_925 = arith.addi %add3A_920, %add3A_924 : vector<16xi32>
    %gather3A_926 = tpu.vector_load_idx %arg6[%add3A_925] : memref<3072xf32, #tpu.memory_space<vmem>>[vector<16xi32>], vector<16xf32>,
    %add3A_927 = arith.constant 1 : i32
    %add3A_928 = vector.broadcast %add3A_927 : i32 to vector<16xi32>
    %add3A_929 = arith.addi %add3A_920, %add3A_928 : vector<16xi32>
    %gather3A_930 = tpu.vector_load_idx %arg7[%add3A_929] : memref<3072xi32, #tpu.memory_space<vmem>>[vector<16xi32>], vector<16xi32>,
    %add3A_931 = arith.addi %broadcast_in_dim3A_887, %gather3A_922 : vector<16xi32>
    %gather3A_932 = tpu.vector_load_idx %arg8[%add3A_931] : memref<384xf32, #tpu.memory_space<vmem>>[vector<16xi32>], vector<16xf32>,
    %add3A_933 = arith.addi %broadcast_in_dim3A_887, %gather3A_930 : vector<16xi32>
    %gather3A_934 = tpu.vector_load_idx %arg8[%add3A_933] : memref<384xf32, #tpu.memory_space<vmem>>[vector<16xi32>], vector<16xf32>,
    %mul3A_935 = arith.mulf %gather3A_921, %gather3A_932 : vector<16xf32>
    %mul3A_936 = arith.mulf %gather3A_926, %gather3A_934 : vector<16xf32>
    %add3A_937 = arith.addf %mul3A_935, %mul3A_936 : vector<16xf32>
    %swap3A_938 = arith.constant 8 : i32
    %swap3A_939 = arith.index_cast %swap3A_938 : i32 to index
    %swap3A_940 = arith.constant 16 : index
    %swap3A_941 = tpu.vector_load %arg9[%swap3A_939, %swap3A_940] {strides = array<i32>} : memref<24x64xf32, #tpu.memory_space<vmem>>, vector<16xf32>,
    tpu.vector_store %arg9[%swap3A_939, %swap3A_940], %add3A_937 {strides = array<i32>} : memref<24x64xf32, #tpu.memory_space<vmem>>, vector<16xf32>,
    %broadcast_in_dim3A_942 = arith.constant 1088 : i32
    %broadcast_in_dim3A_943 = vector.broadcast %broadcast_in_dim3A_942 : i32 to vector<16xi32>
    %mul3A_944 = arith.constant 2 : i32
    %mul3A_945 = vector.broadcast %mul3A_944 : i32 to vector<16xi32>
    %mul3A_946 = arith.muli %iota3A, %mul3A_945 : vector<16xi32>
    %add3A_947 = arith.addi %broadcast_in_dim3A_943, %mul3A_946 : vector<16xi32>
    %gather3A_948 = tpu.vector_load_idx %arg6[%add3A_947] : memref<3072xf32, #tpu.memory_space<vmem>>[vector<16xi32>], vector<16xf32>,
    %gather3A_949 = tpu.vector_load_idx %arg7[%add3A_947] : memref<3072xi32, #tpu.memory_space<vmem>>[vector<16xi32>], vector<16xi32>,
    %add3A_950 = arith.constant 1 : i32
    %add3A_951 = vector.broadcast %add3A_950 : i32 to vector<16xi32>
    %add3A_952 = arith.addi %add3A_947, %add3A_951 : vector<16xi32>
    %gather3A_953 = tpu.vector_load_idx %arg6[%add3A_952] : memref<3072xf32, #tpu.memory_space<vmem>>[vector<16xi32>], vector<16xf32>,
    %add3A_954 = arith.constant 1 : i32
    %add3A_955 = vector.broadcast %add3A_954 : i32 to vector<16xi32>
    %add3A_956 = arith.addi %add3A_947, %add3A_955 : vector<16xi32>
    %gather3A_957 = tpu.vector_load_idx %arg7[%add3A_956] : memref<3072xi32, #tpu.memory_space<vmem>>[vector<16xi32>], vector<16xi32>,
    %add3A_958 = arith.addi %broadcast_in_dim3A_887, %gather3A_949 : vector<16xi32>
    %gather3A_959 = tpu.vector_load_idx %arg8[%add3A_958] : memref<384xf32, #tpu.memory_space<vmem>>[vector<16xi32>], vector<16xf32>,
    %add3A_960 = arith.addi %broadcast_in_dim3A_887, %gather3A_957 : vector<16xi32>
    %gather3A_961 = tpu.vector_load_idx %arg8[%add3A_960] : memref<384xf32, #tpu.memory_space<vmem>>[vector<16xi32>], vector<16xf32>,
    %mul3A_962 = arith.mulf %gather3A_948, %gather3A_959 : vector<16xf32>
    %mul3A_963 = arith.mulf %gather3A_953, %gather3A_961 : vector<16xf32>
    %add3A_964 = arith.addf %mul3A_962, %mul3A_963 : vector<16xf32>
    %swap3A_965 = arith.constant 8 : i32
    %swap3A_966 = arith.index_cast %swap3A_965 : i32 to index
    %swap3A_967 = arith.constant 32 : index
    %swap3A_968 = tpu.vector_load %arg9[%swap3A_966, %swap3A_967] {strides = array<i32>} : memref<24x64xf32, #tpu.memory_space<vmem>>, vector<16xf32>,
    tpu.vector_store %arg9[%swap3A_966, %swap3A_967], %add3A_964 {strides = array<i32>} : memref<24x64xf32, #tpu.memory_space<vmem>>, vector<16xf32>,
    %broadcast_in_dim3A_969 = arith.constant 1120 : i32
    %broadcast_in_dim3A_970 = vector.broadcast %broadcast_in_dim3A_969 : i32 to vector<16xi32>
    %mul3A_971 = arith.constant 2 : i32
    %mul3A_972 = vector.broadcast %mul3A_971 : i32 to vector<16xi32>
    %mul3A_973 = arith.muli %iota3A, %mul3A_972 : vector<16xi32>
    %add3A_974 = arith.addi %broadcast_in_dim3A_970, %mul3A_973 : vector<16xi32>
    %gather3A_975 = tpu.vector_load_idx %arg6[%add3A_974] : memref<3072xf32, #tpu.memory_space<vmem>>[vector<16xi32>], vector<16xf32>,
    %gather3A_976 = tpu.vector_load_idx %arg7[%add3A_974] : memref<3072xi32, #tpu.memory_space<vmem>>[vector<16xi32>], vector<16xi32>,
    %add3A_977 = arith.constant 1 : i32
    %add3A_978 = vector.broadcast %add3A_977 : i32 to vector<16xi32>
    %add3A_979 = arith.addi %add3A_974, %add3A_978 : vector<16xi32>
    %gather3A_980 = tpu.vector_load_idx %arg6[%add3A_979] : memref<3072xf32, #tpu.memory_space<vmem>>[vector<16xi32>], vector<16xf32>,
    %add3A_981 = arith.constant 1 : i32
    %add3A_982 = vector.broadcast %add3A_981 : i32 to vector<16xi32>
    %add3A_983 = arith.addi %add3A_974, %add3A_982 : vector<16xi32>
    %gather3A_984 = tpu.vector_load_idx %arg7[%add3A_983] : memref<3072xi32, #tpu.memory_space<vmem>>[vector<16xi32>], vector<16xi32>,
    %add3A_985 = arith.addi %broadcast_in_dim3A_887, %gather3A_976 : vector<16xi32>
    %gather3A_986 = tpu.vector_load_idx %arg8[%add3A_985] : memref<384xf32, #tpu.memory_space<vmem>>[vector<16xi32>], vector<16xf32>,
    %add3A_987 = arith.addi %broadcast_in_dim3A_887, %gather3A_984 : vector<16xi32>
    %gather3A_988 = tpu.vector_load_idx %arg8[%add3A_987] : memref<384xf32, #tpu.memory_space<vmem>>[vector<16xi32>], vector<16xf32>,
    %mul3A_989 = arith.mulf %gather3A_975, %gather3A_986 : vector<16xf32>
    %mul3A_990 = arith.mulf %gather3A_980, %gather3A_988 : vector<16xf32>
    %add3A_991 = arith.addf %mul3A_989, %mul3A_990 : vector<16xf32>
    %swap3A_992 = arith.constant 8 : i32
    %swap3A_993 = arith.index_cast %swap3A_992 : i32 to index
    %swap3A_994 = arith.constant 48 : index
    %swap3A_995 = tpu.vector_load %arg9[%swap3A_993, %swap3A_994] {strides = array<i32>} : memref<24x64xf32, #tpu.memory_space<vmem>>, vector<16xf32>,
    tpu.vector_store %arg9[%swap3A_993, %swap3A_994], %add3A_991 {strides = array<i32>} : memref<24x64xf32, #tpu.memory_space<vmem>>, vector<16xf32>,
    %broadcast_in_dim3A_996 = arith.constant 144 : i32
    %broadcast_in_dim3A_997 = vector.broadcast %broadcast_in_dim3A_996 : i32 to vector<16xi32>
    %broadcast_in_dim3A_998 = arith.constant 1152 : i32
    %broadcast_in_dim3A_999 = vector.broadcast %broadcast_in_dim3A_998 : i32 to vector<16xi32>
    %mul3A_1000 = arith.constant 2 : i32
    %mul3A_1001 = vector.broadcast %mul3A_1000 : i32 to vector<16xi32>
    %mul3A_1002 = arith.muli %iota3A, %mul3A_1001 : vector<16xi32>
    %add3A_1003 = arith.addi %broadcast_in_dim3A_999, %mul3A_1002 : vector<16xi32>
    %gather3A_1004 = tpu.vector_load_idx %arg6[%add3A_1003] : memref<3072xf32, #tpu.memory_space<vmem>>[vector<16xi32>], vector<16xf32>,
    %gather3A_1005 = tpu.vector_load_idx %arg7[%add3A_1003] : memref<3072xi32, #tpu.memory_space<vmem>>[vector<16xi32>], vector<16xi32>,
    %add3A_1006 = arith.constant 1 : i32
    %add3A_1007 = vector.broadcast %add3A_1006 : i32 to vector<16xi32>
    %add3A_1008 = arith.addi %add3A_1003, %add3A_1007 : vector<16xi32>
    %gather3A_1009 = tpu.vector_load_idx %arg6[%add3A_1008] : memref<3072xf32, #tpu.memory_space<vmem>>[vector<16xi32>], vector<16xf32>,
    %add3A_1010 = arith.constant 1 : i32
    %add3A_1011 = vector.broadcast %add3A_1010 : i32 to vector<16xi32>
    %add3A_1012 = arith.addi %add3A_1003, %add3A_1011 : vector<16xi32>
    %gather3A_1013 = tpu.vector_load_idx %arg7[%add3A_1012] : memref<3072xi32, #tpu.memory_space<vmem>>[vector<16xi32>], vector<16xi32>,
    %add3A_1014 = arith.addi %broadcast_in_dim3A_997, %gather3A_1005 : vector<16xi32>
    %gather3A_1015 = tpu.vector_load_idx %arg8[%add3A_1014] : memref<384xf32, #tpu.memory_space<vmem>>[vector<16xi32>], vector<16xf32>,
    %add3A_1016 = arith.addi %broadcast_in_dim3A_997, %gather3A_1013 : vector<16xi32>
    %gather3A_1017 = tpu.vector_load_idx %arg8[%add3A_1016] : memref<384xf32, #tpu.memory_space<vmem>>[vector<16xi32>], vector<16xf32>,
    %mul3A_1018 = arith.mulf %gather3A_1004, %gather3A_1015 : vector<16xf32>
    %mul3A_1019 = arith.mulf %gather3A_1009, %gather3A_1017 : vector<16xf32>
    %add3A_1020 = arith.addf %mul3A_1018, %mul3A_1019 : vector<16xf32>
    %swap3A_1021 = arith.constant 9 : i32
    %swap3A_1022 = arith.index_cast %swap3A_1021 : i32 to index
    %swap3A_1023 = arith.constant 0 : index
    %swap3A_1024 = tpu.vector_load %arg9[%swap3A_1022, %swap3A_1023] {strides = array<i32>} : memref<24x64xf32, #tpu.memory_space<vmem>>, vector<16xf32>,
    tpu.vector_store %arg9[%swap3A_1022, %swap3A_1023], %add3A_1020 {strides = array<i32>} : memref<24x64xf32, #tpu.memory_space<vmem>>, vector<16xf32>,
    %broadcast_in_dim3A_1025 = arith.constant 1184 : i32
    %broadcast_in_dim3A_1026 = vector.broadcast %broadcast_in_dim3A_1025 : i32 to vector<16xi32>
    %mul3A_1027 = arith.constant 2 : i32
    %mul3A_1028 = vector.broadcast %mul3A_1027 : i32 to vector<16xi32>
    %mul3A_1029 = arith.muli %iota3A, %mul3A_1028 : vector<16xi32>
    %add3A_1030 = arith.addi %broadcast_in_dim3A_1026, %mul3A_1029 : vector<16xi32>
    %gather3A_1031 = tpu.vector_load_idx %arg6[%add3A_1030] : memref<3072xf32, #tpu.memory_space<vmem>>[vector<16xi32>], vector<16xf32>,
    %gather3A_1032 = tpu.vector_load_idx %arg7[%add3A_1030] : memref<3072xi32, #tpu.memory_space<vmem>>[vector<16xi32>], vector<16xi32>,
    %add3A_1033 = arith.constant 1 : i32
    %add3A_1034 = vector.broadcast %add3A_1033 : i32 to vector<16xi32>
    %add3A_1035 = arith.addi %add3A_1030, %add3A_1034 : vector<16xi32>
    %gather3A_1036 = tpu.vector_load_idx %arg6[%add3A_1035] : memref<3072xf32, #tpu.memory_space<vmem>>[vector<16xi32>], vector<16xf32>,
    %add3A_1037 = arith.constant 1 : i32
    %add3A_1038 = vector.broadcast %add3A_1037 : i32 to vector<16xi32>
    %add3A_1039 = arith.addi %add3A_1030, %add3A_1038 : vector<16xi32>
    %gather3A_1040 = tpu.vector_load_idx %arg7[%add3A_1039] : memref<3072xi32, #tpu.memory_space<vmem>>[vector<16xi32>], vector<16xi32>,
    %add3A_1041 = arith.addi %broadcast_in_dim3A_997, %gather3A_1032 : vector<16xi32>
    %gather3A_1042 = tpu.vector_load_idx %arg8[%add3A_1041] : memref<384xf32, #tpu.memory_space<vmem>>[vector<16xi32>], vector<16xf32>,
    %add3A_1043 = arith.addi %broadcast_in_dim3A_997, %gather3A_1040 : vector<16xi32>
    %gather3A_1044 = tpu.vector_load_idx %arg8[%add3A_1043] : memref<384xf32, #tpu.memory_space<vmem>>[vector<16xi32>], vector<16xf32>,
    %mul3A_1045 = arith.mulf %gather3A_1031, %gather3A_1042 : vector<16xf32>
    %mul3A_1046 = arith.mulf %gather3A_1036, %gather3A_1044 : vector<16xf32>
    %add3A_1047 = arith.addf %mul3A_1045, %mul3A_1046 : vector<16xf32>
    %swap3A_1048 = arith.constant 9 : i32
    %swap3A_1049 = arith.index_cast %swap3A_1048 : i32 to index
    %swap3A_1050 = arith.constant 16 : index
    %swap3A_1051 = tpu.vector_load %arg9[%swap3A_1049, %swap3A_1050] {strides = array<i32>} : memref<24x64xf32, #tpu.memory_space<vmem>>, vector<16xf32>,
    tpu.vector_store %arg9[%swap3A_1049, %swap3A_1050], %add3A_1047 {strides = array<i32>} : memref<24x64xf32, #tpu.memory_space<vmem>>, vector<16xf32>,
    %broadcast_in_dim3A_1052 = arith.constant 1216 : i32
    %broadcast_in_dim3A_1053 = vector.broadcast %broadcast_in_dim3A_1052 : i32 to vector<16xi32>
    %mul3A_1054 = arith.constant 2 : i32
    %mul3A_1055 = vector.broadcast %mul3A_1054 : i32 to vector<16xi32>
    %mul3A_1056 = arith.muli %iota3A, %mul3A_1055 : vector<16xi32>
    %add3A_1057 = arith.addi %broadcast_in_dim3A_1053, %mul3A_1056 : vector<16xi32>
    %gather3A_1058 = tpu.vector_load_idx %arg6[%add3A_1057] : memref<3072xf32, #tpu.memory_space<vmem>>[vector<16xi32>], vector<16xf32>,
    %gather3A_1059 = tpu.vector_load_idx %arg7[%add3A_1057] : memref<3072xi32, #tpu.memory_space<vmem>>[vector<16xi32>], vector<16xi32>,
    %add3A_1060 = arith.constant 1 : i32
    %add3A_1061 = vector.broadcast %add3A_1060 : i32 to vector<16xi32>
    %add3A_1062 = arith.addi %add3A_1057, %add3A_1061 : vector<16xi32>
    %gather3A_1063 = tpu.vector_load_idx %arg6[%add3A_1062] : memref<3072xf32, #tpu.memory_space<vmem>>[vector<16xi32>], vector<16xf32>,
    %add3A_1064 = arith.constant 1 : i32
    %add3A_1065 = vector.broadcast %add3A_1064 : i32 to vector<16xi32>
    %add3A_1066 = arith.addi %add3A_1057, %add3A_1065 : vector<16xi32>
    %gather3A_1067 = tpu.vector_load_idx %arg7[%add3A_1066] : memref<3072xi32, #tpu.memory_space<vmem>>[vector<16xi32>], vector<16xi32>,
    %add3A_1068 = arith.addi %broadcast_in_dim3A_997, %gather3A_1059 : vector<16xi32>
    %gather3A_1069 = tpu.vector_load_idx %arg8[%add3A_1068] : memref<384xf32, #tpu.memory_space<vmem>>[vector<16xi32>], vector<16xf32>,
    %add3A_1070 = arith.addi %broadcast_in_dim3A_997, %gather3A_1067 : vector<16xi32>
    %gather3A_1071 = tpu.vector_load_idx %arg8[%add3A_1070] : memref<384xf32, #tpu.memory_space<vmem>>[vector<16xi32>], vector<16xf32>,
    %mul3A_1072 = arith.mulf %gather3A_1058, %gather3A_1069 : vector<16xf32>
    %mul3A_1073 = arith.mulf %gather3A_1063, %gather3A_1071 : vector<16xf32>
    %add3A_1074 = arith.addf %mul3A_1072, %mul3A_1073 : vector<16xf32>
    %swap3A_1075 = arith.constant 9 : i32
    %swap3A_1076 = arith.index_cast %swap3A_1075 : i32 to index
    %swap3A_1077 = arith.constant 32 : index
    %swap3A_1078 = tpu.vector_load %arg9[%swap3A_1076, %swap3A_1077] {strides = array<i32>} : memref<24x64xf32, #tpu.memory_space<vmem>>, vector<16xf32>,
    tpu.vector_store %arg9[%swap3A_1076, %swap3A_1077], %add3A_1074 {strides = array<i32>} : memref<24x64xf32, #tpu.memory_space<vmem>>, vector<16xf32>,
    %broadcast_in_dim3A_1079 = arith.constant 1248 : i32
    %broadcast_in_dim3A_1080 = vector.broadcast %broadcast_in_dim3A_1079 : i32 to vector<16xi32>
    %mul3A_1081 = arith.constant 2 : i32
    %mul3A_1082 = vector.broadcast %mul3A_1081 : i32 to vector<16xi32>
    %mul3A_1083 = arith.muli %iota3A, %mul3A_1082 : vector<16xi32>
    %add3A_1084 = arith.addi %broadcast_in_dim3A_1080, %mul3A_1083 : vector<16xi32>
    %gather3A_1085 = tpu.vector_load_idx %arg6[%add3A_1084] : memref<3072xf32, #tpu.memory_space<vmem>>[vector<16xi32>], vector<16xf32>,
    %gather3A_1086 = tpu.vector_load_idx %arg7[%add3A_1084] : memref<3072xi32, #tpu.memory_space<vmem>>[vector<16xi32>], vector<16xi32>,
    %add3A_1087 = arith.constant 1 : i32
    %add3A_1088 = vector.broadcast %add3A_1087 : i32 to vector<16xi32>
    %add3A_1089 = arith.addi %add3A_1084, %add3A_1088 : vector<16xi32>
    %gather3A_1090 = tpu.vector_load_idx %arg6[%add3A_1089] : memref<3072xf32, #tpu.memory_space<vmem>>[vector<16xi32>], vector<16xf32>,
    %add3A_1091 = arith.constant 1 : i32
    %add3A_1092 = vector.broadcast %add3A_1091 : i32 to vector<16xi32>
    %add3A_1093 = arith.addi %add3A_1084, %add3A_1092 : vector<16xi32>
    %gather3A_1094 = tpu.vector_load_idx %arg7[%add3A_1093] : memref<3072xi32, #tpu.memory_space<vmem>>[vector<16xi32>], vector<16xi32>,
    %add3A_1095 = arith.addi %broadcast_in_dim3A_997, %gather3A_1086 : vector<16xi32>
    %gather3A_1096 = tpu.vector_load_idx %arg8[%add3A_1095] : memref<384xf32, #tpu.memory_space<vmem>>[vector<16xi32>], vector<16xf32>,
    %add3A_1097 = arith.addi %broadcast_in_dim3A_997, %gather3A_1094 : vector<16xi32>
    %gather3A_1098 = tpu.vector_load_idx %arg8[%add3A_1097] : memref<384xf32, #tpu.memory_space<vmem>>[vector<16xi32>], vector<16xf32>,
    %mul3A_1099 = arith.mulf %gather3A_1085, %gather3A_1096 : vector<16xf32>
    %mul3A_1100 = arith.mulf %gather3A_1090, %gather3A_1098 : vector<16xf32>
    %add3A_1101 = arith.addf %mul3A_1099, %mul3A_1100 : vector<16xf32>
    %swap3A_1102 = arith.constant 9 : i32
    %swap3A_1103 = arith.index_cast %swap3A_1102 : i32 to index
    %swap3A_1104 = arith.constant 48 : index
    %swap3A_1105 = tpu.vector_load %arg9[%swap3A_1103, %swap3A_1104] {strides = array<i32>} : memref<24x64xf32, #tpu.memory_space<vmem>>, vector<16xf32>,
    tpu.vector_store %arg9[%swap3A_1103, %swap3A_1104], %add3A_1101 {strides = array<i32>} : memref<24x64xf32, #tpu.memory_space<vmem>>, vector<16xf32>,
    %broadcast_in_dim3A_1106 = arith.constant 160 : i32
    %broadcast_in_dim3A_1107 = vector.broadcast %broadcast_in_dim3A_1106 : i32 to vector<16xi32>
    %broadcast_in_dim3A_1108 = arith.constant 1280 : i32
    %broadcast_in_dim3A_1109 = vector.broadcast %broadcast_in_dim3A_1108 : i32 to vector<16xi32>
    %mul3A_1110 = arith.constant 2 : i32
    %mul3A_1111 = vector.broadcast %mul3A_1110 : i32 to vector<16xi32>
    %mul3A_1112 = arith.muli %iota3A, %mul3A_1111 : vector<16xi32>
    %add3A_1113 = arith.addi %broadcast_in_dim3A_1109, %mul3A_1112 : vector<16xi32>
    %gather3A_1114 = tpu.vector_load_idx %arg6[%add3A_1113] : memref<3072xf32, #tpu.memory_space<vmem>>[vector<16xi32>], vector<16xf32>,
    %gather3A_1115 = tpu.vector_load_idx %arg7[%add3A_1113] : memref<3072xi32, #tpu.memory_space<vmem>>[vector<16xi32>], vector<16xi32>,
    %add3A_1116 = arith.constant 1 : i32
    %add3A_1117 = vector.broadcast %add3A_1116 : i32 to vector<16xi32>
    %add3A_1118 = arith.addi %add3A_1113, %add3A_1117 : vector<16xi32>
    %gather3A_1119 = tpu.vector_load_idx %arg6[%add3A_1118] : memref<3072xf32, #tpu.memory_space<vmem>>[vector<16xi32>], vector<16xf32>,
    %add3A_1120 = arith.constant 1 : i32
    %add3A_1121 = vector.broadcast %add3A_1120 : i32 to vector<16xi32>
    %add3A_1122 = arith.addi %add3A_1113, %add3A_1121 : vector<16xi32>
    %gather3A_1123 = tpu.vector_load_idx %arg7[%add3A_1122] : memref<3072xi32, #tpu.memory_space<vmem>>[vector<16xi32>], vector<16xi32>,
    %add3A_1124 = arith.addi %broadcast_in_dim3A_1107, %gather3A_1115 : vector<16xi32>
    %gather3A_1125 = tpu.vector_load_idx %arg8[%add3A_1124] : memref<384xf32, #tpu.memory_space<vmem>>[vector<16xi32>], vector<16xf32>,
    %add3A_1126 = arith.addi %broadcast_in_dim3A_1107, %gather3A_1123 : vector<16xi32>
    %gather3A_1127 = tpu.vector_load_idx %arg8[%add3A_1126] : memref<384xf32, #tpu.memory_space<vmem>>[vector<16xi32>], vector<16xf32>,
    %mul3A_1128 = arith.mulf %gather3A_1114, %gather3A_1125 : vector<16xf32>
    %mul3A_1129 = arith.mulf %gather3A_1119, %gather3A_1127 : vector<16xf32>
    %add3A_1130 = arith.addf %mul3A_1128, %mul3A_1129 : vector<16xf32>
    %swap3A_1131 = arith.constant 10 : i32
    %swap3A_1132 = arith.index_cast %swap3A_1131 : i32 to index
    %swap3A_1133 = arith.constant 0 : index
    %swap3A_1134 = tpu.vector_load %arg9[%swap3A_1132, %swap3A_1133] {strides = array<i32>} : memref<24x64xf32, #tpu.memory_space<vmem>>, vector<16xf32>,
    tpu.vector_store %arg9[%swap3A_1132, %swap3A_1133], %add3A_1130 {strides = array<i32>} : memref<24x64xf32, #tpu.memory_space<vmem>>, vector<16xf32>,
    %broadcast_in_dim3A_1135 = arith.constant 1312 : i32
    %broadcast_in_dim3A_1136 = vector.broadcast %broadcast_in_dim3A_1135 : i32 to vector<16xi32>
    %mul3A_1137 = arith.constant 2 : i32
    %mul3A_1138 = vector.broadcast %mul3A_1137 : i32 to vector<16xi32>
    %mul3A_1139 = arith.muli %iota3A, %mul3A_1138 : vector<16xi32>
    %add3A_1140 = arith.addi %broadcast_in_dim3A_1136, %mul3A_1139 : vector<16xi32>
    %gather3A_1141 = tpu.vector_load_idx %arg6[%add3A_1140] : memref<3072xf32, #tpu.memory_space<vmem>>[vector<16xi32>], vector<16xf32>,
    %gather3A_1142 = tpu.vector_load_idx %arg7[%add3A_1140] : memref<3072xi32, #tpu.memory_space<vmem>>[vector<16xi32>], vector<16xi32>,
    %add3A_1143 = arith.constant 1 : i32
    %add3A_1144 = vector.broadcast %add3A_1143 : i32 to vector<16xi32>
    %add3A_1145 = arith.addi %add3A_1140, %add3A_1144 : vector<16xi32>
    %gather3A_1146 = tpu.vector_load_idx %arg6[%add3A_1145] : memref<3072xf32, #tpu.memory_space<vmem>>[vector<16xi32>], vector<16xf32>,
    %add3A_1147 = arith.constant 1 : i32
    %add3A_1148 = vector.broadcast %add3A_1147 : i32 to vector<16xi32>
    %add3A_1149 = arith.addi %add3A_1140, %add3A_1148 : vector<16xi32>
    %gather3A_1150 = tpu.vector_load_idx %arg7[%add3A_1149] : memref<3072xi32, #tpu.memory_space<vmem>>[vector<16xi32>], vector<16xi32>,
    %add3A_1151 = arith.addi %broadcast_in_dim3A_1107, %gather3A_1142 : vector<16xi32>
    %gather3A_1152 = tpu.vector_load_idx %arg8[%add3A_1151] : memref<384xf32, #tpu.memory_space<vmem>>[vector<16xi32>], vector<16xf32>,
    %add3A_1153 = arith.addi %broadcast_in_dim3A_1107, %gather3A_1150 : vector<16xi32>
    %gather3A_1154 = tpu.vector_load_idx %arg8[%add3A_1153] : memref<384xf32, #tpu.memory_space<vmem>>[vector<16xi32>], vector<16xf32>,
    %mul3A_1155 = arith.mulf %gather3A_1141, %gather3A_1152 : vector<16xf32>
    %mul3A_1156 = arith.mulf %gather3A_1146, %gather3A_1154 : vector<16xf32>
    %add3A_1157 = arith.addf %mul3A_1155, %mul3A_1156 : vector<16xf32>
    %swap3A_1158 = arith.constant 10 : i32
    %swap3A_1159 = arith.index_cast %swap3A_1158 : i32 to index
    %swap3A_1160 = arith.constant 16 : index
    %swap3A_1161 = tpu.vector_load %arg9[%swap3A_1159, %swap3A_1160] {strides = array<i32>} : memref<24x64xf32, #tpu.memory_space<vmem>>, vector<16xf32>,
    tpu.vector_store %arg9[%swap3A_1159, %swap3A_1160], %add3A_1157 {strides = array<i32>} : memref<24x64xf32, #tpu.memory_space<vmem>>, vector<16xf32>,
    %broadcast_in_dim3A_1162 = arith.constant 1344 : i32
    %broadcast_in_dim3A_1163 = vector.broadcast %broadcast_in_dim3A_1162 : i32 to vector<16xi32>
    %mul3A_1164 = arith.constant 2 : i32
    %mul3A_1165 = vector.broadcast %mul3A_1164 : i32 to vector<16xi32>
    %mul3A_1166 = arith.muli %iota3A, %mul3A_1165 : vector<16xi32>
    %add3A_1167 = arith.addi %broadcast_in_dim3A_1163, %mul3A_1166 : vector<16xi32>
    %gather3A_1168 = tpu.vector_load_idx %arg6[%add3A_1167] : memref<3072xf32, #tpu.memory_space<vmem>>[vector<16xi32>], vector<16xf32>,
    %gather3A_1169 = tpu.vector_load_idx %arg7[%add3A_1167] : memref<3072xi32, #tpu.memory_space<vmem>>[vector<16xi32>], vector<16xi32>,
    %add3A_1170 = arith.constant 1 : i32
    %add3A_1171 = vector.broadcast %add3A_1170 : i32 to vector<16xi32>
    %add3A_1172 = arith.addi %add3A_1167, %add3A_1171 : vector<16xi32>
    %gather3A_1173 = tpu.vector_load_idx %arg6[%add3A_1172] : memref<3072xf32, #tpu.memory_space<vmem>>[vector<16xi32>], vector<16xf32>,
    %add3A_1174 = arith.constant 1 : i32
    %add3A_1175 = vector.broadcast %add3A_1174 : i32 to vector<16xi32>
    %add3A_1176 = arith.addi %add3A_1167, %add3A_1175 : vector<16xi32>
    %gather3A_1177 = tpu.vector_load_idx %arg7[%add3A_1176] : memref<3072xi32, #tpu.memory_space<vmem>>[vector<16xi32>], vector<16xi32>,
    %add3A_1178 = arith.addi %broadcast_in_dim3A_1107, %gather3A_1169 : vector<16xi32>
    %gather3A_1179 = tpu.vector_load_idx %arg8[%add3A_1178] : memref<384xf32, #tpu.memory_space<vmem>>[vector<16xi32>], vector<16xf32>,
    %add3A_1180 = arith.addi %broadcast_in_dim3A_1107, %gather3A_1177 : vector<16xi32>
    %gather3A_1181 = tpu.vector_load_idx %arg8[%add3A_1180] : memref<384xf32, #tpu.memory_space<vmem>>[vector<16xi32>], vector<16xf32>,
    %mul3A_1182 = arith.mulf %gather3A_1168, %gather3A_1179 : vector<16xf32>
    %mul3A_1183 = arith.mulf %gather3A_1173, %gather3A_1181 : vector<16xf32>
    %add3A_1184 = arith.addf %mul3A_1182, %mul3A_1183 : vector<16xf32>
    %swap3A_1185 = arith.constant 10 : i32
    %swap3A_1186 = arith.index_cast %swap3A_1185 : i32 to index
    %swap3A_1187 = arith.constant 32 : index
    %swap3A_1188 = tpu.vector_load %arg9[%swap3A_1186, %swap3A_1187] {strides = array<i32>} : memref<24x64xf32, #tpu.memory_space<vmem>>, vector<16xf32>,
    tpu.vector_store %arg9[%swap3A_1186, %swap3A_1187], %add3A_1184 {strides = array<i32>} : memref<24x64xf32, #tpu.memory_space<vmem>>, vector<16xf32>,
    %broadcast_in_dim3A_1189 = arith.constant 1376 : i32
    %broadcast_in_dim3A_1190 = vector.broadcast %broadcast_in_dim3A_1189 : i32 to vector<16xi32>
    %mul3A_1191 = arith.constant 2 : i32
    %mul3A_1192 = vector.broadcast %mul3A_1191 : i32 to vector<16xi32>
    %mul3A_1193 = arith.muli %iota3A, %mul3A_1192 : vector<16xi32>
    %add3A_1194 = arith.addi %broadcast_in_dim3A_1190, %mul3A_1193 : vector<16xi32>
    %gather3A_1195 = tpu.vector_load_idx %arg6[%add3A_1194] : memref<3072xf32, #tpu.memory_space<vmem>>[vector<16xi32>], vector<16xf32>,
    %gather3A_1196 = tpu.vector_load_idx %arg7[%add3A_1194] : memref<3072xi32, #tpu.memory_space<vmem>>[vector<16xi32>], vector<16xi32>,
    %add3A_1197 = arith.constant 1 : i32
    %add3A_1198 = vector.broadcast %add3A_1197 : i32 to vector<16xi32>
    %add3A_1199 = arith.addi %add3A_1194, %add3A_1198 : vector<16xi32>
    %gather3A_1200 = tpu.vector_load_idx %arg6[%add3A_1199] : memref<3072xf32, #tpu.memory_space<vmem>>[vector<16xi32>], vector<16xf32>,
    %add3A_1201 = arith.constant 1 : i32
    %add3A_1202 = vector.broadcast %add3A_1201 : i32 to vector<16xi32>
    %add3A_1203 = arith.addi %add3A_1194, %add3A_1202 : vector<16xi32>
    %gather3A_1204 = tpu.vector_load_idx %arg7[%add3A_1203] : memref<3072xi32, #tpu.memory_space<vmem>>[vector<16xi32>], vector<16xi32>,
    %add3A_1205 = arith.addi %broadcast_in_dim3A_1107, %gather3A_1196 : vector<16xi32>
    %gather3A_1206 = tpu.vector_load_idx %arg8[%add3A_1205] : memref<384xf32, #tpu.memory_space<vmem>>[vector<16xi32>], vector<16xf32>,
    %add3A_1207 = arith.addi %broadcast_in_dim3A_1107, %gather3A_1204 : vector<16xi32>
    %gather3A_1208 = tpu.vector_load_idx %arg8[%add3A_1207] : memref<384xf32, #tpu.memory_space<vmem>>[vector<16xi32>], vector<16xf32>,
    %mul3A_1209 = arith.mulf %gather3A_1195, %gather3A_1206 : vector<16xf32>
    %mul3A_1210 = arith.mulf %gather3A_1200, %gather3A_1208 : vector<16xf32>
    %add3A_1211 = arith.addf %mul3A_1209, %mul3A_1210 : vector<16xf32>
    %swap3A_1212 = arith.constant 10 : i32
    %swap3A_1213 = arith.index_cast %swap3A_1212 : i32 to index
    %swap3A_1214 = arith.constant 48 : index
    %swap3A_1215 = tpu.vector_load %arg9[%swap3A_1213, %swap3A_1214] {strides = array<i32>} : memref<24x64xf32, #tpu.memory_space<vmem>>, vector<16xf32>,
    tpu.vector_store %arg9[%swap3A_1213, %swap3A_1214], %add3A_1211 {strides = array<i32>} : memref<24x64xf32, #tpu.memory_space<vmem>>, vector<16xf32>,
    %broadcast_in_dim3A_1216 = arith.constant 176 : i32
    %broadcast_in_dim3A_1217 = vector.broadcast %broadcast_in_dim3A_1216 : i32 to vector<16xi32>
    %broadcast_in_dim3A_1218 = arith.constant 1408 : i32
    %broadcast_in_dim3A_1219 = vector.broadcast %broadcast_in_dim3A_1218 : i32 to vector<16xi32>
    %mul3A_1220 = arith.constant 2 : i32
    %mul3A_1221 = vector.broadcast %mul3A_1220 : i32 to vector<16xi32>
    %mul3A_1222 = arith.muli %iota3A, %mul3A_1221 : vector<16xi32>
    %add3A_1223 = arith.addi %broadcast_in_dim3A_1219, %mul3A_1222 : vector<16xi32>
    %gather3A_1224 = tpu.vector_load_idx %arg6[%add3A_1223] : memref<3072xf32, #tpu.memory_space<vmem>>[vector<16xi32>], vector<16xf32>,
    %gather3A_1225 = tpu.vector_load_idx %arg7[%add3A_1223] : memref<3072xi32, #tpu.memory_space<vmem>>[vector<16xi32>], vector<16xi32>,
    %add3A_1226 = arith.constant 1 : i32
    %add3A_1227 = vector.broadcast %add3A_1226 : i32 to vector<16xi32>
    %add3A_1228 = arith.addi %add3A_1223, %add3A_1227 : vector<16xi32>
    %gather3A_1229 = tpu.vector_load_idx %arg6[%add3A_1228] : memref<3072xf32, #tpu.memory_space<vmem>>[vector<16xi32>], vector<16xf32>,
    %add3A_1230 = arith.constant 1 : i32
    %add3A_1231 = vector.broadcast %add3A_1230 : i32 to vector<16xi32>
    %add3A_1232 = arith.addi %add3A_1223, %add3A_1231 : vector<16xi32>
    %gather3A_1233 = tpu.vector_load_idx %arg7[%add3A_1232] : memref<3072xi32, #tpu.memory_space<vmem>>[vector<16xi32>], vector<16xi32>,
    %add3A_1234 = arith.addi %broadcast_in_dim3A_1217, %gather3A_1225 : vector<16xi32>
    %gather3A_1235 = tpu.vector_load_idx %arg8[%add3A_1234] : memref<384xf32, #tpu.memory_space<vmem>>[vector<16xi32>], vector<16xf32>,
    %add3A_1236 = arith.addi %broadcast_in_dim3A_1217, %gather3A_1233 : vector<16xi32>
    %gather3A_1237 = tpu.vector_load_idx %arg8[%add3A_1236] : memref<384xf32, #tpu.memory_space<vmem>>[vector<16xi32>], vector<16xf32>,
    %mul3A_1238 = arith.mulf %gather3A_1224, %gather3A_1235 : vector<16xf32>
    %mul3A_1239 = arith.mulf %gather3A_1229, %gather3A_1237 : vector<16xf32>
    %add3A_1240 = arith.addf %mul3A_1238, %mul3A_1239 : vector<16xf32>
    %swap3A_1241 = arith.constant 11 : i32
    %swap3A_1242 = arith.index_cast %swap3A_1241 : i32 to index
    %swap3A_1243 = arith.constant 0 : index
    %swap3A_1244 = tpu.vector_load %arg9[%swap3A_1242, %swap3A_1243] {strides = array<i32>} : memref<24x64xf32, #tpu.memory_space<vmem>>, vector<16xf32>,
    tpu.vector_store %arg9[%swap3A_1242, %swap3A_1243], %add3A_1240 {strides = array<i32>} : memref<24x64xf32, #tpu.memory_space<vmem>>, vector<16xf32>,
    %broadcast_in_dim3A_1245 = arith.constant 1440 : i32
    %broadcast_in_dim3A_1246 = vector.broadcast %broadcast_in_dim3A_1245 : i32 to vector<16xi32>
    %mul3A_1247 = arith.constant 2 : i32
    %mul3A_1248 = vector.broadcast %mul3A_1247 : i32 to vector<16xi32>
    %mul3A_1249 = arith.muli %iota3A, %mul3A_1248 : vector<16xi32>
    %add3A_1250 = arith.addi %broadcast_in_dim3A_1246, %mul3A_1249 : vector<16xi32>
    %gather3A_1251 = tpu.vector_load_idx %arg6[%add3A_1250] : memref<3072xf32, #tpu.memory_space<vmem>>[vector<16xi32>], vector<16xf32>,
    %gather3A_1252 = tpu.vector_load_idx %arg7[%add3A_1250] : memref<3072xi32, #tpu.memory_space<vmem>>[vector<16xi32>], vector<16xi32>,
    %add3A_1253 = arith.constant 1 : i32
    %add3A_1254 = vector.broadcast %add3A_1253 : i32 to vector<16xi32>
    %add3A_1255 = arith.addi %add3A_1250, %add3A_1254 : vector<16xi32>
    %gather3A_1256 = tpu.vector_load_idx %arg6[%add3A_1255] : memref<3072xf32, #tpu.memory_space<vmem>>[vector<16xi32>], vector<16xf32>,
    %add3A_1257 = arith.constant 1 : i32
    %add3A_1258 = vector.broadcast %add3A_1257 : i32 to vector<16xi32>
    %add3A_1259 = arith.addi %add3A_1250, %add3A_1258 : vector<16xi32>
    %gather3A_1260 = tpu.vector_load_idx %arg7[%add3A_1259] : memref<3072xi32, #tpu.memory_space<vmem>>[vector<16xi32>], vector<16xi32>,
    %add3A_1261 = arith.addi %broadcast_in_dim3A_1217, %gather3A_1252 : vector<16xi32>
    %gather3A_1262 = tpu.vector_load_idx %arg8[%add3A_1261] : memref<384xf32, #tpu.memory_space<vmem>>[vector<16xi32>], vector<16xf32>,
    %add3A_1263 = arith.addi %broadcast_in_dim3A_1217, %gather3A_1260 : vector<16xi32>
    %gather3A_1264 = tpu.vector_load_idx %arg8[%add3A_1263] : memref<384xf32, #tpu.memory_space<vmem>>[vector<16xi32>], vector<16xf32>,
    %mul3A_1265 = arith.mulf %gather3A_1251, %gather3A_1262 : vector<16xf32>
    %mul3A_1266 = arith.mulf %gather3A_1256, %gather3A_1264 : vector<16xf32>
    %add3A_1267 = arith.addf %mul3A_1265, %mul3A_1266 : vector<16xf32>
    %swap3A_1268 = arith.constant 11 : i32
    %swap3A_1269 = arith.index_cast %swap3A_1268 : i32 to index
    %swap3A_1270 = arith.constant 16 : index
    %swap3A_1271 = tpu.vector_load %arg9[%swap3A_1269, %swap3A_1270] {strides = array<i32>} : memref<24x64xf32, #tpu.memory_space<vmem>>, vector<16xf32>,
    tpu.vector_store %arg9[%swap3A_1269, %swap3A_1270], %add3A_1267 {strides = array<i32>} : memref<24x64xf32, #tpu.memory_space<vmem>>, vector<16xf32>,
    %broadcast_in_dim3A_1272 = arith.constant 1472 : i32
    %broadcast_in_dim3A_1273 = vector.broadcast %broadcast_in_dim3A_1272 : i32 to vector<16xi32>
    %mul3A_1274 = arith.constant 2 : i32
    %mul3A_1275 = vector.broadcast %mul3A_1274 : i32 to vector<16xi32>
    %mul3A_1276 = arith.muli %iota3A, %mul3A_1275 : vector<16xi32>
    %add3A_1277 = arith.addi %broadcast_in_dim3A_1273, %mul3A_1276 : vector<16xi32>
    %gather3A_1278 = tpu.vector_load_idx %arg6[%add3A_1277] : memref<3072xf32, #tpu.memory_space<vmem>>[vector<16xi32>], vector<16xf32>,
    %gather3A_1279 = tpu.vector_load_idx %arg7[%add3A_1277] : memref<3072xi32, #tpu.memory_space<vmem>>[vector<16xi32>], vector<16xi32>,
    %add3A_1280 = arith.constant 1 : i32
    %add3A_1281 = vector.broadcast %add3A_1280 : i32 to vector<16xi32>
    %add3A_1282 = arith.addi %add3A_1277, %add3A_1281 : vector<16xi32>
    %gather3A_1283 = tpu.vector_load_idx %arg6[%add3A_1282] : memref<3072xf32, #tpu.memory_space<vmem>>[vector<16xi32>], vector<16xf32>,
    %add3A_1284 = arith.constant 1 : i32
    %add3A_1285 = vector.broadcast %add3A_1284 : i32 to vector<16xi32>
    %add3A_1286 = arith.addi %add3A_1277, %add3A_1285 : vector<16xi32>
    %gather3A_1287 = tpu.vector_load_idx %arg7[%add3A_1286] : memref<3072xi32, #tpu.memory_space<vmem>>[vector<16xi32>], vector<16xi32>,
    %add3A_1288 = arith.addi %broadcast_in_dim3A_1217, %gather3A_1279 : vector<16xi32>
    %gather3A_1289 = tpu.vector_load_idx %arg8[%add3A_1288] : memref<384xf32, #tpu.memory_space<vmem>>[vector<16xi32>], vector<16xf32>,
    %add3A_1290 = arith.addi %broadcast_in_dim3A_1217, %gather3A_1287 : vector<16xi32>
    %gather3A_1291 = tpu.vector_load_idx %arg8[%add3A_1290] : memref<384xf32, #tpu.memory_space<vmem>>[vector<16xi32>], vector<16xf32>,
    %mul3A_1292 = arith.mulf %gather3A_1278, %gather3A_1289 : vector<16xf32>
    %mul3A_1293 = arith.mulf %gather3A_1283, %gather3A_1291 : vector<16xf32>
    %add3A_1294 = arith.addf %mul3A_1292, %mul3A_1293 : vector<16xf32>
    %swap3A_1295 = arith.constant 11 : i32
    %swap3A_1296 = arith.index_cast %swap3A_1295 : i32 to index
    %swap3A_1297 = arith.constant 32 : index
    %swap3A_1298 = tpu.vector_load %arg9[%swap3A_1296, %swap3A_1297] {strides = array<i32>} : memref<24x64xf32, #tpu.memory_space<vmem>>, vector<16xf32>,
    tpu.vector_store %arg9[%swap3A_1296, %swap3A_1297], %add3A_1294 {strides = array<i32>} : memref<24x64xf32, #tpu.memory_space<vmem>>, vector<16xf32>,
    %broadcast_in_dim3A_1299 = arith.constant 1504 : i32
    %broadcast_in_dim3A_1300 = vector.broadcast %broadcast_in_dim3A_1299 : i32 to vector<16xi32>
    %mul3A_1301 = arith.constant 2 : i32
    %mul3A_1302 = vector.broadcast %mul3A_1301 : i32 to vector<16xi32>
    %mul3A_1303 = arith.muli %iota3A, %mul3A_1302 : vector<16xi32>
    %add3A_1304 = arith.addi %broadcast_in_dim3A_1300, %mul3A_1303 : vector<16xi32>
    %gather3A_1305 = tpu.vector_load_idx %arg6[%add3A_1304] : memref<3072xf32, #tpu.memory_space<vmem>>[vector<16xi32>], vector<16xf32>,
    %gather3A_1306 = tpu.vector_load_idx %arg7[%add3A_1304] : memref<3072xi32, #tpu.memory_space<vmem>>[vector<16xi32>], vector<16xi32>,
    %add3A_1307 = arith.constant 1 : i32
    %add3A_1308 = vector.broadcast %add3A_1307 : i32 to vector<16xi32>
    %add3A_1309 = arith.addi %add3A_1304, %add3A_1308 : vector<16xi32>
    %gather3A_1310 = tpu.vector_load_idx %arg6[%add3A_1309] : memref<3072xf32, #tpu.memory_space<vmem>>[vector<16xi32>], vector<16xf32>,
    %add3A_1311 = arith.constant 1 : i32
    %add3A_1312 = vector.broadcast %add3A_1311 : i32 to vector<16xi32>
    %add3A_1313 = arith.addi %add3A_1304, %add3A_1312 : vector<16xi32>
    %gather3A_1314 = tpu.vector_load_idx %arg7[%add3A_1313] : memref<3072xi32, #tpu.memory_space<vmem>>[vector<16xi32>], vector<16xi32>,
    %add3A_1315 = arith.addi %broadcast_in_dim3A_1217, %gather3A_1306 : vector<16xi32>
    %gather3A_1316 = tpu.vector_load_idx %arg8[%add3A_1315] : memref<384xf32, #tpu.memory_space<vmem>>[vector<16xi32>], vector<16xf32>,
    %add3A_1317 = arith.addi %broadcast_in_dim3A_1217, %gather3A_1314 : vector<16xi32>
    %gather3A_1318 = tpu.vector_load_idx %arg8[%add3A_1317] : memref<384xf32, #tpu.memory_space<vmem>>[vector<16xi32>], vector<16xf32>,
    %mul3A_1319 = arith.mulf %gather3A_1305, %gather3A_1316 : vector<16xf32>
    %mul3A_1320 = arith.mulf %gather3A_1310, %gather3A_1318 : vector<16xf32>
    %add3A_1321 = arith.addf %mul3A_1319, %mul3A_1320 : vector<16xf32>
    %swap3A_1322 = arith.constant 11 : i32
    %swap3A_1323 = arith.index_cast %swap3A_1322 : i32 to index
    %swap3A_1324 = arith.constant 48 : index
    %swap3A_1325 = tpu.vector_load %arg9[%swap3A_1323, %swap3A_1324] {strides = array<i32>} : memref<24x64xf32, #tpu.memory_space<vmem>>, vector<16xf32>,
    tpu.vector_store %arg9[%swap3A_1323, %swap3A_1324], %add3A_1321 {strides = array<i32>} : memref<24x64xf32, #tpu.memory_space<vmem>>, vector<16xf32>,
    %broadcast_in_dim3A_1326 = arith.constant 192 : i32
    %broadcast_in_dim3A_1327 = vector.broadcast %broadcast_in_dim3A_1326 : i32 to vector<16xi32>
    %broadcast_in_dim3A_1328 = arith.constant 1536 : i32
    %broadcast_in_dim3A_1329 = vector.broadcast %broadcast_in_dim3A_1328 : i32 to vector<16xi32>
    %mul3A_1330 = arith.constant 2 : i32
    %mul3A_1331 = vector.broadcast %mul3A_1330 : i32 to vector<16xi32>
    %mul3A_1332 = arith.muli %iota3A, %mul3A_1331 : vector<16xi32>
    %add3A_1333 = arith.addi %broadcast_in_dim3A_1329, %mul3A_1332 : vector<16xi32>
    %gather3A_1334 = tpu.vector_load_idx %arg6[%add3A_1333] : memref<3072xf32, #tpu.memory_space<vmem>>[vector<16xi32>], vector<16xf32>,
    %gather3A_1335 = tpu.vector_load_idx %arg7[%add3A_1333] : memref<3072xi32, #tpu.memory_space<vmem>>[vector<16xi32>], vector<16xi32>,
    %add3A_1336 = arith.constant 1 : i32
    %add3A_1337 = vector.broadcast %add3A_1336 : i32 to vector<16xi32>
    %add3A_1338 = arith.addi %add3A_1333, %add3A_1337 : vector<16xi32>
    %gather3A_1339 = tpu.vector_load_idx %arg6[%add3A_1338] : memref<3072xf32, #tpu.memory_space<vmem>>[vector<16xi32>], vector<16xf32>,
    %add3A_1340 = arith.constant 1 : i32
    %add3A_1341 = vector.broadcast %add3A_1340 : i32 to vector<16xi32>
    %add3A_1342 = arith.addi %add3A_1333, %add3A_1341 : vector<16xi32>
    %gather3A_1343 = tpu.vector_load_idx %arg7[%add3A_1342] : memref<3072xi32, #tpu.memory_space<vmem>>[vector<16xi32>], vector<16xi32>,
    %add3A_1344 = arith.addi %broadcast_in_dim3A_1327, %gather3A_1335 : vector<16xi32>
    %gather3A_1345 = tpu.vector_load_idx %arg8[%add3A_1344] : memref<384xf32, #tpu.memory_space<vmem>>[vector<16xi32>], vector<16xf32>,
    %add3A_1346 = arith.addi %broadcast_in_dim3A_1327, %gather3A_1343 : vector<16xi32>
    %gather3A_1347 = tpu.vector_load_idx %arg8[%add3A_1346] : memref<384xf32, #tpu.memory_space<vmem>>[vector<16xi32>], vector<16xf32>,
    %mul3A_1348 = arith.mulf %gather3A_1334, %gather3A_1345 : vector<16xf32>
    %mul3A_1349 = arith.mulf %gather3A_1339, %gather3A_1347 : vector<16xf32>
    %add3A_1350 = arith.addf %mul3A_1348, %mul3A_1349 : vector<16xf32>
    %swap3A_1351 = arith.constant 12 : i32
    %swap3A_1352 = arith.index_cast %swap3A_1351 : i32 to index
    %swap3A_1353 = arith.constant 0 : index
    %swap3A_1354 = tpu.vector_load %arg9[%swap3A_1352, %swap3A_1353] {strides = array<i32>} : memref<24x64xf32, #tpu.memory_space<vmem>>, vector<16xf32>,
    tpu.vector_store %arg9[%swap3A_1352, %swap3A_1353], %add3A_1350 {strides = array<i32>} : memref<24x64xf32, #tpu.memory_space<vmem>>, vector<16xf32>,
    %broadcast_in_dim3A_1355 = arith.constant 1568 : i32
    %broadcast_in_dim3A_1356 = vector.broadcast %broadcast_in_dim3A_1355 : i32 to vector<16xi32>
    %mul3A_1357 = arith.constant 2 : i32
    %mul3A_1358 = vector.broadcast %mul3A_1357 : i32 to vector<16xi32>
    %mul3A_1359 = arith.muli %iota3A, %mul3A_1358 : vector<16xi32>
    %add3A_1360 = arith.addi %broadcast_in_dim3A_1356, %mul3A_1359 : vector<16xi32>
    %gather3A_1361 = tpu.vector_load_idx %arg6[%add3A_1360] : memref<3072xf32, #tpu.memory_space<vmem>>[vector<16xi32>], vector<16xf32>,
    %gather3A_1362 = tpu.vector_load_idx %arg7[%add3A_1360] : memref<3072xi32, #tpu.memory_space<vmem>>[vector<16xi32>], vector<16xi32>,
    %add3A_1363 = arith.constant 1 : i32
    %add3A_1364 = vector.broadcast %add3A_1363 : i32 to vector<16xi32>
    %add3A_1365 = arith.addi %add3A_1360, %add3A_1364 : vector<16xi32>
    %gather3A_1366 = tpu.vector_load_idx %arg6[%add3A_1365] : memref<3072xf32, #tpu.memory_space<vmem>>[vector<16xi32>], vector<16xf32>,
    %add3A_1367 = arith.constant 1 : i32
    %add3A_1368 = vector.broadcast %add3A_1367 : i32 to vector<16xi32>
    %add3A_1369 = arith.addi %add3A_1360, %add3A_1368 : vector<16xi32>
    %gather3A_1370 = tpu.vector_load_idx %arg7[%add3A_1369] : memref<3072xi32, #tpu.memory_space<vmem>>[vector<16xi32>], vector<16xi32>,
    %add3A_1371 = arith.addi %broadcast_in_dim3A_1327, %gather3A_1362 : vector<16xi32>
    %gather3A_1372 = tpu.vector_load_idx %arg8[%add3A_1371] : memref<384xf32, #tpu.memory_space<vmem>>[vector<16xi32>], vector<16xf32>,
    %add3A_1373 = arith.addi %broadcast_in_dim3A_1327, %gather3A_1370 : vector<16xi32>
    %gather3A_1374 = tpu.vector_load_idx %arg8[%add3A_1373] : memref<384xf32, #tpu.memory_space<vmem>>[vector<16xi32>], vector<16xf32>,
    %mul3A_1375 = arith.mulf %gather3A_1361, %gather3A_1372 : vector<16xf32>
    %mul3A_1376 = arith.mulf %gather3A_1366, %gather3A_1374 : vector<16xf32>
    %add3A_1377 = arith.addf %mul3A_1375, %mul3A_1376 : vector<16xf32>
    %swap3A_1378 = arith.constant 12 : i32
    %swap3A_1379 = arith.index_cast %swap3A_1378 : i32 to index
    %swap3A_1380 = arith.constant 16 : index
    %swap3A_1381 = tpu.vector_load %arg9[%swap3A_1379, %swap3A_1380] {strides = array<i32>} : memref<24x64xf32, #tpu.memory_space<vmem>>, vector<16xf32>,
    tpu.vector_store %arg9[%swap3A_1379, %swap3A_1380], %add3A_1377 {strides = array<i32>} : memref<24x64xf32, #tpu.memory_space<vmem>>, vector<16xf32>,
    %broadcast_in_dim3A_1382 = arith.constant 1600 : i32
    %broadcast_in_dim3A_1383 = vector.broadcast %broadcast_in_dim3A_1382 : i32 to vector<16xi32>
    %mul3A_1384 = arith.constant 2 : i32
    %mul3A_1385 = vector.broadcast %mul3A_1384 : i32 to vector<16xi32>
    %mul3A_1386 = arith.muli %iota3A, %mul3A_1385 : vector<16xi32>
    %add3A_1387 = arith.addi %broadcast_in_dim3A_1383, %mul3A_1386 : vector<16xi32>
    %gather3A_1388 = tpu.vector_load_idx %arg6[%add3A_1387] : memref<3072xf32, #tpu.memory_space<vmem>>[vector<16xi32>], vector<16xf32>,
    %gather3A_1389 = tpu.vector_load_idx %arg7[%add3A_1387] : memref<3072xi32, #tpu.memory_space<vmem>>[vector<16xi32>], vector<16xi32>,
    %add3A_1390 = arith.constant 1 : i32
    %add3A_1391 = vector.broadcast %add3A_1390 : i32 to vector<16xi32>
    %add3A_1392 = arith.addi %add3A_1387, %add3A_1391 : vector<16xi32>
    %gather3A_1393 = tpu.vector_load_idx %arg6[%add3A_1392] : memref<3072xf32, #tpu.memory_space<vmem>>[vector<16xi32>], vector<16xf32>,
    %add3A_1394 = arith.constant 1 : i32
    %add3A_1395 = vector.broadcast %add3A_1394 : i32 to vector<16xi32>
    %add3A_1396 = arith.addi %add3A_1387, %add3A_1395 : vector<16xi32>
    %gather3A_1397 = tpu.vector_load_idx %arg7[%add3A_1396] : memref<3072xi32, #tpu.memory_space<vmem>>[vector<16xi32>], vector<16xi32>,
    %add3A_1398 = arith.addi %broadcast_in_dim3A_1327, %gather3A_1389 : vector<16xi32>
    %gather3A_1399 = tpu.vector_load_idx %arg8[%add3A_1398] : memref<384xf32, #tpu.memory_space<vmem>>[vector<16xi32>], vector<16xf32>,
    %add3A_1400 = arith.addi %broadcast_in_dim3A_1327, %gather3A_1397 : vector<16xi32>
    %gather3A_1401 = tpu.vector_load_idx %arg8[%add3A_1400] : memref<384xf32, #tpu.memory_space<vmem>>[vector<16xi32>], vector<16xf32>,
    %mul3A_1402 = arith.mulf %gather3A_1388, %gather3A_1399 : vector<16xf32>
    %mul3A_1403 = arith.mulf %gather3A_1393, %gather3A_1401 : vector<16xf32>
    %add3A_1404 = arith.addf %mul3A_1402, %mul3A_1403 : vector<16xf32>
    %swap3A_1405 = arith.constant 12 : i32
    %swap3A_1406 = arith.index_cast %swap3A_1405 : i32 to index
    %swap3A_1407 = arith.constant 32 : index
    %swap3A_1408 = tpu.vector_load %arg9[%swap3A_1406, %swap3A_1407] {strides = array<i32>} : memref<24x64xf32, #tpu.memory_space<vmem>>, vector<16xf32>,
    tpu.vector_store %arg9[%swap3A_1406, %swap3A_1407], %add3A_1404 {strides = array<i32>} : memref<24x64xf32, #tpu.memory_space<vmem>>, vector<16xf32>,
    %broadcast_in_dim3A_1409 = arith.constant 1632 : i32
    %broadcast_in_dim3A_1410 = vector.broadcast %broadcast_in_dim3A_1409 : i32 to vector<16xi32>
    %mul3A_1411 = arith.constant 2 : i32
    %mul3A_1412 = vector.broadcast %mul3A_1411 : i32 to vector<16xi32>
    %mul3A_1413 = arith.muli %iota3A, %mul3A_1412 : vector<16xi32>
    %add3A_1414 = arith.addi %broadcast_in_dim3A_1410, %mul3A_1413 : vector<16xi32>
    %gather3A_1415 = tpu.vector_load_idx %arg6[%add3A_1414] : memref<3072xf32, #tpu.memory_space<vmem>>[vector<16xi32>], vector<16xf32>,
    %gather3A_1416 = tpu.vector_load_idx %arg7[%add3A_1414] : memref<3072xi32, #tpu.memory_space<vmem>>[vector<16xi32>], vector<16xi32>,
    %add3A_1417 = arith.constant 1 : i32
    %add3A_1418 = vector.broadcast %add3A_1417 : i32 to vector<16xi32>
    %add3A_1419 = arith.addi %add3A_1414, %add3A_1418 : vector<16xi32>
    %gather3A_1420 = tpu.vector_load_idx %arg6[%add3A_1419] : memref<3072xf32, #tpu.memory_space<vmem>>[vector<16xi32>], vector<16xf32>,
    %add3A_1421 = arith.constant 1 : i32
    %add3A_1422 = vector.broadcast %add3A_1421 : i32 to vector<16xi32>
    %add3A_1423 = arith.addi %add3A_1414, %add3A_1422 : vector<16xi32>
    %gather3A_1424 = tpu.vector_load_idx %arg7[%add3A_1423] : memref<3072xi32, #tpu.memory_space<vmem>>[vector<16xi32>], vector<16xi32>,
    %add3A_1425 = arith.addi %broadcast_in_dim3A_1327, %gather3A_1416 : vector<16xi32>
    %gather3A_1426 = tpu.vector_load_idx %arg8[%add3A_1425] : memref<384xf32, #tpu.memory_space<vmem>>[vector<16xi32>], vector<16xf32>,
    %add3A_1427 = arith.addi %broadcast_in_dim3A_1327, %gather3A_1424 : vector<16xi32>
    %gather3A_1428 = tpu.vector_load_idx %arg8[%add3A_1427] : memref<384xf32, #tpu.memory_space<vmem>>[vector<16xi32>], vector<16xf32>,
    %mul3A_1429 = arith.mulf %gather3A_1415, %gather3A_1426 : vector<16xf32>
    %mul3A_1430 = arith.mulf %gather3A_1420, %gather3A_1428 : vector<16xf32>
    %add3A_1431 = arith.addf %mul3A_1429, %mul3A_1430 : vector<16xf32>
    %swap3A_1432 = arith.constant 12 : i32
    %swap3A_1433 = arith.index_cast %swap3A_1432 : i32 to index
    %swap3A_1434 = arith.constant 48 : index
    %swap3A_1435 = tpu.vector_load %arg9[%swap3A_1433, %swap3A_1434] {strides = array<i32>} : memref<24x64xf32, #tpu.memory_space<vmem>>, vector<16xf32>,
    tpu.vector_store %arg9[%swap3A_1433, %swap3A_1434], %add3A_1431 {strides = array<i32>} : memref<24x64xf32, #tpu.memory_space<vmem>>, vector<16xf32>,
    %broadcast_in_dim3A_1436 = arith.constant 208 : i32
    %broadcast_in_dim3A_1437 = vector.broadcast %broadcast_in_dim3A_1436 : i32 to vector<16xi32>
    %broadcast_in_dim3A_1438 = arith.constant 1664 : i32
    %broadcast_in_dim3A_1439 = vector.broadcast %broadcast_in_dim3A_1438 : i32 to vector<16xi32>
    %mul3A_1440 = arith.constant 2 : i32
    %mul3A_1441 = vector.broadcast %mul3A_1440 : i32 to vector<16xi32>
    %mul3A_1442 = arith.muli %iota3A, %mul3A_1441 : vector<16xi32>
    %add3A_1443 = arith.addi %broadcast_in_dim3A_1439, %mul3A_1442 : vector<16xi32>
    %gather3A_1444 = tpu.vector_load_idx %arg6[%add3A_1443] : memref<3072xf32, #tpu.memory_space<vmem>>[vector<16xi32>], vector<16xf32>,
    %gather3A_1445 = tpu.vector_load_idx %arg7[%add3A_1443] : memref<3072xi32, #tpu.memory_space<vmem>>[vector<16xi32>], vector<16xi32>,
    %add3A_1446 = arith.constant 1 : i32
    %add3A_1447 = vector.broadcast %add3A_1446 : i32 to vector<16xi32>
    %add3A_1448 = arith.addi %add3A_1443, %add3A_1447 : vector<16xi32>
    %gather3A_1449 = tpu.vector_load_idx %arg6[%add3A_1448] : memref<3072xf32, #tpu.memory_space<vmem>>[vector<16xi32>], vector<16xf32>,
    %add3A_1450 = arith.constant 1 : i32
    %add3A_1451 = vector.broadcast %add3A_1450 : i32 to vector<16xi32>
    %add3A_1452 = arith.addi %add3A_1443, %add3A_1451 : vector<16xi32>
    %gather3A_1453 = tpu.vector_load_idx %arg7[%add3A_1452] : memref<3072xi32, #tpu.memory_space<vmem>>[vector<16xi32>], vector<16xi32>,
    %add3A_1454 = arith.addi %broadcast_in_dim3A_1437, %gather3A_1445 : vector<16xi32>
    %gather3A_1455 = tpu.vector_load_idx %arg8[%add3A_1454] : memref<384xf32, #tpu.memory_space<vmem>>[vector<16xi32>], vector<16xf32>,
    %add3A_1456 = arith.addi %broadcast_in_dim3A_1437, %gather3A_1453 : vector<16xi32>
    %gather3A_1457 = tpu.vector_load_idx %arg8[%add3A_1456] : memref<384xf32, #tpu.memory_space<vmem>>[vector<16xi32>], vector<16xf32>,
    %mul3A_1458 = arith.mulf %gather3A_1444, %gather3A_1455 : vector<16xf32>
    %mul3A_1459 = arith.mulf %gather3A_1449, %gather3A_1457 : vector<16xf32>
    %add3A_1460 = arith.addf %mul3A_1458, %mul3A_1459 : vector<16xf32>
    %swap3A_1461 = arith.constant 13 : i32
    %swap3A_1462 = arith.index_cast %swap3A_1461 : i32 to index
    %swap3A_1463 = arith.constant 0 : index
    %swap3A_1464 = tpu.vector_load %arg9[%swap3A_1462, %swap3A_1463] {strides = array<i32>} : memref<24x64xf32, #tpu.memory_space<vmem>>, vector<16xf32>,
    tpu.vector_store %arg9[%swap3A_1462, %swap3A_1463], %add3A_1460 {strides = array<i32>} : memref<24x64xf32, #tpu.memory_space<vmem>>, vector<16xf32>,
    %broadcast_in_dim3A_1465 = arith.constant 1696 : i32
    %broadcast_in_dim3A_1466 = vector.broadcast %broadcast_in_dim3A_1465 : i32 to vector<16xi32>
    %mul3A_1467 = arith.constant 2 : i32
    %mul3A_1468 = vector.broadcast %mul3A_1467 : i32 to vector<16xi32>
    %mul3A_1469 = arith.muli %iota3A, %mul3A_1468 : vector<16xi32>
    %add3A_1470 = arith.addi %broadcast_in_dim3A_1466, %mul3A_1469 : vector<16xi32>
    %gather3A_1471 = tpu.vector_load_idx %arg6[%add3A_1470] : memref<3072xf32, #tpu.memory_space<vmem>>[vector<16xi32>], vector<16xf32>,
    %gather3A_1472 = tpu.vector_load_idx %arg7[%add3A_1470] : memref<3072xi32, #tpu.memory_space<vmem>>[vector<16xi32>], vector<16xi32>,
    %add3A_1473 = arith.constant 1 : i32
    %add3A_1474 = vector.broadcast %add3A_1473 : i32 to vector<16xi32>
    %add3A_1475 = arith.addi %add3A_1470, %add3A_1474 : vector<16xi32>
    %gather3A_1476 = tpu.vector_load_idx %arg6[%add3A_1475] : memref<3072xf32, #tpu.memory_space<vmem>>[vector<16xi32>], vector<16xf32>,
    %add3A_1477 = arith.constant 1 : i32
    %add3A_1478 = vector.broadcast %add3A_1477 : i32 to vector<16xi32>
    %add3A_1479 = arith.addi %add3A_1470, %add3A_1478 : vector<16xi32>
    %gather3A_1480 = tpu.vector_load_idx %arg7[%add3A_1479] : memref<3072xi32, #tpu.memory_space<vmem>>[vector<16xi32>], vector<16xi32>,
    %add3A_1481 = arith.addi %broadcast_in_dim3A_1437, %gather3A_1472 : vector<16xi32>
    %gather3A_1482 = tpu.vector_load_idx %arg8[%add3A_1481] : memref<384xf32, #tpu.memory_space<vmem>>[vector<16xi32>], vector<16xf32>,
    %add3A_1483 = arith.addi %broadcast_in_dim3A_1437, %gather3A_1480 : vector<16xi32>
    %gather3A_1484 = tpu.vector_load_idx %arg8[%add3A_1483] : memref<384xf32, #tpu.memory_space<vmem>>[vector<16xi32>], vector<16xf32>,
    %mul3A_1485 = arith.mulf %gather3A_1471, %gather3A_1482 : vector<16xf32>
    %mul3A_1486 = arith.mulf %gather3A_1476, %gather3A_1484 : vector<16xf32>
    %add3A_1487 = arith.addf %mul3A_1485, %mul3A_1486 : vector<16xf32>
    %swap3A_1488 = arith.constant 13 : i32
    %swap3A_1489 = arith.index_cast %swap3A_1488 : i32 to index
    %swap3A_1490 = arith.constant 16 : index
    %swap3A_1491 = tpu.vector_load %arg9[%swap3A_1489, %swap3A_1490] {strides = array<i32>} : memref<24x64xf32, #tpu.memory_space<vmem>>, vector<16xf32>,
    tpu.vector_store %arg9[%swap3A_1489, %swap3A_1490], %add3A_1487 {strides = array<i32>} : memref<24x64xf32, #tpu.memory_space<vmem>>, vector<16xf32>,
    %broadcast_in_dim3A_1492 = arith.constant 1728 : i32
    %broadcast_in_dim3A_1493 = vector.broadcast %broadcast_in_dim3A_1492 : i32 to vector<16xi32>
    %mul3A_1494 = arith.constant 2 : i32
    %mul3A_1495 = vector.broadcast %mul3A_1494 : i32 to vector<16xi32>
    %mul3A_1496 = arith.muli %iota3A, %mul3A_1495 : vector<16xi32>
    %add3A_1497 = arith.addi %broadcast_in_dim3A_1493, %mul3A_1496 : vector<16xi32>
    %gather3A_1498 = tpu.vector_load_idx %arg6[%add3A_1497] : memref<3072xf32, #tpu.memory_space<vmem>>[vector<16xi32>], vector<16xf32>,
    %gather3A_1499 = tpu.vector_load_idx %arg7[%add3A_1497] : memref<3072xi32, #tpu.memory_space<vmem>>[vector<16xi32>], vector<16xi32>,
    %add3A_1500 = arith.constant 1 : i32
    %add3A_1501 = vector.broadcast %add3A_1500 : i32 to vector<16xi32>
    %add3A_1502 = arith.addi %add3A_1497, %add3A_1501 : vector<16xi32>
    %gather3A_1503 = tpu.vector_load_idx %arg6[%add3A_1502] : memref<3072xf32, #tpu.memory_space<vmem>>[vector<16xi32>], vector<16xf32>,
    %add3A_1504 = arith.constant 1 : i32
    %add3A_1505 = vector.broadcast %add3A_1504 : i32 to vector<16xi32>
    %add3A_1506 = arith.addi %add3A_1497, %add3A_1505 : vector<16xi32>
    %gather3A_1507 = tpu.vector_load_idx %arg7[%add3A_1506] : memref<3072xi32, #tpu.memory_space<vmem>>[vector<16xi32>], vector<16xi32>,
    %add3A_1508 = arith.addi %broadcast_in_dim3A_1437, %gather3A_1499 : vector<16xi32>
    %gather3A_1509 = tpu.vector_load_idx %arg8[%add3A_1508] : memref<384xf32, #tpu.memory_space<vmem>>[vector<16xi32>], vector<16xf32>,
    %add3A_1510 = arith.addi %broadcast_in_dim3A_1437, %gather3A_1507 : vector<16xi32>
    %gather3A_1511 = tpu.vector_load_idx %arg8[%add3A_1510] : memref<384xf32, #tpu.memory_space<vmem>>[vector<16xi32>], vector<16xf32>,
    %mul3A_1512 = arith.mulf %gather3A_1498, %gather3A_1509 : vector<16xf32>
    %mul3A_1513 = arith.mulf %gather3A_1503, %gather3A_1511 : vector<16xf32>
    %add3A_1514 = arith.addf %mul3A_1512, %mul3A_1513 : vector<16xf32>
    %swap3A_1515 = arith.constant 13 : i32
    %swap3A_1516 = arith.index_cast %swap3A_1515 : i32 to index
    %swap3A_1517 = arith.constant 32 : index
    %swap3A_1518 = tpu.vector_load %arg9[%swap3A_1516, %swap3A_1517] {strides = array<i32>} : memref<24x64xf32, #tpu.memory_space<vmem>>, vector<16xf32>,
    tpu.vector_store %arg9[%swap3A_1516, %swap3A_1517], %add3A_1514 {strides = array<i32>} : memref<24x64xf32, #tpu.memory_space<vmem>>, vector<16xf32>,
    %broadcast_in_dim3A_1519 = arith.constant 1760 : i32
    %broadcast_in_dim3A_1520 = vector.broadcast %broadcast_in_dim3A_1519 : i32 to vector<16xi32>
    %mul3A_1521 = arith.constant 2 : i32
    %mul3A_1522 = vector.broadcast %mul3A_1521 : i32 to vector<16xi32>
    %mul3A_1523 = arith.muli %iota3A, %mul3A_1522 : vector<16xi32>
    %add3A_1524 = arith.addi %broadcast_in_dim3A_1520, %mul3A_1523 : vector<16xi32>
    %gather3A_1525 = tpu.vector_load_idx %arg6[%add3A_1524] : memref<3072xf32, #tpu.memory_space<vmem>>[vector<16xi32>], vector<16xf32>,
    %gather3A_1526 = tpu.vector_load_idx %arg7[%add3A_1524] : memref<3072xi32, #tpu.memory_space<vmem>>[vector<16xi32>], vector<16xi32>,
    %add3A_1527 = arith.constant 1 : i32
    %add3A_1528 = vector.broadcast %add3A_1527 : i32 to vector<16xi32>
    %add3A_1529 = arith.addi %add3A_1524, %add3A_1528 : vector<16xi32>
    %gather3A_1530 = tpu.vector_load_idx %arg6[%add3A_1529] : memref<3072xf32, #tpu.memory_space<vmem>>[vector<16xi32>], vector<16xf32>,
    %add3A_1531 = arith.constant 1 : i32
    %add3A_1532 = vector.broadcast %add3A_1531 : i32 to vector<16xi32>
    %add3A_1533 = arith.addi %add3A_1524, %add3A_1532 : vector<16xi32>
    %gather3A_1534 = tpu.vector_load_idx %arg7[%add3A_1533] : memref<3072xi32, #tpu.memory_space<vmem>>[vector<16xi32>], vector<16xi32>,
    %add3A_1535 = arith.addi %broadcast_in_dim3A_1437, %gather3A_1526 : vector<16xi32>
    %gather3A_1536 = tpu.vector_load_idx %arg8[%add3A_1535] : memref<384xf32, #tpu.memory_space<vmem>>[vector<16xi32>], vector<16xf32>,
    %add3A_1537 = arith.addi %broadcast_in_dim3A_1437, %gather3A_1534 : vector<16xi32>
    %gather3A_1538 = tpu.vector_load_idx %arg8[%add3A_1537] : memref<384xf32, #tpu.memory_space<vmem>>[vector<16xi32>], vector<16xf32>,
    %mul3A_1539 = arith.mulf %gather3A_1525, %gather3A_1536 : vector<16xf32>
    %mul3A_1540 = arith.mulf %gather3A_1530, %gather3A_1538 : vector<16xf32>
    %add3A_1541 = arith.addf %mul3A_1539, %mul3A_1540 : vector<16xf32>
    %swap3A_1542 = arith.constant 13 : i32
    %swap3A_1543 = arith.index_cast %swap3A_1542 : i32 to index
    %swap3A_1544 = arith.constant 48 : index
    %swap3A_1545 = tpu.vector_load %arg9[%swap3A_1543, %swap3A_1544] {strides = array<i32>} : memref<24x64xf32, #tpu.memory_space<vmem>>, vector<16xf32>,
    tpu.vector_store %arg9[%swap3A_1543, %swap3A_1544], %add3A_1541 {strides = array<i32>} : memref<24x64xf32, #tpu.memory_space<vmem>>, vector<16xf32>,
    %broadcast_in_dim3A_1546 = arith.constant 224 : i32
    %broadcast_in_dim3A_1547 = vector.broadcast %broadcast_in_dim3A_1546 : i32 to vector<16xi32>
    %broadcast_in_dim3A_1548 = arith.constant 1792 : i32
    %broadcast_in_dim3A_1549 = vector.broadcast %broadcast_in_dim3A_1548 : i32 to vector<16xi32>
    %mul3A_1550 = arith.constant 2 : i32
    %mul3A_1551 = vector.broadcast %mul3A_1550 : i32 to vector<16xi32>
    %mul3A_1552 = arith.muli %iota3A, %mul3A_1551 : vector<16xi32>
    %add3A_1553 = arith.addi %broadcast_in_dim3A_1549, %mul3A_1552 : vector<16xi32>
    %gather3A_1554 = tpu.vector_load_idx %arg6[%add3A_1553] : memref<3072xf32, #tpu.memory_space<vmem>>[vector<16xi32>], vector<16xf32>,
    %gather3A_1555 = tpu.vector_load_idx %arg7[%add3A_1553] : memref<3072xi32, #tpu.memory_space<vmem>>[vector<16xi32>], vector<16xi32>,
    %add3A_1556 = arith.constant 1 : i32
    %add3A_1557 = vector.broadcast %add3A_1556 : i32 to vector<16xi32>
    %add3A_1558 = arith.addi %add3A_1553, %add3A_1557 : vector<16xi32>
    %gather3A_1559 = tpu.vector_load_idx %arg6[%add3A_1558] : memref<3072xf32, #tpu.memory_space<vmem>>[vector<16xi32>], vector<16xf32>,
    %add3A_1560 = arith.constant 1 : i32
    %add3A_1561 = vector.broadcast %add3A_1560 : i32 to vector<16xi32>
    %add3A_1562 = arith.addi %add3A_1553, %add3A_1561 : vector<16xi32>
    %gather3A_1563 = tpu.vector_load_idx %arg7[%add3A_1562] : memref<3072xi32, #tpu.memory_space<vmem>>[vector<16xi32>], vector<16xi32>,
    %add3A_1564 = arith.addi %broadcast_in_dim3A_1547, %gather3A_1555 : vector<16xi32>
    %gather3A_1565 = tpu.vector_load_idx %arg8[%add3A_1564] : memref<384xf32, #tpu.memory_space<vmem>>[vector<16xi32>], vector<16xf32>,
    %add3A_1566 = arith.addi %broadcast_in_dim3A_1547, %gather3A_1563 : vector<16xi32>
    %gather3A_1567 = tpu.vector_load_idx %arg8[%add3A_1566] : memref<384xf32, #tpu.memory_space<vmem>>[vector<16xi32>], vector<16xf32>,
    %mul3A_1568 = arith.mulf %gather3A_1554, %gather3A_1565 : vector<16xf32>
    %mul3A_1569 = arith.mulf %gather3A_1559, %gather3A_1567 : vector<16xf32>
    %add3A_1570 = arith.addf %mul3A_1568, %mul3A_1569 : vector<16xf32>
    %swap3A_1571 = arith.constant 14 : i32
    %swap3A_1572 = arith.index_cast %swap3A_1571 : i32 to index
    %swap3A_1573 = arith.constant 0 : index
    %swap3A_1574 = tpu.vector_load %arg9[%swap3A_1572, %swap3A_1573] {strides = array<i32>} : memref<24x64xf32, #tpu.memory_space<vmem>>, vector<16xf32>,
    tpu.vector_store %arg9[%swap3A_1572, %swap3A_1573], %add3A_1570 {strides = array<i32>} : memref<24x64xf32, #tpu.memory_space<vmem>>, vector<16xf32>,
    %broadcast_in_dim3A_1575 = arith.constant 1824 : i32
    %broadcast_in_dim3A_1576 = vector.broadcast %broadcast_in_dim3A_1575 : i32 to vector<16xi32>
    %mul3A_1577 = arith.constant 2 : i32
    %mul3A_1578 = vector.broadcast %mul3A_1577 : i32 to vector<16xi32>
    %mul3A_1579 = arith.muli %iota3A, %mul3A_1578 : vector<16xi32>
    %add3A_1580 = arith.addi %broadcast_in_dim3A_1576, %mul3A_1579 : vector<16xi32>
    %gather3A_1581 = tpu.vector_load_idx %arg6[%add3A_1580] : memref<3072xf32, #tpu.memory_space<vmem>>[vector<16xi32>], vector<16xf32>,
    %gather3A_1582 = tpu.vector_load_idx %arg7[%add3A_1580] : memref<3072xi32, #tpu.memory_space<vmem>>[vector<16xi32>], vector<16xi32>,
    %add3A_1583 = arith.constant 1 : i32
    %add3A_1584 = vector.broadcast %add3A_1583 : i32 to vector<16xi32>
    %add3A_1585 = arith.addi %add3A_1580, %add3A_1584 : vector<16xi32>
    %gather3A_1586 = tpu.vector_load_idx %arg6[%add3A_1585] : memref<3072xf32, #tpu.memory_space<vmem>>[vector<16xi32>], vector<16xf32>,
    %add3A_1587 = arith.constant 1 : i32
    %add3A_1588 = vector.broadcast %add3A_1587 : i32 to vector<16xi32>
    %add3A_1589 = arith.addi %add3A_1580, %add3A_1588 : vector<16xi32>
    %gather3A_1590 = tpu.vector_load_idx %arg7[%add3A_1589] : memref<3072xi32, #tpu.memory_space<vmem>>[vector<16xi32>], vector<16xi32>,
    %add3A_1591 = arith.addi %broadcast_in_dim3A_1547, %gather3A_1582 : vector<16xi32>
    %gather3A_1592 = tpu.vector_load_idx %arg8[%add3A_1591] : memref<384xf32, #tpu.memory_space<vmem>>[vector<16xi32>], vector<16xf32>,
    %add3A_1593 = arith.addi %broadcast_in_dim3A_1547, %gather3A_1590 : vector<16xi32>
    %gather3A_1594 = tpu.vector_load_idx %arg8[%add3A_1593] : memref<384xf32, #tpu.memory_space<vmem>>[vector<16xi32>], vector<16xf32>,
    %mul3A_1595 = arith.mulf %gather3A_1581, %gather3A_1592 : vector<16xf32>
    %mul3A_1596 = arith.mulf %gather3A_1586, %gather3A_1594 : vector<16xf32>
    %add3A_1597 = arith.addf %mul3A_1595, %mul3A_1596 : vector<16xf32>
    %swap3A_1598 = arith.constant 14 : i32
    %swap3A_1599 = arith.index_cast %swap3A_1598 : i32 to index
    %swap3A_1600 = arith.constant 16 : index
    %swap3A_1601 = tpu.vector_load %arg9[%swap3A_1599, %swap3A_1600] {strides = array<i32>} : memref<24x64xf32, #tpu.memory_space<vmem>>, vector<16xf32>,
    tpu.vector_store %arg9[%swap3A_1599, %swap3A_1600], %add3A_1597 {strides = array<i32>} : memref<24x64xf32, #tpu.memory_space<vmem>>, vector<16xf32>,
    %broadcast_in_dim3A_1602 = arith.constant 1856 : i32
    %broadcast_in_dim3A_1603 = vector.broadcast %broadcast_in_dim3A_1602 : i32 to vector<16xi32>
    %mul3A_1604 = arith.constant 2 : i32
    %mul3A_1605 = vector.broadcast %mul3A_1604 : i32 to vector<16xi32>
    %mul3A_1606 = arith.muli %iota3A, %mul3A_1605 : vector<16xi32>
    %add3A_1607 = arith.addi %broadcast_in_dim3A_1603, %mul3A_1606 : vector<16xi32>
    %gather3A_1608 = tpu.vector_load_idx %arg6[%add3A_1607] : memref<3072xf32, #tpu.memory_space<vmem>>[vector<16xi32>], vector<16xf32>,
    %gather3A_1609 = tpu.vector_load_idx %arg7[%add3A_1607] : memref<3072xi32, #tpu.memory_space<vmem>>[vector<16xi32>], vector<16xi32>,
    %add3A_1610 = arith.constant 1 : i32
    %add3A_1611 = vector.broadcast %add3A_1610 : i32 to vector<16xi32>
    %add3A_1612 = arith.addi %add3A_1607, %add3A_1611 : vector<16xi32>
    %gather3A_1613 = tpu.vector_load_idx %arg6[%add3A_1612] : memref<3072xf32, #tpu.memory_space<vmem>>[vector<16xi32>], vector<16xf32>,
    %add3A_1614 = arith.constant 1 : i32
    %add3A_1615 = vector.broadcast %add3A_1614 : i32 to vector<16xi32>
    %add3A_1616 = arith.addi %add3A_1607, %add3A_1615 : vector<16xi32>
    %gather3A_1617 = tpu.vector_load_idx %arg7[%add3A_1616] : memref<3072xi32, #tpu.memory_space<vmem>>[vector<16xi32>], vector<16xi32>,
    %add3A_1618 = arith.addi %broadcast_in_dim3A_1547, %gather3A_1609 : vector<16xi32>
    %gather3A_1619 = tpu.vector_load_idx %arg8[%add3A_1618] : memref<384xf32, #tpu.memory_space<vmem>>[vector<16xi32>], vector<16xf32>,
    %add3A_1620 = arith.addi %broadcast_in_dim3A_1547, %gather3A_1617 : vector<16xi32>
    %gather3A_1621 = tpu.vector_load_idx %arg8[%add3A_1620] : memref<384xf32, #tpu.memory_space<vmem>>[vector<16xi32>], vector<16xf32>,
    %mul3A_1622 = arith.mulf %gather3A_1608, %gather3A_1619 : vector<16xf32>
    %mul3A_1623 = arith.mulf %gather3A_1613, %gather3A_1621 : vector<16xf32>
    %add3A_1624 = arith.addf %mul3A_1622, %mul3A_1623 : vector<16xf32>
    %swap3A_1625 = arith.constant 14 : i32
    %swap3A_1626 = arith.index_cast %swap3A_1625 : i32 to index
    %swap3A_1627 = arith.constant 32 : index
    %swap3A_1628 = tpu.vector_load %arg9[%swap3A_1626, %swap3A_1627] {strides = array<i32>} : memref<24x64xf32, #tpu.memory_space<vmem>>, vector<16xf32>,
    tpu.vector_store %arg9[%swap3A_1626, %swap3A_1627], %add3A_1624 {strides = array<i32>} : memref<24x64xf32, #tpu.memory_space<vmem>>, vector<16xf32>,
    %broadcast_in_dim3A_1629 = arith.constant 1888 : i32
    %broadcast_in_dim3A_1630 = vector.broadcast %broadcast_in_dim3A_1629 : i32 to vector<16xi32>
    %mul3A_1631 = arith.constant 2 : i32
    %mul3A_1632 = vector.broadcast %mul3A_1631 : i32 to vector<16xi32>
    %mul3A_1633 = arith.muli %iota3A, %mul3A_1632 : vector<16xi32>
    %add3A_1634 = arith.addi %broadcast_in_dim3A_1630, %mul3A_1633 : vector<16xi32>
    %gather3A_1635 = tpu.vector_load_idx %arg6[%add3A_1634] : memref<3072xf32, #tpu.memory_space<vmem>>[vector<16xi32>], vector<16xf32>,
    %gather3A_1636 = tpu.vector_load_idx %arg7[%add3A_1634] : memref<3072xi32, #tpu.memory_space<vmem>>[vector<16xi32>], vector<16xi32>,
    %add3A_1637 = arith.constant 1 : i32
    %add3A_1638 = vector.broadcast %add3A_1637 : i32 to vector<16xi32>
    %add3A_1639 = arith.addi %add3A_1634, %add3A_1638 : vector<16xi32>
    %gather3A_1640 = tpu.vector_load_idx %arg6[%add3A_1639] : memref<3072xf32, #tpu.memory_space<vmem>>[vector<16xi32>], vector<16xf32>,
    %add3A_1641 = arith.constant 1 : i32
    %add3A_1642 = vector.broadcast %add3A_1641 : i32 to vector<16xi32>
    %add3A_1643 = arith.addi %add3A_1634, %add3A_1642 : vector<16xi32>
    %gather3A_1644 = tpu.vector_load_idx %arg7[%add3A_1643] : memref<3072xi32, #tpu.memory_space<vmem>>[vector<16xi32>], vector<16xi32>,
    %add3A_1645 = arith.addi %broadcast_in_dim3A_1547, %gather3A_1636 : vector<16xi32>
    %gather3A_1646 = tpu.vector_load_idx %arg8[%add3A_1645] : memref<384xf32, #tpu.memory_space<vmem>>[vector<16xi32>], vector<16xf32>,
    %add3A_1647 = arith.addi %broadcast_in_dim3A_1547, %gather3A_1644 : vector<16xi32>
    %gather3A_1648 = tpu.vector_load_idx %arg8[%add3A_1647] : memref<384xf32, #tpu.memory_space<vmem>>[vector<16xi32>], vector<16xf32>,
    %mul3A_1649 = arith.mulf %gather3A_1635, %gather3A_1646 : vector<16xf32>
    %mul3A_1650 = arith.mulf %gather3A_1640, %gather3A_1648 : vector<16xf32>
    %add3A_1651 = arith.addf %mul3A_1649, %mul3A_1650 : vector<16xf32>
    %swap3A_1652 = arith.constant 14 : i32
    %swap3A_1653 = arith.index_cast %swap3A_1652 : i32 to index
    %swap3A_1654 = arith.constant 48 : index
    %swap3A_1655 = tpu.vector_load %arg9[%swap3A_1653, %swap3A_1654] {strides = array<i32>} : memref<24x64xf32, #tpu.memory_space<vmem>>, vector<16xf32>,
    tpu.vector_store %arg9[%swap3A_1653, %swap3A_1654], %add3A_1651 {strides = array<i32>} : memref<24x64xf32, #tpu.memory_space<vmem>>, vector<16xf32>,
    %broadcast_in_dim3A_1656 = arith.constant 240 : i32
    %broadcast_in_dim3A_1657 = vector.broadcast %broadcast_in_dim3A_1656 : i32 to vector<16xi32>
    %broadcast_in_dim3A_1658 = arith.constant 1920 : i32
    %broadcast_in_dim3A_1659 = vector.broadcast %broadcast_in_dim3A_1658 : i32 to vector<16xi32>
    %mul3A_1660 = arith.constant 2 : i32
    %mul3A_1661 = vector.broadcast %mul3A_1660 : i32 to vector<16xi32>
    %mul3A_1662 = arith.muli %iota3A, %mul3A_1661 : vector<16xi32>
    %add3A_1663 = arith.addi %broadcast_in_dim3A_1659, %mul3A_1662 : vector<16xi32>
    %gather3A_1664 = tpu.vector_load_idx %arg6[%add3A_1663] : memref<3072xf32, #tpu.memory_space<vmem>>[vector<16xi32>], vector<16xf32>,
    %gather3A_1665 = tpu.vector_load_idx %arg7[%add3A_1663] : memref<3072xi32, #tpu.memory_space<vmem>>[vector<16xi32>], vector<16xi32>,
    %add3A_1666 = arith.constant 1 : i32
    %add3A_1667 = vector.broadcast %add3A_1666 : i32 to vector<16xi32>
    %add3A_1668 = arith.addi %add3A_1663, %add3A_1667 : vector<16xi32>
    %gather3A_1669 = tpu.vector_load_idx %arg6[%add3A_1668] : memref<3072xf32, #tpu.memory_space<vmem>>[vector<16xi32>], vector<16xf32>,
    %add3A_1670 = arith.constant 1 : i32
    %add3A_1671 = vector.broadcast %add3A_1670 : i32 to vector<16xi32>
    %add3A_1672 = arith.addi %add3A_1663, %add3A_1671 : vector<16xi32>
    %gather3A_1673 = tpu.vector_load_idx %arg7[%add3A_1672] : memref<3072xi32, #tpu.memory_space<vmem>>[vector<16xi32>], vector<16xi32>,
    %add3A_1674 = arith.addi %broadcast_in_dim3A_1657, %gather3A_1665 : vector<16xi32>
    %gather3A_1675 = tpu.vector_load_idx %arg8[%add3A_1674] : memref<384xf32, #tpu.memory_space<vmem>>[vector<16xi32>], vector<16xf32>,
    %add3A_1676 = arith.addi %broadcast_in_dim3A_1657, %gather3A_1673 : vector<16xi32>
    %gather3A_1677 = tpu.vector_load_idx %arg8[%add3A_1676] : memref<384xf32, #tpu.memory_space<vmem>>[vector<16xi32>], vector<16xf32>,
    %mul3A_1678 = arith.mulf %gather3A_1664, %gather3A_1675 : vector<16xf32>
    %mul3A_1679 = arith.mulf %gather3A_1669, %gather3A_1677 : vector<16xf32>
    %add3A_1680 = arith.addf %mul3A_1678, %mul3A_1679 : vector<16xf32>
    %swap3A_1681 = arith.constant 15 : i32
    %swap3A_1682 = arith.index_cast %swap3A_1681 : i32 to index
    %swap3A_1683 = arith.constant 0 : index
    %swap3A_1684 = tpu.vector_load %arg9[%swap3A_1682, %swap3A_1683] {strides = array<i32>} : memref<24x64xf32, #tpu.memory_space<vmem>>, vector<16xf32>,
    tpu.vector_store %arg9[%swap3A_1682, %swap3A_1683], %add3A_1680 {strides = array<i32>} : memref<24x64xf32, #tpu.memory_space<vmem>>, vector<16xf32>,
    %broadcast_in_dim3A_1685 = arith.constant 1952 : i32
    %broadcast_in_dim3A_1686 = vector.broadcast %broadcast_in_dim3A_1685 : i32 to vector<16xi32>
    %mul3A_1687 = arith.constant 2 : i32
    %mul3A_1688 = vector.broadcast %mul3A_1687 : i32 to vector<16xi32>
    %mul3A_1689 = arith.muli %iota3A, %mul3A_1688 : vector<16xi32>
    %add3A_1690 = arith.addi %broadcast_in_dim3A_1686, %mul3A_1689 : vector<16xi32>
    %gather3A_1691 = tpu.vector_load_idx %arg6[%add3A_1690] : memref<3072xf32, #tpu.memory_space<vmem>>[vector<16xi32>], vector<16xf32>,
    %gather3A_1692 = tpu.vector_load_idx %arg7[%add3A_1690] : memref<3072xi32, #tpu.memory_space<vmem>>[vector<16xi32>], vector<16xi32>,
    %add3A_1693 = arith.constant 1 : i32
    %add3A_1694 = vector.broadcast %add3A_1693 : i32 to vector<16xi32>
    %add3A_1695 = arith.addi %add3A_1690, %add3A_1694 : vector<16xi32>
    %gather3A_1696 = tpu.vector_load_idx %arg6[%add3A_1695] : memref<3072xf32, #tpu.memory_space<vmem>>[vector<16xi32>], vector<16xf32>,
    %add3A_1697 = arith.constant 1 : i32
    %add3A_1698 = vector.broadcast %add3A_1697 : i32 to vector<16xi32>
    %add3A_1699 = arith.addi %add3A_1690, %add3A_1698 : vector<16xi32>
    %gather3A_1700 = tpu.vector_load_idx %arg7[%add3A_1699] : memref<3072xi32, #tpu.memory_space<vmem>>[vector<16xi32>], vector<16xi32>,
    %add3A_1701 = arith.addi %broadcast_in_dim3A_1657, %gather3A_1692 : vector<16xi32>
    %gather3A_1702 = tpu.vector_load_idx %arg8[%add3A_1701] : memref<384xf32, #tpu.memory_space<vmem>>[vector<16xi32>], vector<16xf32>,
    %add3A_1703 = arith.addi %broadcast_in_dim3A_1657, %gather3A_1700 : vector<16xi32>
    %gather3A_1704 = tpu.vector_load_idx %arg8[%add3A_1703] : memref<384xf32, #tpu.memory_space<vmem>>[vector<16xi32>], vector<16xf32>,
    %mul3A_1705 = arith.mulf %gather3A_1691, %gather3A_1702 : vector<16xf32>
    %mul3A_1706 = arith.mulf %gather3A_1696, %gather3A_1704 : vector<16xf32>
    %add3A_1707 = arith.addf %mul3A_1705, %mul3A_1706 : vector<16xf32>
    %swap3A_1708 = arith.constant 15 : i32
    %swap3A_1709 = arith.index_cast %swap3A_1708 : i32 to index
    %swap3A_1710 = arith.constant 16 : index
    %swap3A_1711 = tpu.vector_load %arg9[%swap3A_1709, %swap3A_1710] {strides = array<i32>} : memref<24x64xf32, #tpu.memory_space<vmem>>, vector<16xf32>,
    tpu.vector_store %arg9[%swap3A_1709, %swap3A_1710], %add3A_1707 {strides = array<i32>} : memref<24x64xf32, #tpu.memory_space<vmem>>, vector<16xf32>,
    %broadcast_in_dim3A_1712 = arith.constant 1984 : i32
    %broadcast_in_dim3A_1713 = vector.broadcast %broadcast_in_dim3A_1712 : i32 to vector<16xi32>
    %mul3A_1714 = arith.constant 2 : i32
    %mul3A_1715 = vector.broadcast %mul3A_1714 : i32 to vector<16xi32>
    %mul3A_1716 = arith.muli %iota3A, %mul3A_1715 : vector<16xi32>
    %add3A_1717 = arith.addi %broadcast_in_dim3A_1713, %mul3A_1716 : vector<16xi32>
    %gather3A_1718 = tpu.vector_load_idx %arg6[%add3A_1717] : memref<3072xf32, #tpu.memory_space<vmem>>[vector<16xi32>], vector<16xf32>,
    %gather3A_1719 = tpu.vector_load_idx %arg7[%add3A_1717] : memref<3072xi32, #tpu.memory_space<vmem>>[vector<16xi32>], vector<16xi32>,
    %add3A_1720 = arith.constant 1 : i32
    %add3A_1721 = vector.broadcast %add3A_1720 : i32 to vector<16xi32>
    %add3A_1722 = arith.addi %add3A_1717, %add3A_1721 : vector<16xi32>
    %gather3A_1723 = tpu.vector_load_idx %arg6[%add3A_1722] : memref<3072xf32, #tpu.memory_space<vmem>>[vector<16xi32>], vector<16xf32>,
    %add3A_1724 = arith.constant 1 : i32
    %add3A_1725 = vector.broadcast %add3A_1724 : i32 to vector<16xi32>
    %add3A_1726 = arith.addi %add3A_1717, %add3A_1725 : vector<16xi32>
    %gather3A_1727 = tpu.vector_load_idx %arg7[%add3A_1726] : memref<3072xi32, #tpu.memory_space<vmem>>[vector<16xi32>], vector<16xi32>,
    %add3A_1728 = arith.addi %broadcast_in_dim3A_1657, %gather3A_1719 : vector<16xi32>
    %gather3A_1729 = tpu.vector_load_idx %arg8[%add3A_1728] : memref<384xf32, #tpu.memory_space<vmem>>[vector<16xi32>], vector<16xf32>,
    %add3A_1730 = arith.addi %broadcast_in_dim3A_1657, %gather3A_1727 : vector<16xi32>
    %gather3A_1731 = tpu.vector_load_idx %arg8[%add3A_1730] : memref<384xf32, #tpu.memory_space<vmem>>[vector<16xi32>], vector<16xf32>,
    %mul3A_1732 = arith.mulf %gather3A_1718, %gather3A_1729 : vector<16xf32>
    %mul3A_1733 = arith.mulf %gather3A_1723, %gather3A_1731 : vector<16xf32>
    %add3A_1734 = arith.addf %mul3A_1732, %mul3A_1733 : vector<16xf32>
    %swap3A_1735 = arith.constant 15 : i32
    %swap3A_1736 = arith.index_cast %swap3A_1735 : i32 to index
    %swap3A_1737 = arith.constant 32 : index
    %swap3A_1738 = tpu.vector_load %arg9[%swap3A_1736, %swap3A_1737] {strides = array<i32>} : memref<24x64xf32, #tpu.memory_space<vmem>>, vector<16xf32>,
    tpu.vector_store %arg9[%swap3A_1736, %swap3A_1737], %add3A_1734 {strides = array<i32>} : memref<24x64xf32, #tpu.memory_space<vmem>>, vector<16xf32>,
    %broadcast_in_dim3A_1739 = arith.constant 2016 : i32
    %broadcast_in_dim3A_1740 = vector.broadcast %broadcast_in_dim3A_1739 : i32 to vector<16xi32>
    %mul3A_1741 = arith.constant 2 : i32
    %mul3A_1742 = vector.broadcast %mul3A_1741 : i32 to vector<16xi32>
    %mul3A_1743 = arith.muli %iota3A, %mul3A_1742 : vector<16xi32>
    %add3A_1744 = arith.addi %broadcast_in_dim3A_1740, %mul3A_1743 : vector<16xi32>
    %gather3A_1745 = tpu.vector_load_idx %arg6[%add3A_1744] : memref<3072xf32, #tpu.memory_space<vmem>>[vector<16xi32>], vector<16xf32>,
    %gather3A_1746 = tpu.vector_load_idx %arg7[%add3A_1744] : memref<3072xi32, #tpu.memory_space<vmem>>[vector<16xi32>], vector<16xi32>,
    %add3A_1747 = arith.constant 1 : i32
    %add3A_1748 = vector.broadcast %add3A_1747 : i32 to vector<16xi32>
    %add3A_1749 = arith.addi %add3A_1744, %add3A_1748 : vector<16xi32>
    %gather3A_1750 = tpu.vector_load_idx %arg6[%add3A_1749] : memref<3072xf32, #tpu.memory_space<vmem>>[vector<16xi32>], vector<16xf32>,
    %add3A_1751 = arith.constant 1 : i32
    %add3A_1752 = vector.broadcast %add3A_1751 : i32 to vector<16xi32>
    %add3A_1753 = arith.addi %add3A_1744, %add3A_1752 : vector<16xi32>
    %gather3A_1754 = tpu.vector_load_idx %arg7[%add3A_1753] : memref<3072xi32, #tpu.memory_space<vmem>>[vector<16xi32>], vector<16xi32>,
    %add3A_1755 = arith.addi %broadcast_in_dim3A_1657, %gather3A_1746 : vector<16xi32>
    %gather3A_1756 = tpu.vector_load_idx %arg8[%add3A_1755] : memref<384xf32, #tpu.memory_space<vmem>>[vector<16xi32>], vector<16xf32>,
    %add3A_1757 = arith.addi %broadcast_in_dim3A_1657, %gather3A_1754 : vector<16xi32>
    %gather3A_1758 = tpu.vector_load_idx %arg8[%add3A_1757] : memref<384xf32, #tpu.memory_space<vmem>>[vector<16xi32>], vector<16xf32>,
    %mul3A_1759 = arith.mulf %gather3A_1745, %gather3A_1756 : vector<16xf32>
    %mul3A_1760 = arith.mulf %gather3A_1750, %gather3A_1758 : vector<16xf32>
    %add3A_1761 = arith.addf %mul3A_1759, %mul3A_1760 : vector<16xf32>
    %swap3A_1762 = arith.constant 15 : i32
    %swap3A_1763 = arith.index_cast %swap3A_1762 : i32 to index
    %swap3A_1764 = arith.constant 48 : index
    %swap3A_1765 = tpu.vector_load %arg9[%swap3A_1763, %swap3A_1764] {strides = array<i32>} : memref<24x64xf32, #tpu.memory_space<vmem>>, vector<16xf32>,
    tpu.vector_store %arg9[%swap3A_1763, %swap3A_1764], %add3A_1761 {strides = array<i32>} : memref<24x64xf32, #tpu.memory_space<vmem>>, vector<16xf32>,
    %broadcast_in_dim3A_1766 = arith.constant 256 : i32
    %broadcast_in_dim3A_1767 = vector.broadcast %broadcast_in_dim3A_1766 : i32 to vector<16xi32>
    %broadcast_in_dim3A_1768 = arith.constant 2048 : i32
    %broadcast_in_dim3A_1769 = vector.broadcast %broadcast_in_dim3A_1768 : i32 to vector<16xi32>
    %mul3A_1770 = arith.constant 2 : i32
    %mul3A_1771 = vector.broadcast %mul3A_1770 : i32 to vector<16xi32>
    %mul3A_1772 = arith.muli %iota3A, %mul3A_1771 : vector<16xi32>
    %add3A_1773 = arith.addi %broadcast_in_dim3A_1769, %mul3A_1772 : vector<16xi32>
    %gather3A_1774 = tpu.vector_load_idx %arg6[%add3A_1773] : memref<3072xf32, #tpu.memory_space<vmem>>[vector<16xi32>], vector<16xf32>,
    %gather3A_1775 = tpu.vector_load_idx %arg7[%add3A_1773] : memref<3072xi32, #tpu.memory_space<vmem>>[vector<16xi32>], vector<16xi32>,
    %add3A_1776 = arith.constant 1 : i32
    %add3A_1777 = vector.broadcast %add3A_1776 : i32 to vector<16xi32>
    %add3A_1778 = arith.addi %add3A_1773, %add3A_1777 : vector<16xi32>
    %gather3A_1779 = tpu.vector_load_idx %arg6[%add3A_1778] : memref<3072xf32, #tpu.memory_space<vmem>>[vector<16xi32>], vector<16xf32>,
    %add3A_1780 = arith.constant 1 : i32
    %add3A_1781 = vector.broadcast %add3A_1780 : i32 to vector<16xi32>
    %add3A_1782 = arith.addi %add3A_1773, %add3A_1781 : vector<16xi32>
    %gather3A_1783 = tpu.vector_load_idx %arg7[%add3A_1782] : memref<3072xi32, #tpu.memory_space<vmem>>[vector<16xi32>], vector<16xi32>,
    %add3A_1784 = arith.addi %broadcast_in_dim3A_1767, %gather3A_1775 : vector<16xi32>
    %gather3A_1785 = tpu.vector_load_idx %arg8[%add3A_1784] : memref<384xf32, #tpu.memory_space<vmem>>[vector<16xi32>], vector<16xf32>,
    %add3A_1786 = arith.addi %broadcast_in_dim3A_1767, %gather3A_1783 : vector<16xi32>
    %gather3A_1787 = tpu.vector_load_idx %arg8[%add3A_1786] : memref<384xf32, #tpu.memory_space<vmem>>[vector<16xi32>], vector<16xf32>,
    %mul3A_1788 = arith.mulf %gather3A_1774, %gather3A_1785 : vector<16xf32>
    %mul3A_1789 = arith.mulf %gather3A_1779, %gather3A_1787 : vector<16xf32>
    %add3A_1790 = arith.addf %mul3A_1788, %mul3A_1789 : vector<16xf32>
    %swap3A_1791 = arith.constant 16 : i32
    %swap3A_1792 = arith.index_cast %swap3A_1791 : i32 to index
    %swap3A_1793 = arith.constant 0 : index
    %swap3A_1794 = tpu.vector_load %arg9[%swap3A_1792, %swap3A_1793] {strides = array<i32>} : memref<24x64xf32, #tpu.memory_space<vmem>>, vector<16xf32>,
    tpu.vector_store %arg9[%swap3A_1792, %swap3A_1793], %add3A_1790 {strides = array<i32>} : memref<24x64xf32, #tpu.memory_space<vmem>>, vector<16xf32>,
    %broadcast_in_dim3A_1795 = arith.constant 2080 : i32
    %broadcast_in_dim3A_1796 = vector.broadcast %broadcast_in_dim3A_1795 : i32 to vector<16xi32>
    %mul3A_1797 = arith.constant 2 : i32
    %mul3A_1798 = vector.broadcast %mul3A_1797 : i32 to vector<16xi32>
    %mul3A_1799 = arith.muli %iota3A, %mul3A_1798 : vector<16xi32>
    %add3A_1800 = arith.addi %broadcast_in_dim3A_1796, %mul3A_1799 : vector<16xi32>
    %gather3A_1801 = tpu.vector_load_idx %arg6[%add3A_1800] : memref<3072xf32, #tpu.memory_space<vmem>>[vector<16xi32>], vector<16xf32>,
    %gather3A_1802 = tpu.vector_load_idx %arg7[%add3A_1800] : memref<3072xi32, #tpu.memory_space<vmem>>[vector<16xi32>], vector<16xi32>,
    %add3A_1803 = arith.constant 1 : i32
    %add3A_1804 = vector.broadcast %add3A_1803 : i32 to vector<16xi32>
    %add3A_1805 = arith.addi %add3A_1800, %add3A_1804 : vector<16xi32>
    %gather3A_1806 = tpu.vector_load_idx %arg6[%add3A_1805] : memref<3072xf32, #tpu.memory_space<vmem>>[vector<16xi32>], vector<16xf32>,
    %add3A_1807 = arith.constant 1 : i32
    %add3A_1808 = vector.broadcast %add3A_1807 : i32 to vector<16xi32>
    %add3A_1809 = arith.addi %add3A_1800, %add3A_1808 : vector<16xi32>
    %gather3A_1810 = tpu.vector_load_idx %arg7[%add3A_1809] : memref<3072xi32, #tpu.memory_space<vmem>>[vector<16xi32>], vector<16xi32>,
    %add3A_1811 = arith.addi %broadcast_in_dim3A_1767, %gather3A_1802 : vector<16xi32>
    %gather3A_1812 = tpu.vector_load_idx %arg8[%add3A_1811] : memref<384xf32, #tpu.memory_space<vmem>>[vector<16xi32>], vector<16xf32>,
    %add3A_1813 = arith.addi %broadcast_in_dim3A_1767, %gather3A_1810 : vector<16xi32>
    %gather3A_1814 = tpu.vector_load_idx %arg8[%add3A_1813] : memref<384xf32, #tpu.memory_space<vmem>>[vector<16xi32>], vector<16xf32>,
    %mul3A_1815 = arith.mulf %gather3A_1801, %gather3A_1812 : vector<16xf32>
    %mul3A_1816 = arith.mulf %gather3A_1806, %gather3A_1814 : vector<16xf32>
    %add3A_1817 = arith.addf %mul3A_1815, %mul3A_1816 : vector<16xf32>
    %swap3A_1818 = arith.constant 16 : i32
    %swap3A_1819 = arith.index_cast %swap3A_1818 : i32 to index
    %swap3A_1820 = arith.constant 16 : index
    %swap3A_1821 = tpu.vector_load %arg9[%swap3A_1819, %swap3A_1820] {strides = array<i32>} : memref<24x64xf32, #tpu.memory_space<vmem>>, vector<16xf32>,
    tpu.vector_store %arg9[%swap3A_1819, %swap3A_1820], %add3A_1817 {strides = array<i32>} : memref<24x64xf32, #tpu.memory_space<vmem>>, vector<16xf32>,
    %broadcast_in_dim3A_1822 = arith.constant 2112 : i32
    %broadcast_in_dim3A_1823 = vector.broadcast %broadcast_in_dim3A_1822 : i32 to vector<16xi32>
    %mul3A_1824 = arith.constant 2 : i32
    %mul3A_1825 = vector.broadcast %mul3A_1824 : i32 to vector<16xi32>
    %mul3A_1826 = arith.muli %iota3A, %mul3A_1825 : vector<16xi32>
    %add3A_1827 = arith.addi %broadcast_in_dim3A_1823, %mul3A_1826 : vector<16xi32>
    %gather3A_1828 = tpu.vector_load_idx %arg6[%add3A_1827] : memref<3072xf32, #tpu.memory_space<vmem>>[vector<16xi32>], vector<16xf32>,
    %gather3A_1829 = tpu.vector_load_idx %arg7[%add3A_1827] : memref<3072xi32, #tpu.memory_space<vmem>>[vector<16xi32>], vector<16xi32>,
    %add3A_1830 = arith.constant 1 : i32
    %add3A_1831 = vector.broadcast %add3A_1830 : i32 to vector<16xi32>
    %add3A_1832 = arith.addi %add3A_1827, %add3A_1831 : vector<16xi32>
    %gather3A_1833 = tpu.vector_load_idx %arg6[%add3A_1832] : memref<3072xf32, #tpu.memory_space<vmem>>[vector<16xi32>], vector<16xf32>,
    %add3A_1834 = arith.constant 1 : i32
    %add3A_1835 = vector.broadcast %add3A_1834 : i32 to vector<16xi32>
    %add3A_1836 = arith.addi %add3A_1827, %add3A_1835 : vector<16xi32>
    %gather3A_1837 = tpu.vector_load_idx %arg7[%add3A_1836] : memref<3072xi32, #tpu.memory_space<vmem>>[vector<16xi32>], vector<16xi32>,
    %add3A_1838 = arith.addi %broadcast_in_dim3A_1767, %gather3A_1829 : vector<16xi32>
    %gather3A_1839 = tpu.vector_load_idx %arg8[%add3A_1838] : memref<384xf32, #tpu.memory_space<vmem>>[vector<16xi32>], vector<16xf32>,
    %add3A_1840 = arith.addi %broadcast_in_dim3A_1767, %gather3A_1837 : vector<16xi32>
    %gather3A_1841 = tpu.vector_load_idx %arg8[%add3A_1840] : memref<384xf32, #tpu.memory_space<vmem>>[vector<16xi32>], vector<16xf32>,
    %mul3A_1842 = arith.mulf %gather3A_1828, %gather3A_1839 : vector<16xf32>
    %mul3A_1843 = arith.mulf %gather3A_1833, %gather3A_1841 : vector<16xf32>
    %add3A_1844 = arith.addf %mul3A_1842, %mul3A_1843 : vector<16xf32>
    %swap3A_1845 = arith.constant 16 : i32
    %swap3A_1846 = arith.index_cast %swap3A_1845 : i32 to index
    %swap3A_1847 = arith.constant 32 : index
    %swap3A_1848 = tpu.vector_load %arg9[%swap3A_1846, %swap3A_1847] {strides = array<i32>} : memref<24x64xf32, #tpu.memory_space<vmem>>, vector<16xf32>,
    tpu.vector_store %arg9[%swap3A_1846, %swap3A_1847], %add3A_1844 {strides = array<i32>} : memref<24x64xf32, #tpu.memory_space<vmem>>, vector<16xf32>,
    %broadcast_in_dim3A_1849 = arith.constant 2144 : i32
    %broadcast_in_dim3A_1850 = vector.broadcast %broadcast_in_dim3A_1849 : i32 to vector<16xi32>
    %mul3A_1851 = arith.constant 2 : i32
    %mul3A_1852 = vector.broadcast %mul3A_1851 : i32 to vector<16xi32>
    %mul3A_1853 = arith.muli %iota3A, %mul3A_1852 : vector<16xi32>
    %add3A_1854 = arith.addi %broadcast_in_dim3A_1850, %mul3A_1853 : vector<16xi32>
    %gather3A_1855 = tpu.vector_load_idx %arg6[%add3A_1854] : memref<3072xf32, #tpu.memory_space<vmem>>[vector<16xi32>], vector<16xf32>,
    %gather3A_1856 = tpu.vector_load_idx %arg7[%add3A_1854] : memref<3072xi32, #tpu.memory_space<vmem>>[vector<16xi32>], vector<16xi32>,
    %add3A_1857 = arith.constant 1 : i32
    %add3A_1858 = vector.broadcast %add3A_1857 : i32 to vector<16xi32>
    %add3A_1859 = arith.addi %add3A_1854, %add3A_1858 : vector<16xi32>
    %gather3A_1860 = tpu.vector_load_idx %arg6[%add3A_1859] : memref<3072xf32, #tpu.memory_space<vmem>>[vector<16xi32>], vector<16xf32>,
    %add3A_1861 = arith.constant 1 : i32
    %add3A_1862 = vector.broadcast %add3A_1861 : i32 to vector<16xi32>
    %add3A_1863 = arith.addi %add3A_1854, %add3A_1862 : vector<16xi32>
    %gather3A_1864 = tpu.vector_load_idx %arg7[%add3A_1863] : memref<3072xi32, #tpu.memory_space<vmem>>[vector<16xi32>], vector<16xi32>,
    %add3A_1865 = arith.addi %broadcast_in_dim3A_1767, %gather3A_1856 : vector<16xi32>
    %gather3A_1866 = tpu.vector_load_idx %arg8[%add3A_1865] : memref<384xf32, #tpu.memory_space<vmem>>[vector<16xi32>], vector<16xf32>,
    %add3A_1867 = arith.addi %broadcast_in_dim3A_1767, %gather3A_1864 : vector<16xi32>
    %gather3A_1868 = tpu.vector_load_idx %arg8[%add3A_1867] : memref<384xf32, #tpu.memory_space<vmem>>[vector<16xi32>], vector<16xf32>,
    %mul3A_1869 = arith.mulf %gather3A_1855, %gather3A_1866 : vector<16xf32>
    %mul3A_1870 = arith.mulf %gather3A_1860, %gather3A_1868 : vector<16xf32>
    %add3A_1871 = arith.addf %mul3A_1869, %mul3A_1870 : vector<16xf32>
    %swap3A_1872 = arith.constant 16 : i32
    %swap3A_1873 = arith.index_cast %swap3A_1872 : i32 to index
    %swap3A_1874 = arith.constant 48 : index
    %swap3A_1875 = tpu.vector_load %arg9[%swap3A_1873, %swap3A_1874] {strides = array<i32>} : memref<24x64xf32, #tpu.memory_space<vmem>>, vector<16xf32>,
    tpu.vector_store %arg9[%swap3A_1873, %swap3A_1874], %add3A_1871 {strides = array<i32>} : memref<24x64xf32, #tpu.memory_space<vmem>>, vector<16xf32>,
    %broadcast_in_dim3A_1876 = arith.constant 272 : i32
    %broadcast_in_dim3A_1877 = vector.broadcast %broadcast_in_dim3A_1876 : i32 to vector<16xi32>
    %broadcast_in_dim3A_1878 = arith.constant 2176 : i32
    %broadcast_in_dim3A_1879 = vector.broadcast %broadcast_in_dim3A_1878 : i32 to vector<16xi32>
    %mul3A_1880 = arith.constant 2 : i32
    %mul3A_1881 = vector.broadcast %mul3A_1880 : i32 to vector<16xi32>
    %mul3A_1882 = arith.muli %iota3A, %mul3A_1881 : vector<16xi32>
    %add3A_1883 = arith.addi %broadcast_in_dim3A_1879, %mul3A_1882 : vector<16xi32>
    %gather3A_1884 = tpu.vector_load_idx %arg6[%add3A_1883] : memref<3072xf32, #tpu.memory_space<vmem>>[vector<16xi32>], vector<16xf32>,
    %gather3A_1885 = tpu.vector_load_idx %arg7[%add3A_1883] : memref<3072xi32, #tpu.memory_space<vmem>>[vector<16xi32>], vector<16xi32>,
    %add3A_1886 = arith.constant 1 : i32
    %add3A_1887 = vector.broadcast %add3A_1886 : i32 to vector<16xi32>
    %add3A_1888 = arith.addi %add3A_1883, %add3A_1887 : vector<16xi32>
    %gather3A_1889 = tpu.vector_load_idx %arg6[%add3A_1888] : memref<3072xf32, #tpu.memory_space<vmem>>[vector<16xi32>], vector<16xf32>,
    %add3A_1890 = arith.constant 1 : i32
    %add3A_1891 = vector.broadcast %add3A_1890 : i32 to vector<16xi32>
    %add3A_1892 = arith.addi %add3A_1883, %add3A_1891 : vector<16xi32>
    %gather3A_1893 = tpu.vector_load_idx %arg7[%add3A_1892] : memref<3072xi32, #tpu.memory_space<vmem>>[vector<16xi32>], vector<16xi32>,
    %add3A_1894 = arith.addi %broadcast_in_dim3A_1877, %gather3A_1885 : vector<16xi32>
    %gather3A_1895 = tpu.vector_load_idx %arg8[%add3A_1894] : memref<384xf32, #tpu.memory_space<vmem>>[vector<16xi32>], vector<16xf32>,
    %add3A_1896 = arith.addi %broadcast_in_dim3A_1877, %gather3A_1893 : vector<16xi32>
    %gather3A_1897 = tpu.vector_load_idx %arg8[%add3A_1896] : memref<384xf32, #tpu.memory_space<vmem>>[vector<16xi32>], vector<16xf32>,
    %mul3A_1898 = arith.mulf %gather3A_1884, %gather3A_1895 : vector<16xf32>
    %mul3A_1899 = arith.mulf %gather3A_1889, %gather3A_1897 : vector<16xf32>
    %add3A_1900 = arith.addf %mul3A_1898, %mul3A_1899 : vector<16xf32>
    %swap3A_1901 = arith.constant 17 : i32
    %swap3A_1902 = arith.index_cast %swap3A_1901 : i32 to index
    %swap3A_1903 = arith.constant 0 : index
    %swap3A_1904 = tpu.vector_load %arg9[%swap3A_1902, %swap3A_1903] {strides = array<i32>} : memref<24x64xf32, #tpu.memory_space<vmem>>, vector<16xf32>,
    tpu.vector_store %arg9[%swap3A_1902, %swap3A_1903], %add3A_1900 {strides = array<i32>} : memref<24x64xf32, #tpu.memory_space<vmem>>, vector<16xf32>,
    %broadcast_in_dim3A_1905 = arith.constant 2208 : i32
    %broadcast_in_dim3A_1906 = vector.broadcast %broadcast_in_dim3A_1905 : i32 to vector<16xi32>
    %mul3A_1907 = arith.constant 2 : i32
    %mul3A_1908 = vector.broadcast %mul3A_1907 : i32 to vector<16xi32>
    %mul3A_1909 = arith.muli %iota3A, %mul3A_1908 : vector<16xi32>
    %add3A_1910 = arith.addi %broadcast_in_dim3A_1906, %mul3A_1909 : vector<16xi32>
    %gather3A_1911 = tpu.vector_load_idx %arg6[%add3A_1910] : memref<3072xf32, #tpu.memory_space<vmem>>[vector<16xi32>], vector<16xf32>,
    %gather3A_1912 = tpu.vector_load_idx %arg7[%add3A_1910] : memref<3072xi32, #tpu.memory_space<vmem>>[vector<16xi32>], vector<16xi32>,
    %add3A_1913 = arith.constant 1 : i32
    %add3A_1914 = vector.broadcast %add3A_1913 : i32 to vector<16xi32>
    %add3A_1915 = arith.addi %add3A_1910, %add3A_1914 : vector<16xi32>
    %gather3A_1916 = tpu.vector_load_idx %arg6[%add3A_1915] : memref<3072xf32, #tpu.memory_space<vmem>>[vector<16xi32>], vector<16xf32>,
    %add3A_1917 = arith.constant 1 : i32
    %add3A_1918 = vector.broadcast %add3A_1917 : i32 to vector<16xi32>
    %add3A_1919 = arith.addi %add3A_1910, %add3A_1918 : vector<16xi32>
    %gather3A_1920 = tpu.vector_load_idx %arg7[%add3A_1919] : memref<3072xi32, #tpu.memory_space<vmem>>[vector<16xi32>], vector<16xi32>,
    %add3A_1921 = arith.addi %broadcast_in_dim3A_1877, %gather3A_1912 : vector<16xi32>
    %gather3A_1922 = tpu.vector_load_idx %arg8[%add3A_1921] : memref<384xf32, #tpu.memory_space<vmem>>[vector<16xi32>], vector<16xf32>,
    %add3A_1923 = arith.addi %broadcast_in_dim3A_1877, %gather3A_1920 : vector<16xi32>
    %gather3A_1924 = tpu.vector_load_idx %arg8[%add3A_1923] : memref<384xf32, #tpu.memory_space<vmem>>[vector<16xi32>], vector<16xf32>,
    %mul3A_1925 = arith.mulf %gather3A_1911, %gather3A_1922 : vector<16xf32>
    %mul3A_1926 = arith.mulf %gather3A_1916, %gather3A_1924 : vector<16xf32>
    %add3A_1927 = arith.addf %mul3A_1925, %mul3A_1926 : vector<16xf32>
    %swap3A_1928 = arith.constant 17 : i32
    %swap3A_1929 = arith.index_cast %swap3A_1928 : i32 to index
    %swap3A_1930 = arith.constant 16 : index
    %swap3A_1931 = tpu.vector_load %arg9[%swap3A_1929, %swap3A_1930] {strides = array<i32>} : memref<24x64xf32, #tpu.memory_space<vmem>>, vector<16xf32>,
    tpu.vector_store %arg9[%swap3A_1929, %swap3A_1930], %add3A_1927 {strides = array<i32>} : memref<24x64xf32, #tpu.memory_space<vmem>>, vector<16xf32>,
    %broadcast_in_dim3A_1932 = arith.constant 2240 : i32
    %broadcast_in_dim3A_1933 = vector.broadcast %broadcast_in_dim3A_1932 : i32 to vector<16xi32>
    %mul3A_1934 = arith.constant 2 : i32
    %mul3A_1935 = vector.broadcast %mul3A_1934 : i32 to vector<16xi32>
    %mul3A_1936 = arith.muli %iota3A, %mul3A_1935 : vector<16xi32>
    %add3A_1937 = arith.addi %broadcast_in_dim3A_1933, %mul3A_1936 : vector<16xi32>
    %gather3A_1938 = tpu.vector_load_idx %arg6[%add3A_1937] : memref<3072xf32, #tpu.memory_space<vmem>>[vector<16xi32>], vector<16xf32>,
    %gather3A_1939 = tpu.vector_load_idx %arg7[%add3A_1937] : memref<3072xi32, #tpu.memory_space<vmem>>[vector<16xi32>], vector<16xi32>,
    %add3A_1940 = arith.constant 1 : i32
    %add3A_1941 = vector.broadcast %add3A_1940 : i32 to vector<16xi32>
    %add3A_1942 = arith.addi %add3A_1937, %add3A_1941 : vector<16xi32>
    %gather3A_1943 = tpu.vector_load_idx %arg6[%add3A_1942] : memref<3072xf32, #tpu.memory_space<vmem>>[vector<16xi32>], vector<16xf32>,
    %add3A_1944 = arith.constant 1 : i32
    %add3A_1945 = vector.broadcast %add3A_1944 : i32 to vector<16xi32>
    %add3A_1946 = arith.addi %add3A_1937, %add3A_1945 : vector<16xi32>
    %gather3A_1947 = tpu.vector_load_idx %arg7[%add3A_1946] : memref<3072xi32, #tpu.memory_space<vmem>>[vector<16xi32>], vector<16xi32>,
    %add3A_1948 = arith.addi %broadcast_in_dim3A_1877, %gather3A_1939 : vector<16xi32>
    %gather3A_1949 = tpu.vector_load_idx %arg8[%add3A_1948] : memref<384xf32, #tpu.memory_space<vmem>>[vector<16xi32>], vector<16xf32>,
    %add3A_1950 = arith.addi %broadcast_in_dim3A_1877, %gather3A_1947 : vector<16xi32>
    %gather3A_1951 = tpu.vector_load_idx %arg8[%add3A_1950] : memref<384xf32, #tpu.memory_space<vmem>>[vector<16xi32>], vector<16xf32>,
    %mul3A_1952 = arith.mulf %gather3A_1938, %gather3A_1949 : vector<16xf32>
    %mul3A_1953 = arith.mulf %gather3A_1943, %gather3A_1951 : vector<16xf32>
    %add3A_1954 = arith.addf %mul3A_1952, %mul3A_1953 : vector<16xf32>
    %swap3A_1955 = arith.constant 17 : i32
    %swap3A_1956 = arith.index_cast %swap3A_1955 : i32 to index
    %swap3A_1957 = arith.constant 32 : index
    %swap3A_1958 = tpu.vector_load %arg9[%swap3A_1956, %swap3A_1957] {strides = array<i32>} : memref<24x64xf32, #tpu.memory_space<vmem>>, vector<16xf32>,
    tpu.vector_store %arg9[%swap3A_1956, %swap3A_1957], %add3A_1954 {strides = array<i32>} : memref<24x64xf32, #tpu.memory_space<vmem>>, vector<16xf32>,
    %broadcast_in_dim3A_1959 = arith.constant 2272 : i32
    %broadcast_in_dim3A_1960 = vector.broadcast %broadcast_in_dim3A_1959 : i32 to vector<16xi32>
    %mul3A_1961 = arith.constant 2 : i32
    %mul3A_1962 = vector.broadcast %mul3A_1961 : i32 to vector<16xi32>
    %mul3A_1963 = arith.muli %iota3A, %mul3A_1962 : vector<16xi32>
    %add3A_1964 = arith.addi %broadcast_in_dim3A_1960, %mul3A_1963 : vector<16xi32>
    %gather3A_1965 = tpu.vector_load_idx %arg6[%add3A_1964] : memref<3072xf32, #tpu.memory_space<vmem>>[vector<16xi32>], vector<16xf32>,
    %gather3A_1966 = tpu.vector_load_idx %arg7[%add3A_1964] : memref<3072xi32, #tpu.memory_space<vmem>>[vector<16xi32>], vector<16xi32>,
    %add3A_1967 = arith.constant 1 : i32
    %add3A_1968 = vector.broadcast %add3A_1967 : i32 to vector<16xi32>
    %add3A_1969 = arith.addi %add3A_1964, %add3A_1968 : vector<16xi32>
    %gather3A_1970 = tpu.vector_load_idx %arg6[%add3A_1969] : memref<3072xf32, #tpu.memory_space<vmem>>[vector<16xi32>], vector<16xf32>,
    %add3A_1971 = arith.constant 1 : i32
    %add3A_1972 = vector.broadcast %add3A_1971 : i32 to vector<16xi32>
    %add3A_1973 = arith.addi %add3A_1964, %add3A_1972 : vector<16xi32>
    %gather3A_1974 = tpu.vector_load_idx %arg7[%add3A_1973] : memref<3072xi32, #tpu.memory_space<vmem>>[vector<16xi32>], vector<16xi32>,
    %add3A_1975 = arith.addi %broadcast_in_dim3A_1877, %gather3A_1966 : vector<16xi32>
    %gather3A_1976 = tpu.vector_load_idx %arg8[%add3A_1975] : memref<384xf32, #tpu.memory_space<vmem>>[vector<16xi32>], vector<16xf32>,
    %add3A_1977 = arith.addi %broadcast_in_dim3A_1877, %gather3A_1974 : vector<16xi32>
    %gather3A_1978 = tpu.vector_load_idx %arg8[%add3A_1977] : memref<384xf32, #tpu.memory_space<vmem>>[vector<16xi32>], vector<16xf32>,
    %mul3A_1979 = arith.mulf %gather3A_1965, %gather3A_1976 : vector<16xf32>
    %mul3A_1980 = arith.mulf %gather3A_1970, %gather3A_1978 : vector<16xf32>
    %add3A_1981 = arith.addf %mul3A_1979, %mul3A_1980 : vector<16xf32>
    %swap3A_1982 = arith.constant 17 : i32
    %swap3A_1983 = arith.index_cast %swap3A_1982 : i32 to index
    %swap3A_1984 = arith.constant 48 : index
    %swap3A_1985 = tpu.vector_load %arg9[%swap3A_1983, %swap3A_1984] {strides = array<i32>} : memref<24x64xf32, #tpu.memory_space<vmem>>, vector<16xf32>,
    tpu.vector_store %arg9[%swap3A_1983, %swap3A_1984], %add3A_1981 {strides = array<i32>} : memref<24x64xf32, #tpu.memory_space<vmem>>, vector<16xf32>,
    %broadcast_in_dim3A_1986 = arith.constant 288 : i32
    %broadcast_in_dim3A_1987 = vector.broadcast %broadcast_in_dim3A_1986 : i32 to vector<16xi32>
    %broadcast_in_dim3A_1988 = arith.constant 2304 : i32
    %broadcast_in_dim3A_1989 = vector.broadcast %broadcast_in_dim3A_1988 : i32 to vector<16xi32>
    %mul3A_1990 = arith.constant 2 : i32
    %mul3A_1991 = vector.broadcast %mul3A_1990 : i32 to vector<16xi32>
    %mul3A_1992 = arith.muli %iota3A, %mul3A_1991 : vector<16xi32>
    %add3A_1993 = arith.addi %broadcast_in_dim3A_1989, %mul3A_1992 : vector<16xi32>
    %gather3A_1994 = tpu.vector_load_idx %arg6[%add3A_1993] : memref<3072xf32, #tpu.memory_space<vmem>>[vector<16xi32>], vector<16xf32>,
    %gather3A_1995 = tpu.vector_load_idx %arg7[%add3A_1993] : memref<3072xi32, #tpu.memory_space<vmem>>[vector<16xi32>], vector<16xi32>,
    %add3A_1996 = arith.constant 1 : i32
    %add3A_1997 = vector.broadcast %add3A_1996 : i32 to vector<16xi32>
    %add3A_1998 = arith.addi %add3A_1993, %add3A_1997 : vector<16xi32>
    %gather3A_1999 = tpu.vector_load_idx %arg6[%add3A_1998] : memref<3072xf32, #tpu.memory_space<vmem>>[vector<16xi32>], vector<16xf32>,
    %add3A_2000 = arith.constant 1 : i32
    %add3A_2001 = vector.broadcast %add3A_2000 : i32 to vector<16xi32>
    %add3A_2002 = arith.addi %add3A_1993, %add3A_2001 : vector<16xi32>
    %gather3A_2003 = tpu.vector_load_idx %arg7[%add3A_2002] : memref<3072xi32, #tpu.memory_space<vmem>>[vector<16xi32>], vector<16xi32>,
    %add3A_2004 = arith.addi %broadcast_in_dim3A_1987, %gather3A_1995 : vector<16xi32>
    %gather3A_2005 = tpu.vector_load_idx %arg8[%add3A_2004] : memref<384xf32, #tpu.memory_space<vmem>>[vector<16xi32>], vector<16xf32>,
    %add3A_2006 = arith.addi %broadcast_in_dim3A_1987, %gather3A_2003 : vector<16xi32>
    %gather3A_2007 = tpu.vector_load_idx %arg8[%add3A_2006] : memref<384xf32, #tpu.memory_space<vmem>>[vector<16xi32>], vector<16xf32>,
    %mul3A_2008 = arith.mulf %gather3A_1994, %gather3A_2005 : vector<16xf32>
    %mul3A_2009 = arith.mulf %gather3A_1999, %gather3A_2007 : vector<16xf32>
    %add3A_2010 = arith.addf %mul3A_2008, %mul3A_2009 : vector<16xf32>
    %swap3A_2011 = arith.constant 18 : i32
    %swap3A_2012 = arith.index_cast %swap3A_2011 : i32 to index
    %swap3A_2013 = arith.constant 0 : index
    %swap3A_2014 = tpu.vector_load %arg9[%swap3A_2012, %swap3A_2013] {strides = array<i32>} : memref<24x64xf32, #tpu.memory_space<vmem>>, vector<16xf32>,
    tpu.vector_store %arg9[%swap3A_2012, %swap3A_2013], %add3A_2010 {strides = array<i32>} : memref<24x64xf32, #tpu.memory_space<vmem>>, vector<16xf32>,
    %broadcast_in_dim3A_2015 = arith.constant 2336 : i32
    %broadcast_in_dim3A_2016 = vector.broadcast %broadcast_in_dim3A_2015 : i32 to vector<16xi32>
    %mul3A_2017 = arith.constant 2 : i32
    %mul3A_2018 = vector.broadcast %mul3A_2017 : i32 to vector<16xi32>
    %mul3A_2019 = arith.muli %iota3A, %mul3A_2018 : vector<16xi32>
    %add3A_2020 = arith.addi %broadcast_in_dim3A_2016, %mul3A_2019 : vector<16xi32>
    %gather3A_2021 = tpu.vector_load_idx %arg6[%add3A_2020] : memref<3072xf32, #tpu.memory_space<vmem>>[vector<16xi32>], vector<16xf32>,
    %gather3A_2022 = tpu.vector_load_idx %arg7[%add3A_2020] : memref<3072xi32, #tpu.memory_space<vmem>>[vector<16xi32>], vector<16xi32>,
    %add3A_2023 = arith.constant 1 : i32
    %add3A_2024 = vector.broadcast %add3A_2023 : i32 to vector<16xi32>
    %add3A_2025 = arith.addi %add3A_2020, %add3A_2024 : vector<16xi32>
    %gather3A_2026 = tpu.vector_load_idx %arg6[%add3A_2025] : memref<3072xf32, #tpu.memory_space<vmem>>[vector<16xi32>], vector<16xf32>,
    %add3A_2027 = arith.constant 1 : i32
    %add3A_2028 = vector.broadcast %add3A_2027 : i32 to vector<16xi32>
    %add3A_2029 = arith.addi %add3A_2020, %add3A_2028 : vector<16xi32>
    %gather3A_2030 = tpu.vector_load_idx %arg7[%add3A_2029] : memref<3072xi32, #tpu.memory_space<vmem>>[vector<16xi32>], vector<16xi32>,
    %add3A_2031 = arith.addi %broadcast_in_dim3A_1987, %gather3A_2022 : vector<16xi32>
    %gather3A_2032 = tpu.vector_load_idx %arg8[%add3A_2031] : memref<384xf32, #tpu.memory_space<vmem>>[vector<16xi32>], vector<16xf32>,
    %add3A_2033 = arith.addi %broadcast_in_dim3A_1987, %gather3A_2030 : vector<16xi32>
    %gather3A_2034 = tpu.vector_load_idx %arg8[%add3A_2033] : memref<384xf32, #tpu.memory_space<vmem>>[vector<16xi32>], vector<16xf32>,
    %mul3A_2035 = arith.mulf %gather3A_2021, %gather3A_2032 : vector<16xf32>
    %mul3A_2036 = arith.mulf %gather3A_2026, %gather3A_2034 : vector<16xf32>
    %add3A_2037 = arith.addf %mul3A_2035, %mul3A_2036 : vector<16xf32>
    %swap3A_2038 = arith.constant 18 : i32
    %swap3A_2039 = arith.index_cast %swap3A_2038 : i32 to index
    %swap3A_2040 = arith.constant 16 : index
    %swap3A_2041 = tpu.vector_load %arg9[%swap3A_2039, %swap3A_2040] {strides = array<i32>} : memref<24x64xf32, #tpu.memory_space<vmem>>, vector<16xf32>,
    tpu.vector_store %arg9[%swap3A_2039, %swap3A_2040], %add3A_2037 {strides = array<i32>} : memref<24x64xf32, #tpu.memory_space<vmem>>, vector<16xf32>,
    %broadcast_in_dim3A_2042 = arith.constant 2368 : i32
    %broadcast_in_dim3A_2043 = vector.broadcast %broadcast_in_dim3A_2042 : i32 to vector<16xi32>
    %mul3A_2044 = arith.constant 2 : i32
    %mul3A_2045 = vector.broadcast %mul3A_2044 : i32 to vector<16xi32>
    %mul3A_2046 = arith.muli %iota3A, %mul3A_2045 : vector<16xi32>
    %add3A_2047 = arith.addi %broadcast_in_dim3A_2043, %mul3A_2046 : vector<16xi32>
    %gather3A_2048 = tpu.vector_load_idx %arg6[%add3A_2047] : memref<3072xf32, #tpu.memory_space<vmem>>[vector<16xi32>], vector<16xf32>,
    %gather3A_2049 = tpu.vector_load_idx %arg7[%add3A_2047] : memref<3072xi32, #tpu.memory_space<vmem>>[vector<16xi32>], vector<16xi32>,
    %add3A_2050 = arith.constant 1 : i32
    %add3A_2051 = vector.broadcast %add3A_2050 : i32 to vector<16xi32>
    %add3A_2052 = arith.addi %add3A_2047, %add3A_2051 : vector<16xi32>
    %gather3A_2053 = tpu.vector_load_idx %arg6[%add3A_2052] : memref<3072xf32, #tpu.memory_space<vmem>>[vector<16xi32>], vector<16xf32>,
    %add3A_2054 = arith.constant 1 : i32
    %add3A_2055 = vector.broadcast %add3A_2054 : i32 to vector<16xi32>
    %add3A_2056 = arith.addi %add3A_2047, %add3A_2055 : vector<16xi32>
    %gather3A_2057 = tpu.vector_load_idx %arg7[%add3A_2056] : memref<3072xi32, #tpu.memory_space<vmem>>[vector<16xi32>], vector<16xi32>,
    %add3A_2058 = arith.addi %broadcast_in_dim3A_1987, %gather3A_2049 : vector<16xi32>
    %gather3A_2059 = tpu.vector_load_idx %arg8[%add3A_2058] : memref<384xf32, #tpu.memory_space<vmem>>[vector<16xi32>], vector<16xf32>,
    %add3A_2060 = arith.addi %broadcast_in_dim3A_1987, %gather3A_2057 : vector<16xi32>
    %gather3A_2061 = tpu.vector_load_idx %arg8[%add3A_2060] : memref<384xf32, #tpu.memory_space<vmem>>[vector<16xi32>], vector<16xf32>,
    %mul3A_2062 = arith.mulf %gather3A_2048, %gather3A_2059 : vector<16xf32>
    %mul3A_2063 = arith.mulf %gather3A_2053, %gather3A_2061 : vector<16xf32>
    %add3A_2064 = arith.addf %mul3A_2062, %mul3A_2063 : vector<16xf32>
    %swap3A_2065 = arith.constant 18 : i32
    %swap3A_2066 = arith.index_cast %swap3A_2065 : i32 to index
    %swap3A_2067 = arith.constant 32 : index
    %swap3A_2068 = tpu.vector_load %arg9[%swap3A_2066, %swap3A_2067] {strides = array<i32>} : memref<24x64xf32, #tpu.memory_space<vmem>>, vector<16xf32>,
    tpu.vector_store %arg9[%swap3A_2066, %swap3A_2067], %add3A_2064 {strides = array<i32>} : memref<24x64xf32, #tpu.memory_space<vmem>>, vector<16xf32>,
    %broadcast_in_dim3A_2069 = arith.constant 2400 : i32
    %broadcast_in_dim3A_2070 = vector.broadcast %broadcast_in_dim3A_2069 : i32 to vector<16xi32>
    %mul3A_2071 = arith.constant 2 : i32
    %mul3A_2072 = vector.broadcast %mul3A_2071 : i32 to vector<16xi32>
    %mul3A_2073 = arith.muli %iota3A, %mul3A_2072 : vector<16xi32>
    %add3A_2074 = arith.addi %broadcast_in_dim3A_2070, %mul3A_2073 : vector<16xi32>
    %gather3A_2075 = tpu.vector_load_idx %arg6[%add3A_2074] : memref<3072xf32, #tpu.memory_space<vmem>>[vector<16xi32>], vector<16xf32>,
    %gather3A_2076 = tpu.vector_load_idx %arg7[%add3A_2074] : memref<3072xi32, #tpu.memory_space<vmem>>[vector<16xi32>], vector<16xi32>,
    %add3A_2077 = arith.constant 1 : i32
    %add3A_2078 = vector.broadcast %add3A_2077 : i32 to vector<16xi32>
    %add3A_2079 = arith.addi %add3A_2074, %add3A_2078 : vector<16xi32>
    %gather3A_2080 = tpu.vector_load_idx %arg6[%add3A_2079] : memref<3072xf32, #tpu.memory_space<vmem>>[vector<16xi32>], vector<16xf32>,
    %add3A_2081 = arith.constant 1 : i32
    %add3A_2082 = vector.broadcast %add3A_2081 : i32 to vector<16xi32>
    %add3A_2083 = arith.addi %add3A_2074, %add3A_2082 : vector<16xi32>
    %gather3A_2084 = tpu.vector_load_idx %arg7[%add3A_2083] : memref<3072xi32, #tpu.memory_space<vmem>>[vector<16xi32>], vector<16xi32>,
    %add3A_2085 = arith.addi %broadcast_in_dim3A_1987, %gather3A_2076 : vector<16xi32>
    %gather3A_2086 = tpu.vector_load_idx %arg8[%add3A_2085] : memref<384xf32, #tpu.memory_space<vmem>>[vector<16xi32>], vector<16xf32>,
    %add3A_2087 = arith.addi %broadcast_in_dim3A_1987, %gather3A_2084 : vector<16xi32>
    %gather3A_2088 = tpu.vector_load_idx %arg8[%add3A_2087] : memref<384xf32, #tpu.memory_space<vmem>>[vector<16xi32>], vector<16xf32>,
    %mul3A_2089 = arith.mulf %gather3A_2075, %gather3A_2086 : vector<16xf32>
    %mul3A_2090 = arith.mulf %gather3A_2080, %gather3A_2088 : vector<16xf32>
    %add3A_2091 = arith.addf %mul3A_2089, %mul3A_2090 : vector<16xf32>
    %swap3A_2092 = arith.constant 18 : i32
    %swap3A_2093 = arith.index_cast %swap3A_2092 : i32 to index
    %swap3A_2094 = arith.constant 48 : index
    %swap3A_2095 = tpu.vector_load %arg9[%swap3A_2093, %swap3A_2094] {strides = array<i32>} : memref<24x64xf32, #tpu.memory_space<vmem>>, vector<16xf32>,
    tpu.vector_store %arg9[%swap3A_2093, %swap3A_2094], %add3A_2091 {strides = array<i32>} : memref<24x64xf32, #tpu.memory_space<vmem>>, vector<16xf32>,
    %broadcast_in_dim3A_2096 = arith.constant 304 : i32
    %broadcast_in_dim3A_2097 = vector.broadcast %broadcast_in_dim3A_2096 : i32 to vector<16xi32>
    %broadcast_in_dim3A_2098 = arith.constant 2432 : i32
    %broadcast_in_dim3A_2099 = vector.broadcast %broadcast_in_dim3A_2098 : i32 to vector<16xi32>
    %mul3A_2100 = arith.constant 2 : i32
    %mul3A_2101 = vector.broadcast %mul3A_2100 : i32 to vector<16xi32>
    %mul3A_2102 = arith.muli %iota3A, %mul3A_2101 : vector<16xi32>
    %add3A_2103 = arith.addi %broadcast_in_dim3A_2099, %mul3A_2102 : vector<16xi32>
    %gather3A_2104 = tpu.vector_load_idx %arg6[%add3A_2103] : memref<3072xf32, #tpu.memory_space<vmem>>[vector<16xi32>], vector<16xf32>,
    %gather3A_2105 = tpu.vector_load_idx %arg7[%add3A_2103] : memref<3072xi32, #tpu.memory_space<vmem>>[vector<16xi32>], vector<16xi32>,
    %add3A_2106 = arith.constant 1 : i32
    %add3A_2107 = vector.broadcast %add3A_2106 : i32 to vector<16xi32>
    %add3A_2108 = arith.addi %add3A_2103, %add3A_2107 : vector<16xi32>
    %gather3A_2109 = tpu.vector_load_idx %arg6[%add3A_2108] : memref<3072xf32, #tpu.memory_space<vmem>>[vector<16xi32>], vector<16xf32>,
    %add3A_2110 = arith.constant 1 : i32
    %add3A_2111 = vector.broadcast %add3A_2110 : i32 to vector<16xi32>
    %add3A_2112 = arith.addi %add3A_2103, %add3A_2111 : vector<16xi32>
    %gather3A_2113 = tpu.vector_load_idx %arg7[%add3A_2112] : memref<3072xi32, #tpu.memory_space<vmem>>[vector<16xi32>], vector<16xi32>,
    %add3A_2114 = arith.addi %broadcast_in_dim3A_2097, %gather3A_2105 : vector<16xi32>
    %gather3A_2115 = tpu.vector_load_idx %arg8[%add3A_2114] : memref<384xf32, #tpu.memory_space<vmem>>[vector<16xi32>], vector<16xf32>,
    %add3A_2116 = arith.addi %broadcast_in_dim3A_2097, %gather3A_2113 : vector<16xi32>
    %gather3A_2117 = tpu.vector_load_idx %arg8[%add3A_2116] : memref<384xf32, #tpu.memory_space<vmem>>[vector<16xi32>], vector<16xf32>,
    %mul3A_2118 = arith.mulf %gather3A_2104, %gather3A_2115 : vector<16xf32>
    %mul3A_2119 = arith.mulf %gather3A_2109, %gather3A_2117 : vector<16xf32>
    %add3A_2120 = arith.addf %mul3A_2118, %mul3A_2119 : vector<16xf32>
    %swap3A_2121 = arith.constant 19 : i32
    %swap3A_2122 = arith.index_cast %swap3A_2121 : i32 to index
    %swap3A_2123 = arith.constant 0 : index
    %swap3A_2124 = tpu.vector_load %arg9[%swap3A_2122, %swap3A_2123] {strides = array<i32>} : memref<24x64xf32, #tpu.memory_space<vmem>>, vector<16xf32>,
    tpu.vector_store %arg9[%swap3A_2122, %swap3A_2123], %add3A_2120 {strides = array<i32>} : memref<24x64xf32, #tpu.memory_space<vmem>>, vector<16xf32>,
    %broadcast_in_dim3A_2125 = arith.constant 2464 : i32
    %broadcast_in_dim3A_2126 = vector.broadcast %broadcast_in_dim3A_2125 : i32 to vector<16xi32>
    %mul3A_2127 = arith.constant 2 : i32
    %mul3A_2128 = vector.broadcast %mul3A_2127 : i32 to vector<16xi32>
    %mul3A_2129 = arith.muli %iota3A, %mul3A_2128 : vector<16xi32>
    %add3A_2130 = arith.addi %broadcast_in_dim3A_2126, %mul3A_2129 : vector<16xi32>
    %gather3A_2131 = tpu.vector_load_idx %arg6[%add3A_2130] : memref<3072xf32, #tpu.memory_space<vmem>>[vector<16xi32>], vector<16xf32>,
    %gather3A_2132 = tpu.vector_load_idx %arg7[%add3A_2130] : memref<3072xi32, #tpu.memory_space<vmem>>[vector<16xi32>], vector<16xi32>,
    %add3A_2133 = arith.constant 1 : i32
    %add3A_2134 = vector.broadcast %add3A_2133 : i32 to vector<16xi32>
    %add3A_2135 = arith.addi %add3A_2130, %add3A_2134 : vector<16xi32>
    %gather3A_2136 = tpu.vector_load_idx %arg6[%add3A_2135] : memref<3072xf32, #tpu.memory_space<vmem>>[vector<16xi32>], vector<16xf32>,
    %add3A_2137 = arith.constant 1 : i32
    %add3A_2138 = vector.broadcast %add3A_2137 : i32 to vector<16xi32>
    %add3A_2139 = arith.addi %add3A_2130, %add3A_2138 : vector<16xi32>
    %gather3A_2140 = tpu.vector_load_idx %arg7[%add3A_2139] : memref<3072xi32, #tpu.memory_space<vmem>>[vector<16xi32>], vector<16xi32>,
    %add3A_2141 = arith.addi %broadcast_in_dim3A_2097, %gather3A_2132 : vector<16xi32>
    %gather3A_2142 = tpu.vector_load_idx %arg8[%add3A_2141] : memref<384xf32, #tpu.memory_space<vmem>>[vector<16xi32>], vector<16xf32>,
    %add3A_2143 = arith.addi %broadcast_in_dim3A_2097, %gather3A_2140 : vector<16xi32>
    %gather3A_2144 = tpu.vector_load_idx %arg8[%add3A_2143] : memref<384xf32, #tpu.memory_space<vmem>>[vector<16xi32>], vector<16xf32>,
    %mul3A_2145 = arith.mulf %gather3A_2131, %gather3A_2142 : vector<16xf32>
    %mul3A_2146 = arith.mulf %gather3A_2136, %gather3A_2144 : vector<16xf32>
    %add3A_2147 = arith.addf %mul3A_2145, %mul3A_2146 : vector<16xf32>
    %swap3A_2148 = arith.constant 19 : i32
    %swap3A_2149 = arith.index_cast %swap3A_2148 : i32 to index
    %swap3A_2150 = arith.constant 16 : index
    %swap3A_2151 = tpu.vector_load %arg9[%swap3A_2149, %swap3A_2150] {strides = array<i32>} : memref<24x64xf32, #tpu.memory_space<vmem>>, vector<16xf32>,
    tpu.vector_store %arg9[%swap3A_2149, %swap3A_2150], %add3A_2147 {strides = array<i32>} : memref<24x64xf32, #tpu.memory_space<vmem>>, vector<16xf32>,
    %broadcast_in_dim3A_2152 = arith.constant 2496 : i32
    %broadcast_in_dim3A_2153 = vector.broadcast %broadcast_in_dim3A_2152 : i32 to vector<16xi32>
    %mul3A_2154 = arith.constant 2 : i32
    %mul3A_2155 = vector.broadcast %mul3A_2154 : i32 to vector<16xi32>
    %mul3A_2156 = arith.muli %iota3A, %mul3A_2155 : vector<16xi32>
    %add3A_2157 = arith.addi %broadcast_in_dim3A_2153, %mul3A_2156 : vector<16xi32>
    %gather3A_2158 = tpu.vector_load_idx %arg6[%add3A_2157] : memref<3072xf32, #tpu.memory_space<vmem>>[vector<16xi32>], vector<16xf32>,
    %gather3A_2159 = tpu.vector_load_idx %arg7[%add3A_2157] : memref<3072xi32, #tpu.memory_space<vmem>>[vector<16xi32>], vector<16xi32>,
    %add3A_2160 = arith.constant 1 : i32
    %add3A_2161 = vector.broadcast %add3A_2160 : i32 to vector<16xi32>
    %add3A_2162 = arith.addi %add3A_2157, %add3A_2161 : vector<16xi32>
    %gather3A_2163 = tpu.vector_load_idx %arg6[%add3A_2162] : memref<3072xf32, #tpu.memory_space<vmem>>[vector<16xi32>], vector<16xf32>,
    %add3A_2164 = arith.constant 1 : i32
    %add3A_2165 = vector.broadcast %add3A_2164 : i32 to vector<16xi32>
    %add3A_2166 = arith.addi %add3A_2157, %add3A_2165 : vector<16xi32>
    %gather3A_2167 = tpu.vector_load_idx %arg7[%add3A_2166] : memref<3072xi32, #tpu.memory_space<vmem>>[vector<16xi32>], vector<16xi32>,
    %add3A_2168 = arith.addi %broadcast_in_dim3A_2097, %gather3A_2159 : vector<16xi32>
    %gather3A_2169 = tpu.vector_load_idx %arg8[%add3A_2168] : memref<384xf32, #tpu.memory_space<vmem>>[vector<16xi32>], vector<16xf32>,
    %add3A_2170 = arith.addi %broadcast_in_dim3A_2097, %gather3A_2167 : vector<16xi32>
    %gather3A_2171 = tpu.vector_load_idx %arg8[%add3A_2170] : memref<384xf32, #tpu.memory_space<vmem>>[vector<16xi32>], vector<16xf32>,
    %mul3A_2172 = arith.mulf %gather3A_2158, %gather3A_2169 : vector<16xf32>
    %mul3A_2173 = arith.mulf %gather3A_2163, %gather3A_2171 : vector<16xf32>
    %add3A_2174 = arith.addf %mul3A_2172, %mul3A_2173 : vector<16xf32>
    %swap3A_2175 = arith.constant 19 : i32
    %swap3A_2176 = arith.index_cast %swap3A_2175 : i32 to index
    %swap3A_2177 = arith.constant 32 : index
    %swap3A_2178 = tpu.vector_load %arg9[%swap3A_2176, %swap3A_2177] {strides = array<i32>} : memref<24x64xf32, #tpu.memory_space<vmem>>, vector<16xf32>,
    tpu.vector_store %arg9[%swap3A_2176, %swap3A_2177], %add3A_2174 {strides = array<i32>} : memref<24x64xf32, #tpu.memory_space<vmem>>, vector<16xf32>,
    %broadcast_in_dim3A_2179 = arith.constant 2528 : i32
    %broadcast_in_dim3A_2180 = vector.broadcast %broadcast_in_dim3A_2179 : i32 to vector<16xi32>
    %mul3A_2181 = arith.constant 2 : i32
    %mul3A_2182 = vector.broadcast %mul3A_2181 : i32 to vector<16xi32>
    %mul3A_2183 = arith.muli %iota3A, %mul3A_2182 : vector<16xi32>
    %add3A_2184 = arith.addi %broadcast_in_dim3A_2180, %mul3A_2183 : vector<16xi32>
    %gather3A_2185 = tpu.vector_load_idx %arg6[%add3A_2184] : memref<3072xf32, #tpu.memory_space<vmem>>[vector<16xi32>], vector<16xf32>,
    %gather3A_2186 = tpu.vector_load_idx %arg7[%add3A_2184] : memref<3072xi32, #tpu.memory_space<vmem>>[vector<16xi32>], vector<16xi32>,
    %add3A_2187 = arith.constant 1 : i32
    %add3A_2188 = vector.broadcast %add3A_2187 : i32 to vector<16xi32>
    %add3A_2189 = arith.addi %add3A_2184, %add3A_2188 : vector<16xi32>
    %gather3A_2190 = tpu.vector_load_idx %arg6[%add3A_2189] : memref<3072xf32, #tpu.memory_space<vmem>>[vector<16xi32>], vector<16xf32>,
    %add3A_2191 = arith.constant 1 : i32
    %add3A_2192 = vector.broadcast %add3A_2191 : i32 to vector<16xi32>
    %add3A_2193 = arith.addi %add3A_2184, %add3A_2192 : vector<16xi32>
    %gather3A_2194 = tpu.vector_load_idx %arg7[%add3A_2193] : memref<3072xi32, #tpu.memory_space<vmem>>[vector<16xi32>], vector<16xi32>,
    %add3A_2195 = arith.addi %broadcast_in_dim3A_2097, %gather3A_2186 : vector<16xi32>
    %gather3A_2196 = tpu.vector_load_idx %arg8[%add3A_2195] : memref<384xf32, #tpu.memory_space<vmem>>[vector<16xi32>], vector<16xf32>,
    %add3A_2197 = arith.addi %broadcast_in_dim3A_2097, %gather3A_2194 : vector<16xi32>
    %gather3A_2198 = tpu.vector_load_idx %arg8[%add3A_2197] : memref<384xf32, #tpu.memory_space<vmem>>[vector<16xi32>], vector<16xf32>,
    %mul3A_2199 = arith.mulf %gather3A_2185, %gather3A_2196 : vector<16xf32>
    %mul3A_2200 = arith.mulf %gather3A_2190, %gather3A_2198 : vector<16xf32>
    %add3A_2201 = arith.addf %mul3A_2199, %mul3A_2200 : vector<16xf32>
    %swap3A_2202 = arith.constant 19 : i32
    %swap3A_2203 = arith.index_cast %swap3A_2202 : i32 to index
    %swap3A_2204 = arith.constant 48 : index
    %swap3A_2205 = tpu.vector_load %arg9[%swap3A_2203, %swap3A_2204] {strides = array<i32>} : memref<24x64xf32, #tpu.memory_space<vmem>>, vector<16xf32>,
    tpu.vector_store %arg9[%swap3A_2203, %swap3A_2204], %add3A_2201 {strides = array<i32>} : memref<24x64xf32, #tpu.memory_space<vmem>>, vector<16xf32>,
    %broadcast_in_dim3A_2206 = arith.constant 320 : i32
    %broadcast_in_dim3A_2207 = vector.broadcast %broadcast_in_dim3A_2206 : i32 to vector<16xi32>
    %broadcast_in_dim3A_2208 = arith.constant 2560 : i32
    %broadcast_in_dim3A_2209 = vector.broadcast %broadcast_in_dim3A_2208 : i32 to vector<16xi32>
    %mul3A_2210 = arith.constant 2 : i32
    %mul3A_2211 = vector.broadcast %mul3A_2210 : i32 to vector<16xi32>
    %mul3A_2212 = arith.muli %iota3A, %mul3A_2211 : vector<16xi32>
    %add3A_2213 = arith.addi %broadcast_in_dim3A_2209, %mul3A_2212 : vector<16xi32>
    %gather3A_2214 = tpu.vector_load_idx %arg6[%add3A_2213] : memref<3072xf32, #tpu.memory_space<vmem>>[vector<16xi32>], vector<16xf32>,
    %gather3A_2215 = tpu.vector_load_idx %arg7[%add3A_2213] : memref<3072xi32, #tpu.memory_space<vmem>>[vector<16xi32>], vector<16xi32>,
    %add3A_2216 = arith.constant 1 : i32
    %add3A_2217 = vector.broadcast %add3A_2216 : i32 to vector<16xi32>
    %add3A_2218 = arith.addi %add3A_2213, %add3A_2217 : vector<16xi32>
    %gather3A_2219 = tpu.vector_load_idx %arg6[%add3A_2218] : memref<3072xf32, #tpu.memory_space<vmem>>[vector<16xi32>], vector<16xf32>,
    %add3A_2220 = arith.constant 1 : i32
    %add3A_2221 = vector.broadcast %add3A_2220 : i32 to vector<16xi32>
    %add3A_2222 = arith.addi %add3A_2213, %add3A_2221 : vector<16xi32>
    %gather3A_2223 = tpu.vector_load_idx %arg7[%add3A_2222] : memref<3072xi32, #tpu.memory_space<vmem>>[vector<16xi32>], vector<16xi32>,
    %add3A_2224 = arith.addi %broadcast_in_dim3A_2207, %gather3A_2215 : vector<16xi32>
    %gather3A_2225 = tpu.vector_load_idx %arg8[%add3A_2224] : memref<384xf32, #tpu.memory_space<vmem>>[vector<16xi32>], vector<16xf32>,
    %add3A_2226 = arith.addi %broadcast_in_dim3A_2207, %gather3A_2223 : vector<16xi32>
    %gather3A_2227 = tpu.vector_load_idx %arg8[%add3A_2226] : memref<384xf32, #tpu.memory_space<vmem>>[vector<16xi32>], vector<16xf32>,
    %mul3A_2228 = arith.mulf %gather3A_2214, %gather3A_2225 : vector<16xf32>
    %mul3A_2229 = arith.mulf %gather3A_2219, %gather3A_2227 : vector<16xf32>
    %add3A_2230 = arith.addf %mul3A_2228, %mul3A_2229 : vector<16xf32>
    %swap3A_2231 = arith.constant 20 : i32
    %swap3A_2232 = arith.index_cast %swap3A_2231 : i32 to index
    %swap3A_2233 = arith.constant 0 : index
    %swap3A_2234 = tpu.vector_load %arg9[%swap3A_2232, %swap3A_2233] {strides = array<i32>} : memref<24x64xf32, #tpu.memory_space<vmem>>, vector<16xf32>,
    tpu.vector_store %arg9[%swap3A_2232, %swap3A_2233], %add3A_2230 {strides = array<i32>} : memref<24x64xf32, #tpu.memory_space<vmem>>, vector<16xf32>,
    %broadcast_in_dim3A_2235 = arith.constant 2592 : i32
    %broadcast_in_dim3A_2236 = vector.broadcast %broadcast_in_dim3A_2235 : i32 to vector<16xi32>
    %mul3A_2237 = arith.constant 2 : i32
    %mul3A_2238 = vector.broadcast %mul3A_2237 : i32 to vector<16xi32>
    %mul3A_2239 = arith.muli %iota3A, %mul3A_2238 : vector<16xi32>
    %add3A_2240 = arith.addi %broadcast_in_dim3A_2236, %mul3A_2239 : vector<16xi32>
    %gather3A_2241 = tpu.vector_load_idx %arg6[%add3A_2240] : memref<3072xf32, #tpu.memory_space<vmem>>[vector<16xi32>], vector<16xf32>,
    %gather3A_2242 = tpu.vector_load_idx %arg7[%add3A_2240] : memref<3072xi32, #tpu.memory_space<vmem>>[vector<16xi32>], vector<16xi32>,
    %add3A_2243 = arith.constant 1 : i32
    %add3A_2244 = vector.broadcast %add3A_2243 : i32 to vector<16xi32>
    %add3A_2245 = arith.addi %add3A_2240, %add3A_2244 : vector<16xi32>
    %gather3A_2246 = tpu.vector_load_idx %arg6[%add3A_2245] : memref<3072xf32, #tpu.memory_space<vmem>>[vector<16xi32>], vector<16xf32>,
    %add3A_2247 = arith.constant 1 : i32
    %add3A_2248 = vector.broadcast %add3A_2247 : i32 to vector<16xi32>
    %add3A_2249 = arith.addi %add3A_2240, %add3A_2248 : vector<16xi32>
    %gather3A_2250 = tpu.vector_load_idx %arg7[%add3A_2249] : memref<3072xi32, #tpu.memory_space<vmem>>[vector<16xi32>], vector<16xi32>,
    %add3A_2251 = arith.addi %broadcast_in_dim3A_2207, %gather3A_2242 : vector<16xi32>
    %gather3A_2252 = tpu.vector_load_idx %arg8[%add3A_2251] : memref<384xf32, #tpu.memory_space<vmem>>[vector<16xi32>], vector<16xf32>,
    %add3A_2253 = arith.addi %broadcast_in_dim3A_2207, %gather3A_2250 : vector<16xi32>
    %gather3A_2254 = tpu.vector_load_idx %arg8[%add3A_2253] : memref<384xf32, #tpu.memory_space<vmem>>[vector<16xi32>], vector<16xf32>,
    %mul3A_2255 = arith.mulf %gather3A_2241, %gather3A_2252 : vector<16xf32>
    %mul3A_2256 = arith.mulf %gather3A_2246, %gather3A_2254 : vector<16xf32>
    %add3A_2257 = arith.addf %mul3A_2255, %mul3A_2256 : vector<16xf32>
    %swap3A_2258 = arith.constant 20 : i32
    %swap3A_2259 = arith.index_cast %swap3A_2258 : i32 to index
    %swap3A_2260 = arith.constant 16 : index
    %swap3A_2261 = tpu.vector_load %arg9[%swap3A_2259, %swap3A_2260] {strides = array<i32>} : memref<24x64xf32, #tpu.memory_space<vmem>>, vector<16xf32>,
    tpu.vector_store %arg9[%swap3A_2259, %swap3A_2260], %add3A_2257 {strides = array<i32>} : memref<24x64xf32, #tpu.memory_space<vmem>>, vector<16xf32>,
    %broadcast_in_dim3A_2262 = arith.constant 2624 : i32
    %broadcast_in_dim3A_2263 = vector.broadcast %broadcast_in_dim3A_2262 : i32 to vector<16xi32>
    %mul3A_2264 = arith.constant 2 : i32
    %mul3A_2265 = vector.broadcast %mul3A_2264 : i32 to vector<16xi32>
    %mul3A_2266 = arith.muli %iota3A, %mul3A_2265 : vector<16xi32>
    %add3A_2267 = arith.addi %broadcast_in_dim3A_2263, %mul3A_2266 : vector<16xi32>
    %gather3A_2268 = tpu.vector_load_idx %arg6[%add3A_2267] : memref<3072xf32, #tpu.memory_space<vmem>>[vector<16xi32>], vector<16xf32>,
    %gather3A_2269 = tpu.vector_load_idx %arg7[%add3A_2267] : memref<3072xi32, #tpu.memory_space<vmem>>[vector<16xi32>], vector<16xi32>,
    %add3A_2270 = arith.constant 1 : i32
    %add3A_2271 = vector.broadcast %add3A_2270 : i32 to vector<16xi32>
    %add3A_2272 = arith.addi %add3A_2267, %add3A_2271 : vector<16xi32>
    %gather3A_2273 = tpu.vector_load_idx %arg6[%add3A_2272] : memref<3072xf32, #tpu.memory_space<vmem>>[vector<16xi32>], vector<16xf32>,
    %add3A_2274 = arith.constant 1 : i32
    %add3A_2275 = vector.broadcast %add3A_2274 : i32 to vector<16xi32>
    %add3A_2276 = arith.addi %add3A_2267, %add3A_2275 : vector<16xi32>
    %gather3A_2277 = tpu.vector_load_idx %arg7[%add3A_2276] : memref<3072xi32, #tpu.memory_space<vmem>>[vector<16xi32>], vector<16xi32>,
    %add3A_2278 = arith.addi %broadcast_in_dim3A_2207, %gather3A_2269 : vector<16xi32>
    %gather3A_2279 = tpu.vector_load_idx %arg8[%add3A_2278] : memref<384xf32, #tpu.memory_space<vmem>>[vector<16xi32>], vector<16xf32>,
    %add3A_2280 = arith.addi %broadcast_in_dim3A_2207, %gather3A_2277 : vector<16xi32>
    %gather3A_2281 = tpu.vector_load_idx %arg8[%add3A_2280] : memref<384xf32, #tpu.memory_space<vmem>>[vector<16xi32>], vector<16xf32>,
    %mul3A_2282 = arith.mulf %gather3A_2268, %gather3A_2279 : vector<16xf32>
    %mul3A_2283 = arith.mulf %gather3A_2273, %gather3A_2281 : vector<16xf32>
    %add3A_2284 = arith.addf %mul3A_2282, %mul3A_2283 : vector<16xf32>
    %swap3A_2285 = arith.constant 20 : i32
    %swap3A_2286 = arith.index_cast %swap3A_2285 : i32 to index
    %swap3A_2287 = arith.constant 32 : index
    %swap3A_2288 = tpu.vector_load %arg9[%swap3A_2286, %swap3A_2287] {strides = array<i32>} : memref<24x64xf32, #tpu.memory_space<vmem>>, vector<16xf32>,
    tpu.vector_store %arg9[%swap3A_2286, %swap3A_2287], %add3A_2284 {strides = array<i32>} : memref<24x64xf32, #tpu.memory_space<vmem>>, vector<16xf32>,
    %broadcast_in_dim3A_2289 = arith.constant 2656 : i32
    %broadcast_in_dim3A_2290 = vector.broadcast %broadcast_in_dim3A_2289 : i32 to vector<16xi32>
    %mul3A_2291 = arith.constant 2 : i32
    %mul3A_2292 = vector.broadcast %mul3A_2291 : i32 to vector<16xi32>
    %mul3A_2293 = arith.muli %iota3A, %mul3A_2292 : vector<16xi32>
    %add3A_2294 = arith.addi %broadcast_in_dim3A_2290, %mul3A_2293 : vector<16xi32>
    %gather3A_2295 = tpu.vector_load_idx %arg6[%add3A_2294] : memref<3072xf32, #tpu.memory_space<vmem>>[vector<16xi32>], vector<16xf32>,
    %gather3A_2296 = tpu.vector_load_idx %arg7[%add3A_2294] : memref<3072xi32, #tpu.memory_space<vmem>>[vector<16xi32>], vector<16xi32>,
    %add3A_2297 = arith.constant 1 : i32
    %add3A_2298 = vector.broadcast %add3A_2297 : i32 to vector<16xi32>
    %add3A_2299 = arith.addi %add3A_2294, %add3A_2298 : vector<16xi32>
    %gather3A_2300 = tpu.vector_load_idx %arg6[%add3A_2299] : memref<3072xf32, #tpu.memory_space<vmem>>[vector<16xi32>], vector<16xf32>,
    %add3A_2301 = arith.constant 1 : i32
    %add3A_2302 = vector.broadcast %add3A_2301 : i32 to vector<16xi32>
    %add3A_2303 = arith.addi %add3A_2294, %add3A_2302 : vector<16xi32>
    %gather3A_2304 = tpu.vector_load_idx %arg7[%add3A_2303] : memref<3072xi32, #tpu.memory_space<vmem>>[vector<16xi32>], vector<16xi32>,
    %add3A_2305 = arith.addi %broadcast_in_dim3A_2207, %gather3A_2296 : vector<16xi32>
    %gather3A_2306 = tpu.vector_load_idx %arg8[%add3A_2305] : memref<384xf32, #tpu.memory_space<vmem>>[vector<16xi32>], vector<16xf32>,
    %add3A_2307 = arith.addi %broadcast_in_dim3A_2207, %gather3A_2304 : vector<16xi32>
    %gather3A_2308 = tpu.vector_load_idx %arg8[%add3A_2307] : memref<384xf32, #tpu.memory_space<vmem>>[vector<16xi32>], vector<16xf32>,
    %mul3A_2309 = arith.mulf %gather3A_2295, %gather3A_2306 : vector<16xf32>
    %mul3A_2310 = arith.mulf %gather3A_2300, %gather3A_2308 : vector<16xf32>
    %add3A_2311 = arith.addf %mul3A_2309, %mul3A_2310 : vector<16xf32>
    %swap3A_2312 = arith.constant 20 : i32
    %swap3A_2313 = arith.index_cast %swap3A_2312 : i32 to index
    %swap3A_2314 = arith.constant 48 : index
    %swap3A_2315 = tpu.vector_load %arg9[%swap3A_2313, %swap3A_2314] {strides = array<i32>} : memref<24x64xf32, #tpu.memory_space<vmem>>, vector<16xf32>,
    tpu.vector_store %arg9[%swap3A_2313, %swap3A_2314], %add3A_2311 {strides = array<i32>} : memref<24x64xf32, #tpu.memory_space<vmem>>, vector<16xf32>,
    %broadcast_in_dim3A_2316 = arith.constant 336 : i32
    %broadcast_in_dim3A_2317 = vector.broadcast %broadcast_in_dim3A_2316 : i32 to vector<16xi32>
    %broadcast_in_dim3A_2318 = arith.constant 2688 : i32
    %broadcast_in_dim3A_2319 = vector.broadcast %broadcast_in_dim3A_2318 : i32 to vector<16xi32>
    %mul3A_2320 = arith.constant 2 : i32
    %mul3A_2321 = vector.broadcast %mul3A_2320 : i32 to vector<16xi32>
    %mul3A_2322 = arith.muli %iota3A, %mul3A_2321 : vector<16xi32>
    %add3A_2323 = arith.addi %broadcast_in_dim3A_2319, %mul3A_2322 : vector<16xi32>
    %gather3A_2324 = tpu.vector_load_idx %arg6[%add3A_2323] : memref<3072xf32, #tpu.memory_space<vmem>>[vector<16xi32>], vector<16xf32>,
    %gather3A_2325 = tpu.vector_load_idx %arg7[%add3A_2323] : memref<3072xi32, #tpu.memory_space<vmem>>[vector<16xi32>], vector<16xi32>,
    %add3A_2326 = arith.constant 1 : i32
    %add3A_2327 = vector.broadcast %add3A_2326 : i32 to vector<16xi32>
    %add3A_2328 = arith.addi %add3A_2323, %add3A_2327 : vector<16xi32>
    %gather3A_2329 = tpu.vector_load_idx %arg6[%add3A_2328] : memref<3072xf32, #tpu.memory_space<vmem>>[vector<16xi32>], vector<16xf32>,
    %add3A_2330 = arith.constant 1 : i32
    %add3A_2331 = vector.broadcast %add3A_2330 : i32 to vector<16xi32>
    %add3A_2332 = arith.addi %add3A_2323, %add3A_2331 : vector<16xi32>
    %gather3A_2333 = tpu.vector_load_idx %arg7[%add3A_2332] : memref<3072xi32, #tpu.memory_space<vmem>>[vector<16xi32>], vector<16xi32>,
    %add3A_2334 = arith.addi %broadcast_in_dim3A_2317, %gather3A_2325 : vector<16xi32>
    %gather3A_2335 = tpu.vector_load_idx %arg8[%add3A_2334] : memref<384xf32, #tpu.memory_space<vmem>>[vector<16xi32>], vector<16xf32>,
    %add3A_2336 = arith.addi %broadcast_in_dim3A_2317, %gather3A_2333 : vector<16xi32>
    %gather3A_2337 = tpu.vector_load_idx %arg8[%add3A_2336] : memref<384xf32, #tpu.memory_space<vmem>>[vector<16xi32>], vector<16xf32>,
    %mul3A_2338 = arith.mulf %gather3A_2324, %gather3A_2335 : vector<16xf32>
    %mul3A_2339 = arith.mulf %gather3A_2329, %gather3A_2337 : vector<16xf32>
    %add3A_2340 = arith.addf %mul3A_2338, %mul3A_2339 : vector<16xf32>
    %swap3A_2341 = arith.constant 21 : i32
    %swap3A_2342 = arith.index_cast %swap3A_2341 : i32 to index
    %swap3A_2343 = arith.constant 0 : index
    %swap3A_2344 = tpu.vector_load %arg9[%swap3A_2342, %swap3A_2343] {strides = array<i32>} : memref<24x64xf32, #tpu.memory_space<vmem>>, vector<16xf32>,
    tpu.vector_store %arg9[%swap3A_2342, %swap3A_2343], %add3A_2340 {strides = array<i32>} : memref<24x64xf32, #tpu.memory_space<vmem>>, vector<16xf32>,
    %broadcast_in_dim3A_2345 = arith.constant 2720 : i32
    %broadcast_in_dim3A_2346 = vector.broadcast %broadcast_in_dim3A_2345 : i32 to vector<16xi32>
    %mul3A_2347 = arith.constant 2 : i32
    %mul3A_2348 = vector.broadcast %mul3A_2347 : i32 to vector<16xi32>
    %mul3A_2349 = arith.muli %iota3A, %mul3A_2348 : vector<16xi32>
    %add3A_2350 = arith.addi %broadcast_in_dim3A_2346, %mul3A_2349 : vector<16xi32>
    %gather3A_2351 = tpu.vector_load_idx %arg6[%add3A_2350] : memref<3072xf32, #tpu.memory_space<vmem>>[vector<16xi32>], vector<16xf32>,
    %gather3A_2352 = tpu.vector_load_idx %arg7[%add3A_2350] : memref<3072xi32, #tpu.memory_space<vmem>>[vector<16xi32>], vector<16xi32>,
    %add3A_2353 = arith.constant 1 : i32
    %add3A_2354 = vector.broadcast %add3A_2353 : i32 to vector<16xi32>
    %add3A_2355 = arith.addi %add3A_2350, %add3A_2354 : vector<16xi32>
    %gather3A_2356 = tpu.vector_load_idx %arg6[%add3A_2355] : memref<3072xf32, #tpu.memory_space<vmem>>[vector<16xi32>], vector<16xf32>,
    %add3A_2357 = arith.constant 1 : i32
    %add3A_2358 = vector.broadcast %add3A_2357 : i32 to vector<16xi32>
    %add3A_2359 = arith.addi %add3A_2350, %add3A_2358 : vector<16xi32>
    %gather3A_2360 = tpu.vector_load_idx %arg7[%add3A_2359] : memref<3072xi32, #tpu.memory_space<vmem>>[vector<16xi32>], vector<16xi32>,
    %add3A_2361 = arith.addi %broadcast_in_dim3A_2317, %gather3A_2352 : vector<16xi32>
    %gather3A_2362 = tpu.vector_load_idx %arg8[%add3A_2361] : memref<384xf32, #tpu.memory_space<vmem>>[vector<16xi32>], vector<16xf32>,
    %add3A_2363 = arith.addi %broadcast_in_dim3A_2317, %gather3A_2360 : vector<16xi32>
    %gather3A_2364 = tpu.vector_load_idx %arg8[%add3A_2363] : memref<384xf32, #tpu.memory_space<vmem>>[vector<16xi32>], vector<16xf32>,
    %mul3A_2365 = arith.mulf %gather3A_2351, %gather3A_2362 : vector<16xf32>
    %mul3A_2366 = arith.mulf %gather3A_2356, %gather3A_2364 : vector<16xf32>
    %add3A_2367 = arith.addf %mul3A_2365, %mul3A_2366 : vector<16xf32>
    %swap3A_2368 = arith.constant 21 : i32
    %swap3A_2369 = arith.index_cast %swap3A_2368 : i32 to index
    %swap3A_2370 = arith.constant 16 : index
    %swap3A_2371 = tpu.vector_load %arg9[%swap3A_2369, %swap3A_2370] {strides = array<i32>} : memref<24x64xf32, #tpu.memory_space<vmem>>, vector<16xf32>,
    tpu.vector_store %arg9[%swap3A_2369, %swap3A_2370], %add3A_2367 {strides = array<i32>} : memref<24x64xf32, #tpu.memory_space<vmem>>, vector<16xf32>,
    %broadcast_in_dim3A_2372 = arith.constant 2752 : i32
    %broadcast_in_dim3A_2373 = vector.broadcast %broadcast_in_dim3A_2372 : i32 to vector<16xi32>
    %mul3A_2374 = arith.constant 2 : i32
    %mul3A_2375 = vector.broadcast %mul3A_2374 : i32 to vector<16xi32>
    %mul3A_2376 = arith.muli %iota3A, %mul3A_2375 : vector<16xi32>
    %add3A_2377 = arith.addi %broadcast_in_dim3A_2373, %mul3A_2376 : vector<16xi32>
    %gather3A_2378 = tpu.vector_load_idx %arg6[%add3A_2377] : memref<3072xf32, #tpu.memory_space<vmem>>[vector<16xi32>], vector<16xf32>,
    %gather3A_2379 = tpu.vector_load_idx %arg7[%add3A_2377] : memref<3072xi32, #tpu.memory_space<vmem>>[vector<16xi32>], vector<16xi32>,
    %add3A_2380 = arith.constant 1 : i32
    %add3A_2381 = vector.broadcast %add3A_2380 : i32 to vector<16xi32>
    %add3A_2382 = arith.addi %add3A_2377, %add3A_2381 : vector<16xi32>
    %gather3A_2383 = tpu.vector_load_idx %arg6[%add3A_2382] : memref<3072xf32, #tpu.memory_space<vmem>>[vector<16xi32>], vector<16xf32>,
    %add3A_2384 = arith.constant 1 : i32
    %add3A_2385 = vector.broadcast %add3A_2384 : i32 to vector<16xi32>
    %add3A_2386 = arith.addi %add3A_2377, %add3A_2385 : vector<16xi32>
    %gather3A_2387 = tpu.vector_load_idx %arg7[%add3A_2386] : memref<3072xi32, #tpu.memory_space<vmem>>[vector<16xi32>], vector<16xi32>,
    %add3A_2388 = arith.addi %broadcast_in_dim3A_2317, %gather3A_2379 : vector<16xi32>
    %gather3A_2389 = tpu.vector_load_idx %arg8[%add3A_2388] : memref<384xf32, #tpu.memory_space<vmem>>[vector<16xi32>], vector<16xf32>,
    %add3A_2390 = arith.addi %broadcast_in_dim3A_2317, %gather3A_2387 : vector<16xi32>
    %gather3A_2391 = tpu.vector_load_idx %arg8[%add3A_2390] : memref<384xf32, #tpu.memory_space<vmem>>[vector<16xi32>], vector<16xf32>,
    %mul3A_2392 = arith.mulf %gather3A_2378, %gather3A_2389 : vector<16xf32>
    %mul3A_2393 = arith.mulf %gather3A_2383, %gather3A_2391 : vector<16xf32>
    %add3A_2394 = arith.addf %mul3A_2392, %mul3A_2393 : vector<16xf32>
    %swap3A_2395 = arith.constant 21 : i32
    %swap3A_2396 = arith.index_cast %swap3A_2395 : i32 to index
    %swap3A_2397 = arith.constant 32 : index
    %swap3A_2398 = tpu.vector_load %arg9[%swap3A_2396, %swap3A_2397] {strides = array<i32>} : memref<24x64xf32, #tpu.memory_space<vmem>>, vector<16xf32>,
    tpu.vector_store %arg9[%swap3A_2396, %swap3A_2397], %add3A_2394 {strides = array<i32>} : memref<24x64xf32, #tpu.memory_space<vmem>>, vector<16xf32>,
    %broadcast_in_dim3A_2399 = arith.constant 2784 : i32
    %broadcast_in_dim3A_2400 = vector.broadcast %broadcast_in_dim3A_2399 : i32 to vector<16xi32>
    %mul3A_2401 = arith.constant 2 : i32
    %mul3A_2402 = vector.broadcast %mul3A_2401 : i32 to vector<16xi32>
    %mul3A_2403 = arith.muli %iota3A, %mul3A_2402 : vector<16xi32>
    %add3A_2404 = arith.addi %broadcast_in_dim3A_2400, %mul3A_2403 : vector<16xi32>
    %gather3A_2405 = tpu.vector_load_idx %arg6[%add3A_2404] : memref<3072xf32, #tpu.memory_space<vmem>>[vector<16xi32>], vector<16xf32>,
    %gather3A_2406 = tpu.vector_load_idx %arg7[%add3A_2404] : memref<3072xi32, #tpu.memory_space<vmem>>[vector<16xi32>], vector<16xi32>,
    %add3A_2407 = arith.constant 1 : i32
    %add3A_2408 = vector.broadcast %add3A_2407 : i32 to vector<16xi32>
    %add3A_2409 = arith.addi %add3A_2404, %add3A_2408 : vector<16xi32>
    %gather3A_2410 = tpu.vector_load_idx %arg6[%add3A_2409] : memref<3072xf32, #tpu.memory_space<vmem>>[vector<16xi32>], vector<16xf32>,
    %add3A_2411 = arith.constant 1 : i32
    %add3A_2412 = vector.broadcast %add3A_2411 : i32 to vector<16xi32>
    %add3A_2413 = arith.addi %add3A_2404, %add3A_2412 : vector<16xi32>
    %gather3A_2414 = tpu.vector_load_idx %arg7[%add3A_2413] : memref<3072xi32, #tpu.memory_space<vmem>>[vector<16xi32>], vector<16xi32>,
    %add3A_2415 = arith.addi %broadcast_in_dim3A_2317, %gather3A_2406 : vector<16xi32>
    %gather3A_2416 = tpu.vector_load_idx %arg8[%add3A_2415] : memref<384xf32, #tpu.memory_space<vmem>>[vector<16xi32>], vector<16xf32>,
    %add3A_2417 = arith.addi %broadcast_in_dim3A_2317, %gather3A_2414 : vector<16xi32>
    %gather3A_2418 = tpu.vector_load_idx %arg8[%add3A_2417] : memref<384xf32, #tpu.memory_space<vmem>>[vector<16xi32>], vector<16xf32>,
    %mul3A_2419 = arith.mulf %gather3A_2405, %gather3A_2416 : vector<16xf32>
    %mul3A_2420 = arith.mulf %gather3A_2410, %gather3A_2418 : vector<16xf32>
    %add3A_2421 = arith.addf %mul3A_2419, %mul3A_2420 : vector<16xf32>
    %swap3A_2422 = arith.constant 21 : i32
    %swap3A_2423 = arith.index_cast %swap3A_2422 : i32 to index
    %swap3A_2424 = arith.constant 48 : index
    %swap3A_2425 = tpu.vector_load %arg9[%swap3A_2423, %swap3A_2424] {strides = array<i32>} : memref<24x64xf32, #tpu.memory_space<vmem>>, vector<16xf32>,
    tpu.vector_store %arg9[%swap3A_2423, %swap3A_2424], %add3A_2421 {strides = array<i32>} : memref<24x64xf32, #tpu.memory_space<vmem>>, vector<16xf32>,
    %broadcast_in_dim3A_2426 = arith.constant 352 : i32
    %broadcast_in_dim3A_2427 = vector.broadcast %broadcast_in_dim3A_2426 : i32 to vector<16xi32>
    %broadcast_in_dim3A_2428 = arith.constant 2816 : i32
    %broadcast_in_dim3A_2429 = vector.broadcast %broadcast_in_dim3A_2428 : i32 to vector<16xi32>
    %mul3A_2430 = arith.constant 2 : i32
    %mul3A_2431 = vector.broadcast %mul3A_2430 : i32 to vector<16xi32>
    %mul3A_2432 = arith.muli %iota3A, %mul3A_2431 : vector<16xi32>
    %add3A_2433 = arith.addi %broadcast_in_dim3A_2429, %mul3A_2432 : vector<16xi32>
    %gather3A_2434 = tpu.vector_load_idx %arg6[%add3A_2433] : memref<3072xf32, #tpu.memory_space<vmem>>[vector<16xi32>], vector<16xf32>,
    %gather3A_2435 = tpu.vector_load_idx %arg7[%add3A_2433] : memref<3072xi32, #tpu.memory_space<vmem>>[vector<16xi32>], vector<16xi32>,
    %add3A_2436 = arith.constant 1 : i32
    %add3A_2437 = vector.broadcast %add3A_2436 : i32 to vector<16xi32>
    %add3A_2438 = arith.addi %add3A_2433, %add3A_2437 : vector<16xi32>
    %gather3A_2439 = tpu.vector_load_idx %arg6[%add3A_2438] : memref<3072xf32, #tpu.memory_space<vmem>>[vector<16xi32>], vector<16xf32>,
    %add3A_2440 = arith.constant 1 : i32
    %add3A_2441 = vector.broadcast %add3A_2440 : i32 to vector<16xi32>
    %add3A_2442 = arith.addi %add3A_2433, %add3A_2441 : vector<16xi32>
    %gather3A_2443 = tpu.vector_load_idx %arg7[%add3A_2442] : memref<3072xi32, #tpu.memory_space<vmem>>[vector<16xi32>], vector<16xi32>,
    %add3A_2444 = arith.addi %broadcast_in_dim3A_2427, %gather3A_2435 : vector<16xi32>
    %gather3A_2445 = tpu.vector_load_idx %arg8[%add3A_2444] : memref<384xf32, #tpu.memory_space<vmem>>[vector<16xi32>], vector<16xf32>,
    %add3A_2446 = arith.addi %broadcast_in_dim3A_2427, %gather3A_2443 : vector<16xi32>
    %gather3A_2447 = tpu.vector_load_idx %arg8[%add3A_2446] : memref<384xf32, #tpu.memory_space<vmem>>[vector<16xi32>], vector<16xf32>,
    %mul3A_2448 = arith.mulf %gather3A_2434, %gather3A_2445 : vector<16xf32>
    %mul3A_2449 = arith.mulf %gather3A_2439, %gather3A_2447 : vector<16xf32>
    %add3A_2450 = arith.addf %mul3A_2448, %mul3A_2449 : vector<16xf32>
    %swap3A_2451 = arith.constant 22 : i32
    %swap3A_2452 = arith.index_cast %swap3A_2451 : i32 to index
    %swap3A_2453 = arith.constant 0 : index
    %swap3A_2454 = tpu.vector_load %arg9[%swap3A_2452, %swap3A_2453] {strides = array<i32>} : memref<24x64xf32, #tpu.memory_space<vmem>>, vector<16xf32>,
    tpu.vector_store %arg9[%swap3A_2452, %swap3A_2453], %add3A_2450 {strides = array<i32>} : memref<24x64xf32, #tpu.memory_space<vmem>>, vector<16xf32>,
    %broadcast_in_dim3A_2455 = arith.constant 2848 : i32
    %broadcast_in_dim3A_2456 = vector.broadcast %broadcast_in_dim3A_2455 : i32 to vector<16xi32>
    %mul3A_2457 = arith.constant 2 : i32
    %mul3A_2458 = vector.broadcast %mul3A_2457 : i32 to vector<16xi32>
    %mul3A_2459 = arith.muli %iota3A, %mul3A_2458 : vector<16xi32>
    %add3A_2460 = arith.addi %broadcast_in_dim3A_2456, %mul3A_2459 : vector<16xi32>
    %gather3A_2461 = tpu.vector_load_idx %arg6[%add3A_2460] : memref<3072xf32, #tpu.memory_space<vmem>>[vector<16xi32>], vector<16xf32>,
    %gather3A_2462 = tpu.vector_load_idx %arg7[%add3A_2460] : memref<3072xi32, #tpu.memory_space<vmem>>[vector<16xi32>], vector<16xi32>,
    %add3A_2463 = arith.constant 1 : i32
    %add3A_2464 = vector.broadcast %add3A_2463 : i32 to vector<16xi32>
    %add3A_2465 = arith.addi %add3A_2460, %add3A_2464 : vector<16xi32>
    %gather3A_2466 = tpu.vector_load_idx %arg6[%add3A_2465] : memref<3072xf32, #tpu.memory_space<vmem>>[vector<16xi32>], vector<16xf32>,
    %add3A_2467 = arith.constant 1 : i32
    %add3A_2468 = vector.broadcast %add3A_2467 : i32 to vector<16xi32>
    %add3A_2469 = arith.addi %add3A_2460, %add3A_2468 : vector<16xi32>
    %gather3A_2470 = tpu.vector_load_idx %arg7[%add3A_2469] : memref<3072xi32, #tpu.memory_space<vmem>>[vector<16xi32>], vector<16xi32>,
    %add3A_2471 = arith.addi %broadcast_in_dim3A_2427, %gather3A_2462 : vector<16xi32>
    %gather3A_2472 = tpu.vector_load_idx %arg8[%add3A_2471] : memref<384xf32, #tpu.memory_space<vmem>>[vector<16xi32>], vector<16xf32>,
    %add3A_2473 = arith.addi %broadcast_in_dim3A_2427, %gather3A_2470 : vector<16xi32>
    %gather3A_2474 = tpu.vector_load_idx %arg8[%add3A_2473] : memref<384xf32, #tpu.memory_space<vmem>>[vector<16xi32>], vector<16xf32>,
    %mul3A_2475 = arith.mulf %gather3A_2461, %gather3A_2472 : vector<16xf32>
    %mul3A_2476 = arith.mulf %gather3A_2466, %gather3A_2474 : vector<16xf32>
    %add3A_2477 = arith.addf %mul3A_2475, %mul3A_2476 : vector<16xf32>
    %swap3A_2478 = arith.constant 22 : i32
    %swap3A_2479 = arith.index_cast %swap3A_2478 : i32 to index
    %swap3A_2480 = arith.constant 16 : index
    %swap3A_2481 = tpu.vector_load %arg9[%swap3A_2479, %swap3A_2480] {strides = array<i32>} : memref<24x64xf32, #tpu.memory_space<vmem>>, vector<16xf32>,
    tpu.vector_store %arg9[%swap3A_2479, %swap3A_2480], %add3A_2477 {strides = array<i32>} : memref<24x64xf32, #tpu.memory_space<vmem>>, vector<16xf32>,
    %broadcast_in_dim3A_2482 = arith.constant 2880 : i32
    %broadcast_in_dim3A_2483 = vector.broadcast %broadcast_in_dim3A_2482 : i32 to vector<16xi32>
    %mul3A_2484 = arith.constant 2 : i32
    %mul3A_2485 = vector.broadcast %mul3A_2484 : i32 to vector<16xi32>
    %mul3A_2486 = arith.muli %iota3A, %mul3A_2485 : vector<16xi32>
    %add3A_2487 = arith.addi %broadcast_in_dim3A_2483, %mul3A_2486 : vector<16xi32>
    %gather3A_2488 = tpu.vector_load_idx %arg6[%add3A_2487] : memref<3072xf32, #tpu.memory_space<vmem>>[vector<16xi32>], vector<16xf32>,
    %gather3A_2489 = tpu.vector_load_idx %arg7[%add3A_2487] : memref<3072xi32, #tpu.memory_space<vmem>>[vector<16xi32>], vector<16xi32>,
    %add3A_2490 = arith.constant 1 : i32
    %add3A_2491 = vector.broadcast %add3A_2490 : i32 to vector<16xi32>
    %add3A_2492 = arith.addi %add3A_2487, %add3A_2491 : vector<16xi32>
    %gather3A_2493 = tpu.vector_load_idx %arg6[%add3A_2492] : memref<3072xf32, #tpu.memory_space<vmem>>[vector<16xi32>], vector<16xf32>,
    %add3A_2494 = arith.constant 1 : i32
    %add3A_2495 = vector.broadcast %add3A_2494 : i32 to vector<16xi32>
    %add3A_2496 = arith.addi %add3A_2487, %add3A_2495 : vector<16xi32>
    %gather3A_2497 = tpu.vector_load_idx %arg7[%add3A_2496] : memref<3072xi32, #tpu.memory_space<vmem>>[vector<16xi32>], vector<16xi32>,
    %add3A_2498 = arith.addi %broadcast_in_dim3A_2427, %gather3A_2489 : vector<16xi32>
    %gather3A_2499 = tpu.vector_load_idx %arg8[%add3A_2498] : memref<384xf32, #tpu.memory_space<vmem>>[vector<16xi32>], vector<16xf32>,
    %add3A_2500 = arith.addi %broadcast_in_dim3A_2427, %gather3A_2497 : vector<16xi32>
    %gather3A_2501 = tpu.vector_load_idx %arg8[%add3A_2500] : memref<384xf32, #tpu.memory_space<vmem>>[vector<16xi32>], vector<16xf32>,
    %mul3A_2502 = arith.mulf %gather3A_2488, %gather3A_2499 : vector<16xf32>
    %mul3A_2503 = arith.mulf %gather3A_2493, %gather3A_2501 : vector<16xf32>
    %add3A_2504 = arith.addf %mul3A_2502, %mul3A_2503 : vector<16xf32>
    %swap3A_2505 = arith.constant 22 : i32
    %swap3A_2506 = arith.index_cast %swap3A_2505 : i32 to index
    %swap3A_2507 = arith.constant 32 : index
    %swap3A_2508 = tpu.vector_load %arg9[%swap3A_2506, %swap3A_2507] {strides = array<i32>} : memref<24x64xf32, #tpu.memory_space<vmem>>, vector<16xf32>,
    tpu.vector_store %arg9[%swap3A_2506, %swap3A_2507], %add3A_2504 {strides = array<i32>} : memref<24x64xf32, #tpu.memory_space<vmem>>, vector<16xf32>,
    %broadcast_in_dim3A_2509 = arith.constant 2912 : i32
    %broadcast_in_dim3A_2510 = vector.broadcast %broadcast_in_dim3A_2509 : i32 to vector<16xi32>
    %mul3A_2511 = arith.constant 2 : i32
    %mul3A_2512 = vector.broadcast %mul3A_2511 : i32 to vector<16xi32>
    %mul3A_2513 = arith.muli %iota3A, %mul3A_2512 : vector<16xi32>
    %add3A_2514 = arith.addi %broadcast_in_dim3A_2510, %mul3A_2513 : vector<16xi32>
    %gather3A_2515 = tpu.vector_load_idx %arg6[%add3A_2514] : memref<3072xf32, #tpu.memory_space<vmem>>[vector<16xi32>], vector<16xf32>,
    %gather3A_2516 = tpu.vector_load_idx %arg7[%add3A_2514] : memref<3072xi32, #tpu.memory_space<vmem>>[vector<16xi32>], vector<16xi32>,
    %add3A_2517 = arith.constant 1 : i32
    %add3A_2518 = vector.broadcast %add3A_2517 : i32 to vector<16xi32>
    %add3A_2519 = arith.addi %add3A_2514, %add3A_2518 : vector<16xi32>
    %gather3A_2520 = tpu.vector_load_idx %arg6[%add3A_2519] : memref<3072xf32, #tpu.memory_space<vmem>>[vector<16xi32>], vector<16xf32>,
    %add3A_2521 = arith.constant 1 : i32
    %add3A_2522 = vector.broadcast %add3A_2521 : i32 to vector<16xi32>
    %add3A_2523 = arith.addi %add3A_2514, %add3A_2522 : vector<16xi32>
    %gather3A_2524 = tpu.vector_load_idx %arg7[%add3A_2523] : memref<3072xi32, #tpu.memory_space<vmem>>[vector<16xi32>], vector<16xi32>,
    %add3A_2525 = arith.addi %broadcast_in_dim3A_2427, %gather3A_2516 : vector<16xi32>
    %gather3A_2526 = tpu.vector_load_idx %arg8[%add3A_2525] : memref<384xf32, #tpu.memory_space<vmem>>[vector<16xi32>], vector<16xf32>,
    %add3A_2527 = arith.addi %broadcast_in_dim3A_2427, %gather3A_2524 : vector<16xi32>
    %gather3A_2528 = tpu.vector_load_idx %arg8[%add3A_2527] : memref<384xf32, #tpu.memory_space<vmem>>[vector<16xi32>], vector<16xf32>,
    %mul3A_2529 = arith.mulf %gather3A_2515, %gather3A_2526 : vector<16xf32>
    %mul3A_2530 = arith.mulf %gather3A_2520, %gather3A_2528 : vector<16xf32>
    %add3A_2531 = arith.addf %mul3A_2529, %mul3A_2530 : vector<16xf32>
    %swap3A_2532 = arith.constant 22 : i32
    %swap3A_2533 = arith.index_cast %swap3A_2532 : i32 to index
    %swap3A_2534 = arith.constant 48 : index
    %swap3A_2535 = tpu.vector_load %arg9[%swap3A_2533, %swap3A_2534] {strides = array<i32>} : memref<24x64xf32, #tpu.memory_space<vmem>>, vector<16xf32>,
    tpu.vector_store %arg9[%swap3A_2533, %swap3A_2534], %add3A_2531 {strides = array<i32>} : memref<24x64xf32, #tpu.memory_space<vmem>>, vector<16xf32>,
    %broadcast_in_dim3A_2536 = arith.constant 368 : i32
    %broadcast_in_dim3A_2537 = vector.broadcast %broadcast_in_dim3A_2536 : i32 to vector<16xi32>
    %broadcast_in_dim3A_2538 = arith.constant 2944 : i32
    %broadcast_in_dim3A_2539 = vector.broadcast %broadcast_in_dim3A_2538 : i32 to vector<16xi32>
    %mul3A_2540 = arith.constant 2 : i32
    %mul3A_2541 = vector.broadcast %mul3A_2540 : i32 to vector<16xi32>
    %mul3A_2542 = arith.muli %iota3A, %mul3A_2541 : vector<16xi32>
    %add3A_2543 = arith.addi %broadcast_in_dim3A_2539, %mul3A_2542 : vector<16xi32>
    %gather3A_2544 = tpu.vector_load_idx %arg6[%add3A_2543] : memref<3072xf32, #tpu.memory_space<vmem>>[vector<16xi32>], vector<16xf32>,
    %gather3A_2545 = tpu.vector_load_idx %arg7[%add3A_2543] : memref<3072xi32, #tpu.memory_space<vmem>>[vector<16xi32>], vector<16xi32>,
    %add3A_2546 = arith.constant 1 : i32
    %add3A_2547 = vector.broadcast %add3A_2546 : i32 to vector<16xi32>
    %add3A_2548 = arith.addi %add3A_2543, %add3A_2547 : vector<16xi32>
    %gather3A_2549 = tpu.vector_load_idx %arg6[%add3A_2548] : memref<3072xf32, #tpu.memory_space<vmem>>[vector<16xi32>], vector<16xf32>,
    %add3A_2550 = arith.constant 1 : i32
    %add3A_2551 = vector.broadcast %add3A_2550 : i32 to vector<16xi32>
    %add3A_2552 = arith.addi %add3A_2543, %add3A_2551 : vector<16xi32>
    %gather3A_2553 = tpu.vector_load_idx %arg7[%add3A_2552] : memref<3072xi32, #tpu.memory_space<vmem>>[vector<16xi32>], vector<16xi32>,
    %add3A_2554 = arith.addi %broadcast_in_dim3A_2537, %gather3A_2545 : vector<16xi32>
    %gather3A_2555 = tpu.vector_load_idx %arg8[%add3A_2554] : memref<384xf32, #tpu.memory_space<vmem>>[vector<16xi32>], vector<16xf32>,
    %add3A_2556 = arith.addi %broadcast_in_dim3A_2537, %gather3A_2553 : vector<16xi32>
    %gather3A_2557 = tpu.vector_load_idx %arg8[%add3A_2556] : memref<384xf32, #tpu.memory_space<vmem>>[vector<16xi32>], vector<16xf32>,
    %mul3A_2558 = arith.mulf %gather3A_2544, %gather3A_2555 : vector<16xf32>
    %mul3A_2559 = arith.mulf %gather3A_2549, %gather3A_2557 : vector<16xf32>
    %add3A_2560 = arith.addf %mul3A_2558, %mul3A_2559 : vector<16xf32>
    %swap3A_2561 = arith.constant 23 : i32
    %swap3A_2562 = arith.index_cast %swap3A_2561 : i32 to index
    %swap3A_2563 = arith.constant 0 : index
    %swap3A_2564 = tpu.vector_load %arg9[%swap3A_2562, %swap3A_2563] {strides = array<i32>} : memref<24x64xf32, #tpu.memory_space<vmem>>, vector<16xf32>,
    tpu.vector_store %arg9[%swap3A_2562, %swap3A_2563], %add3A_2560 {strides = array<i32>} : memref<24x64xf32, #tpu.memory_space<vmem>>, vector<16xf32>,
    %broadcast_in_dim3A_2565 = arith.constant 2976 : i32
    %broadcast_in_dim3A_2566 = vector.broadcast %broadcast_in_dim3A_2565 : i32 to vector<16xi32>
    %mul3A_2567 = arith.constant 2 : i32
    %mul3A_2568 = vector.broadcast %mul3A_2567 : i32 to vector<16xi32>
    %mul3A_2569 = arith.muli %iota3A, %mul3A_2568 : vector<16xi32>
    %add3A_2570 = arith.addi %broadcast_in_dim3A_2566, %mul3A_2569 : vector<16xi32>
    %gather3A_2571 = tpu.vector_load_idx %arg6[%add3A_2570] : memref<3072xf32, #tpu.memory_space<vmem>>[vector<16xi32>], vector<16xf32>,
    %gather3A_2572 = tpu.vector_load_idx %arg7[%add3A_2570] : memref<3072xi32, #tpu.memory_space<vmem>>[vector<16xi32>], vector<16xi32>,
    %add3A_2573 = arith.constant 1 : i32
    %add3A_2574 = vector.broadcast %add3A_2573 : i32 to vector<16xi32>
    %add3A_2575 = arith.addi %add3A_2570, %add3A_2574 : vector<16xi32>
    %gather3A_2576 = tpu.vector_load_idx %arg6[%add3A_2575] : memref<3072xf32, #tpu.memory_space<vmem>>[vector<16xi32>], vector<16xf32>,
    %add3A_2577 = arith.constant 1 : i32
    %add3A_2578 = vector.broadcast %add3A_2577 : i32 to vector<16xi32>
    %add3A_2579 = arith.addi %add3A_2570, %add3A_2578 : vector<16xi32>
    %gather3A_2580 = tpu.vector_load_idx %arg7[%add3A_2579] : memref<3072xi32, #tpu.memory_space<vmem>>[vector<16xi32>], vector<16xi32>,
    %add3A_2581 = arith.addi %broadcast_in_dim3A_2537, %gather3A_2572 : vector<16xi32>
    %gather3A_2582 = tpu.vector_load_idx %arg8[%add3A_2581] : memref<384xf32, #tpu.memory_space<vmem>>[vector<16xi32>], vector<16xf32>,
    %add3A_2583 = arith.addi %broadcast_in_dim3A_2537, %gather3A_2580 : vector<16xi32>
    %gather3A_2584 = tpu.vector_load_idx %arg8[%add3A_2583] : memref<384xf32, #tpu.memory_space<vmem>>[vector<16xi32>], vector<16xf32>,
    %mul3A_2585 = arith.mulf %gather3A_2571, %gather3A_2582 : vector<16xf32>
    %mul3A_2586 = arith.mulf %gather3A_2576, %gather3A_2584 : vector<16xf32>
    %add3A_2587 = arith.addf %mul3A_2585, %mul3A_2586 : vector<16xf32>
    %swap3A_2588 = arith.constant 23 : i32
    %swap3A_2589 = arith.index_cast %swap3A_2588 : i32 to index
    %swap3A_2590 = arith.constant 16 : index
    %swap3A_2591 = tpu.vector_load %arg9[%swap3A_2589, %swap3A_2590] {strides = array<i32>} : memref<24x64xf32, #tpu.memory_space<vmem>>, vector<16xf32>,
    tpu.vector_store %arg9[%swap3A_2589, %swap3A_2590], %add3A_2587 {strides = array<i32>} : memref<24x64xf32, #tpu.memory_space<vmem>>, vector<16xf32>,
    %broadcast_in_dim3A_2592 = arith.constant 3008 : i32
    %broadcast_in_dim3A_2593 = vector.broadcast %broadcast_in_dim3A_2592 : i32 to vector<16xi32>
    %mul3A_2594 = arith.constant 2 : i32
    %mul3A_2595 = vector.broadcast %mul3A_2594 : i32 to vector<16xi32>
    %mul3A_2596 = arith.muli %iota3A, %mul3A_2595 : vector<16xi32>
    %add3A_2597 = arith.addi %broadcast_in_dim3A_2593, %mul3A_2596 : vector<16xi32>
    %gather3A_2598 = tpu.vector_load_idx %arg6[%add3A_2597] : memref<3072xf32, #tpu.memory_space<vmem>>[vector<16xi32>], vector<16xf32>,
    %gather3A_2599 = tpu.vector_load_idx %arg7[%add3A_2597] : memref<3072xi32, #tpu.memory_space<vmem>>[vector<16xi32>], vector<16xi32>,
    %add3A_2600 = arith.constant 1 : i32
    %add3A_2601 = vector.broadcast %add3A_2600 : i32 to vector<16xi32>
    %add3A_2602 = arith.addi %add3A_2597, %add3A_2601 : vector<16xi32>
    %gather3A_2603 = tpu.vector_load_idx %arg6[%add3A_2602] : memref<3072xf32, #tpu.memory_space<vmem>>[vector<16xi32>], vector<16xf32>,
    %add3A_2604 = arith.constant 1 : i32
    %add3A_2605 = vector.broadcast %add3A_2604 : i32 to vector<16xi32>
    %add3A_2606 = arith.addi %add3A_2597, %add3A_2605 : vector<16xi32>
    %gather3A_2607 = tpu.vector_load_idx %arg7[%add3A_2606] : memref<3072xi32, #tpu.memory_space<vmem>>[vector<16xi32>], vector<16xi32>,
    %add3A_2608 = arith.addi %broadcast_in_dim3A_2537, %gather3A_2599 : vector<16xi32>
    %gather3A_2609 = tpu.vector_load_idx %arg8[%add3A_2608] : memref<384xf32, #tpu.memory_space<vmem>>[vector<16xi32>], vector<16xf32>,
    %add3A_2610 = arith.addi %broadcast_in_dim3A_2537, %gather3A_2607 : vector<16xi32>
    %gather3A_2611 = tpu.vector_load_idx %arg8[%add3A_2610] : memref<384xf32, #tpu.memory_space<vmem>>[vector<16xi32>], vector<16xf32>,
    %mul3A_2612 = arith.mulf %gather3A_2598, %gather3A_2609 : vector<16xf32>
    %mul3A_2613 = arith.mulf %gather3A_2603, %gather3A_2611 : vector<16xf32>
    %add3A_2614 = arith.addf %mul3A_2612, %mul3A_2613 : vector<16xf32>
    %swap3A_2615 = arith.constant 23 : i32
    %swap3A_2616 = arith.index_cast %swap3A_2615 : i32 to index
    %swap3A_2617 = arith.constant 32 : index
    %swap3A_2618 = tpu.vector_load %arg9[%swap3A_2616, %swap3A_2617] {strides = array<i32>} : memref<24x64xf32, #tpu.memory_space<vmem>>, vector<16xf32>,
    tpu.vector_store %arg9[%swap3A_2616, %swap3A_2617], %add3A_2614 {strides = array<i32>} : memref<24x64xf32, #tpu.memory_space<vmem>>, vector<16xf32>,
    %broadcast_in_dim3A_2619 = arith.constant 3040 : i32
    %broadcast_in_dim3A_2620 = vector.broadcast %broadcast_in_dim3A_2619 : i32 to vector<16xi32>
    %mul3A_2621 = arith.constant 2 : i32
    %mul3A_2622 = vector.broadcast %mul3A_2621 : i32 to vector<16xi32>
    %mul3A_2623 = arith.muli %iota3A, %mul3A_2622 : vector<16xi32>
    %add3A_2624 = arith.addi %broadcast_in_dim3A_2620, %mul3A_2623 : vector<16xi32>
    %gather3A_2625 = tpu.vector_load_idx %arg6[%add3A_2624] : memref<3072xf32, #tpu.memory_space<vmem>>[vector<16xi32>], vector<16xf32>,
    %gather3A_2626 = tpu.vector_load_idx %arg7[%add3A_2624] : memref<3072xi32, #tpu.memory_space<vmem>>[vector<16xi32>], vector<16xi32>,
    %add3A_2627 = arith.constant 1 : i32
    %add3A_2628 = vector.broadcast %add3A_2627 : i32 to vector<16xi32>
    %add3A_2629 = arith.addi %add3A_2624, %add3A_2628 : vector<16xi32>
    %gather3A_2630 = tpu.vector_load_idx %arg6[%add3A_2629] : memref<3072xf32, #tpu.memory_space<vmem>>[vector<16xi32>], vector<16xf32>,
    %add3A_2631 = arith.constant 1 : i32
    %add3A_2632 = vector.broadcast %add3A_2631 : i32 to vector<16xi32>
    %add3A_2633 = arith.addi %add3A_2624, %add3A_2632 : vector<16xi32>
    %gather3A_2634 = tpu.vector_load_idx %arg7[%add3A_2633] : memref<3072xi32, #tpu.memory_space<vmem>>[vector<16xi32>], vector<16xi32>,
    %add3A_2635 = arith.addi %broadcast_in_dim3A_2537, %gather3A_2626 : vector<16xi32>
    %gather3A_2636 = tpu.vector_load_idx %arg8[%add3A_2635] : memref<384xf32, #tpu.memory_space<vmem>>[vector<16xi32>], vector<16xf32>,
    %add3A_2637 = arith.addi %broadcast_in_dim3A_2537, %gather3A_2634 : vector<16xi32>
    %gather3A_2638 = tpu.vector_load_idx %arg8[%add3A_2637] : memref<384xf32, #tpu.memory_space<vmem>>[vector<16xi32>], vector<16xf32>,
    %mul3A_2639 = arith.mulf %gather3A_2625, %gather3A_2636 : vector<16xf32>
    %mul3A_2640 = arith.mulf %gather3A_2630, %gather3A_2638 : vector<16xf32>
    %add3A_2641 = arith.addf %mul3A_2639, %mul3A_2640 : vector<16xf32>
    %swap3A_2642 = arith.constant 23 : i32
    %swap3A_2643 = arith.index_cast %swap3A_2642 : i32 to index
    %swap3A_2644 = arith.constant 48 : index
    %swap3A_2645 = tpu.vector_load %arg9[%swap3A_2643, %swap3A_2644] {strides = array<i32>} : memref<24x64xf32, #tpu.memory_space<vmem>>, vector<16xf32>,
    tpu.vector_store %arg9[%swap3A_2643, %swap3A_2644], %add3A_2641 {strides = array<i32>} : memref<24x64xf32, #tpu.memory_space<vmem>>, vector<16xf32>,
    "tpu.region"() ({
      %run_scoped3A = tpu.sem_alloc : memref<!tpu.dma_semaphore, #tpu.memory_space<semaphore_mem>>
      %dma_start3A = arith.constant 0 : i32
      %dma_start3A_2646 = tpu.memref_slice %arg5[%mul3A_2, %dma_start3A] : memref<768x64xf32, #tpu.memory_space<hbm>> -> memref<24x64xf32, #tpu.memory_space<hbm>>
      %dma_start3A_2647 = arith.constant 0 : i32
      %dma_start3A_2648 = tpu.memref_slice %arg5[%mul3A_2, %dma_start3A_2647] : memref<768x64xf32, #tpu.memory_space<hbm>> -> memref<24x64xf32, #tpu.memory_space<hbm>>
      tpu.enqueue_dma source(%arg9 : memref<24x64xf32, #tpu.memory_space<vmem>>) target(%dma_start3A_2648 : memref<24x64xf32, #tpu.memory_space<hbm>>) target_semaphore(%run_scoped3A : memref<!tpu.dma_semaphore, #tpu.memory_space<semaphore_mem>>)
      %dma_wait3A = arith.constant 0 : i32
      %dma_wait3A_2649 = tpu.memref_slice %arg5[%mul3A_2, %dma_wait3A] : memref<768x64xf32, #tpu.memory_space<hbm>> -> memref<24x64xf32, #tpu.memory_space<hbm>>
      %dma_wait3A_2650 = arith.constant 0 : i32
      %dma_wait3A_2651 = tpu.memref_slice %arg5[%mul3A_2, %dma_wait3A_2650] : memref<768x64xf32, #tpu.memory_space<hbm>> -> memref<24x64xf32, #tpu.memory_space<hbm>>
      tpu.wait_dma2 semaphore(%run_scoped3A : memref<!tpu.dma_semaphore, #tpu.memory_space<semaphore_mem>>) src(%arg9 : memref<24x64xf32, #tpu.memory_space<vmem>>) dst(%dma_wait3A_2651 : memref<24x64xf32, #tpu.memory_space<hbm>>)
      tpu.yield
    }) : () -> ()
    return
  }
}

module attributes {stable_mosaic.version = 14 : i64} {
  func.func @_weight_body(%arg0: i32, %arg1: memref<16x64xf32, #tpu.memory_space<vmem>>, %arg2: memref<16x64xf32, #tpu.memory_space<vmem>>, %arg3: memref<16x64xi32, #tpu.memory_space<vmem>>, %arg4: memref<16x64xi32, #tpu.memory_space<vmem>>, %arg5: memref<16x16x768xf32, #tpu.memory_space<vmem>>, %arg6: memref<64x16x768xf32, #tpu.memory_space<vmem>>) attributes {dimension_semantics = [#tpu.dimension_semantics<arbitrary>], iteration_bounds = array<i64: 48>, scalar_prefetch = 0 : i64, scratch_operands = 0 : i64, tpu.core_type = #tpu.core_type<tc>, window_params = [{transform_indices = @transform_0, window_bounds = array<i64: 16, 64>}, {transform_indices = @transform_1, window_bounds = array<i64: 16, 64>}, {transform_indices = @transform_2, window_bounds = array<i64: 16, 64>}, {transform_indices = @transform_3, window_bounds = array<i64: 16, 64>}, {transform_indices = @transform_4, window_bounds = array<i64: 16, 16, 768>}, {transform_indices = @transform_5, window_bounds = array<i64: 64, 16, 768>}]} {
    %iota3A = tpu.iota {dimensions = array<i32: 2>} : vector<16x64x16xi32>
    %get3A = arith.constant 0 : index
    %get3A_0 = arith.constant 0 : index
    %get3A_1 = vector.load %arg3[%get3A, %get3A_0] : memref<16x64xi32, #tpu.memory_space<vmem>>, vector<16x64xi32>
    %broadcast_in_dim3A = vector.shape_cast %get3A_1 : vector<16x64xi32> to vector<16x64x1xi32>
    %eq3A = vector.broadcast %broadcast_in_dim3A : vector<16x64x1xi32> to vector<16x64x16xi32>
    %eq3A_2 = arith.cmpi eq, %eq3A, %iota3A : vector<16x64x16xi32>
    %get3A_3 = arith.constant 0 : index
    %get3A_4 = arith.constant 0 : index
    %get3A_5 = vector.load %arg1[%get3A_3, %get3A_4] : memref<16x64xf32, #tpu.memory_space<vmem>>, vector<16x64xf32>
    %broadcast_in_dim3A_6 = vector.shape_cast %get3A_5 : vector<16x64xf32> to vector<16x64x1xf32>
    %jit3A = arith.constant 0.000000e+00 : f32
    %broadcast_in_dim3A_7 = vector.shape_cast %broadcast_in_dim3A_6 : vector<16x64x1xf32> to vector<16x64x1xf32>
    %broadcast_in_dim3A_8 = vector.broadcast %broadcast_in_dim3A_7 : vector<16x64x1xf32> to vector<16x64x16xf32>
    %broadcast_in_dim3A_9 = vector.broadcast %jit3A : f32 to vector<16x64x16xf32>
    %select_n3A = arith.select %eq3A_2, %broadcast_in_dim3A_8, %broadcast_in_dim3A_9 : vector<16x64x16xi1>, vector<16x64x16xf32>
    %get3A_10 = arith.constant 0 : index
    %get3A_11 = arith.constant 0 : index
    %get3A_12 = vector.load %arg4[%get3A_10, %get3A_11] : memref<16x64xi32, #tpu.memory_space<vmem>>, vector<16x64xi32>
    %broadcast_in_dim3A_13 = vector.shape_cast %get3A_12 : vector<16x64xi32> to vector<16x64x1xi32>
    %eq3A_14 = vector.broadcast %broadcast_in_dim3A_13 : vector<16x64x1xi32> to vector<16x64x16xi32>
    %eq3A_15 = arith.cmpi eq, %eq3A_14, %iota3A : vector<16x64x16xi32>
    %get3A_16 = arith.constant 0 : index
    %get3A_17 = arith.constant 0 : index
    %get3A_18 = vector.load %arg2[%get3A_16, %get3A_17] : memref<16x64xf32, #tpu.memory_space<vmem>>, vector<16x64xf32>
    %broadcast_in_dim3A_19 = vector.shape_cast %get3A_18 : vector<16x64xf32> to vector<16x64x1xf32>
    %jit3A_20 = arith.constant 0.000000e+00 : f32
    %broadcast_in_dim3A_21 = vector.shape_cast %broadcast_in_dim3A_19 : vector<16x64x1xf32> to vector<16x64x1xf32>
    %broadcast_in_dim3A_22 = vector.broadcast %broadcast_in_dim3A_21 : vector<16x64x1xf32> to vector<16x64x16xf32>
    %broadcast_in_dim3A_23 = vector.broadcast %jit3A_20 : f32 to vector<16x64x16xf32>
    %select_n3A_24 = arith.select %eq3A_15, %broadcast_in_dim3A_22, %broadcast_in_dim3A_23 : vector<16x64x16xi1>, vector<16x64x16xf32>
    %add3A = arith.addf %select_n3A, %select_n3A_24 : vector<16x64x16xf32>
    %get3A_25 = arith.constant 0 : index
    %get3A_26 = arith.constant 0 : index
    %get3A_27 = arith.constant 0 : index
    %get3A_28 = vector.load %arg5[%get3A_25, %get3A_26, %get3A_27] : memref<16x16x768xf32, #tpu.memory_space<vmem>>, vector<16x16x768xf32>
    %dot_general3A = arith.constant dense<0.000000e+00> : vector<16x64x768xf32>
    %dot_general3A_29 = tpu.matmul %add3A, %get3A_28, %dot_general3A {dimension_numbers = #tpu.dot_dimension_numbers<[2], [1], [1], [2], [0, 0, 0, 1, 1, 2], [0], [0]>, transpose_lhs_hint = false} : vector<16x64x16xf32>, vector<16x16x768xf32>, vector<16x64x768xf32> -> vector<16x64x768xf32>
    %transpose3A = tpu.transpose %dot_general3A_29, [1, 0, 2] : vector<16x64x768xf32> -> vector<64x16x768xf32>
    %swap3A = arith.constant 0 : index
    %swap3A_30 = arith.constant 0 : index
    %swap3A_31 = arith.constant 0 : index
    %swap3A_32 = vector.load %arg6[%swap3A, %swap3A_30, %swap3A_31] : memref<64x16x768xf32, #tpu.memory_space<vmem>>, vector<64x16x768xf32>
    tpu.vector_store %arg6[%swap3A, %swap3A_30, %swap3A_31], %transpose3A {strides = array<i32>} : memref<64x16x768xf32, #tpu.memory_space<vmem>>, vector<64x16x768xf32>,
    return
  }
  func.func @transform_0(%arg0: i32) -> (i32, i32) {
    %c0_i32 = arith.constant 0 : i32
    %c0_i32_0 = arith.constant 0 : i32
    return %arg0, %c0_i32 : i32, i32
  }
  func.func @transform_1(%arg0: i32) -> (i32, i32) {
    %c0_i32 = arith.constant 0 : i32
    %c0_i32_0 = arith.constant 0 : i32
    return %arg0, %c0_i32 : i32, i32
  }
  func.func @transform_2(%arg0: i32) -> (i32, i32) {
    %c0_i32 = arith.constant 0 : i32
    %c0_i32_0 = arith.constant 0 : i32
    return %arg0, %c0_i32 : i32, i32
  }
  func.func @transform_3(%arg0: i32) -> (i32, i32) {
    %c0_i32 = arith.constant 0 : i32
    %c0_i32_0 = arith.constant 0 : i32
    return %arg0, %c0_i32 : i32, i32
  }
  func.func @transform_4(%arg0: i32) -> (i32, i32, i32) {
    %c0_i32 = arith.constant 0 : i32
    %c0_i32_0 = arith.constant 0 : i32
    %c0_i32_1 = arith.constant 0 : i32
    return %arg0, %c0_i32, %c0_i32_0 : i32, i32, i32
  }
  func.func @transform_5(%arg0: i32) -> (i32, i32, i32) {
    %c0_i32 = arith.constant 0 : i32
    %c0_i32_0 = arith.constant 0 : i32
    %c0_i32_1 = arith.constant 0 : i32
    return %c0_i32, %arg0, %c0_i32_0 : i32, i32, i32
  }
}

</mosaic_0001>

<sc_bundles>
// kernel: kernel.4.cloned.1.call-start
scs
__scs_entry_jumppad:
0x0: {  	(pc) =	sbr.rel $0x88, $3  }
0x1: {  	(tag) =	ssettag $0x0;
	lr =	simm.s32 $0x1  }
0x2: {  	[smem:$0x3F9B] =	sst lr;
	_ =	strace $0xD0000000  }
0x3: {  	_ = 	snop  }
0x4: {  	_ = 	snop  }
0x5: {  	_ = 	snop  }
0x6: {  	_ = 	snop  }
0x7: {  	_ = 	snop  }
__scs_overlays_trampoline_lowered:
0x8: {  	[smem:$0x3FAA] =	sst s0  }
0x9: {  	[smem:$0x3FAB] =	sst s1  }
0xa: {  	[smem:$0x3FAC] =	sst s2  }
0xb: {  	[smem:$0x3FAD] =	sst s3  }
0xc: {  	[smem:$0x3FAE] =	sst s4  }
0xd: {  	[smem:$0x3FAF] =	sst s5  }
0xe: {  	[smem:$0x3FB0] =	sst s6  }
0xf: {  	[smem:$0x3FB1] =	sst s7  }
0x10: {  	[smem:$0x3FB2] =	sst s8  }
0x11: {  	[smem:$0x3FB3] =	sst s9;
	s0 =	simm.s32 @!p0 $0x0  }
0x12: {  	s1 =	sld [smem:$0x3F99];
	s0 =	simm.s32 @p0 $0x1  }
0x13: {  	[smem:$0x3FB4] =	sst s0;
	s0 =	simm.s32 @!p1 $0x0  }
0x14: {  	s2 =	sld [smem:$0x3F98];
	s0 =	simm.s32 @p1 $0x1  }
0x15: {  	[smem:$0x3FB5] =	sst s0;
	s0 =	simm.s32 @!p2 $0x0  }
0x16: {  	s3 =	sld [smem:$0x3FDB];
	s0 =	simm.s32 @p2 $0x1  }
0x17: {  	s4 =	simm.s32 $0x1BF5;
	[smem:$0x3FB7] =	sst s0  }
0x18: {  	s0 =	sld [smem:$0x3F9A];
	_ =	swait.ge [sflag:s4], $0x0  }
0x19: {  	s7 =	sld [smem:$0x3F9B]  }
0x1a: {  	s8 =	sadd.s32 $0xFFFFE003, lr  }
0x1b: {  	s9 =	sadd.s32 $0xFFFFFEF7, lr;
	s5 =	simm.s32 $0xFFFFFFFF;
	p2 =	slt.u32 s8, $0xFFFFF086  }
0x1c: {  	p1 =	slt.u32 s9, $0xF7A;
	s5 =	simm.s32 @!p2 $0x0  }
0x1d: {  	s5 =	simm.s32 @p1 $0x1;
	p0 =	seq.s32 s7, s2  }
0x1e: {  	s7 =	smul.u32 @!p0 $0xF7A, s2;
	p2 =	seq.s32 @!p0 s5, $0x0  }
0x1f: {  	s9 =	smul.u32 $0xF7A, s1;
	s8 =	simm.s32 @!p0 $0x1BF5;
	p2 =	por !p2, p0  }
0x20: {  	[sflag:s8] =	ssyncset.s32 @!p0 $0xFFFFF086;
	s6 =	sadd.s32 @!p0 s3, s7;
	s7 =	simm.s32 @!p0 $0x108  }
0x21: {  	s3 =	sadd.s32 s3, s9;
	s6 =	sadd.s32 @!p0 $0x88, s6;
	s7 =	simm.s32 @p2 $0x1082  }
0x22: {  	[simem:s7], [sflag:s8] =	dma.local @!p0 [hbm:s6], $0xF7A  }
0x23: {  	s9 =	sor.u32 $0xD0000000, s2;
	s6 =	simm.s32 $0x108;
	_ =	swait.ge @!p0 [sflag:s8], $0x0  }
0x24: {  	s3 =	sadd.s32 $0x88, s3;
	s6 =	simm.s32 @!p1 $0x1082;
	[sflag:s4] =	ssyncset.s32 $0xFFFFF086  }
0x25: {  	[simem:s6], [sflag:s4] =	dma.local [hbm:s3], $0xF7A  }
0x26: {  	[smem:$0x3F9B] =	sst s1;
	(tag) =	ssettag s2;
	_ =	strace s9  }
0x27: {  	s1 =	sld [smem:$0x3FAB]  }
0x28: {  	s2 =	sld [smem:$0x3FAC]  }
0x29: {  	s4 =	sld [smem:$0x3FAE]  }
0x2a: {  	p0 =	seq.s32 s5, $0x0;
	s5 =	sld [smem:$0x3FAF]  }
0x2b: {  	s6 =	sld [smem:$0x3FB0]  }
0x2c: {  	s7 =	sld [smem:$0x3FB1]  }
0x2d: {  	s3 =	simm.s32 $0x108;
	s8 =	sld [smem:$0x3FB2]  }
0x2e: {  	s3 =	simm.s32 @!p0 $0x1082;
	s9 =	sld [smem:$0x3FB3]  }
0x2f: {  	lr =	sadd.s32 s0, s3;
	s0 =	sld [smem:$0x3FAA]  }
0x30: {  	s3 =	sld [smem:$0x3FAD]  }
0x31: {  	[smem:$0x3FB6] =	sst s10  }
0x32: {  	s10 =	sld [smem:$0x3FB4];
	_ =	sdelay $0x3  }
0x33: {  	p0 =	seq.s32 s10, $0x1;
	s10 =	sld [smem:$0x3FB6];
	_ =	sdelay $0x3  }
0x34: {  	[smem:$0x3FB6] =	sst s10  }
0x35: {  	s10 =	sld [smem:$0x3FB5];
	_ =	sdelay $0x3  }
0x36: {  	p1 =	seq.s32 s10, $0x1;
	s10 =	sld [smem:$0x3FB6];
	_ =	sdelay $0x3  }
0x37: {  	[smem:$0x3FB6] =	sst s10  }
0x38: {  	s10 =	sld [smem:$0x3FB7]  }
0x39: {  	_ = 	snop;
	(pc) =	sbr.ind lr, $3  }
0x3a: {  	_ = 	snop  }
0x3b: {  	_ = 	snop  }
0x3c: {  	p2 =	seq.s32 s10, $0x1;
	s10 =	sld [smem:$0x3FB6]  }
0x3d: {  	_ =	shalt  }
0x3e: {  	_ =	shalt  }
0x3f: {  	_ =	shalt  }
0x40: {  	_ =	shalt  }
0x41: {  	_ =	shalt  }
0x42: {  	_ =	shalt  }
0x43: {  	_ =	shalt  }
0x44: {  	_ =	shalt  }
0x45: {  	_ =	shalt  }
0x46: {  	_ =	shalt  }
0x47: {  	_ =	shalt  }
0x48: {  	_ =	shalt  }
0x49: {  	_ =	shalt  }
0x4a: {  	_ =	shalt  }
0x4b: {  	_ =	shalt  }
0x4c: {  	_ =	shalt  }
0x4d: {  	_ =	shalt  }
0x4e: {  	_ =	shalt  }
0x4f: {  	_ =	shalt  }
0x50: {  	_ =	shalt  }
0x51: {  	_ =	shalt  }
0x52: {  	_ =	shalt  }
0x53: {  	_ =	shalt  }
0x54: {  	_ =	shalt  }
0x55: {  	_ =	shalt  }
0x56: {  	_ =	shalt  }
0x57: {  	_ =	shalt  }
0x58: {  	_ =	shalt  }
0x59: {  	_ =	shalt  }
0x5a: {  	_ =	shalt  }
0x5b: {  	_ =	shalt  }
0x5c: {  	_ =	shalt  }
0x5d: {  	_ =	shalt  }
0x5e: {  	_ =	shalt  }
0x5f: {  	_ =	shalt  }
0x60: {  	_ =	shalt  }
0x61: {  	_ =	shalt  }
0x62: {  	_ =	shalt  }
0x63: {  	_ =	shalt  }
0x64: {  	_ =	shalt  }
0x65: {  	_ =	shalt  }
0x66: {  	_ =	shalt  }
0x67: {  	_ =	shalt  }
0x68: {  	_ =	shalt  }
0x69: {  	_ =	shalt  }
0x6a: {  	_ =	shalt  }
0x6b: {  	_ =	shalt  }
0x6c: {  	_ =	shalt  }
0x6d: {  	_ =	shalt  }
0x6e: {  	_ =	shalt  }
0x6f: {  	_ =	shalt  }
0x70: {  	_ =	shalt  }
0x71: {  	_ =	shalt  }
0x72: {  	_ =	shalt  }
0x73: {  	_ =	shalt  }
0x74: {  	_ =	shalt  }
0x75: {  	_ =	shalt  }
0x76: {  	_ =	shalt  }
0x77: {  	_ =	shalt  }
0x78: {  	_ =	shalt  }
0x79: {  	_ =	shalt  }
0x7a: {  	_ =	shalt  }
0x7b: {  	_ =	shalt  }
0x7c: {  	_ =	shalt  }
0x7d: {  	_ =	shalt  }
0x7e: {  	_ =	shalt  }
0x7f: {  	_ =	shalt  }
0x80: {  	_ =	shalt  }
0x81: {  	_ =	shalt  }
0x82: {  	_ =	shalt  }
0x83: {  	_ =	shalt  }
0x84: {  	_ =	shalt  }
0x85: {  	_ =	shalt  }
0x86: {  	_ =	shalt  }
0x87: {  	_ =	shalt  }
.Lfunc_end0:
.L_simem_size_0:
called_computation_lowered:
.L_overlay_start_0:
0x88: {  	s2 =	sld [smem:$0x3FD9]  }
0x89: {  	s3 =	sld [smem:$0x3FFE];
	_ =	sdelay $0x1  }
0x8a: {  	s1 =	srdreg.scid  }
0x8b: {  	s0 =	sand.u32 $0x1, s1  }
0x8c: {  	s14 =	sshll.u32 s0, $0xA;
	s2 =	sadd.s32 s3, s2  }
0x8d: {  	s2 =	sadd.s32 s2, s14  }
0x8e: {  	[smem:$0x3FC2] =	sst s2  }
0x8f: {  	_ = 	snop  }
0x90: {  	s2 =	sld [smem:$0x3FD0];
	_ =	sdelay $0x2  }
0x91: {  	s15 =	simm.s32 $0xA;
	s4 =	simm.s32 $0x10  }
0x92: {  	[smem:s4], [sflag:s15] =	dma.local [hbm:s2], $0x1  }
0x93: {  	_ =	swait.eq [sflag:s15], $0x1  }
0x94: {  	[sflag:s15] =	ssyncset.done $0x0  }
0x95: {  	[sflag:s15] =	ssyncadd.s32 $0xFFFFFFFF  }
0x96: {  	s16 =	sld [smem:$0x11];
	(tm) =	ssettm $0x1  }
0x97: {  	s17 =	sld [smem:$0x3FFB];
	_ =	sdelay $0x3  }
0x98: {  	_ =	strace s17  }
0x99: {  	s3 =	sld [smem:$0x3FFC];
	_ =	sdelay $0x3  }
0x9a: {  	_ =	strace s3  }
0x9b: {  	s3 =	sld [smem:$0x3FFD];
	_ =	sdelay $0x3  }
0x9c: {  	_ =	strace s3  }
0x9d: {  	_ =	strace $0x8FFFFFFF  }
0x9e: {  	s18 =	sld [smem:$0x3FDB];
	_ =	sdelay $0x1  }
0x9f: {  	s19 =	simm.s32 $_scs_section_size  }
0xa0: {  	s5 =	simm.s32 $_size__tile_overlayer_lowered;
	s6 =	simm.s32 $_tile_overlayer_lowered  }
0xa1: {  	s22 =	simm.s32 $0x1BFF;
	s21 =	sshll.u32 s6, $0x1;
	s3 =	sadd.s32 s19, s18  }
0xa2: {  	s7 =	simm.s32 $0x0;
	s20 =	sshll.u32 s5, $0x1;
	s5 =	sadd.s32 s21, s3  }
0xa3: {  	[timem:s7], [sflag:s22] =	dma.local [hbm:s5], s20  }
0xa4: {  	_ =	swait.ge [sflag:s22], s20  }
0xa5: {  	s4 =	ssub.s32 $0x0, s20;
	[sflag:s22] =	ssyncset.done $0x0  }
0xa6: {  	[sflag:s22] =	ssyncadd.s32 s4;
	_ =	sdelay $0x1  }
0xa7: {  	s23 =	simm.s32 $0x1B8B  }
0xa8: {  	_ =	swait.ge [sflag:s23], $0x1  }
0xa9: {  	[sflag:s23] =	ssyncset.done $0x0  }
0xaa: {  	s25 =	simm.s32 $0x1B8E;
	s24 =	sld [smem:$0x3FFE];
	[sflag:s23] =	ssyncadd.s32 $0xFFFFFFFF  }
0xab: {  	s26 =	simm.s32 $execute0_lowered;
	[smem:$0x3FD2] =	sst s25  }
0xac: {  	s5 =	sshll.u32 s26, $0x1;
	_ =	strace $0x80000046;
	[dreg:$0x1] =	wrdreg $0xFFFFFFFF  }
0xad: {  	s28 =	simm.s32 $_size_execute0_lowered;
	s3 =	sadd.s32 s3, s5;
	[dreg:$0x0] =	wrdreg $0x0  }
0xae: {  	s5 =	sshll.u32 s28, $0x1;
	[dreg:$0x2] =	wrdreg s3  }
0xaf: {  	[dreg:$0x3] =	wrdreg s5  }
0xb0: {  	[dreg:$0x4] =	wrdreg $0xC0  }
0xb1: {  	_ =	task [dreg:s7], $0x5FFFF  }
0xb2: {  	[dreg:$0x1] =	wrdreg $0xFFFFFFFF  }
0xb3: {  	[dreg:$0x0] =	wrdreg $0x60  }
0xb4: {  	[dreg:$0x2] =	wrdreg s24  }
0xb5: {  	[dreg:$0x3] =	wrdreg s16  }
0xb6: {  	[dreg:$0x4] =	wrdreg $0x9  }
0xb7: {  	_ =	task.clear_ibuf [dreg:s7], $0x5FFFF;
	_ =	strace $0x90000046  }
0xb8: {  	s29 =	simm.s32 $0x9;
	_ =	strace $0x80000048  }
0xb9: {  	_ =	swait.ge [sflag:s29], $0x1  }
0xba: {  	[sflag:s29] =	ssyncadd.s32 $0xFFFFFFFF  }
0xbb: {  	_ =	strace $0x90000048  }
0xbc: {  	_ =	sfence  }
0xbd: {  	s30 =	sld [smem:$0x0];
	_ =	sdelay $0x2  }
0xbe: {  	s31 =	sshll.u32 s1, $0xD;
	s1 =	sshrl.u32 s1, $0x2  }
0xbf: {  	s3 =	sand.u32 $0x4000, s31;
	s1 =	sadd.s32 s1, s30  }
0xc0: {  	s0 =	sor.u32 s3, s0;
	s1 =	sshll.u32 s1, $0x11  }
0xc1: {  	s0 =	sor.u32 s1, s0  }
0xc2: {  	s0 =	sadd.s32 $0x8F2B, s0  }
0xc3: {  	[sflag:s0] =	ssyncadd.remote.s32 $0x1  }
0xc4: {  	_ =	sfence.sel $0xFFFF  }
0xc5: {  	[dreg:$0x0] =	wrdreg $0xFFFFFFFF;
	(pc) =	sbr.abs _section_cstart, $3  }
0xc6: {  	[dreg:$0x1] =	wrdreg $0xFFFFFFFF  }
0xc7: {  	_ =	task.clear_ibuf [dreg:s7], $0x2FFFF;
	_ =	strace $0x9FFFFFFF  }
0xc8: {  	(tm) =	ssettm $0x7FFFFFFF  }
0xc9: {  	_ =	shalt  }
tec
execute0_lowered:
.L_overlay_start_1:
0x0: {  	(tag) =	ssettag $0x1  }
0x1: {  	v0 =	vlaneseq.u32  }
0x2: {  	v0 =	vmul.u32 $0x2, v0;
	_ =	sdelay $0x1  }
0x3: {  	v1 =	vor.u32 $0x1, v0  }
0x4: {  	v5 =	vor.u32 $0x41, v0;
	v6 =	vor.u32 $0x60, v0;
	v7 =	vor.u32 $0x61, v0  }
0x5: {  	v8 =	vor.u32 $0x80, v0;
	v9 =	vor.u32 $0x81, v0;
	v10 =	vor.u32 $0xA0, v0  }
0x6: {  	v11 =	vor.u32 $0xA1, v0;
	v12 =	vor.u32 $0xC0, v0;
	v13 =	vor.u32 $0xC1, v0  }
0x7: {  	v14 =	vor.u32 $0xE0, v0;
	v15 =	vor.u32 $0xE1, v0;
	v16 =	vor.u32 $0x100, v0  }
0x8: {  	v17 =	vor.u32 $0x101, v0;
	v18 =	vor.u32 $0x120, v0;
	v19 =	vor.u32 $0x121, v0  }
0x9: {  	v20 =	vor.u32 $0x140, v0;
	v21 =	vor.u32 $0x141, v0;
	v22 =	vor.u32 $0x160, v0  }
0xa: {  	v23 =	vor.u32 $0x161, v0;
	v24 =	vor.u32 $0x180, v0;
	v25 =	vor.u32 $0x181, v0  }
0xb: {  	v26 =	vor.u32 $0x1A0, v0;
	v27 =	vor.u32 $0x1A1, v0;
	v28 =	vor.u32 $0x1C0, v0  }
0xc: {  	v29 =	vor.u32 $0x1C1, v0;
	v30 =	vor.u32 $0x1E0, v0;
	v31 =	vor.u32 $0x1E1, v0  }
0xd: {  	v32 =	vor.u32 $0x200, v0;
	v33 =	vor.u32 $0x201, v0;
	v34 =	vor.u32 $0x220, v0  }
0xe: {  	v35 =	vor.u32 $0x221, v0;
	v36 =	vor.u32 $0x240, v0;
	v37 =	vor.u32 $0x241, v0  }
0xf: {  	v38 =	vor.u32 $0x260, v0;
	v39 =	vor.u32 $0x261, v0;
	v40 =	vor.u32 $0x280, v0  }
0x10: {  	s1 =	srdreg.scid;
	s0 =	stileid.u32;
	v41 =	vor.u32 $0x281, v0;
	v42 =	vor.u32 $0x2A0, v0;
	v43 =	vor.u32 $0x2A1, v0  }
0x11: {  	s3 =	rddreg [dreg:$0x0];
	s4 =	sand.u32 $0x1, s1;
	s2 =	sshll.u32 s0, $0x1;
	v44 =	vor.u32 $0x2C0, v0;
	v45 =	vor.u32 $0x2C1, v0;
	v46 =	vor.u32 $0x2E0, v0  }
0x12: {  	s5 =	rddreg [dreg:$0x1];
	s9 =	simm.s32 $0xC00;
	s6 =	sor.u32 s4, s2;
	v47 =	vor.u32 $0x2E1, v0;
	v48 =	vor.u32 $0x300, v0;
	v49 =	vor.u32 $0x301, v0  }
0x13: {  	s10 =	simm.s32 $0x1800;
	s1 =	rddreg [dreg:$0x2];
	s7 =	smul.u32 $0x180, s6;
	v50 =	vor.u32 $0x320, v0;
	v51 =	vor.u32 $0x321, v0;
	v52 =	vor.u32 $0x340, v0  }
0x14: {  	s2 =	simm.s32 $0x0;
	s4 =	ssub.s32 $0x2, s4;
	s6 =	smul.u32 $0x30, s6;
	v53 =	vor.u32 $0x341, v0;
	v54 =	vor.u32 $0x360, v0;
	[tilespmem:$0x1FFC0] =	vst v1;
	v1 =	vor.u32 $0x20, v0  }
0x15: {  	s11 =	simm.s32 $0x1980;
	[smem:$0x7FF] =	sst s2;
	s8 =	sshrl.u32 s4, $0x1;
	v55 =	vor.u32 $0x361, v0;
	v56 =	vor.u32 $0x380, v0;
	[tilespmem:$0x1FFD0] =	vst v1;
	v1 =	vor.u32 $0x21, v0  }
0x16: {  	v57 =	vor.u32 $0x381, v0;
	v58 =	vor.u32 $0x3A0, v0;
	s8 =	ssub.s32 s4, s8;
	s7 =	sadd.s32 s7, s3;
	s5 =	sadd.s32 s5, s6;
	[tilespmem:$0x1FFE0] =	vst v1;
	v1 =	vor.u32 $0x40, v0  }
0x17: {  	v59 =	vor.u32 $0x3A1, v0;
	v60 =	vor.u32 $0x3C0, v0;
	s3 =	sadd.s32 $0xE00, s7;
	s4 =	sadd.s32 $0x3E00, s7;
	s6 =	sadd.s32 $0x6E00, s7;
	[tilespmem:$0x1FFF0] =	vst v1  }
0x18: {  	v61 =	vor.u32 $0x3C1, v0;
	v62 =	vor.u32 $0x3E0, v0;
	v63 =	vor.u32 $0x3E1, v0;
	s7 =	smax.u32 s8, $0x1;
	s8 =	simm.s32 $0x1;
	_ =	strace $0x80000047  }
.LBB2_1:
0x19: {  	[tilespmem:s2], [sflag:$0x1] =	stream.linear.gather [hbm4b:s3+s2], $0xC00, $0x38;
	[tilespmem:$0x2580] =	vst v63  }
0x1a: {  	_ =	swait.ge [sflag:s8], $0xC00  }
0x1b: {  	[sflag:s8] =	ssyncset.done $0x0  }
0x1c: {  	[sflag:s8] =	ssyncadd.s32 $0xFFFFF400  }
0x1d: {  	[tilespmem:s9], [sflag:$0x1] =	stream.linear.gather [hbm4b:s4+s2], $0xC00, $0x38;
	[tilespmem:$0x2580] =	vst v63  }
0x1e: {  	_ =	swait.ge [sflag:s8], $0xC00  }
0x1f: {  	[sflag:s8] =	ssyncset.done $0x0  }
0x20: {  	[sflag:s8] =	ssyncadd.s32 $0xFFFFF400  }
0x21: {  	[tilespmem:s10], [sflag:$0x1] =	stream.linear.gather [hbm4b:s5+s2], $0x180, $0x38;
	[tilespmem:$0x2580] =	vst v63  }
0x22: {  	_ =	swait.ge [sflag:s8], $0x180  }
0x23: {  	v4 =	vld [tilespmem:$0x1FFC0];
	_ =	sdelay $0x2  }
0x24: {  	[sflag:s8] =	ssyncset.done $0x0  }
0x25: {  	[sflag:s8] =	ssyncadd.s32 $0xFFFFFE80  }
0x26: {  	v1 =	vld.idx.msk [tilespmem:v0+s9+$0x0], $0xffff;
	_ =	sdelay $0x2  }
0x27: {  	v2 =	vld.idx.msk [tilespmem:v4+s9+$0x0], $0xffff;
	_ =	sdelay $0x3  }
0x28: {  	v3 =	vld.idx.msk [tilespmem:v0+s2+$0x0], $0xffff  }
0x29: {  	v1 =	vld.idx.msk [tilespmem:v1+s10+$0x0], $0xffff;
	_ =	sdelay $0x1  }
0x2a: {  	v4 =	vld.idx.msk [tilespmem:v4+s2+$0x0], $0xffff  }
0x2b: {  	v2 =	vld.idx.msk [tilespmem:v2+s10+$0x0], $0xffff;
	_ =	sdelay $0x1  }
0x2c: {  	v1 =	vmul.f32 v1, v3;
	v3 =	vld [tilespmem:$0x1FFD0];
	_ =	sdelay $0x2  }
0x2d: {  	v2 =	vmul.f32 v2, v4;
	v4 =	vld [tilespmem:$0x1FFE0];
	_ =	sdelay $0x1  }
0x2e: {  	v1 =	vadd.f32 v2, v1;
	_ =	sdelay $0x1  }
0x2f: {  	[tilespmem:$0x1980] =	vst v1  }
0x30: {  	v1 =	vld.idx.msk [tilespmem:v3+s9+$0x0], $0xffff;
	_ =	sdelay $0x2  }
0x31: {  	v2 =	vld.idx.msk [tilespmem:v4+s9+$0x0], $0xffff;
	_ =	sdelay $0x3  }
0x32: {  	v3 =	vld.idx.msk [tilespmem:v3+s2+$0x0], $0xffff  }
0x33: {  	v1 =	vld.idx.msk [tilespmem:v1+s10+$0x0], $0xffff;
	_ =	sdelay $0x1  }
0x34: {  	v4 =	vld.idx.msk [tilespmem:v4+s2+$0x0], $0xffff  }
0x35: {  	v2 =	vld.idx.msk [tilespmem:v2+s10+$0x0], $0xffff;
	_ =	sdelay $0x1  }
0x36: {  	v1 =	vmul.f32 v1, v3;
	v3 =	vld [tilespmem:$0x1FFF0];
	_ =	sdelay $0x2  }
0x37: {  	v2 =	vmul.f32 v2, v4;
	_ =	sdelay $0x1  }
0x38: {  	v1 =	vadd.f32 v2, v1;
	_ =	sdelay $0x1  }
0x39: {  	[tilespmem:$0x1990] =	vst v1  }
0x3a: {  	v1 =	vld.idx.msk [tilespmem:v3+s9+$0x0], $0xffff  }
0x3b: {  	v2 =	vld.idx.msk [tilespmem:v5+s9+$0x0], $0xffff;
	_ =	sdelay $0x4  }
0x3c: {  	v3 =	vld.idx.msk [tilespmem:v3+s2+$0x0], $0xffff  }
0x3d: {  	v4 =	vld.idx.msk [tilespmem:v5+s2+$0x0], $0xffff  }
0x3e: {  	v1 =	vld.idx.msk [tilespmem:v1+s10+$0x0], $0xffff  }
0x3f: {  	v2 =	vld.idx.msk [tilespmem:v2+s10+$0x0], $0xffff;
	_ =	sdelay $0x4  }
0x40: {  	v1 =	vmul.f32 v1, v3;
	v2 =	vmul.f32 v2, v4;
	_ =	sdelay $0x1  }
0x41: {  	v1 =	vadd.f32 v2, v1;
	_ =	sdelay $0x1  }
0x42: {  	[tilespmem:$0x19A0] =	vst v1  }
0x43: {  	v1 =	vld.idx.msk [tilespmem:v6+s9+$0x0], $0xffff  }
0x44: {  	v2 =	vld.idx.msk [tilespmem:v7+s9+$0x0], $0xffff;
	_ =	sdelay $0x4  }
0x45: {  	v3 =	vld.idx.msk [tilespmem:v6+s2+$0x0], $0xffff  }
0x46: {  	v4 =	vld.idx.msk [tilespmem:v7+s2+$0x0], $0xffff  }
0x47: {  	v1 =	vld.idx.msk [tilespmem:v1+s10+$0x0], $0xffff  }
0x48: {  	v2 =	vld.idx.msk [tilespmem:v2+s10+$0x0], $0xffff;
	_ =	sdelay $0x4  }
0x49: {  	v1 =	vmul.f32 v1, v3;
	v2 =	vmul.f32 v2, v4;
	_ =	sdelay $0x1  }
0x4a: {  	v1 =	vadd.f32 v2, v1;
	_ =	sdelay $0x1  }
0x4b: {  	[tilespmem:$0x19B0] =	vst v1  }
0x4c: {  	v1 =	vld.idx.msk [tilespmem:v8+s9+$0x0], $0xffff  }
0x4d: {  	v2 =	vld.idx.msk [tilespmem:v9+s9+$0x0], $0xffff;
	_ =	sdelay $0x3  }
0x4e: {  	v1 =	vadd.s32 $0x10, v1  }
0x4f: {  	v2 =	vadd.s32 $0x10, v2;
	_ =	sdelay $0x1  }
0x50: {  	v3 =	vld.idx.msk [tilespmem:v8+s2+$0x0], $0xffff  }
0x51: {  	v4 =	vld.idx.msk [tilespmem:v9+s2+$0x0], $0xffff  }
0x52: {  	v1 =	vld.idx.msk [tilespmem:v1+s10+$0x0], $0xffff  }
0x53: {  	v2 =	vld.idx.msk [tilespmem:v2+s10+$0x0], $0xffff;
	_ =	sdelay $0x4  }
0x54: {  	v1 =	vmul.f32 v1, v3;
	v2 =	vmul.f32 v2, v4;
	_ =	sdelay $0x1  }
0x55: {  	v1 =	vadd.f32 v2, v1;
	_ =	sdelay $0x1  }
0x56: {  	[tilespmem:$0x1A00] =	vst v1  }
0x57: {  	v1 =	vld.idx.msk [tilespmem:v10+s9+$0x0], $0xffff  }
0x58: {  	v2 =	vld.idx.msk [tilespmem:v11+s9+$0x0], $0xffff;
	_ =	sdelay $0x3  }
0x59: {  	v1 =	vadd.s32 $0x10, v1  }
0x5a: {  	v2 =	vadd.s32 $0x10, v2;
	_ =	sdelay $0x1  }
0x5b: {  	v3 =	vld.idx.msk [tilespmem:v10+s2+$0x0], $0xffff  }
0x5c: {  	v4 =	vld.idx.msk [tilespmem:v11+s2+$0x0], $0xffff  }
0x5d: {  	v1 =	vld.idx.msk [tilespmem:v1+s10+$0x0], $0xffff  }
0x5e: {  	v2 =	vld.idx.msk [tilespmem:v2+s10+$0x0], $0xffff;
	_ =	sdelay $0x4  }
0x5f: {  	v1 =	vmul.f32 v1, v3;
	v2 =	vmul.f32 v2, v4;
	_ =	sdelay $0x1  }
0x60: {  	v1 =	vadd.f32 v2, v1;
	_ =	sdelay $0x1  }
0x61: {  	[tilespmem:$0x1A10] =	vst v1  }
0x62: {  	v1 =	vld.idx.msk [tilespmem:v12+s9+$0x0], $0xffff  }
0x63: {  	v2 =	vld.idx.msk [tilespmem:v13+s9+$0x0], $0xffff;
	_ =	sdelay $0x3  }
0x64: {  	v1 =	vadd.s32 $0x10, v1  }
0x65: {  	v2 =	vadd.s32 $0x10, v2;
	_ =	sdelay $0x1  }
0x66: {  	v3 =	vld.idx.msk [tilespmem:v12+s2+$0x0], $0xffff  }
0x67: {  	v4 =	vld.idx.msk [tilespmem:v13+s2+$0x0], $0xffff  }
0x68: {  	v1 =	vld.idx.msk [tilespmem:v1+s10+$0x0], $0xffff  }
0x69: {  	v2 =	vld.idx.msk [tilespmem:v2+s10+$0x0], $0xffff;
	_ =	sdelay $0x4  }
0x6a: {  	v1 =	vmul.f32 v1, v3;
	v2 =	vmul.f32 v2, v4;
	_ =	sdelay $0x1  }
0x6b: {  	v1 =	vadd.f32 v2, v1;
	_ =	sdelay $0x1  }
0x6c: {  	[tilespmem:$0x1A20] =	vst v1  }
0x6d: {  	v1 =	vld.idx.msk [tilespmem:v14+s9+$0x0], $0xffff  }
0x6e: {  	v2 =	vld.idx.msk [tilespmem:v15+s9+$0x0], $0xffff;
	_ =	sdelay $0x3  }
0x6f: {  	v1 =	vadd.s32 $0x10, v1  }
0x70: {  	v2 =	vadd.s32 $0x10, v2;
	_ =	sdelay $0x1  }
0x71: {  	v3 =	vld.idx.msk [tilespmem:v14+s2+$0x0], $0xffff  }
0x72: {  	v4 =	vld.idx.msk [tilespmem:v15+s2+$0x0], $0xffff  }
0x73: {  	v1 =	vld.idx.msk [tilespmem:v1+s10+$0x0], $0xffff  }
0x74: {  	v2 =	vld.idx.msk [tilespmem:v2+s10+$0x0], $0xffff;
	_ =	sdelay $0x4  }
0x75: {  	v1 =	vmul.f32 v1, v3;
	v2 =	vmul.f32 v2, v4;
	_ =	sdelay $0x1  }
0x76: {  	v1 =	vadd.f32 v2, v1;
	_ =	sdelay $0x1  }
0x77: {  	[tilespmem:$0x1A30] =	vst v1  }
0x78: {  	v1 =	vld.idx.msk [tilespmem:v16+s9+$0x0], $0xffff  }
0x79: {  	v2 =	vld.idx.msk [tilespmem:v17+s9+$0x0], $0xffff;
	_ =	sdelay $0x3  }
0x7a: {  	v1 =	vadd.s32 $0x20, v1  }
0x7b: {  	v2 =	vadd.s32 $0x20, v2;
	_ =	sdelay $0x1  }
0x7c: {  	v3 =	vld.idx.msk [tilespmem:v16+s2+$0x0], $0xffff  }
0x7d: {  	v4 =	vld.idx.msk [tilespmem:v17+s2+$0x0], $0xffff  }
0x7e: {  	v1 =	vld.idx.msk [tilespmem:v1+s10+$0x0], $0xffff  }
0x7f: {  	v2 =	vld.idx.msk [tilespmem:v2+s10+$0x0], $0xffff;
	_ =	sdelay $0x4  }
0x80: {  	v1 =	vmul.f32 v1, v3;
	v2 =	vmul.f32 v2, v4;
	_ =	sdelay $0x1  }
0x81: {  	v1 =	vadd.f32 v2, v1;
	_ =	sdelay $0x1  }
0x82: {  	[tilespmem:$0x1A80] =	vst v1  }
0x83: {  	v1 =	vld.idx.msk [tilespmem:v18+s9+$0x0], $0xffff  }
0x84: {  	v2 =	vld.idx.msk [tilespmem:v19+s9+$0x0], $0xffff;
	_ =	sdelay $0x3  }
0x85: {  	v1 =	vadd.s32 $0x20, v1  }
0x86: {  	v2 =	vadd.s32 $0x20, v2;
	_ =	sdelay $0x1  }
0x87: {  	v3 =	vld.idx.msk [tilespmem:v18+s2+$0x0], $0xffff  }
0x88: {  	v4 =	vld.idx.msk [tilespmem:v19+s2+$0x0], $0xffff  }
0x89: {  	v1 =	vld.idx.msk [tilespmem:v1+s10+$0x0], $0xffff  }
0x8a: {  	v2 =	vld.idx.msk [tilespmem:v2+s10+$0x0], $0xffff;
	_ =	sdelay $0x4  }
0x8b: {  	v1 =	vmul.f32 v1, v3;
	v2 =	vmul.f32 v2, v4;
	_ =	sdelay $0x1  }
0x8c: {  	v1 =	vadd.f32 v2, v1;
	_ =	sdelay $0x1  }
0x8d: {  	[tilespmem:$0x1A90] =	vst v1  }
0x8e: {  	v1 =	vld.idx.msk [tilespmem:v20+s9+$0x0], $0xffff  }
0x8f: {  	v2 =	vld.idx.msk [tilespmem:v21+s9+$0x0], $0xffff;
	_ =	sdelay $0x3  }
0x90: {  	v1 =	vadd.s32 $0x20, v1  }
0x91: {  	v2 =	vadd.s32 $0x20, v2;
	_ =	sdelay $0x1  }
0x92: {  	v3 =	vld.idx.msk [tilespmem:v20+s2+$0x0], $0xffff  }
0x93: {  	v4 =	vld.idx.msk [tilespmem:v21+s2+$0x0], $0xffff  }
0x94: {  	v1 =	vld.idx.msk [tilespmem:v1+s10+$0x0], $0xffff  }
0x95: {  	v2 =	vld.idx.msk [tilespmem:v2+s10+$0x0], $0xffff;
	_ =	sdelay $0x4  }
0x96: {  	v1 =	vmul.f32 v1, v3;
	v2 =	vmul.f32 v2, v4;
	_ =	sdelay $0x1  }
0x97: {  	v1 =	vadd.f32 v2, v1;
	_ =	sdelay $0x1  }
0x98: {  	[tilespmem:$0x1AA0] =	vst v1  }
0x99: {  	v1 =	vld.idx.msk [tilespmem:v22+s9+$0x0], $0xffff  }
0x9a: {  	v2 =	vld.idx.msk [tilespmem:v23+s9+$0x0], $0xffff;
	_ =	sdelay $0x3  }
0x9b: {  	v1 =	vadd.s32 $0x20, v1  }
0x9c: {  	v2 =	vadd.s32 $0x20, v2;
	_ =	sdelay $0x1  }
0x9d: {  	v3 =	vld.idx.msk [tilespmem:v22+s2+$0x0], $0xffff  }
0x9e: {  	v4 =	vld.idx.msk [tilespmem:v23+s2+$0x0], $0xffff  }
0x9f: {  	v1 =	vld.idx.msk [tilespmem:v1+s10+$0x0], $0xffff  }
0xa0: {  	v2 =	vld.idx.msk [tilespmem:v2+s10+$0x0], $0xffff;
	_ =	sdelay $0x4  }
0xa1: {  	v1 =	vmul.f32 v1, v3;
	v2 =	vmul.f32 v2, v4;
	_ =	sdelay $0x1  }
0xa2: {  	v1 =	vadd.f32 v2, v1;
	_ =	sdelay $0x1  }
0xa3: {  	[tilespmem:$0x1AB0] =	vst v1  }
0xa4: {  	v1 =	vld.idx.msk [tilespmem:v24+s9+$0x0], $0xffff  }
0xa5: {  	v2 =	vld.idx.msk [tilespmem:v25+s9+$0x0], $0xffff;
	_ =	sdelay $0x3  }
0xa6: {  	v1 =	vadd.s32 $0x30, v1  }
0xa7: {  	v2 =	vadd.s32 $0x30, v2;
	_ =	sdelay $0x1  }
0xa8: {  	v3 =	vld.idx.msk [tilespmem:v24+s2+$0x0], $0xffff  }
0xa9: {  	v4 =	vld.idx.msk [tilespmem:v25+s2+$0x0], $0xffff  }
0xaa: {  	v1 =	vld.idx.msk [tilespmem:v1+s10+$0x0], $0xffff  }
0xab: {  	v2 =	vld.idx.msk [tilespmem:v2+s10+$0x0], $0xffff;
	_ =	sdelay $0x4  }
0xac: {  	v1 =	vmul.f32 v1, v3;
	v2 =	vmul.f32 v2, v4;
	_ =	sdelay $0x1  }
0xad: {  	v1 =	vadd.f32 v2, v1;
	_ =	sdelay $0x1  }
0xae: {  	[tilespmem:$0x1B00] =	vst v1  }
0xaf: {  	v1 =	vld.idx.msk [tilespmem:v26+s9+$0x0], $0xffff  }
0xb0: {  	v2 =	vld.idx.msk [tilespmem:v27+s9+$0x0], $0xffff;
	_ =	sdelay $0x3  }
0xb1: {  	v1 =	vadd.s32 $0x30, v1  }
0xb2: {  	v2 =	vadd.s32 $0x30, v2;
	_ =	sdelay $0x1  }
0xb3: {  	v3 =	vld.idx.msk [tilespmem:v26+s2+$0x0], $0xffff  }
0xb4: {  	v4 =	vld.idx.msk [tilespmem:v27+s2+$0x0], $0xffff  }
0xb5: {  	v1 =	vld.idx.msk [tilespmem:v1+s10+$0x0], $0xffff  }
0xb6: {  	v2 =	vld.idx.msk [tilespmem:v2+s10+$0x0], $0xffff;
	_ =	sdelay $0x4  }
0xb7: {  	v1 =	vmul.f32 v1, v3;
	v2 =	vmul.f32 v2, v4;
	_ =	sdelay $0x1  }
0xb8: {  	v1 =	vadd.f32 v2, v1;
	_ =	sdelay $0x1  }
0xb9: {  	[tilespmem:$0x1B10] =	vst v1  }
0xba: {  	v1 =	vld.idx.msk [tilespmem:v28+s9+$0x0], $0xffff  }
0xbb: {  	v2 =	vld.idx.msk [tilespmem:v29+s9+$0x0], $0xffff;
	_ =	sdelay $0x3  }
0xbc: {  	v1 =	vadd.s32 $0x30, v1  }
0xbd: {  	v2 =	vadd.s32 $0x30, v2;
	_ =	sdelay $0x1  }
0xbe: {  	v3 =	vld.idx.msk [tilespmem:v28+s2+$0x0], $0xffff  }
0xbf: {  	v4 =	vld.idx.msk [tilespmem:v29+s2+$0x0], $0xffff  }
0xc0: {  	v1 =	vld.idx.msk [tilespmem:v1+s10+$0x0], $0xffff  }
0xc1: {  	v2 =	vld.idx.msk [tilespmem:v2+s10+$0x0], $0xffff;
	_ =	sdelay $0x4  }
0xc2: {  	v1 =	vmul.f32 v1, v3;
	v2 =	vmul.f32 v2, v4;
	_ =	sdelay $0x1  }
0xc3: {  	v1 =	vadd.f32 v2, v1;
	_ =	sdelay $0x1  }
0xc4: {  	[tilespmem:$0x1B20] =	vst v1  }
0xc5: {  	v1 =	vld.idx.msk [tilespmem:v30+s9+$0x0], $0xffff  }
0xc6: {  	v2 =	vld.idx.msk [tilespmem:v31+s9+$0x0], $0xffff;
	_ =	sdelay $0x3  }
0xc7: {  	v1 =	vadd.s32 $0x30, v1  }
0xc8: {  	v2 =	vadd.s32 $0x30, v2;
	_ =	sdelay $0x1  }
0xc9: {  	v3 =	vld.idx.msk [tilespmem:v30+s2+$0x0], $0xffff  }
0xca: {  	v4 =	vld.idx.msk [tilespmem:v31+s2+$0x0], $0xffff  }
0xcb: {  	v1 =	vld.idx.msk [tilespmem:v1+s10+$0x0], $0xffff  }
0xcc: {  	v2 =	vld.idx.msk [tilespmem:v2+s10+$0x0], $0xffff;
	_ =	sdelay $0x4  }
0xcd: {  	v1 =	vmul.f32 v1, v3;
	v2 =	vmul.f32 v2, v4;
	_ =	sdelay $0x1  }
0xce: {  	v1 =	vadd.f32 v2, v1;
	_ =	sdelay $0x1  }
0xcf: {  	[tilespmem:$0x1B30] =	vst v1  }
0xd0: {  	v1 =	vld.idx.msk [tilespmem:v32+s9+$0x0], $0xffff  }
0xd1: {  	v2 =	vld.idx.msk [tilespmem:v33+s9+$0x0], $0xffff;
	_ =	sdelay $0x3  }
0xd2: {  	v1 =	vadd.s32 $0x40, v1  }
0xd3: {  	v2 =	vadd.s32 $0x40, v2;
	_ =	sdelay $0x1  }
0xd4: {  	v3 =	vld.idx.msk [tilespmem:v32+s2+$0x0], $0xffff  }
0xd5: {  	v4 =	vld.idx.msk [tilespmem:v33+s2+$0x0], $0xffff  }
0xd6: {  	v1 =	vld.idx.msk [tilespmem:v1+s10+$0x0], $0xffff  }
0xd7: {  	v2 =	vld.idx.msk [tilespmem:v2+s10+$0x0], $0xffff;
	_ =	sdelay $0x4  }
0xd8: {  	v1 =	vmul.f32 v1, v3;
	v2 =	vmul.f32 v2, v4;
	_ =	sdelay $0x1  }
0xd9: {  	v1 =	vadd.f32 v2, v1;
	_ =	sdelay $0x1  }
0xda: {  	[tilespmem:$0x1B80] =	vst v1  }
0xdb: {  	v1 =	vld.idx.msk [tilespmem:v34+s9+$0x0], $0xffff  }
0xdc: {  	v2 =	vld.idx.msk [tilespmem:v35+s9+$0x0], $0xffff;
	_ =	sdelay $0x3  }
0xdd: {  	v1 =	vadd.s32 $0x40, v1  }
0xde: {  	v2 =	vadd.s32 $0x40, v2;
	_ =	sdelay $0x1  }
0xdf: {  	v3 =	vld.idx.msk [tilespmem:v34+s2+$0x0], $0xffff  }
0xe0: {  	v4 =	vld.idx.msk [tilespmem:v35+s2+$0x0], $0xffff  }
0xe1: {  	v1 =	vld.idx.msk [tilespmem:v1+s10+$0x0], $0xffff  }
0xe2: {  	v2 =	vld.idx.msk [tilespmem:v2+s10+$0x0], $0xffff;
	_ =	sdelay $0x4  }
0xe3: {  	v1 =	vmul.f32 v1, v3;
	v2 =	vmul.f32 v2, v4;
	_ =	sdelay $0x1  }
0xe4: {  	v1 =	vadd.f32 v2, v1;
	_ =	sdelay $0x1  }
0xe5: {  	[tilespmem:$0x1B90] =	vst v1  }
0xe6: {  	v1 =	vld.idx.msk [tilespmem:v36+s9+$0x0], $0xffff  }
0xe7: {  	v2 =	vld.idx.msk [tilespmem:v37+s9+$0x0], $0xffff;
	_ =	sdelay $0x3  }
0xe8: {  	v1 =	vadd.s32 $0x40, v1  }
0xe9: {  	v2 =	vadd.s32 $0x40, v2;
	_ =	sdelay $0x1  }
0xea: {  	v3 =	vld.idx.msk [tilespmem:v36+s2+$0x0], $0xffff  }
0xeb: {  	v4 =	vld.idx.msk [tilespmem:v37+s2+$0x0], $0xffff  }
0xec: {  	v1 =	vld.idx.msk [tilespmem:v1+s10+$0x0], $0xffff  }
0xed: {  	v2 =	vld.idx.msk [tilespmem:v2+s10+$0x0], $0xffff;
	_ =	sdelay $0x4  }
0xee: {  	v1 =	vmul.f32 v1, v3;
	v2 =	vmul.f32 v2, v4;
	_ =	sdelay $0x1  }
0xef: {  	v1 =	vadd.f32 v2, v1;
	_ =	sdelay $0x1  }
0xf0: {  	[tilespmem:$0x1BA0] =	vst v1  }
0xf1: {  	v1 =	vld.idx.msk [tilespmem:v38+s9+$0x0], $0xffff  }
0xf2: {  	v2 =	vld.idx.msk [tilespmem:v39+s9+$0x0], $0xffff;
	_ =	sdelay $0x3  }
0xf3: {  	v1 =	vadd.s32 $0x40, v1  }
0xf4: {  	v2 =	vadd.s32 $0x40, v2;
	_ =	sdelay $0x1  }
0xf5: {  	v3 =	vld.idx.msk [tilespmem:v38+s2+$0x0], $0xffff  }
0xf6: {  	v4 =	vld.idx.msk [tilespmem:v39+s2+$0x0], $0xffff  }
0xf7: {  	v1 =	vld.idx.msk [tilespmem:v1+s10+$0x0], $0xffff  }
0xf8: {  	v2 =	vld.idx.msk [tilespmem:v2+s10+$0x0], $0xffff;
	_ =	sdelay $0x4  }
0xf9: {  	v1 =	vmul.f32 v1, v3;
	v2 =	vmul.f32 v2, v4;
	_ =	sdelay $0x1  }
0xfa: {  	v1 =	vadd.f32 v2, v1;
	_ =	sdelay $0x1  }
0xfb: {  	[tilespmem:$0x1BB0] =	vst v1  }
0xfc: {  	v1 =	vld.idx.msk [tilespmem:v40+s9+$0x0], $0xffff  }
0xfd: {  	v2 =	vld.idx.msk [tilespmem:v41+s9+$0x0], $0xffff;
	_ =	sdelay $0x3  }
0xfe: {  	v1 =	vadd.s32 $0x50, v1  }
0xff: {  	v2 =	vadd.s32 $0x50, v2;
	_ =	sdelay $0x1  }
0x100: {  	v3 =	vld.idx.msk [tilespmem:v40+s2+$0x0], $0xffff  }
0x101: {  	v4 =	vld.idx.msk [tilespmem:v41+s2+$0x0], $0xffff  }
0x102: {  	v1 =	vld.idx.msk [tilespmem:v1+s10+$0x0], $0xffff  }
0x103: {  	v2 =	vld.idx.msk [tilespmem:v2+s10+$0x0], $0xffff;
	_ =	sdelay $0x4  }
0x104: {  	v1 =	vmul.f32 v1, v3;
	v2 =	vmul.f32 v2, v4;
	_ =	sdelay $0x1  }
0x105: {  	v1 =	vadd.f32 v2, v1;
	_ =	sdelay $0x1  }
0x106: {  	[tilespmem:$0x1C00] =	vst v1  }
0x107: {  	v1 =	vld.idx.msk [tilespmem:v42+s9+$0x0], $0xffff  }
0x108: {  	v2 =	vld.idx.msk [tilespmem:v43+s9+$0x0], $0xffff;
	_ =	sdelay $0x3  }
0x109: {  	v1 =	vadd.s32 $0x50, v1  }
0x10a: {  	v2 =	vadd.s32 $0x50, v2;
	_ =	sdelay $0x1  }
0x10b: {  	v3 =	vld.idx.msk [tilespmem:v42+s2+$0x0], $0xffff  }
0x10c: {  	v4 =	vld.idx.msk [tilespmem:v43+s2+$0x0], $0xffff  }
0x10d: {  	v1 =	vld.idx.msk [tilespmem:v1+s10+$0x0], $0xffff  }
0x10e: {  	v2 =	vld.idx.msk [tilespmem:v2+s10+$0x0], $0xffff;
	_ =	sdelay $0x4  }
0x10f: {  	v1 =	vmul.f32 v1, v3;
	v2 =	vmul.f32 v2, v4;
	_ =	sdelay $0x1  }
0x110: {  	v1 =	vadd.f32 v2, v1;
	_ =	sdelay $0x1  }
0x111: {  	[tilespmem:$0x1C10] =	vst v1  }
0x112: {  	v1 =	vld.idx.msk [tilespmem:v44+s9+$0x0], $0xffff  }
0x113: {  	v2 =	vld.idx.msk [tilespmem:v45+s9+$0x0], $0xffff;
	_ =	sdelay $0x3  }
0x114: {  	v1 =	vadd.s32 $0x50, v1  }
0x115: {  	v2 =	vadd.s32 $0x50, v2;
	_ =	sdelay $0x1  }
0x116: {  	v3 =	vld.idx.msk [tilespmem:v44+s2+$0x0], $0xffff  }
0x117: {  	v4 =	vld.idx.msk [tilespmem:v45+s2+$0x0], $0xffff  }
0x118: {  	v1 =	vld.idx.msk [tilespmem:v1+s10+$0x0], $0xffff  }
0x119: {  	v2 =	vld.idx.msk [tilespmem:v2+s10+$0x0], $0xffff;
	_ =	sdelay $0x4  }
0x11a: {  	v1 =	vmul.f32 v1, v3;
	v2 =	vmul.f32 v2, v4;
	_ =	sdelay $0x1  }
0x11b: {  	v1 =	vadd.f32 v2, v1;
	_ =	sdelay $0x1  }
0x11c: {  	[tilespmem:$0x1C20] =	vst v1  }
0x11d: {  	v1 =	vld.idx.msk [tilespmem:v46+s9+$0x0], $0xffff  }
0x11e: {  	v2 =	vld.idx.msk [tilespmem:v47+s9+$0x0], $0xffff;
	_ =	sdelay $0x3  }
0x11f: {  	v1 =	vadd.s32 $0x50, v1  }
0x120: {  	v2 =	vadd.s32 $0x50, v2;
	_ =	sdelay $0x1  }
0x121: {  	v3 =	vld.idx.msk [tilespmem:v46+s2+$0x0], $0xffff  }
0x122: {  	v4 =	vld.idx.msk [tilespmem:v47+s2+$0x0], $0xffff  }
0x123: {  	v1 =	vld.idx.msk [tilespmem:v1+s10+$0x0], $0xffff  }
0x124: {  	v2 =	vld.idx.msk [tilespmem:v2+s10+$0x0], $0xffff;
	_ =	sdelay $0x4  }
0x125: {  	v1 =	vmul.f32 v1, v3;
	v2 =	vmul.f32 v2, v4;
	_ =	sdelay $0x1  }
0x126: {  	v1 =	vadd.f32 v2, v1;
	_ =	sdelay $0x1  }
0x127: {  	[tilespmem:$0x1C30] =	vst v1  }
0x128: {  	v1 =	vld.idx.msk [tilespmem:v48+s9+$0x0], $0xffff  }
0x129: {  	v2 =	vld.idx.msk [tilespmem:v49+s9+$0x0], $0xffff;
	_ =	sdelay $0x3  }
0x12a: {  	v1 =	vadd.s32 $0x60, v1  }
0x12b: {  	v2 =	vadd.s32 $0x60, v2;
	_ =	sdelay $0x1  }
0x12c: {  	v3 =	vld.idx.msk [tilespmem:v48+s2+$0x0], $0xffff  }
0x12d: {  	v4 =	vld.idx.msk [tilespmem:v49+s2+$0x0], $0xffff  }
0x12e: {  	v1 =	vld.idx.msk [tilespmem:v1+s10+$0x0], $0xffff  }
0x12f: {  	v2 =	vld.idx.msk [tilespmem:v2+s10+$0x0], $0xffff;
	_ =	sdelay $0x4  }
0x130: {  	v1 =	vmul.f32 v1, v3;
	v2 =	vmul.f32 v2, v4;
	_ =	sdelay $0x1  }
0x131: {  	v1 =	vadd.f32 v2, v1;
	_ =	sdelay $0x1  }
0x132: {  	[tilespmem:$0x1C80] =	vst v1  }
0x133: {  	v1 =	vld.idx.msk [tilespmem:v50+s2+$0x0], $0xffff  }
0x134: {  	v2 =	vld.idx.msk [tilespmem:v50+s9+$0x0], $0xffff  }
0x135: {  	v3 =	vld.idx.msk [tilespmem:v51+s9+$0x0], $0xffff;
	_ =	sdelay $0x3  }
0x136: {  	v2 =	vadd.s32 $0x60, v2  }
0x137: {  	v3 =	vadd.s32 $0x60, v3;
	_ =	sdelay $0x2  }
0x138: {  	v4 =	vld.idx.msk [tilespmem:v51+s2+$0x0], $0xffff  }
0x139: {  	v2 =	vld.idx.msk [tilespmem:v2+s10+$0x0], $0xffff  }
0x13a: {  	v3 =	vld.idx.msk [tilespmem:v3+s10+$0x0], $0xffff;
	_ =	sdelay $0x4  }
0x13b: {  	v1 =	vmul.f32 v2, v1;
	v2 =	vmul.f32 v3, v4;
	_ =	sdelay $0x1  }
0x13c: {  	v1 =	vadd.f32 v2, v1;
	_ =	sdelay $0x1  }
0x13d: {  	[tilespmem:$0x1C90] =	vst v1  }
0x13e: {  	v1 =	vld.idx.msk [tilespmem:v52+s9+$0x0], $0xffff  }
0x13f: {  	v2 =	vld.idx.msk [tilespmem:v53+s9+$0x0], $0xffff;
	_ =	sdelay $0x3  }
0x140: {  	v1 =	vadd.s32 $0x60, v1  }
0x141: {  	v2 =	vadd.s32 $0x60, v2;
	_ =	sdelay $0x1  }
0x142: {  	v3 =	vld.idx.msk [tilespmem:v52+s2+$0x0], $0xffff  }
0x143: {  	v4 =	vld.idx.msk [tilespmem:v53+s2+$0x0], $0xffff  }
0x144: {  	v1 =	vld.idx.msk [tilespmem:v1+s10+$0x0], $0xffff  }
0x145: {  	v2 =	vld.idx.msk [tilespmem:v2+s10+$0x0], $0xffff;
	_ =	sdelay $0x4  }
0x146: {  	v1 =	vmul.f32 v1, v3;
	v2 =	vmul.f32 v2, v4;
	_ =	sdelay $0x1  }
0x147: {  	v1 =	vadd.f32 v2, v1;
	_ =	sdelay $0x1  }
0x148: {  	[tilespmem:$0x1CA0] =	vst v1  }
0x149: {  	v1 =	vld.idx.msk [tilespmem:v54+s9+$0x0], $0xffff  }
0x14a: {  	v2 =	vld.idx.msk [tilespmem:v55+s9+$0x0], $0xffff;
	_ =	sdelay $0x3  }
0x14b: {  	v1 =	vadd.s32 $0x60, v1  }
0x14c: {  	v2 =	vadd.s32 $0x60, v2;
	_ =	sdelay $0x1  }
0x14d: {  	v3 =	vld.idx.msk [tilespmem:v54+s2+$0x0], $0xffff  }
0x14e: {  	v4 =	vld.idx.msk [tilespmem:v55+s2+$0x0], $0xffff  }
0x14f: {  	v1 =	vld.idx.msk [tilespmem:v1+s10+$0x0], $0xffff  }
0x150: {  	v2 =	vld.idx.msk [tilespmem:v2+s10+$0x0], $0xffff;
	_ =	sdelay $0x4  }
0x151: {  	v1 =	vmul.f32 v1, v3;
	v2 =	vmul.f32 v2, v4;
	_ =	sdelay $0x1  }
0x152: {  	v1 =	vadd.f32 v2, v1;
	_ =	sdelay $0x1  }
0x153: {  	[tilespmem:$0x1CB0] =	vst v1  }
0x154: {  	v1 =	vld.idx.msk [tilespmem:v56+s9+$0x0], $0xffff  }
0x155: {  	v2 =	vld.idx.msk [tilespmem:v57+s9+$0x0], $0xffff;
	_ =	sdelay $0x3  }
0x156: {  	v1 =	vadd.s32 $0x70, v1  }
0x157: {  	v2 =	vadd.s32 $0x70, v2;
	_ =	sdelay $0x1  }
0x158: {  	v3 =	vld.idx.msk [tilespmem:v56+s2+$0x0], $0xffff  }
0x159: {  	v4 =	vld.idx.msk [tilespmem:v57+s2+$0x0], $0xffff  }
0x15a: {  	v1 =	vld.idx.msk [tilespmem:v1+s10+$0x0], $0xffff  }
0x15b: {  	v2 =	vld.idx.msk [tilespmem:v2+s10+$0x0], $0xffff;
	_ =	sdelay $0x4  }
0x15c: {  	v1 =	vmul.f32 v1, v3;
	v2 =	vmul.f32 v2, v4;
	_ =	sdelay $0x1  }
0x15d: {  	v1 =	vadd.f32 v2, v1;
	_ =	sdelay $0x1  }
0x15e: {  	[tilespmem:$0x1D00] =	vst v1  }
0x15f: {  	v1 =	vld.idx.msk [tilespmem:v58+s9+$0x0], $0xffff  }
0x160: {  	v2 =	vld.idx.msk [tilespmem:v59+s9+$0x0], $0xffff;
	_ =	sdelay $0x3  }
0x161: {  	v1 =	vadd.s32 $0x70, v1  }
0x162: {  	v2 =	vadd.s32 $0x70, v2;
	_ =	sdelay $0x1  }
0x163: {  	v3 =	vld.idx.msk [tilespmem:v58+s2+$0x0], $0xffff  }
0x164: {  	v4 =	vld.idx.msk [tilespmem:v59+s2+$0x0], $0xffff  }
0x165: {  	v1 =	vld.idx.msk [tilespmem:v1+s10+$0x0], $0xffff  }
0x166: {  	v2 =	vld.idx.msk [tilespmem:v2+s10+$0x0], $0xffff;
	_ =	sdelay $0x4  }
0x167: {  	v1 =	vmul.f32 v1, v3;
	v2 =	vmul.f32 v2, v4;
	_ =	sdelay $0x1  }
0x168: {  	v1 =	vadd.f32 v2, v1;
	_ =	sdelay $0x1  }
0x169: {  	[tilespmem:$0x1D10] =	vst v1  }
0x16a: {  	v1 =	vld.idx.msk [tilespmem:v60+s9+$0x0], $0xffff  }
0x16b: {  	v2 =	vld.idx.msk [tilespmem:v61+s9+$0x0], $0xffff;
	_ =	sdelay $0x3  }
0x16c: {  	v1 =	vadd.s32 $0x70, v1  }
0x16d: {  	v2 =	vadd.s32 $0x70, v2;
	_ =	sdelay $0x1  }
0x16e: {  	v3 =	vld.idx.msk [tilespmem:v60+s2+$0x0], $0xffff  }
0x16f: {  	v4 =	vld.idx.msk [tilespmem:v61+s2+$0x0], $0xffff  }
0x170: {  	v1 =	vld.idx.msk [tilespmem:v1+s10+$0x0], $0xffff  }
0x171: {  	v2 =	vld.idx.msk [tilespmem:v2+s10+$0x0], $0xffff;
	_ =	sdelay $0x4  }
0x172: {  	v1 =	vmul.f32 v1, v3;
	v2 =	vmul.f32 v2, v4;
	_ =	sdelay $0x1  }
0x173: {  	v1 =	vadd.f32 v2, v1;
	_ =	sdelay $0x1  }
0x174: {  	[tilespmem:$0x1D20] =	vst v1  }
0x175: {  	v1 =	vld.idx.msk [tilespmem:v62+s9+$0x0], $0xffff  }
0x176: {  	v2 =	vld.idx.msk [tilespmem:v63+s9+$0x0], $0xffff;
	_ =	sdelay $0x3  }
0x177: {  	v1 =	vadd.s32 $0x70, v1  }
0x178: {  	v2 =	vadd.s32 $0x70, v2;
	_ =	sdelay $0x1  }
0x179: {  	v3 =	vld.idx.msk [tilespmem:v62+s2+$0x0], $0xffff  }
0x17a: {  	v4 =	vld.idx.msk [tilespmem:v63+s2+$0x0], $0xffff  }
0x17b: {  	v1 =	vld.idx.msk [tilespmem:v1+s10+$0x0], $0xffff  }
0x17c: {  	v2 =	vld.idx.msk [tilespmem:v2+s10+$0x0], $0xffff;
	_ =	sdelay $0x4  }
0x17d: {  	v1 =	vmul.f32 v1, v3;
	v2 =	vmul.f32 v2, v4;
	v3 =	vor.u32 $0x400, v0  }
0x17e: {  	v4 =	vor.u32 $0x401, v0  }
0x17f: {  	v1 =	vadd.f32 v2, v1;
	_ =	sdelay $0x1  }
0x180: {  	[tilespmem:$0x1D30] =	vst v1  }
0x181: {  	v1 =	vld.idx.msk [tilespmem:v3+s9+$0x0], $0xffff  }
0x182: {  	v2 =	vld.idx.msk [tilespmem:v4+s9+$0x0], $0xffff;
	_ =	sdelay $0x3  }
0x183: {  	v1 =	vadd.s32 $0x80, v1  }
0x184: {  	v2 =	vadd.s32 $0x80, v2;
	_ =	sdelay $0x1  }
0x185: {  	v3 =	vld.idx.msk [tilespmem:v3+s2+$0x0], $0xffff  }
0x186: {  	v4 =	vld.idx.msk [tilespmem:v4+s2+$0x0], $0xffff  }
0x187: {  	v1 =	vld.idx.msk [tilespmem:v1+s10+$0x0], $0xffff  }
0x188: {  	v2 =	vld.idx.msk [tilespmem:v2+s10+$0x0], $0xffff;
	_ =	sdelay $0x4  }
0x189: {  	v1 =	vmul.f32 v1, v3;
	v2 =	vmul.f32 v2, v4;
	v3 =	vor.u32 $0x420, v0  }
0x18a: {  	v4 =	vor.u32 $0x421, v0  }
0x18b: {  	v1 =	vadd.f32 v2, v1;
	_ =	sdelay $0x1  }
0x18c: {  	[tilespmem:$0x1D80] =	vst v1  }
0x18d: {  	v1 =	vld.idx.msk [tilespmem:v3+s9+$0x0], $0xffff  }
0x18e: {  	v2 =	vld.idx.msk [tilespmem:v4+s9+$0x0], $0xffff;
	_ =	sdelay $0x3  }
0x18f: {  	v1 =	vadd.s32 $0x80, v1  }
0x190: {  	v2 =	vadd.s32 $0x80, v2;
	_ =	sdelay $0x1  }
0x191: {  	v3 =	vld.idx.msk [tilespmem:v3+s2+$0x0], $0xffff  }
0x192: {  	v4 =	vld.idx.msk [tilespmem:v4+s2+$0x0], $0xffff  }
0x193: {  	v1 =	vld.idx.msk [tilespmem:v1+s10+$0x0], $0xffff  }
0x194: {  	v2 =	vld.idx.msk [tilespmem:v2+s10+$0x0], $0xffff;
	_ =	sdelay $0x4  }
0x195: {  	v1 =	vmul.f32 v1, v3;
	v2 =	vmul.f32 v2, v4;
	v3 =	vor.u32 $0x440, v0  }
0x196: {  	v4 =	vor.u32 $0x441, v0  }
0x197: {  	v1 =	vadd.f32 v2, v1;
	_ =	sdelay $0x1  }
0x198: {  	[tilespmem:$0x1D90] =	vst v1  }
0x199: {  	v1 =	vld.idx.msk [tilespmem:v3+s9+$0x0], $0xffff  }
0x19a: {  	v2 =	vld.idx.msk [tilespmem:v4+s9+$0x0], $0xffff;
	_ =	sdelay $0x3  }
0x19b: {  	v1 =	vadd.s32 $0x80, v1  }
0x19c: {  	v2 =	vadd.s32 $0x80, v2;
	_ =	sdelay $0x1  }
0x19d: {  	v3 =	vld.idx.msk [tilespmem:v3+s2+$0x0], $0xffff  }
0x19e: {  	v4 =	vld.idx.msk [tilespmem:v4+s2+$0x0], $0xffff  }
0x19f: {  	v1 =	vld.idx.msk [tilespmem:v1+s10+$0x0], $0xffff  }
0x1a0: {  	v2 =	vld.idx.msk [tilespmem:v2+s10+$0x0], $0xffff;
	_ =	sdelay $0x4  }
0x1a1: {  	v1 =	vmul.f32 v1, v3;
	v2 =	vmul.f32 v2, v4;
	v3 =	vor.u32 $0x460, v0  }
0x1a2: {  	v4 =	vor.u32 $0x461, v0  }
0x1a3: {  	v1 =	vadd.f32 v2, v1;
	_ =	sdelay $0x1  }
0x1a4: {  	[tilespmem:$0x1DA0] =	vst v1  }
0x1a5: {  	v1 =	vld.idx.msk [tilespmem:v3+s9+$0x0], $0xffff  }
0x1a6: {  	v2 =	vld.idx.msk [tilespmem:v4+s9+$0x0], $0xffff;
	_ =	sdelay $0x3  }
0x1a7: {  	v1 =	vadd.s32 $0x80, v1  }
0x1a8: {  	v2 =	vadd.s32 $0x80, v2;
	_ =	sdelay $0x1  }
0x1a9: {  	v3 =	vld.idx.msk [tilespmem:v3+s2+$0x0], $0xffff  }
0x1aa: {  	v4 =	vld.idx.msk [tilespmem:v4+s2+$0x0], $0xffff  }
0x1ab: {  	v1 =	vld.idx.msk [tilespmem:v1+s10+$0x0], $0xffff  }
0x1ac: {  	v2 =	vld.idx.msk [tilespmem:v2+s10+$0x0], $0xffff;
	_ =	sdelay $0x4  }
0x1ad: {  	v1 =	vmul.f32 v1, v3;
	v2 =	vmul.f32 v2, v4;
	v3 =	vor.u32 $0x480, v0  }
0x1ae: {  	v4 =	vor.u32 $0x481, v0  }
0x1af: {  	v1 =	vadd.f32 v2, v1;
	_ =	sdelay $0x1  }
0x1b0: {  	[tilespmem:$0x1DB0] =	vst v1  }
0x1b1: {  	v1 =	vld.idx.msk [tilespmem:v3+s9+$0x0], $0xffff  }
0x1b2: {  	v2 =	vld.idx.msk [tilespmem:v4+s9+$0x0], $0xffff;
	_ =	sdelay $0x3  }
0x1b3: {  	v1 =	vadd.s32 $0x90, v1  }
0x1b4: {  	v2 =	vadd.s32 $0x90, v2;
	_ =	sdelay $0x1  }
0x1b5: {  	v3 =	vld.idx.msk [tilespmem:v3+s2+$0x0], $0xffff  }
0x1b6: {  	v4 =	vld.idx.msk [tilespmem:v4+s2+$0x0], $0xffff  }
0x1b7: {  	v1 =	vld.idx.msk [tilespmem:v1+s10+$0x0], $0xffff  }
0x1b8: {  	v2 =	vld.idx.msk [tilespmem:v2+s10+$0x0], $0xffff;
	_ =	sdelay $0x4  }
0x1b9: {  	v1 =	vmul.f32 v1, v3;
	v2 =	vmul.f32 v2, v4;
	v3 =	vor.u32 $0x4A0, v0  }
0x1ba: {  	v4 =	vor.u32 $0x4A1, v0  }
0x1bb: {  	v1 =	vadd.f32 v2, v1;
	_ =	sdelay $0x1  }
0x1bc: {  	[tilespmem:$0x1E00] =	vst v1  }
0x1bd: {  	v1 =	vld.idx.msk [tilespmem:v3+s9+$0x0], $0xffff  }
0x1be: {  	v2 =	vld.idx.msk [tilespmem:v4+s9+$0x0], $0xffff;
	_ =	sdelay $0x3  }
0x1bf: {  	v1 =	vadd.s32 $0x90, v1  }
0x1c0: {  	v2 =	vadd.s32 $0x90, v2;
	_ =	sdelay $0x1  }
0x1c1: {  	v3 =	vld.idx.msk [tilespmem:v3+s2+$0x0], $0xffff  }
0x1c2: {  	v4 =	vld.idx.msk [tilespmem:v4+s2+$0x0], $0xffff  }
0x1c3: {  	v1 =	vld.idx.msk [tilespmem:v1+s10+$0x0], $0xffff  }
0x1c4: {  	v2 =	vld.idx.msk [tilespmem:v2+s10+$0x0], $0xffff;
	_ =	sdelay $0x4  }
0x1c5: {  	v1 =	vmul.f32 v1, v3;
	v2 =	vmul.f32 v2, v4;
	v3 =	vor.u32 $0x4C0, v0  }
0x1c6: {  	v4 =	vor.u32 $0x4C1, v0  }
0x1c7: {  	v1 =	vadd.f32 v2, v1;
	_ =	sdelay $0x1  }
0x1c8: {  	[tilespmem:$0x1E10] =	vst v1  }
0x1c9: {  	v1 =	vld.idx.msk [tilespmem:v3+s9+$0x0], $0xffff  }
0x1ca: {  	v2 =	vld.idx.msk [tilespmem:v4+s9+$0x0], $0xffff;
	_ =	sdelay $0x3  }
0x1cb: {  	v1 =	vadd.s32 $0x90, v1  }
0x1cc: {  	v2 =	vadd.s32 $0x90, v2;
	_ =	sdelay $0x1  }
0x1cd: {  	v3 =	vld.idx.msk [tilespmem:v3+s2+$0x0], $0xffff  }
0x1ce: {  	v4 =	vld.idx.msk [tilespmem:v4+s2+$0x0], $0xffff  }
0x1cf: {  	v1 =	vld.idx.msk [tilespmem:v1+s10+$0x0], $0xffff  }
0x1d0: {  	v2 =	vld.idx.msk [tilespmem:v2+s10+$0x0], $0xffff;
	_ =	sdelay $0x4  }
0x1d1: {  	v1 =	vmul.f32 v1, v3;
	v2 =	vmul.f32 v2, v4;
	v3 =	vor.u32 $0x4E0, v0  }
0x1d2: {  	v4 =	vor.u32 $0x4E1, v0  }
0x1d3: {  	v1 =	vadd.f32 v2, v1;
	_ =	sdelay $0x1  }
0x1d4: {  	[tilespmem:$0x1E20] =	vst v1  }
0x1d5: {  	v1 =	vld.idx.msk [tilespmem:v3+s9+$0x0], $0xffff  }
0x1d6: {  	v2 =	vld.idx.msk [tilespmem:v4+s9+$0x0], $0xffff;
	_ =	sdelay $0x3  }
0x1d7: {  	v1 =	vadd.s32 $0x90, v1  }
0x1d8: {  	v2 =	vadd.s32 $0x90, v2;
	_ =	sdelay $0x1  }
0x1d9: {  	v3 =	vld.idx.msk [tilespmem:v3+s2+$0x0], $0xffff  }
0x1da: {  	v4 =	vld.idx.msk [tilespmem:v4+s2+$0x0], $0xffff  }
0x1db: {  	v1 =	vld.idx.msk [tilespmem:v1+s10+$0x0], $0xffff  }
0x1dc: {  	v2 =	vld.idx.msk [tilespmem:v2+s10+$0x0], $0xffff;
	_ =	sdelay $0x4  }
0x1dd: {  	v1 =	vmul.f32 v1, v3;
	v2 =	vmul.f32 v2, v4;
	v3 =	vor.u32 $0x500, v0  }
0x1de: {  	v4 =	vor.u32 $0x501, v0  }
0x1df: {  	v1 =	vadd.f32 v2, v1;
	_ =	sdelay $0x1  }
0x1e0: {  	[tilespmem:$0x1E30] =	vst v1  }
0x1e1: {  	v1 =	vld.idx.msk [tilespmem:v3+s9+$0x0], $0xffff  }
0x1e2: {  	v2 =	vld.idx.msk [tilespmem:v4+s9+$0x0], $0xffff;
	_ =	sdelay $0x3  }
0x1e3: {  	v1 =	vadd.s32 $0xA0, v1  }
0x1e4: {  	v2 =	vadd.s32 $0xA0, v2;
	_ =	sdelay $0x1  }
0x1e5: {  	v3 =	vld.idx.msk [tilespmem:v3+s2+$0x0], $0xffff  }
0x1e6: {  	v4 =	vld.idx.msk [tilespmem:v4+s2+$0x0], $0xffff  }
0x1e7: {  	v1 =	vld.idx.msk [tilespmem:v1+s10+$0x0], $0xffff  }
0x1e8: {  	v2 =	vld.idx.msk [tilespmem:v2+s10+$0x0], $0xffff;
	_ =	sdelay $0x4  }
0x1e9: {  	v1 =	vmul.f32 v1, v3;
	v2 =	vmul.f32 v2, v4;
	v3 =	vor.u32 $0x520, v0  }
0x1ea: {  	v4 =	vor.u32 $0x521, v0  }
0x1eb: {  	v1 =	vadd.f32 v2, v1;
	_ =	sdelay $0x1  }
0x1ec: {  	[tilespmem:$0x1E80] =	vst v1  }
0x1ed: {  	v1 =	vld.idx.msk [tilespmem:v3+s9+$0x0], $0xffff  }
0x1ee: {  	v2 =	vld.idx.msk [tilespmem:v4+s9+$0x0], $0xffff;
	_ =	sdelay $0x3  }
0x1ef: {  	v1 =	vadd.s32 $0xA0, v1  }
0x1f0: {  	v2 =	vadd.s32 $0xA0, v2;
	_ =	sdelay $0x1  }
0x1f1: {  	v3 =	vld.idx.msk [tilespmem:v3+s2+$0x0], $0xffff  }
0x1f2: {  	v4 =	vld.idx.msk [tilespmem:v4+s2+$0x0], $0xffff  }
0x1f3: {  	v1 =	vld.idx.msk [tilespmem:v1+s10+$0x0], $0xffff  }
0x1f4: {  	v2 =	vld.idx.msk [tilespmem:v2+s10+$0x0], $0xffff;
	_ =	sdelay $0x4  }
0x1f5: {  	v1 =	vmul.f32 v1, v3;
	v2 =	vmul.f32 v2, v4;
	v3 =	vor.u32 $0x540, v0  }
0x1f6: {  	v4 =	vor.u32 $0x541, v0  }
0x1f7: {  	v1 =	vadd.f32 v2, v1;
	_ =	sdelay $0x1  }
0x1f8: {  	[tilespmem:$0x1E90] =	vst v1  }
0x1f9: {  	v1 =	vld.idx.msk [tilespmem:v3+s9+$0x0], $0xffff  }
0x1fa: {  	v2 =	vld.idx.msk [tilespmem:v4+s9+$0x0], $0xffff;
	_ =	sdelay $0x3  }
0x1fb: {  	v1 =	vadd.s32 $0xA0, v1  }
0x1fc: {  	v2 =	vadd.s32 $0xA0, v2;
	_ =	sdelay $0x1  }
0x1fd: {  	v3 =	vld.idx.msk [tilespmem:v3+s2+$0x0], $0xffff  }
0x1fe: {  	v4 =	vld.idx.msk [tilespmem:v4+s2+$0x0], $0xffff  }
0x1ff: {  	v1 =	vld.idx.msk [tilespmem:v1+s10+$0x0], $0xffff  }
0x200: {  	v2 =	vld.idx.msk [tilespmem:v2+s10+$0x0], $0xffff;
	_ =	sdelay $0x4  }
0x201: {  	v1 =	vmul.f32 v1, v3;
	v2 =	vmul.f32 v2, v4;
	v3 =	vor.u32 $0x560, v0  }
0x202: {  	v4 =	vor.u32 $0x561, v0  }
0x203: {  	v1 =	vadd.f32 v2, v1;
	_ =	sdelay $0x1  }
0x204: {  	[tilespmem:$0x1EA0] =	vst v1  }
0x205: {  	v1 =	vld.idx.msk [tilespmem:v3+s9+$0x0], $0xffff  }
0x206: {  	v2 =	vld.idx.msk [tilespmem:v4+s9+$0x0], $0xffff;
	_ =	sdelay $0x3  }
0x207: {  	v1 =	vadd.s32 $0xA0, v1  }
0x208: {  	v2 =	vadd.s32 $0xA0, v2;
	_ =	sdelay $0x1  }
0x209: {  	v3 =	vld.idx.msk [tilespmem:v3+s2+$0x0], $0xffff  }
0x20a: {  	v4 =	vld.idx.msk [tilespmem:v4+s2+$0x0], $0xffff  }
0x20b: {  	v1 =	vld.idx.msk [tilespmem:v1+s10+$0x0], $0xffff  }
0x20c: {  	v2 =	vld.idx.msk [tilespmem:v2+s10+$0x0], $0xffff;
	_ =	sdelay $0x4  }
0x20d: {  	v1 =	vmul.f32 v1, v3;
	v2 =	vmul.f32 v2, v4;
	v3 =	vor.u32 $0x580, v0  }
0x20e: {  	v4 =	vor.u32 $0x581, v0  }
0x20f: {  	v1 =	vadd.f32 v2, v1;
	_ =	sdelay $0x1  }
0x210: {  	[tilespmem:$0x1EB0] =	vst v1  }
0x211: {  	v1 =	vld.idx.msk [tilespmem:v3+s9+$0x0], $0xffff  }
0x212: {  	v2 =	vld.idx.msk [tilespmem:v4+s9+$0x0], $0xffff;
	_ =	sdelay $0x3  }
0x213: {  	v1 =	vadd.s32 $0xB0, v1  }
0x214: {  	v2 =	vadd.s32 $0xB0, v2;
	_ =	sdelay $0x1  }
0x215: {  	v3 =	vld.idx.msk [tilespmem:v3+s2+$0x0], $0xffff  }
0x216: {  	v4 =	vld.idx.msk [tilespmem:v4+s2+$0x0], $0xffff  }
0x217: {  	v1 =	vld.idx.msk [tilespmem:v1+s10+$0x0], $0xffff  }
0x218: {  	v2 =	vld.idx.msk [tilespmem:v2+s10+$0x0], $0xffff;
	_ =	sdelay $0x4  }
0x219: {  	v1 =	vmul.f32 v1, v3;
	v2 =	vmul.f32 v2, v4;
	v3 =	vor.u32 $0x5A0, v0  }
0x21a: {  	v4 =	vor.u32 $0x5A1, v0  }
0x21b: {  	v1 =	vadd.f32 v2, v1;
	_ =	sdelay $0x1  }
0x21c: {  	[tilespmem:$0x1F00] =	vst v1  }
0x21d: {  	v1 =	vld.idx.msk [tilespmem:v3+s9+$0x0], $0xffff  }
0x21e: {  	v2 =	vld.idx.msk [tilespmem:v4+s9+$0x0], $0xffff;
	_ =	sdelay $0x3  }
0x21f: {  	v1 =	vadd.s32 $0xB0, v1  }
0x220: {  	v2 =	vadd.s32 $0xB0, v2;
	_ =	sdelay $0x1  }
0x221: {  	v3 =	vld.idx.msk [tilespmem:v3+s2+$0x0], $0xffff  }
0x222: {  	v4 =	vld.idx.msk [tilespmem:v4+s2+$0x0], $0xffff  }
0x223: {  	v1 =	vld.idx.msk [tilespmem:v1+s10+$0x0], $0xffff  }
0x224: {  	v2 =	vld.idx.msk [tilespmem:v2+s10+$0x0], $0xffff;
	_ =	sdelay $0x4  }
0x225: {  	v1 =	vmul.f32 v1, v3;
	v2 =	vmul.f32 v2, v4;
	v3 =	vor.u32 $0x5C0, v0  }
0x226: {  	v4 =	vor.u32 $0x5C1, v0  }
0x227: {  	v1 =	vadd.f32 v2, v1;
	_ =	sdelay $0x1  }
0x228: {  	[tilespmem:$0x1F10] =	vst v1  }
0x229: {  	v1 =	vld.idx.msk [tilespmem:v3+s9+$0x0], $0xffff  }
0x22a: {  	v2 =	vld.idx.msk [tilespmem:v4+s9+$0x0], $0xffff;
	_ =	sdelay $0x3  }
0x22b: {  	v1 =	vadd.s32 $0xB0, v1  }
0x22c: {  	v2 =	vadd.s32 $0xB0, v2;
	_ =	sdelay $0x1  }
0x22d: {  	v3 =	vld.idx.msk [tilespmem:v3+s2+$0x0], $0xffff  }
0x22e: {  	v4 =	vld.idx.msk [tilespmem:v4+s2+$0x0], $0xffff  }
0x22f: {  	v1 =	vld.idx.msk [tilespmem:v1+s10+$0x0], $0xffff  }
0x230: {  	v2 =	vld.idx.msk [tilespmem:v2+s10+$0x0], $0xffff;
	_ =	sdelay $0x4  }
0x231: {  	v1 =	vmul.f32 v1, v3;
	v2 =	vmul.f32 v2, v4;
	v3 =	vor.u32 $0x5E0, v0  }
0x232: {  	v4 =	vor.u32 $0x5E1, v0  }
0x233: {  	v1 =	vadd.f32 v2, v1;
	_ =	sdelay $0x1  }
0x234: {  	[tilespmem:$0x1F20] =	vst v1  }
0x235: {  	v1 =	vld.idx.msk [tilespmem:v3+s9+$0x0], $0xffff  }
0x236: {  	v2 =	vld.idx.msk [tilespmem:v4+s9+$0x0], $0xffff;
	_ =	sdelay $0x3  }
0x237: {  	v1 =	vadd.s32 $0xB0, v1  }
0x238: {  	v2 =	vadd.s32 $0xB0, v2;
	_ =	sdelay $0x1  }
0x239: {  	v3 =	vld.idx.msk [tilespmem:v3+s2+$0x0], $0xffff  }
0x23a: {  	v4 =	vld.idx.msk [tilespmem:v4+s2+$0x0], $0xffff  }
0x23b: {  	v1 =	vld.idx.msk [tilespmem:v1+s10+$0x0], $0xffff  }
0x23c: {  	v2 =	vld.idx.msk [tilespmem:v2+s10+$0x0], $0xffff;
	_ =	sdelay $0x4  }
0x23d: {  	v1 =	vmul.f32 v1, v3;
	v2 =	vmul.f32 v2, v4;
	v3 =	vor.u32 $0x600, v0  }
0x23e: {  	v4 =	vor.u32 $0x601, v0  }
0x23f: {  	v1 =	vadd.f32 v2, v1;
	_ =	sdelay $0x1  }
0x240: {  	[tilespmem:$0x1F30] =	vst v1  }
0x241: {  	v1 =	vld.idx.msk [tilespmem:v3+s9+$0x0], $0xffff  }
0x242: {  	v2 =	vld.idx.msk [tilespmem:v4+s9+$0x0], $0xffff;
	_ =	sdelay $0x3  }
0x243: {  	v1 =	vadd.s32 $0xC0, v1  }
0x244: {  	v2 =	vadd.s32 $0xC0, v2;
	_ =	sdelay $0x1  }
0x245: {  	v3 =	vld.idx.msk [tilespmem:v3+s2+$0x0], $0xffff  }
0x246: {  	v4 =	vld.idx.msk [tilespmem:v4+s2+$0x0], $0xffff  }
0x247: {  	v1 =	vld.idx.msk [tilespmem:v1+s10+$0x0], $0xffff  }
0x248: {  	v2 =	vld.idx.msk [tilespmem:v2+s10+$0x0], $0xffff;
	_ =	sdelay $0x4  }
0x249: {  	v1 =	vmul.f32 v1, v3;
	v2 =	vmul.f32 v2, v4;
	v3 =	vor.u32 $0x620, v0  }
0x24a: {  	v4 =	vor.u32 $0x621, v0  }
0x24b: {  	v1 =	vadd.f32 v2, v1;
	_ =	sdelay $0x1  }
0x24c: {  	[tilespmem:$0x1F80] =	vst v1  }
0x24d: {  	v1 =	vld.idx.msk [tilespmem:v3+s9+$0x0], $0xffff  }
0x24e: {  	v2 =	vld.idx.msk [tilespmem:v4+s9+$0x0], $0xffff;
	_ =	sdelay $0x3  }
0x24f: {  	v1 =	vadd.s32 $0xC0, v1  }
0x250: {  	v2 =	vadd.s32 $0xC0, v2;
	_ =	sdelay $0x1  }
0x251: {  	v3 =	vld.idx.msk [tilespmem:v3+s2+$0x0], $0xffff  }
0x252: {  	v4 =	vld.idx.msk [tilespmem:v4+s2+$0x0], $0xffff  }
0x253: {  	v1 =	vld.idx.msk [tilespmem:v1+s10+$0x0], $0xffff  }
0x254: {  	v2 =	vld.idx.msk [tilespmem:v2+s10+$0x0], $0xffff;
	_ =	sdelay $0x4  }
0x255: {  	v1 =	vmul.f32 v1, v3;
	v2 =	vmul.f32 v2, v4;
	v3 =	vor.u32 $0x640, v0  }
0x256: {  	v4 =	vor.u32 $0x641, v0  }
0x257: {  	v1 =	vadd.f32 v2, v1;
	_ =	sdelay $0x1  }
0x258: {  	[tilespmem:$0x1F90] =	vst v1  }
0x259: {  	v1 =	vld.idx.msk [tilespmem:v3+s9+$0x0], $0xffff  }
0x25a: {  	v2 =	vld.idx.msk [tilespmem:v4+s9+$0x0], $0xffff;
	_ =	sdelay $0x3  }
0x25b: {  	v1 =	vadd.s32 $0xC0, v1  }
0x25c: {  	v2 =	vadd.s32 $0xC0, v2;
	_ =	sdelay $0x1  }
0x25d: {  	v3 =	vld.idx.msk [tilespmem:v3+s2+$0x0], $0xffff  }
0x25e: {  	v4 =	vld.idx.msk [tilespmem:v4+s2+$0x0], $0xffff  }
0x25f: {  	v1 =	vld.idx.msk [tilespmem:v1+s10+$0x0], $0xffff  }
0x260: {  	v2 =	vld.idx.msk [tilespmem:v2+s10+$0x0], $0xffff;
	_ =	sdelay $0x4  }
0x261: {  	v1 =	vmul.f32 v1, v3;
	v2 =	vmul.f32 v2, v4;
	v3 =	vor.u32 $0x660, v0  }
0x262: {  	v4 =	vor.u32 $0x661, v0  }
0x263: {  	v1 =	vadd.f32 v2, v1;
	_ =	sdelay $0x1  }
0x264: {  	[tilespmem:$0x1FA0] =	vst v1  }
0x265: {  	v1 =	vld.idx.msk [tilespmem:v3+s9+$0x0], $0xffff  }
0x266: {  	v2 =	vld.idx.msk [tilespmem:v4+s9+$0x0], $0xffff;
	_ =	sdelay $0x3  }
0x267: {  	v1 =	vadd.s32 $0xC0, v1  }
0x268: {  	v2 =	vadd.s32 $0xC0, v2;
	_ =	sdelay $0x1  }
0x269: {  	v3 =	vld.idx.msk [tilespmem:v3+s2+$0x0], $0xffff  }
0x26a: {  	v4 =	vld.idx.msk [tilespmem:v4+s2+$0x0], $0xffff  }
0x26b: {  	v1 =	vld.idx.msk [tilespmem:v1+s10+$0x0], $0xffff  }
0x26c: {  	v2 =	vld.idx.msk [tilespmem:v2+s10+$0x0], $0xffff;
	_ =	sdelay $0x4  }
0x26d: {  	v1 =	vmul.f32 v1, v3;
	v2 =	vmul.f32 v2, v4;
	v3 =	vor.u32 $0x680, v0  }
0x26e: {  	v4 =	vor.u32 $0x681, v0  }
0x26f: {  	v1 =	vadd.f32 v2, v1;
	_ =	sdelay $0x1  }
0x270: {  	[tilespmem:$0x1FB0] =	vst v1  }
0x271: {  	v1 =	vld.idx.msk [tilespmem:v3+s9+$0x0], $0xffff  }
0x272: {  	v2 =	vld.idx.msk [tilespmem:v4+s9+$0x0], $0xffff;
	_ =	sdelay $0x3  }
0x273: {  	v1 =	vadd.s32 $0xD0, v1  }
0x274: {  	v2 =	vadd.s32 $0xD0, v2;
	_ =	sdelay $0x1  }
0x275: {  	v3 =	vld.idx.msk [tilespmem:v3+s2+$0x0], $0xffff  }
0x276: {  	v4 =	vld.idx.msk [tilespmem:v4+s2+$0x0], $0xffff  }
0x277: {  	v1 =	vld.idx.msk [tilespmem:v1+s10+$0x0], $0xffff  }
0x278: {  	v2 =	vld.idx.msk [tilespmem:v2+s10+$0x0], $0xffff;
	_ =	sdelay $0x4  }
0x279: {  	v1 =	vmul.f32 v1, v3;
	v2 =	vmul.f32 v2, v4;
	v3 =	vor.u32 $0x6A0, v0  }
0x27a: {  	v4 =	vor.u32 $0x6A1, v0  }
0x27b: {  	v1 =	vadd.f32 v2, v1;
	_ =	sdelay $0x1  }
0x27c: {  	[tilespmem:$0x2000] =	vst v1  }
0x27d: {  	v1 =	vld.idx.msk [tilespmem:v3+s9+$0x0], $0xffff  }
0x27e: {  	v2 =	vld.idx.msk [tilespmem:v4+s9+$0x0], $0xffff;
	_ =	sdelay $0x3  }
0x27f: {  	v1 =	vadd.s32 $0xD0, v1  }
0x280: {  	v2 =	vadd.s32 $0xD0, v2;
	_ =	sdelay $0x1  }
0x281: {  	v3 =	vld.idx.msk [tilespmem:v3+s2+$0x0], $0xffff  }
0x282: {  	v4 =	vld.idx.msk [tilespmem:v4+s2+$0x0], $0xffff  }
0x283: {  	v1 =	vld.idx.msk [tilespmem:v1+s10+$0x0], $0xffff  }
0x284: {  	v2 =	vld.idx.msk [tilespmem:v2+s10+$0x0], $0xffff;
	_ =	sdelay $0x4  }
0x285: {  	v1 =	vmul.f32 v1, v3;
	v2 =	vmul.f32 v2, v4;
	v3 =	vor.u32 $0x6C0, v0  }
0x286: {  	v4 =	vor.u32 $0x6C1, v0  }
0x287: {  	v1 =	vadd.f32 v2, v1;
	_ =	sdelay $0x1  }
0x288: {  	[tilespmem:$0x2010] =	vst v1  }
0x289: {  	v1 =	vld.idx.msk [tilespmem:v3+s9+$0x0], $0xffff  }
0x28a: {  	v2 =	vld.idx.msk [tilespmem:v4+s9+$0x0], $0xffff;
	_ =	sdelay $0x3  }
0x28b: {  	v1 =	vadd.s32 $0xD0, v1  }
0x28c: {  	v2 =	vadd.s32 $0xD0, v2;
	_ =	sdelay $0x1  }
0x28d: {  	v3 =	vld.idx.msk [tilespmem:v3+s2+$0x0], $0xffff  }
0x28e: {  	v4 =	vld.idx.msk [tilespmem:v4+s2+$0x0], $0xffff  }
0x28f: {  	v1 =	vld.idx.msk [tilespmem:v1+s10+$0x0], $0xffff  }
0x290: {  	v2 =	vld.idx.msk [tilespmem:v2+s10+$0x0], $0xffff;
	_ =	sdelay $0x4  }
0x291: {  	v1 =	vmul.f32 v1, v3;
	v2 =	vmul.f32 v2, v4;
	v3 =	vor.u32 $0x6E0, v0  }
0x292: {  	v4 =	vor.u32 $0x6E1, v0  }
0x293: {  	v1 =	vadd.f32 v2, v1;
	_ =	sdelay $0x1  }
0x294: {  	[tilespmem:$0x2020] =	vst v1  }
0x295: {  	v1 =	vld.idx.msk [tilespmem:v3+s9+$0x0], $0xffff  }
0x296: {  	v2 =	vld.idx.msk [tilespmem:v4+s9+$0x0], $0xffff;
	_ =	sdelay $0x3  }
0x297: {  	v1 =	vadd.s32 $0xD0, v1  }
0x298: {  	v2 =	vadd.s32 $0xD0, v2;
	_ =	sdelay $0x1  }
0x299: {  	v3 =	vld.idx.msk [tilespmem:v3+s2+$0x0], $0xffff  }
0x29a: {  	v4 =	vld.idx.msk [tilespmem:v4+s2+$0x0], $0xffff  }
0x29b: {  	v1 =	vld.idx.msk [tilespmem:v1+s10+$0x0], $0xffff  }
0x29c: {  	v2 =	vld.idx.msk [tilespmem:v2+s10+$0x0], $0xffff;
	_ =	sdelay $0x4  }
0x29d: {  	v1 =	vmul.f32 v1, v3;
	v2 =	vmul.f32 v2, v4;
	v3 =	vor.u32 $0x700, v0  }
0x29e: {  	v4 =	vor.u32 $0x701, v0  }
0x29f: {  	v1 =	vadd.f32 v2, v1;
	_ =	sdelay $0x1  }
0x2a0: {  	[tilespmem:$0x2030] =	vst v1  }
0x2a1: {  	v1 =	vld.idx.msk [tilespmem:v3+s9+$0x0], $0xffff  }
0x2a2: {  	v2 =	vld.idx.msk [tilespmem:v4+s9+$0x0], $0xffff;
	_ =	sdelay $0x3  }
0x2a3: {  	v1 =	vadd.s32 $0xE0, v1  }
0x2a4: {  	v2 =	vadd.s32 $0xE0, v2;
	_ =	sdelay $0x1  }
0x2a5: {  	v3 =	vld.idx.msk [tilespmem:v3+s2+$0x0], $0xffff  }
0x2a6: {  	v4 =	vld.idx.msk [tilespmem:v4+s2+$0x0], $0xffff  }
0x2a7: {  	v1 =	vld.idx.msk [tilespmem:v1+s10+$0x0], $0xffff  }
0x2a8: {  	v2 =	vld.idx.msk [tilespmem:v2+s10+$0x0], $0xffff;
	_ =	sdelay $0x4  }
0x2a9: {  	v1 =	vmul.f32 v1, v3;
	v2 =	vmul.f32 v2, v4;
	v3 =	vor.u32 $0x720, v0  }
0x2aa: {  	v4 =	vor.u32 $0x721, v0  }
0x2ab: {  	v1 =	vadd.f32 v2, v1;
	_ =	sdelay $0x1  }
0x2ac: {  	[tilespmem:$0x2080] =	vst v1  }
0x2ad: {  	v1 =	vld.idx.msk [tilespmem:v3+s9+$0x0], $0xffff  }
0x2ae: {  	v2 =	vld.idx.msk [tilespmem:v4+s9+$0x0], $0xffff;
	_ =	sdelay $0x3  }
0x2af: {  	v1 =	vadd.s32 $0xE0, v1  }
0x2b0: {  	v2 =	vadd.s32 $0xE0, v2;
	_ =	sdelay $0x1  }
0x2b1: {  	v3 =	vld.idx.msk [tilespmem:v3+s2+$0x0], $0xffff  }
0x2b2: {  	v4 =	vld.idx.msk [tilespmem:v4+s2+$0x0], $0xffff  }
0x2b3: {  	v1 =	vld.idx.msk [tilespmem:v1+s10+$0x0], $0xffff  }
0x2b4: {  	v2 =	vld.idx.msk [tilespmem:v2+s10+$0x0], $0xffff;
	_ =	sdelay $0x4  }
0x2b5: {  	v1 =	vmul.f32 v1, v3;
	v2 =	vmul.f32 v2, v4;
	v3 =	vor.u32 $0x740, v0  }
0x2b6: {  	v4 =	vor.u32 $0x741, v0  }
0x2b7: {  	v1 =	vadd.f32 v2, v1;
	_ =	sdelay $0x1  }
0x2b8: {  	[tilespmem:$0x2090] =	vst v1  }
0x2b9: {  	v1 =	vld.idx.msk [tilespmem:v3+s9+$0x0], $0xffff  }
0x2ba: {  	v2 =	vld.idx.msk [tilespmem:v4+s9+$0x0], $0xffff;
	_ =	sdelay $0x3  }
0x2bb: {  	v1 =	vadd.s32 $0xE0, v1  }
0x2bc: {  	v2 =	vadd.s32 $0xE0, v2;
	_ =	sdelay $0x1  }
0x2bd: {  	v3 =	vld.idx.msk [tilespmem:v3+s2+$0x0], $0xffff  }
0x2be: {  	v4 =	vld.idx.msk [tilespmem:v4+s2+$0x0], $0xffff  }
0x2bf: {  	v1 =	vld.idx.msk [tilespmem:v1+s10+$0x0], $0xffff  }
0x2c0: {  	v2 =	vld.idx.msk [tilespmem:v2+s10+$0x0], $0xffff;
	_ =	sdelay $0x4  }
0x2c1: {  	v1 =	vmul.f32 v1, v3;
	v2 =	vmul.f32 v2, v4;
	v3 =	vor.u32 $0x760, v0  }
0x2c2: {  	v4 =	vor.u32 $0x761, v0  }
0x2c3: {  	v1 =	vadd.f32 v2, v1;
	_ =	sdelay $0x1  }
0x2c4: {  	[tilespmem:$0x20A0] =	vst v1  }
0x2c5: {  	v1 =	vld.idx.msk [tilespmem:v3+s9+$0x0], $0xffff  }
0x2c6: {  	v2 =	vld.idx.msk [tilespmem:v4+s9+$0x0], $0xffff;
	_ =	sdelay $0x3  }
0x2c7: {  	v1 =	vadd.s32 $0xE0, v1  }
0x2c8: {  	v2 =	vadd.s32 $0xE0, v2;
	_ =	sdelay $0x1  }
0x2c9: {  	v3 =	vld.idx.msk [tilespmem:v3+s2+$0x0], $0xffff  }
0x2ca: {  	v4 =	vld.idx.msk [tilespmem:v4+s2+$0x0], $0xffff  }
0x2cb: {  	v1 =	vld.idx.msk [tilespmem:v1+s10+$0x0], $0xffff  }
0x2cc: {  	v2 =	vld.idx.msk [tilespmem:v2+s10+$0x0], $0xffff;
	_ =	sdelay $0x4  }
0x2cd: {  	v1 =	vmul.f32 v1, v3;
	v2 =	vmul.f32 v2, v4;
	v3 =	vor.u32 $0x780, v0  }
0x2ce: {  	v4 =	vor.u32 $0x781, v0  }
0x2cf: {  	v1 =	vadd.f32 v2, v1;
	_ =	sdelay $0x1  }
0x2d0: {  	[tilespmem:$0x20B0] =	vst v1  }
0x2d1: {  	v1 =	vld.idx.msk [tilespmem:v3+s9+$0x0], $0xffff  }
0x2d2: {  	v2 =	vld.idx.msk [tilespmem:v4+s9+$0x0], $0xffff;
	_ =	sdelay $0x3  }
0x2d3: {  	v1 =	vadd.s32 $0xF0, v1  }
0x2d4: {  	v2 =	vadd.s32 $0xF0, v2;
	_ =	sdelay $0x1  }
0x2d5: {  	v3 =	vld.idx.msk [tilespmem:v3+s2+$0x0], $0xffff  }
0x2d6: {  	v4 =	vld.idx.msk [tilespmem:v4+s2+$0x0], $0xffff  }
0x2d7: {  	v1 =	vld.idx.msk [tilespmem:v1+s10+$0x0], $0xffff  }
0x2d8: {  	v2 =	vld.idx.msk [tilespmem:v2+s10+$0x0], $0xffff;
	_ =	sdelay $0x4  }
0x2d9: {  	v1 =	vmul.f32 v1, v3;
	v2 =	vmul.f32 v2, v4;
	v3 =	vor.u32 $0x7A0, v0  }
0x2da: {  	v4 =	vor.u32 $0x7A1, v0  }
0x2db: {  	v1 =	vadd.f32 v2, v1;
	_ =	sdelay $0x1  }
0x2dc: {  	[tilespmem:$0x2100] =	vst v1  }
0x2dd: {  	v1 =	vld.idx.msk [tilespmem:v3+s9+$0x0], $0xffff  }
0x2de: {  	v2 =	vld.idx.msk [tilespmem:v4+s9+$0x0], $0xffff;
	_ =	sdelay $0x3  }
0x2df: {  	v1 =	vadd.s32 $0xF0, v1  }
0x2e0: {  	v2 =	vadd.s32 $0xF0, v2;
	_ =	sdelay $0x1  }
0x2e1: {  	v3 =	vld.idx.msk [tilespmem:v3+s2+$0x0], $0xffff  }
0x2e2: {  	v4 =	vld.idx.msk [tilespmem:v4+s2+$0x0], $0xffff  }
0x2e3: {  	v1 =	vld.idx.msk [tilespmem:v1+s10+$0x0], $0xffff  }
0x2e4: {  	v2 =	vld.idx.msk [tilespmem:v2+s10+$0x0], $0xffff;
	_ =	sdelay $0x4  }
0x2e5: {  	v1 =	vmul.f32 v1, v3;
	v2 =	vmul.f32 v2, v4;
	v3 =	vor.u32 $0x7C0, v0  }
0x2e6: {  	v4 =	vor.u32 $0x7C1, v0  }
0x2e7: {  	v1 =	vadd.f32 v2, v1;
	_ =	sdelay $0x1  }
0x2e8: {  	[tilespmem:$0x2110] =	vst v1  }
0x2e9: {  	v1 =	vld.idx.msk [tilespmem:v3+s9+$0x0], $0xffff  }
0x2ea: {  	v2 =	vld.idx.msk [tilespmem:v4+s9+$0x0], $0xffff;
	_ =	sdelay $0x3  }
0x2eb: {  	v1 =	vadd.s32 $0xF0, v1  }
0x2ec: {  	v2 =	vadd.s32 $0xF0, v2;
	_ =	sdelay $0x1  }
0x2ed: {  	v3 =	vld.idx.msk [tilespmem:v3+s2+$0x0], $0xffff  }
0x2ee: {  	v4 =	vld.idx.msk [tilespmem:v4+s2+$0x0], $0xffff  }
0x2ef: {  	v1 =	vld.idx.msk [tilespmem:v1+s10+$0x0], $0xffff  }
0x2f0: {  	v2 =	vld.idx.msk [tilespmem:v2+s10+$0x0], $0xffff;
	_ =	sdelay $0x4  }
0x2f1: {  	v1 =	vmul.f32 v1, v3;
	v2 =	vmul.f32 v2, v4;
	v3 =	vor.u32 $0x7E0, v0  }
0x2f2: {  	v4 =	vor.u32 $0x7E1, v0  }
0x2f3: {  	v1 =	vadd.f32 v2, v1;
	_ =	sdelay $0x1  }
0x2f4: {  	[tilespmem:$0x2120] =	vst v1  }
0x2f5: {  	v1 =	vld.idx.msk [tilespmem:v3+s9+$0x0], $0xffff  }
0x2f6: {  	v2 =	vld.idx.msk [tilespmem:v4+s9+$0x0], $0xffff;
	_ =	sdelay $0x3  }
0x2f7: {  	v1 =	vadd.s32 $0xF0, v1  }
0x2f8: {  	v2 =	vadd.s32 $0xF0, v2;
	_ =	sdelay $0x1  }
0x2f9: {  	v3 =	vld.idx.msk [tilespmem:v3+s2+$0x0], $0xffff  }
0x2fa: {  	v4 =	vld.idx.msk [tilespmem:v4+s2+$0x0], $0xffff  }
0x2fb: {  	v1 =	vld.idx.msk [tilespmem:v1+s10+$0x0], $0xffff  }
0x2fc: {  	v2 =	vld.idx.msk [tilespmem:v2+s10+$0x0], $0xffff;
	_ =	sdelay $0x4  }
0x2fd: {  	v1 =	vmul.f32 v1, v3;
	v2 =	vmul.f32 v2, v4;
	v3 =	vor.u32 $0x800, v0  }
0x2fe: {  	v4 =	vor.u32 $0x801, v0  }
0x2ff: {  	v1 =	vadd.f32 v2, v1;
	_ =	sdelay $0x1  }
0x300: {  	[tilespmem:$0x2130] =	vst v1  }
0x301: {  	v1 =	vld.idx.msk [tilespmem:v3+s9+$0x0], $0xffff  }
0x302: {  	v2 =	vld.idx.msk [tilespmem:v4+s9+$0x0], $0xffff;
	_ =	sdelay $0x3  }
0x303: {  	v1 =	vadd.s32 $0x100, v1  }
0x304: {  	v2 =	vadd.s32 $0x100, v2;
	_ =	sdelay $0x1  }
0x305: {  	v3 =	vld.idx.msk [tilespmem:v3+s2+$0x0], $0xffff  }
0x306: {  	v4 =	vld.idx.msk [tilespmem:v4+s2+$0x0], $0xffff  }
0x307: {  	v1 =	vld.idx.msk [tilespmem:v1+s10+$0x0], $0xffff  }
0x308: {  	v2 =	vld.idx.msk [tilespmem:v2+s10+$0x0], $0xffff;
	_ =	sdelay $0x4  }
0x309: {  	v1 =	vmul.f32 v1, v3;
	v2 =	vmul.f32 v2, v4;
	v3 =	vor.u32 $0x820, v0  }
0x30a: {  	v4 =	vor.u32 $0x821, v0  }
0x30b: {  	v1 =	vadd.f32 v2, v1;
	_ =	sdelay $0x1  }
0x30c: {  	[tilespmem:$0x2180] =	vst v1  }
0x30d: {  	v1 =	vld.idx.msk [tilespmem:v3+s9+$0x0], $0xffff  }
0x30e: {  	v2 =	vld.idx.msk [tilespmem:v4+s9+$0x0], $0xffff;
	_ =	sdelay $0x3  }
0x30f: {  	v1 =	vadd.s32 $0x100, v1  }
0x310: {  	v2 =	vadd.s32 $0x100, v2;
	_ =	sdelay $0x1  }
0x311: {  	v3 =	vld.idx.msk [tilespmem:v3+s2+$0x0], $0xffff  }
0x312: {  	v4 =	vld.idx.msk [tilespmem:v4+s2+$0x0], $0xffff  }
0x313: {  	v1 =	vld.idx.msk [tilespmem:v1+s10+$0x0], $0xffff  }
0x314: {  	v2 =	vld.idx.msk [tilespmem:v2+s10+$0x0], $0xffff;
	_ =	sdelay $0x4  }
0x315: {  	v1 =	vmul.f32 v1, v3;
	v2 =	vmul.f32 v2, v4;
	v3 =	vor.u32 $0x840, v0  }
0x316: {  	v4 =	vor.u32 $0x841, v0  }
0x317: {  	v1 =	vadd.f32 v2, v1;
	_ =	sdelay $0x1  }
0x318: {  	[tilespmem:$0x2190] =	vst v1  }
0x319: {  	v1 =	vld.idx.msk [tilespmem:v3+s9+$0x0], $0xffff  }
0x31a: {  	v2 =	vld.idx.msk [tilespmem:v4+s9+$0x0], $0xffff;
	_ =	sdelay $0x3  }
0x31b: {  	v1 =	vadd.s32 $0x100, v1  }
0x31c: {  	v2 =	vadd.s32 $0x100, v2;
	_ =	sdelay $0x1  }
0x31d: {  	v3 =	vld.idx.msk [tilespmem:v3+s2+$0x0], $0xffff  }
0x31e: {  	v4 =	vld.idx.msk [tilespmem:v4+s2+$0x0], $0xffff  }
0x31f: {  	v1 =	vld.idx.msk [tilespmem:v1+s10+$0x0], $0xffff  }
0x320: {  	v2 =	vld.idx.msk [tilespmem:v2+s10+$0x0], $0xffff;
	_ =	sdelay $0x4  }
0x321: {  	v1 =	vmul.f32 v1, v3;
	v2 =	vmul.f32 v2, v4;
	v3 =	vor.u32 $0x860, v0  }
0x322: {  	v4 =	vor.u32 $0x861, v0  }
0x323: {  	v1 =	vadd.f32 v2, v1;
	_ =	sdelay $0x1  }
0x324: {  	[tilespmem:$0x21A0] =	vst v1  }
0x325: {  	v1 =	vld.idx.msk [tilespmem:v3+s9+$0x0], $0xffff  }
0x326: {  	v2 =	vld.idx.msk [tilespmem:v4+s9+$0x0], $0xffff;
	_ =	sdelay $0x3  }
0x327: {  	v1 =	vadd.s32 $0x100, v1  }
0x328: {  	v2 =	vadd.s32 $0x100, v2;
	_ =	sdelay $0x1  }
0x329: {  	v3 =	vld.idx.msk [tilespmem:v3+s2+$0x0], $0xffff  }
0x32a: {  	v4 =	vld.idx.msk [tilespmem:v4+s2+$0x0], $0xffff  }
0x32b: {  	v1 =	vld.idx.msk [tilespmem:v1+s10+$0x0], $0xffff  }
0x32c: {  	v2 =	vld.idx.msk [tilespmem:v2+s10+$0x0], $0xffff;
	_ =	sdelay $0x4  }
0x32d: {  	v1 =	vmul.f32 v1, v3;
	v2 =	vmul.f32 v2, v4;
	v3 =	vor.u32 $0x880, v0  }
0x32e: {  	v4 =	vor.u32 $0x881, v0  }
0x32f: {  	v1 =	vadd.f32 v2, v1;
	_ =	sdelay $0x1  }
0x330: {  	[tilespmem:$0x21B0] =	vst v1  }
0x331: {  	v1 =	vld.idx.msk [tilespmem:v3+s9+$0x0], $0xffff  }
0x332: {  	v2 =	vld.idx.msk [tilespmem:v4+s9+$0x0], $0xffff;
	_ =	sdelay $0x3  }
0x333: {  	v1 =	vadd.s32 $0x110, v1  }
0x334: {  	v2 =	vadd.s32 $0x110, v2;
	_ =	sdelay $0x1  }
0x335: {  	v3 =	vld.idx.msk [tilespmem:v3+s2+$0x0], $0xffff  }
0x336: {  	v4 =	vld.idx.msk [tilespmem:v4+s2+$0x0], $0xffff  }
0x337: {  	v1 =	vld.idx.msk [tilespmem:v1+s10+$0x0], $0xffff  }
0x338: {  	v2 =	vld.idx.msk [tilespmem:v2+s10+$0x0], $0xffff;
	_ =	sdelay $0x4  }
0x339: {  	v1 =	vmul.f32 v1, v3;
	v2 =	vmul.f32 v2, v4;
	v3 =	vor.u32 $0x8A0, v0  }
0x33a: {  	v4 =	vor.u32 $0x8A1, v0  }
0x33b: {  	v1 =	vadd.f32 v2, v1;
	_ =	sdelay $0x1  }
0x33c: {  	[tilespmem:$0x2200] =	vst v1  }
0x33d: {  	v1 =	vld.idx.msk [tilespmem:v3+s9+$0x0], $0xffff  }
0x33e: {  	v2 =	vld.idx.msk [tilespmem:v4+s9+$0x0], $0xffff;
	_ =	sdelay $0x3  }
0x33f: {  	v1 =	vadd.s32 $0x110, v1  }
0x340: {  	v2 =	vadd.s32 $0x110, v2;
	_ =	sdelay $0x1  }
0x341: {  	v3 =	vld.idx.msk [tilespmem:v3+s2+$0x0], $0xffff  }
0x342: {  	v4 =	vld.idx.msk [tilespmem:v4+s2+$0x0], $0xffff  }
0x343: {  	v1 =	vld.idx.msk [tilespmem:v1+s10+$0x0], $0xffff  }
0x344: {  	v2 =	vld.idx.msk [tilespmem:v2+s10+$0x0], $0xffff;
	_ =	sdelay $0x4  }
0x345: {  	v1 =	vmul.f32 v1, v3;
	v2 =	vmul.f32 v2, v4;
	v3 =	vor.u32 $0x8C0, v0  }
0x346: {  	v4 =	vor.u32 $0x8C1, v0  }
0x347: {  	v1 =	vadd.f32 v2, v1;
	_ =	sdelay $0x1  }
0x348: {  	[tilespmem:$0x2210] =	vst v1  }
0x349: {  	v1 =	vld.idx.msk [tilespmem:v3+s9+$0x0], $0xffff  }
0x34a: {  	v2 =	vld.idx.msk [tilespmem:v4+s9+$0x0], $0xffff;
	_ =	sdelay $0x3  }
0x34b: {  	v1 =	vadd.s32 $0x110, v1  }
0x34c: {  	v2 =	vadd.s32 $0x110, v2;
	_ =	sdelay $0x1  }
0x34d: {  	v3 =	vld.idx.msk [tilespmem:v3+s2+$0x0], $0xffff  }
0x34e: {  	v4 =	vld.idx.msk [tilespmem:v4+s2+$0x0], $0xffff  }
0x34f: {  	v1 =	vld.idx.msk [tilespmem:v1+s10+$0x0], $0xffff  }
0x350: {  	v2 =	vld.idx.msk [tilespmem:v2+s10+$0x0], $0xffff;
	_ =	sdelay $0x4  }
0x351: {  	v1 =	vmul.f32 v1, v3;
	v2 =	vmul.f32 v2, v4;
	v3 =	vor.u32 $0x8E0, v0  }
0x352: {  	v4 =	vor.u32 $0x8E1, v0  }
0x353: {  	v1 =	vadd.f32 v2, v1;
	_ =	sdelay $0x1  }
0x354: {  	[tilespmem:$0x2220] =	vst v1  }
0x355: {  	v1 =	vld.idx.msk [tilespmem:v3+s9+$0x0], $0xffff  }
0x356: {  	v2 =	vld.idx.msk [tilespmem:v4+s9+$0x0], $0xffff;
	_ =	sdelay $0x3  }
0x357: {  	v1 =	vadd.s32 $0x110, v1  }
0x358: {  	v2 =	vadd.s32 $0x110, v2;
	_ =	sdelay $0x1  }
0x359: {  	v3 =	vld.idx.msk [tilespmem:v3+s2+$0x0], $0xffff  }
0x35a: {  	v4 =	vld.idx.msk [tilespmem:v4+s2+$0x0], $0xffff  }
0x35b: {  	v1 =	vld.idx.msk [tilespmem:v1+s10+$0x0], $0xffff  }
0x35c: {  	v2 =	vld.idx.msk [tilespmem:v2+s10+$0x0], $0xffff;
	_ =	sdelay $0x4  }
0x35d: {  	v1 =	vmul.f32 v1, v3;
	v2 =	vmul.f32 v2, v4;
	v3 =	vor.u32 $0x900, v0  }
0x35e: {  	v4 =	vor.u32 $0x901, v0  }
0x35f: {  	v1 =	vadd.f32 v2, v1;
	_ =	sdelay $0x1  }
0x360: {  	[tilespmem:$0x2230] =	vst v1  }
0x361: {  	v1 =	vld.idx.msk [tilespmem:v3+s9+$0x0], $0xffff  }
0x362: {  	v2 =	vld.idx.msk [tilespmem:v4+s9+$0x0], $0xffff;
	_ =	sdelay $0x3  }
0x363: {  	v1 =	vadd.s32 $0x120, v1  }
0x364: {  	v2 =	vadd.s32 $0x120, v2;
	_ =	sdelay $0x1  }
0x365: {  	v3 =	vld.idx.msk [tilespmem:v3+s2+$0x0], $0xffff  }
0x366: {  	v4 =	vld.idx.msk [tilespmem:v4+s2+$0x0], $0xffff  }
0x367: {  	v1 =	vld.idx.msk [tilespmem:v1+s10+$0x0], $0xffff  }
0x368: {  	v2 =	vld.idx.msk [tilespmem:v2+s10+$0x0], $0xffff;
	_ =	sdelay $0x4  }
0x369: {  	v1 =	vmul.f32 v1, v3;
	v2 =	vmul.f32 v2, v4;
	v3 =	vor.u32 $0x920, v0  }
0x36a: {  	v4 =	vor.u32 $0x921, v0  }
0x36b: {  	v1 =	vadd.f32 v2, v1;
	_ =	sdelay $0x1  }
0x36c: {  	[tilespmem:$0x2280] =	vst v1  }
0x36d: {  	v1 =	vld.idx.msk [tilespmem:v3+s9+$0x0], $0xffff  }
0x36e: {  	v2 =	vld.idx.msk [tilespmem:v4+s9+$0x0], $0xffff;
	_ =	sdelay $0x3  }
0x36f: {  	v1 =	vadd.s32 $0x120, v1  }
0x370: {  	v2 =	vadd.s32 $0x120, v2;
	_ =	sdelay $0x1  }
0x371: {  	v3 =	vld.idx.msk [tilespmem:v3+s2+$0x0], $0xffff  }
0x372: {  	v4 =	vld.idx.msk [tilespmem:v4+s2+$0x0], $0xffff  }
0x373: {  	v1 =	vld.idx.msk [tilespmem:v1+s10+$0x0], $0xffff  }
0x374: {  	v2 =	vld.idx.msk [tilespmem:v2+s10+$0x0], $0xffff;
	_ =	sdelay $0x4  }
0x375: {  	v1 =	vmul.f32 v1, v3;
	v2 =	vmul.f32 v2, v4;
	v3 =	vor.u32 $0x940, v0  }
0x376: {  	v4 =	vor.u32 $0x941, v0  }
0x377: {  	v1 =	vadd.f32 v2, v1;
	_ =	sdelay $0x1  }
0x378: {  	[tilespmem:$0x2290] =	vst v1  }
0x379: {  	v1 =	vld.idx.msk [tilespmem:v3+s9+$0x0], $0xffff  }
0x37a: {  	v2 =	vld.idx.msk [tilespmem:v4+s9+$0x0], $0xffff;
	_ =	sdelay $0x3  }
0x37b: {  	v1 =	vadd.s32 $0x120, v1  }
0x37c: {  	v2 =	vadd.s32 $0x120, v2;
	_ =	sdelay $0x1  }
0x37d: {  	v3 =	vld.idx.msk [tilespmem:v3+s2+$0x0], $0xffff  }
0x37e: {  	v4 =	vld.idx.msk [tilespmem:v4+s2+$0x0], $0xffff  }
0x37f: {  	v1 =	vld.idx.msk [tilespmem:v1+s10+$0x0], $0xffff  }
0x380: {  	v2 =	vld.idx.msk [tilespmem:v2+s10+$0x0], $0xffff;
	_ =	sdelay $0x4  }
0x381: {  	v1 =	vmul.f32 v1, v3;
	v2 =	vmul.f32 v2, v4;
	v3 =	vor.u32 $0x960, v0  }
0x382: {  	v4 =	vor.u32 $0x961, v0  }
0x383: {  	v1 =	vadd.f32 v2, v1;
	_ =	sdelay $0x1  }
0x384: {  	[tilespmem:$0x22A0] =	vst v1  }
0x385: {  	v1 =	vld.idx.msk [tilespmem:v3+s9+$0x0], $0xffff  }
0x386: {  	v2 =	vld.idx.msk [tilespmem:v4+s9+$0x0], $0xffff;
	_ =	sdelay $0x3  }
0x387: {  	v1 =	vadd.s32 $0x120, v1  }
0x388: {  	v2 =	vadd.s32 $0x120, v2;
	_ =	sdelay $0x1  }
0x389: {  	v3 =	vld.idx.msk [tilespmem:v3+s2+$0x0], $0xffff  }
0x38a: {  	v4 =	vld.idx.msk [tilespmem:v4+s2+$0x0], $0xffff  }
0x38b: {  	v1 =	vld.idx.msk [tilespmem:v1+s10+$0x0], $0xffff  }
0x38c: {  	v2 =	vld.idx.msk [tilespmem:v2+s10+$0x0], $0xffff;
	_ =	sdelay $0x4  }
0x38d: {  	v1 =	vmul.f32 v1, v3;
	v2 =	vmul.f32 v2, v4;
	v3 =	vor.u32 $0x980, v0  }
0x38e: {  	v4 =	vor.u32 $0x981, v0  }
0x38f: {  	v1 =	vadd.f32 v2, v1;
	_ =	sdelay $0x1  }
0x390: {  	[tilespmem:$0x22B0] =	vst v1  }
0x391: {  	v1 =	vld.idx.msk [tilespmem:v3+s9+$0x0], $0xffff  }
0x392: {  	v2 =	vld.idx.msk [tilespmem:v4+s9+$0x0], $0xffff;
	_ =	sdelay $0x3  }
0x393: {  	v1 =	vadd.s32 $0x130, v1  }
0x394: {  	v2 =	vadd.s32 $0x130, v2;
	_ =	sdelay $0x1  }
0x395: {  	v3 =	vld.idx.msk [tilespmem:v3+s2+$0x0], $0xffff  }
0x396: {  	v4 =	vld.idx.msk [tilespmem:v4+s2+$0x0], $0xffff  }
0x397: {  	v1 =	vld.idx.msk [tilespmem:v1+s10+$0x0], $0xffff  }
0x398: {  	v2 =	vld.idx.msk [tilespmem:v2+s10+$0x0], $0xffff;
	_ =	sdelay $0x4  }
0x399: {  	v1 =	vmul.f32 v1, v3;
	v2 =	vmul.f32 v2, v4;
	v3 =	vor.u32 $0x9A0, v0  }
0x39a: {  	v4 =	vor.u32 $0x9A1, v0  }
0x39b: {  	v1 =	vadd.f32 v2, v1;
	_ =	sdelay $0x1  }
0x39c: {  	[tilespmem:$0x2300] =	vst v1  }
0x39d: {  	v1 =	vld.idx.msk [tilespmem:v3+s9+$0x0], $0xffff  }
0x39e: {  	v2 =	vld.idx.msk [tilespmem:v4+s9+$0x0], $0xffff;
	_ =	sdelay $0x3  }
0x39f: {  	v1 =	vadd.s32 $0x130, v1  }
0x3a0: {  	v2 =	vadd.s32 $0x130, v2;
	_ =	sdelay $0x1  }
0x3a1: {  	v3 =	vld.idx.msk [tilespmem:v3+s2+$0x0], $0xffff  }
0x3a2: {  	v4 =	vld.idx.msk [tilespmem:v4+s2+$0x0], $0xffff  }
0x3a3: {  	v1 =	vld.idx.msk [tilespmem:v1+s10+$0x0], $0xffff  }
0x3a4: {  	v2 =	vld.idx.msk [tilespmem:v2+s10+$0x0], $0xffff;
	_ =	sdelay $0x4  }
0x3a5: {  	v1 =	vmul.f32 v1, v3;
	v2 =	vmul.f32 v2, v4;
	v3 =	vor.u32 $0x9C0, v0  }
0x3a6: {  	v4 =	vor.u32 $0x9C1, v0  }
0x3a7: {  	v1 =	vadd.f32 v2, v1;
	_ =	sdelay $0x1  }
0x3a8: {  	[tilespmem:$0x2310] =	vst v1  }
0x3a9: {  	v1 =	vld.idx.msk [tilespmem:v3+s9+$0x0], $0xffff  }
0x3aa: {  	v2 =	vld.idx.msk [tilespmem:v4+s9+$0x0], $0xffff;
	_ =	sdelay $0x3  }
0x3ab: {  	v1 =	vadd.s32 $0x130, v1  }
0x3ac: {  	v2 =	vadd.s32 $0x130, v2;
	_ =	sdelay $0x1  }
0x3ad: {  	v3 =	vld.idx.msk [tilespmem:v3+s2+$0x0], $0xffff  }
0x3ae: {  	v4 =	vld.idx.msk [tilespmem:v4+s2+$0x0], $0xffff  }
0x3af: {  	v1 =	vld.idx.msk [tilespmem:v1+s10+$0x0], $0xffff  }
0x3b0: {  	v2 =	vld.idx.msk [tilespmem:v2+s10+$0x0], $0xffff;
	_ =	sdelay $0x4  }
0x3b1: {  	v1 =	vmul.f32 v1, v3;
	v2 =	vmul.f32 v2, v4;
	v3 =	vor.u32 $0x9E0, v0  }
0x3b2: {  	v4 =	vor.u32 $0x9E1, v0  }
0x3b3: {  	v1 =	vadd.f32 v2, v1;
	_ =	sdelay $0x1  }
0x3b4: {  	[tilespmem:$0x2320] =	vst v1  }
0x3b5: {  	v1 =	vld.idx.msk [tilespmem:v3+s9+$0x0], $0xffff  }
0x3b6: {  	v2 =	vld.idx.msk [tilespmem:v4+s9+$0x0], $0xffff;
	_ =	sdelay $0x3  }
0x3b7: {  	v1 =	vadd.s32 $0x130, v1  }
0x3b8: {  	v2 =	vadd.s32 $0x130, v2;
	_ =	sdelay $0x1  }
0x3b9: {  	v3 =	vld.idx.msk [tilespmem:v3+s2+$0x0], $0xffff  }
0x3ba: {  	v4 =	vld.idx.msk [tilespmem:v4+s2+$0x0], $0xffff  }
0x3bb: {  	v1 =	vld.idx.msk [tilespmem:v1+s10+$0x0], $0xffff  }
0x3bc: {  	v2 =	vld.idx.msk [tilespmem:v2+s10+$0x0], $0xffff;
	_ =	sdelay $0x4  }
0x3bd: {  	v1 =	vmul.f32 v1, v3;
	v2 =	vmul.f32 v2, v4;
	v3 =	vor.u32 $0xA00, v0  }
0x3be: {  	v4 =	vor.u32 $0xA01, v0  }
0x3bf: {  	v1 =	vadd.f32 v2, v1;
	_ =	sdelay $0x1  }
0x3c0: {  	[tilespmem:$0x2330] =	vst v1  }
0x3c1: {  	v1 =	vld.idx.msk [tilespmem:v3+s9+$0x0], $0xffff  }
0x3c2: {  	v2 =	vld.idx.msk [tilespmem:v4+s9+$0x0], $0xffff;
	_ =	sdelay $0x3  }
0x3c3: {  	v1 =	vadd.s32 $0x140, v1  }
0x3c4: {  	v2 =	vadd.s32 $0x140, v2;
	_ =	sdelay $0x1  }
0x3c5: {  	v3 =	vld.idx.msk [tilespmem:v3+s2+$0x0], $0xffff  }
0x3c6: {  	v4 =	vld.idx.msk [tilespmem:v4+s2+$0x0], $0xffff  }
0x3c7: {  	v1 =	vld.idx.msk [tilespmem:v1+s10+$0x0], $0xffff  }
0x3c8: {  	v2 =	vld.idx.msk [tilespmem:v2+s10+$0x0], $0xffff;
	_ =	sdelay $0x4  }
0x3c9: {  	v1 =	vmul.f32 v1, v3;
	v2 =	vmul.f32 v2, v4;
	v3 =	vor.u32 $0xA20, v0  }
0x3ca: {  	v4 =	vor.u32 $0xA21, v0  }
0x3cb: {  	v1 =	vadd.f32 v2, v1;
	_ =	sdelay $0x1  }
0x3cc: {  	[tilespmem:$0x2380] =	vst v1  }
0x3cd: {  	v1 =	vld.idx.msk [tilespmem:v3+s9+$0x0], $0xffff  }
0x3ce: {  	v2 =	vld.idx.msk [tilespmem:v4+s9+$0x0], $0xffff;
	_ =	sdelay $0x3  }
0x3cf: {  	v1 =	vadd.s32 $0x140, v1  }
0x3d0: {  	v2 =	vadd.s32 $0x140, v2;
	_ =	sdelay $0x1  }
0x3d1: {  	v3 =	vld.idx.msk [tilespmem:v3+s2+$0x0], $0xffff  }
0x3d2: {  	v4 =	vld.idx.msk [tilespmem:v4+s2+$0x0], $0xffff  }
0x3d3: {  	v1 =	vld.idx.msk [tilespmem:v1+s10+$0x0], $0xffff  }
0x3d4: {  	v2 =	vld.idx.msk [tilespmem:v2+s10+$0x0], $0xffff;
	_ =	sdelay $0x4  }
0x3d5: {  	v1 =	vmul.f32 v1, v3;
	v2 =	vmul.f32 v2, v4;
	v3 =	vor.u32 $0xA40, v0  }
0x3d6: {  	v4 =	vor.u32 $0xA41, v0  }
0x3d7: {  	v1 =	vadd.f32 v2, v1;
	_ =	sdelay $0x1  }
0x3d8: {  	[tilespmem:$0x2390] =	vst v1  }
0x3d9: {  	v1 =	vld.idx.msk [tilespmem:v3+s9+$0x0], $0xffff  }
0x3da: {  	v2 =	vld.idx.msk [tilespmem:v4+s9+$0x0], $0xffff;
	_ =	sdelay $0x3  }
0x3db: {  	v1 =	vadd.s32 $0x140, v1  }
0x3dc: {  	v2 =	vadd.s32 $0x140, v2;
	_ =	sdelay $0x1  }
0x3dd: {  	v3 =	vld.idx.msk [tilespmem:v3+s2+$0x0], $0xffff  }
0x3de: {  	v4 =	vld.idx.msk [tilespmem:v4+s2+$0x0], $0xffff  }
0x3df: {  	v1 =	vld.idx.msk [tilespmem:v1+s10+$0x0], $0xffff  }
0x3e0: {  	v2 =	vld.idx.msk [tilespmem:v2+s10+$0x0], $0xffff;
	_ =	sdelay $0x4  }
0x3e1: {  	v1 =	vmul.f32 v1, v3;
	v2 =	vmul.f32 v2, v4;
	v3 =	vor.u32 $0xA60, v0  }
0x3e2: {  	v4 =	vor.u32 $0xA61, v0  }
0x3e3: {  	v1 =	vadd.f32 v2, v1;
	_ =	sdelay $0x1  }
0x3e4: {  	[tilespmem:$0x23A0] =	vst v1  }
0x3e5: {  	v1 =	vld.idx.msk [tilespmem:v3+s9+$0x0], $0xffff  }
0x3e6: {  	v2 =	vld.idx.msk [tilespmem:v4+s9+$0x0], $0xffff;
	_ =	sdelay $0x3  }
0x3e7: {  	v1 =	vadd.s32 $0x140, v1  }
0x3e8: {  	v2 =	vadd.s32 $0x140, v2;
	_ =	sdelay $0x1  }
0x3e9: {  	v3 =	vld.idx.msk [tilespmem:v3+s2+$0x0], $0xffff  }
0x3ea: {  	v4 =	vld.idx.msk [tilespmem:v4+s2+$0x0], $0xffff  }
0x3eb: {  	v1 =	vld.idx.msk [tilespmem:v1+s10+$0x0], $0xffff  }
0x3ec: {  	v2 =	vld.idx.msk [tilespmem:v2+s10+$0x0], $0xffff;
	_ =	sdelay $0x4  }
0x3ed: {  	v1 =	vmul.f32 v1, v3;
	v2 =	vmul.f32 v2, v4;
	v3 =	vor.u32 $0xA80, v0  }
0x3ee: {  	v4 =	vor.u32 $0xA81, v0  }
0x3ef: {  	v1 =	vadd.f32 v2, v1;
	_ =	sdelay $0x1  }
0x3f0: {  	[tilespmem:$0x23B0] =	vst v1  }
0x3f1: {  	v1 =	vld.idx.msk [tilespmem:v3+s9+$0x0], $0xffff  }
0x3f2: {  	v2 =	vld.idx.msk [tilespmem:v4+s9+$0x0], $0xffff;
	_ =	sdelay $0x3  }
0x3f3: {  	v1 =	vadd.s32 $0x150, v1  }
0x3f4: {  	v2 =	vadd.s32 $0x150, v2;
	_ =	sdelay $0x1  }
0x3f5: {  	v3 =	vld.idx.msk [tilespmem:v3+s2+$0x0], $0xffff  }
0x3f6: {  	v4 =	vld.idx.msk [tilespmem:v4+s2+$0x0], $0xffff  }
0x3f7: {  	v1 =	vld.idx.msk [tilespmem:v1+s10+$0x0], $0xffff  }
0x3f8: {  	v2 =	vld.idx.msk [tilespmem:v2+s10+$0x0], $0xffff;
	_ =	sdelay $0x4  }
0x3f9: {  	v1 =	vmul.f32 v1, v3;
	v2 =	vmul.f32 v2, v4;
	v3 =	vor.u32 $0xAA0, v0  }
0x3fa: {  	v4 =	vor.u32 $0xAA1, v0  }
0x3fb: {  	v1 =	vadd.f32 v2, v1;
	_ =	sdelay $0x1  }
0x3fc: {  	[tilespmem:$0x2400] =	vst v1  }
0x3fd: {  	v1 =	vld.idx.msk [tilespmem:v3+s9+$0x0], $0xffff  }
0x3fe: {  	v2 =	vld.idx.msk [tilespmem:v4+s9+$0x0], $0xffff;
	_ =	sdelay $0x3  }
0x3ff: {  	v1 =	vadd.s32 $0x150, v1  }
0x400: {  	v2 =	vadd.s32 $0x150, v2;
	_ =	sdelay $0x1  }
0x401: {  	v3 =	vld.idx.msk [tilespmem:v3+s2+$0x0], $0xffff  }
0x402: {  	v4 =	vld.idx.msk [tilespmem:v4+s2+$0x0], $0xffff  }
0x403: {  	v1 =	vld.idx.msk [tilespmem:v1+s10+$0x0], $0xffff  }
0x404: {  	v2 =	vld.idx.msk [tilespmem:v2+s10+$0x0], $0xffff;
	_ =	sdelay $0x4  }
0x405: {  	v1 =	vmul.f32 v1, v3;
	v2 =	vmul.f32 v2, v4;
	v3 =	vor.u32 $0xAC0, v0  }
0x406: {  	v4 =	vor.u32 $0xAC1, v0  }
0x407: {  	v1 =	vadd.f32 v2, v1;
	_ =	sdelay $0x1  }
0x408: {  	[tilespmem:$0x2410] =	vst v1  }
0x409: {  	v1 =	vld.idx.msk [tilespmem:v3+s9+$0x0], $0xffff  }
0x40a: {  	v2 =	vld.idx.msk [tilespmem:v4+s9+$0x0], $0xffff;
	_ =	sdelay $0x3  }
0x40b: {  	v1 =	vadd.s32 $0x150, v1  }
0x40c: {  	v2 =	vadd.s32 $0x150, v2;
	_ =	sdelay $0x1  }
0x40d: {  	v3 =	vld.idx.msk [tilespmem:v3+s2+$0x0], $0xffff  }
0x40e: {  	v4 =	vld.idx.msk [tilespmem:v4+s2+$0x0], $0xffff  }
0x40f: {  	v1 =	vld.idx.msk [tilespmem:v1+s10+$0x0], $0xffff  }
0x410: {  	v2 =	vld.idx.msk [tilespmem:v2+s10+$0x0], $0xffff;
	_ =	sdelay $0x4  }
0x411: {  	v1 =	vmul.f32 v1, v3;
	v2 =	vmul.f32 v2, v4;
	v3 =	vor.u32 $0xAE0, v0  }
0x412: {  	v4 =	vor.u32 $0xAE1, v0  }
0x413: {  	v1 =	vadd.f32 v2, v1;
	_ =	sdelay $0x1  }
0x414: {  	[tilespmem:$0x2420] =	vst v1  }
0x415: {  	v1 =	vld.idx.msk [tilespmem:v3+s9+$0x0], $0xffff  }
0x416: {  	v2 =	vld.idx.msk [tilespmem:v4+s9+$0x0], $0xffff;
	_ =	sdelay $0x3  }
0x417: {  	v1 =	vadd.s32 $0x150, v1  }
0x418: {  	v2 =	vadd.s32 $0x150, v2;
	_ =	sdelay $0x1  }
0x419: {  	v3 =	vld.idx.msk [tilespmem:v3+s2+$0x0], $0xffff  }
0x41a: {  	v4 =	vld.idx.msk [tilespmem:v4+s2+$0x0], $0xffff  }
0x41b: {  	v1 =	vld.idx.msk [tilespmem:v1+s10+$0x0], $0xffff  }
0x41c: {  	v2 =	vld.idx.msk [tilespmem:v2+s10+$0x0], $0xffff;
	_ =	sdelay $0x4  }
0x41d: {  	v1 =	vmul.f32 v1, v3;
	v2 =	vmul.f32 v2, v4;
	v3 =	vor.u32 $0xB00, v0  }
0x41e: {  	v4 =	vor.u32 $0xB01, v0  }
0x41f: {  	v1 =	vadd.f32 v2, v1;
	_ =	sdelay $0x1  }
0x420: {  	[tilespmem:$0x2430] =	vst v1  }
0x421: {  	v1 =	vld.idx.msk [tilespmem:v3+s9+$0x0], $0xffff  }
0x422: {  	v2 =	vld.idx.msk [tilespmem:v4+s9+$0x0], $0xffff;
	_ =	sdelay $0x3  }
0x423: {  	v1 =	vadd.s32 $0x160, v1  }
0x424: {  	v2 =	vadd.s32 $0x160, v2;
	_ =	sdelay $0x1  }
0x425: {  	v3 =	vld.idx.msk [tilespmem:v3+s2+$0x0], $0xffff  }
0x426: {  	v4 =	vld.idx.msk [tilespmem:v4+s2+$0x0], $0xffff  }
0x427: {  	v1 =	vld.idx.msk [tilespmem:v1+s10+$0x0], $0xffff  }
0x428: {  	v2 =	vld.idx.msk [tilespmem:v2+s10+$0x0], $0xffff;
	_ =	sdelay $0x4  }
0x429: {  	v1 =	vmul.f32 v1, v3;
	v2 =	vmul.f32 v2, v4;
	v3 =	vor.u32 $0xB20, v0  }
0x42a: {  	v4 =	vor.u32 $0xB21, v0  }
0x42b: {  	v1 =	vadd.f32 v2, v1;
	_ =	sdelay $0x1  }
0x42c: {  	[tilespmem:$0x2480] =	vst v1  }
0x42d: {  	v1 =	vld.idx.msk [tilespmem:v3+s9+$0x0], $0xffff  }
0x42e: {  	v2 =	vld.idx.msk [tilespmem:v4+s9+$0x0], $0xffff;
	_ =	sdelay $0x3  }
0x42f: {  	v1 =	vadd.s32 $0x160, v1  }
0x430: {  	v2 =	vadd.s32 $0x160, v2;
	_ =	sdelay $0x1  }
0x431: {  	v3 =	vld.idx.msk [tilespmem:v3+s2+$0x0], $0xffff  }
0x432: {  	v4 =	vld.idx.msk [tilespmem:v4+s2+$0x0], $0xffff  }
0x433: {  	v1 =	vld.idx.msk [tilespmem:v1+s10+$0x0], $0xffff  }
0x434: {  	v2 =	vld.idx.msk [tilespmem:v2+s10+$0x0], $0xffff;
	_ =	sdelay $0x4  }
0x435: {  	v1 =	vmul.f32 v1, v3;
	v2 =	vmul.f32 v2, v4;
	v3 =	vor.u32 $0xB40, v0  }
0x436: {  	v4 =	vor.u32 $0xB41, v0  }
0x437: {  	v1 =	vadd.f32 v2, v1;
	_ =	sdelay $0x1  }
0x438: {  	[tilespmem:$0x2490] =	vst v1  }
0x439: {  	v1 =	vld.idx.msk [tilespmem:v3+s9+$0x0], $0xffff  }
0x43a: {  	v2 =	vld.idx.msk [tilespmem:v4+s9+$0x0], $0xffff;
	_ =	sdelay $0x3  }
0x43b: {  	v1 =	vadd.s32 $0x160, v1  }
0x43c: {  	v2 =	vadd.s32 $0x160, v2;
	_ =	sdelay $0x1  }
0x43d: {  	v3 =	vld.idx.msk [tilespmem:v3+s2+$0x0], $0xffff  }
0x43e: {  	v4 =	vld.idx.msk [tilespmem:v4+s2+$0x0], $0xffff  }
0x43f: {  	v1 =	vld.idx.msk [tilespmem:v1+s10+$0x0], $0xffff  }
0x440: {  	v2 =	vld.idx.msk [tilespmem:v2+s10+$0x0], $0xffff;
	_ =	sdelay $0x4  }
0x441: {  	v1 =	vmul.f32 v1, v3;
	v2 =	vmul.f32 v2, v4;
	v3 =	vor.u32 $0xB60, v0  }
0x442: {  	v4 =	vor.u32 $0xB61, v0  }
0x443: {  	v1 =	vadd.f32 v2, v1;
	_ =	sdelay $0x1  }
0x444: {  	[tilespmem:$0x24A0] =	vst v1  }
0x445: {  	v1 =	vld.idx.msk [tilespmem:v3+s9+$0x0], $0xffff  }
0x446: {  	v2 =	vld.idx.msk [tilespmem:v4+s9+$0x0], $0xffff;
	_ =	sdelay $0x3  }
0x447: {  	v1 =	vadd.s32 $0x160, v1  }
0x448: {  	v2 =	vadd.s32 $0x160, v2;
	_ =	sdelay $0x1  }
0x449: {  	v3 =	vld.idx.msk [tilespmem:v3+s2+$0x0], $0xffff  }
0x44a: {  	v4 =	vld.idx.msk [tilespmem:v4+s2+$0x0], $0xffff  }
0x44b: {  	v1 =	vld.idx.msk [tilespmem:v1+s10+$0x0], $0xffff  }
0x44c: {  	v2 =	vld.idx.msk [tilespmem:v2+s10+$0x0], $0xffff;
	_ =	sdelay $0x4  }
0x44d: {  	v1 =	vmul.f32 v1, v3;
	v2 =	vmul.f32 v2, v4;
	v3 =	vor.u32 $0xB80, v0  }
0x44e: {  	v4 =	vor.u32 $0xB81, v0  }
0x44f: {  	v1 =	vadd.f32 v2, v1;
	_ =	sdelay $0x1  }
0x450: {  	[tilespmem:$0x24B0] =	vst v1  }
0x451: {  	v1 =	vld.idx.msk [tilespmem:v3+s9+$0x0], $0xffff  }
0x452: {  	v2 =	vld.idx.msk [tilespmem:v4+s9+$0x0], $0xffff;
	_ =	sdelay $0x3  }
0x453: {  	v1 =	vadd.s32 $0x170, v1  }
0x454: {  	v2 =	vadd.s32 $0x170, v2;
	_ =	sdelay $0x1  }
0x455: {  	v3 =	vld.idx.msk [tilespmem:v3+s2+$0x0], $0xffff  }
0x456: {  	v4 =	vld.idx.msk [tilespmem:v4+s2+$0x0], $0xffff  }
0x457: {  	v1 =	vld.idx.msk [tilespmem:v1+s10+$0x0], $0xffff  }
0x458: {  	v2 =	vld.idx.msk [tilespmem:v2+s10+$0x0], $0xffff;
	_ =	sdelay $0x4  }
0x459: {  	v1 =	vmul.f32 v1, v3;
	v2 =	vmul.f32 v2, v4;
	v3 =	vor.u32 $0xBA0, v0  }
0x45a: {  	v4 =	vor.u32 $0xBA1, v0  }
0x45b: {  	v1 =	vadd.f32 v2, v1;
	_ =	sdelay $0x1  }
0x45c: {  	[tilespmem:$0x2500] =	vst v1  }
0x45d: {  	v1 =	vld.idx.msk [tilespmem:v3+s9+$0x0], $0xffff  }
0x45e: {  	v2 =	vld.idx.msk [tilespmem:v4+s9+$0x0], $0xffff;
	_ =	sdelay $0x3  }
0x45f: {  	v1 =	vadd.s32 $0x170, v1  }
0x460: {  	v2 =	vadd.s32 $0x170, v2;
	_ =	sdelay $0x1  }
0x461: {  	v3 =	vld.idx.msk [tilespmem:v3+s2+$0x0], $0xffff  }
0x462: {  	v4 =	vld.idx.msk [tilespmem:v4+s2+$0x0], $0xffff  }
0x463: {  	v1 =	vld.idx.msk [tilespmem:v1+s10+$0x0], $0xffff  }
0x464: {  	v2 =	vld.idx.msk [tilespmem:v2+s10+$0x0], $0xffff;
	_ =	sdelay $0x4  }
0x465: {  	v1 =	vmul.f32 v1, v3;
	v2 =	vmul.f32 v2, v4;
	v3 =	vor.u32 $0xBC0, v0  }
0x466: {  	v4 =	vor.u32 $0xBC1, v0  }
0x467: {  	v1 =	vadd.f32 v2, v1;
	_ =	sdelay $0x1  }
0x468: {  	[tilespmem:$0x2510] =	vst v1  }
0x469: {  	v1 =	vld.idx.msk [tilespmem:v3+s9+$0x0], $0xffff  }
0x46a: {  	v2 =	vld.idx.msk [tilespmem:v4+s9+$0x0], $0xffff;
	_ =	sdelay $0x3  }
0x46b: {  	v1 =	vadd.s32 $0x170, v1  }
0x46c: {  	v2 =	vadd.s32 $0x170, v2;
	_ =	sdelay $0x1  }
0x46d: {  	v3 =	vld.idx.msk [tilespmem:v3+s2+$0x0], $0xffff  }
0x46e: {  	v4 =	vld.idx.msk [tilespmem:v4+s2+$0x0], $0xffff  }
0x46f: {  	v1 =	vld.idx.msk [tilespmem:v1+s10+$0x0], $0xffff  }
0x470: {  	v2 =	vld.idx.msk [tilespmem:v2+s10+$0x0], $0xffff;
	_ =	sdelay $0x4  }
0x471: {  	v1 =	vmul.f32 v1, v3;
	v2 =	vmul.f32 v2, v4;
	v3 =	vor.u32 $0xBE0, v0  }
0x472: {  	v4 =	vor.u32 $0xBE1, v0  }
0x473: {  	v1 =	vadd.f32 v2, v1;
	_ =	sdelay $0x1  }
0x474: {  	[tilespmem:$0x2520] =	vst v1  }
0x475: {  	v1 =	vld.idx.msk [tilespmem:v3+s9+$0x0], $0xffff  }
0x476: {  	v2 =	vld.idx.msk [tilespmem:v4+s9+$0x0], $0xffff;
	_ =	sdelay $0x3  }
0x477: {  	v1 =	vadd.s32 $0x170, v1  }
0x478: {  	v2 =	vadd.s32 $0x170, v2;
	_ =	sdelay $0x1  }
0x479: {  	v3 =	vld.idx.msk [tilespmem:v3+s2+$0x0], $0xffff  }
0x47a: {  	v4 =	vld.idx.msk [tilespmem:v4+s2+$0x0], $0xffff  }
0x47b: {  	v1 =	vld.idx.msk [tilespmem:v1+s10+$0x0], $0xffff  }
0x47c: {  	v2 =	vld.idx.msk [tilespmem:v2+s10+$0x0], $0xffff;
	_ =	sdelay $0x4  }
0x47d: {  	v1 =	vmul.f32 v1, v3;
	v2 =	vmul.f32 v2, v4;
	_ =	sdelay $0x1  }
0x47e: {  	v1 =	vadd.f32 v2, v1  }
0x47f: {  	p0 =	sne.s32 s7, $0x1  }
.Ltmp0:
0x480: {  	[tilespmem:$0x2530] =	vst v1;
	(pc) =	sbr.rel @p0 .LBB2_1-.Ltmp0, $4  }
0x481: {  	[hbm4b:s6+s2] =	stream.linear.scatter [tilespmem:s11], [sflag:$0x1], $0xC00, $0x38;
	[tilespmem:$0x2580] =	vst v63  }
0x482: {  	_ =	swait.ge [sflag:s8], $0xC00  }
0x483: {  	[sflag:s8] =	ssyncset.done $0x0  }
0x484: {  	s7 =	sadd.s32 $0xFFFFFFFF, s7;
	[sflag:s8] =	ssyncadd.s32 $0xFFFFF400  }
0x485: {  	_ =	sfence.sel $0x180000  }
0x486: {  	[bflag:$0x0] =	sbarrier.arrive $0xFFFF  }
0x487: {  	p0 =	sne.s32 s0, $0x0;
	_ =	strace $0x90000047  }
0x488: {  	s0 =	sadd.s32 @!p0 $0x100000, s1;
	[bflag:$0x2] =	sbarrier.arrive $0xFFFF  }
0x489: {  	[sflag:s0] =	ssyncadd.tile.s32 @!p0 $0x1;
	_ =	shalt  }
.Lfunc_end2:
_tile_overlayer_lowered:
.L_overlay_start_2:
0x48a: {  	(tag) =	ssettag $0x2  }
0x48b: {  	s0 =	rddreg [dreg:$0x0];
	s2 =	stileid.u32  }
0x48c: {  	s1 =	rddreg [dreg:$0x1];
	p0 =	sne.s32 s2, $0x0  }
0x48d: {  	s3 =	rddreg [dreg:$0x2];
	[bflag:$0x3] =	sbarrier.arrive $0xFFFF;
	s2 =	simm.s32 @!p0 $0x1C01  }
0x48e: {  	[timem:s3], [sflag:s2] =	dma.local @!p0 [hbm:s0], s1  }
0x48f: {  	s0 =	simm.s32 @!p0 $0x1  }
0x490: {  	_ =	swait.ge @!p0 [sflag:s0], s1  }
0x491: {  	s1 =	ssub.s32 @!p0 $0x0, s1;
	[sflag:s0] =	ssyncset.done @!p0 $0x0  }
0x492: {  	[sflag:s0] =	ssyncadd.s32 @!p0 s1  }
0x493: {  	[bflag:$0x3] =	sbarrier.arrive $0xFFFF  }
0x494: {  	_ =	shalt  }

</sc_bundles>
